<compile_context>
chip_gen: v7x
topology: tpu7x:2x2x1
jax: 0.10.2.dev20260603
libtpu: 0.0.44.dev20260713+nightly
codegen_flags: <defaults>
</compile_context>

<pallas_src>
import jax
import jax.numpy as jnp
from jax import lax
from jax.experimental import pallas as pl
from jax.experimental.pallas import tpu as pltpu
from jax.experimental.pallas import tpu_sc as plsc

V = 1000000
D = 64
B = 4096
L = 200
H = 100
C = 2

LP = 224
CHUNK = LP // 2
NW = 32
SPW = B // NW
RPW = 2 * SPW
NCH = RPW
KBUF = 8


def _sc_pool_body(d2_hbm, m2_hbm, emb_hbm, out_hbm, idxp, msk, accv, *rest):
    bufs = rest[:KBUF]
    sems = rest[KBUF:]
    wid = lax.axis_index("s") * 2 + lax.axis_index("c")
    rbase = wid * RPW
    sbase = wid * SPW

    pltpu.sync_copy(d2_hbm.at[pl.ds(rbase, RPW)], idxp)
    pltpu.sync_copy(m2_hbm.at[pl.ds(rbase, RPW)], msk)

    def sel_body(c, carry):
        for j in range(CHUNK // 16):
            sl = pl.ds(j * 16, 16)
            idxp[c, sl] = jnp.where(msk[c, sl] != 0, idxp[c, sl], 0)
        return carry

    lax.fori_loop(0, RPW, sel_body, 0)

    for k in range(KBUF):
        pltpu.async_copy(emb_hbm.at[idxp.at[k]], bufs[k], sems[k])

    def group_body(g, carry):
        base_c = g * KBUF
        for k2 in range(KBUF // 2):
            acc = [jnp.zeros((16,), jnp.float32) for _ in range(4)]
            for half in range(2):
                k = 2 * k2 + half
                c = base_c + k
                buf, sem = bufs[k], sems[k]

                pltpu.make_async_copy(emb_hbm.at[idxp.at[c]], buf, sem).wait()

                def sum16(r, a):
                    a0, a1, a2, a3 = a
                    rb = r * 16
                    for rr in range(16):
                        row = rb + rr
                        a0 = a0 + buf[row, pl.ds(0, 16)]
                        a1 = a1 + buf[row, pl.ds(16, 16)]
                        a2 = a2 + buf[row, pl.ds(32, 16)]
                        a3 = a3 + buf[row, pl.ds(48, 16)]
                    return (a0, a1, a2, a3)

                acc = list(lax.fori_loop(0, CHUNK // 16, sum16, tuple(acc)))

                @pl.when(c + KBUF < NCH)
                def _():
                    pltpu.async_copy(
                        emb_hbm.at[idxp.at[c + KBUF]], buf, sem)

            s = g * (KBUF // 2) + k2
            for dd in range(4):
                accv[s, pl.ds(dd * 16, 16)] = acc[dd]
        return carry

    lax.fori_loop(0, NCH // KBUF, group_body, 0)

    pltpu.sync_copy(accv, out_hbm.at[pl.ds(sbase, SPW)])


@jax.jit
def _sc_pool(d2, m2, emb):
    mesh = plsc.VectorSubcoreMesh(core_axis_name="c", subcore_axis_name="s")
    return pl.kernel(
        _sc_pool_body,
        mesh=mesh,
        compiler_params=pltpu.CompilerParams(use_tc_tiling_on_sc=False),
        out_type=jax.ShapeDtypeStruct((B, D), jnp.float32),
        scratch_types=(
            [
                pltpu.VMEM((RPW, CHUNK), jnp.int32),
                pltpu.VMEM((RPW, CHUNK), jnp.int32),
                pltpu.VMEM((SPW, D), jnp.float32),
            ]
            + [pltpu.VMEM((CHUNK, D), jnp.float32) for _ in range(KBUF)]
            + [pltpu.SemaphoreType.DMA for _ in range(KBUF)]
        ),
    )(d2, m2, emb)


def _mlp_body(acc_ref, mask_ref, e0_ref, w0_ref, b0_ref, w1_ref, b1_ref,
              wc_ref, bc_ref, out_ref):
    msum = jnp.sum(mask_ref[...].astype(jnp.float32), axis=1, keepdims=True)
    pooled = (acc_ref[...] - (LP - msum) * e0_ref[...]) * (1.0 / L)
    h = jnp.dot(pooled, w0_ref[...], preferred_element_type=jnp.float32)
    h = jnp.maximum(h + b0_ref[...], 0.0)
    h = jnp.dot(h, w1_ref[...], preferred_element_type=jnp.float32)
    h = jnp.maximum(h + b1_ref[...], 0.0)
    out = jnp.dot(h, wc_ref[...], preferred_element_type=jnp.float32)
    out_ref[...] = out + bc_ref[...]


@jax.jit
def _tc_mlp(acc, mask, e0, w0t, b0, w1t, b1, wct, bc):
    bt = 1024
    grid = (B // bt,)
    full = lambda shape: pl.BlockSpec(shape, lambda i: (0, 0))
    return pl.pallas_call(
        _mlp_body,
        grid=grid,
        in_specs=[
            pl.BlockSpec((bt, D), lambda i: (i, 0)),
            pl.BlockSpec((bt, L), lambda i: (i, 0)),
            full((1, D)),
            full((D, H)),
            full((1, H)),
            full((H, H)),
            full((1, H)),
            full((H, C)),
            full((1, C)),
        ],
        out_specs=pl.BlockSpec((bt, C), lambda i: (i, 0)),
        out_shape=jax.ShapeDtypeStruct((B, C), jnp.float32),
    )(acc, mask, e0, w0t, b0, w1t, b1, wct, bc)


def kernel(data, mask, emb, W0, b0, W1, b1, Wc, bc):
    dp = jnp.pad(data.astype(jnp.int32), ((0, 0), (0, LP - L)))
    mp = jnp.pad(mask, ((0, 0), (0, LP - L)))
    d2 = dp.reshape(B * 2, CHUNK)
    m2 = mp.reshape(B * 2, CHUNK)
    acc = _sc_pool(d2, m2, emb)
    out = _tc_mlp(acc, mask, emb[0:1, :], W0.T, b0[None, :], W1.T,
                  b1[None, :], Wc.T, bc[None, :])
    return out

# --- scband reference (transcript-rebuilt; emitter-appended) ---
"""Pipeline reference for scband-dantext-classifier-9182640078855 (READ-ONLY COPY).

The authoritative reference and input builder live on the scoring server;
editing this copy changes nothing except your own understanding.
"""

import jax, jax.numpy as jnp
import numpy as np

V = 1000000
D = 64
B = 4096
L = 200
H = 100
C = 2

def setup_inputs(seed: int = 0) -> dict:
    key = jax.random.key(seed)
    k1, k2, k3, k4, k5, k6 = jax.random.split(key, 6)
    data = jax.random.randint(k1, (B, L), 0, V, dtype=jnp.int64) if jax.config.jax_enable_x64 else jax.random.randint(k1, (B, L), 0, V).astype(jnp.int32)
    mask = jax.random.randint(k2, (B, L), 0, 2).astype(jnp.int32)
    emb = jax.random.normal(k3, (V, D), dtype=jnp.float32) * 0.02
    W0 = jax.random.normal(k4, (H, D), dtype=jnp.float32) * (1.0 / np.sqrt(D))
    b0 = jnp.zeros((H,), dtype=jnp.float32)
    W1 = jax.random.normal(k5, (H, H), dtype=jnp.float32) * (1.0 / np.sqrt(H))
    b1 = jnp.zeros((H,), dtype=jnp.float32)
    Wc = jax.random.normal(k6, (C, H), dtype=jnp.float32) * (1.0 / np.sqrt(H))
    bc = jnp.zeros((C,), dtype=jnp.float32)
    return {"data": data, "mask": mask, "emb": emb, "W0": W0, "b0": b0, "W1": W1, "b1": b1, "Wc": Wc, "bc": bc}

def reference(data, mask, emb, W0, b0, W1, b1, Wc, bc):
    # Embedding lookup
    embedded = jnp.take(emb, data, axis=0)  # [B, L, D]
    # masked_fill(mask == 0, 0)
    m = (mask != 0)[..., None]
    mask_embed = jnp.where(m, embedded, 0.0)
    # avg_pool2d over full sequence, count_include_pad=True -> mean over L
    average_pooling = jnp.mean(mask_embed, axis=1).astype(jnp.float32)  # [B, D]
    # feedforward (dropout is identity in eval)
    h = jax.nn.relu(average_pooling @ W0.T + b0)
    h = jax.nn.relu(h @ W1.T + b1)
    out = h @ Wc.T + bc
    return out

if __name__ == "__main__":
    import jax
    _d = setup_inputs()
    print(jax.jit(kernel)(*tuple(_d.values())))

</pallas_src>

<mosaic_0001>
#map = affine_map<(d0, d1) -> (0, 0)>
module attributes {stable_mosaic.version = 14 : i64} {
  func.func @_sc_pool_body(%arg0: i32, %arg1: i32, %arg2: memref<8192x112xi32, #tpu.memory_space<hbm>>, %arg3: memref<8192x112xi32, #tpu.memory_space<hbm>>, %arg4: memref<1000000x64xf32, #tpu.memory_space<hbm>>, %arg5: memref<4096x64xf32, #tpu.memory_space<hbm>>, %arg6: memref<256x112xi32, #tpu.memory_space<vmem>>, %arg7: memref<256x112xi32, #tpu.memory_space<vmem>>, %arg8: memref<128x64xf32, #tpu.memory_space<vmem>>, %arg9: memref<112x64xf32, #tpu.memory_space<vmem>>, %arg10: memref<112x64xf32, #tpu.memory_space<vmem>>, %arg11: memref<112x64xf32, #tpu.memory_space<vmem>>, %arg12: memref<112x64xf32, #tpu.memory_space<vmem>>, %arg13: memref<112x64xf32, #tpu.memory_space<vmem>>, %arg14: memref<112x64xf32, #tpu.memory_space<vmem>>, %arg15: memref<112x64xf32, #tpu.memory_space<vmem>>, %arg16: memref<112x64xf32, #tpu.memory_space<vmem>>, %arg17: memref<!tpu.dma_semaphore, #tpu.memory_space<semaphore_mem>>, %arg18: memref<!tpu.dma_semaphore, #tpu.memory_space<semaphore_mem>>, %arg19: memref<!tpu.dma_semaphore, #tpu.memory_space<semaphore_mem>>, %arg20: memref<!tpu.dma_semaphore, #tpu.memory_space<semaphore_mem>>, %arg21: memref<!tpu.dma_semaphore, #tpu.memory_space<semaphore_mem>>, %arg22: memref<!tpu.dma_semaphore, #tpu.memory_space<semaphore_mem>>, %arg23: memref<!tpu.dma_semaphore, #tpu.memory_space<semaphore_mem>>, %arg24: memref<!tpu.dma_semaphore, #tpu.memory_space<semaphore_mem>>) attributes {dimension_semantics = [#tpu.dimension_semantics<core_parallel>, #tpu.dimension_semantics<subcore_parallel>], iteration_bounds = array<i64: 2, 16>, scalar_prefetch = 0 : i64, scratch_operands = 19 : i64, tpu.core_type = #tpu.core_type<sc_vector_subcore>, window_params = [{transform_indices = #map}, {transform_indices = #map}, {transform_indices = #map}, {transform_indices = #map}]} {
    %mul3A = arith.constant 2 : i32
    %mul3A_0 = arith.muli %arg1, %mul3A : i32
    %add3A = arith.addi %mul3A_0, %arg0 : i32
    %mul3A_1 = arith.constant 256 : i32
    %mul3A_2 = arith.muli %add3A, %mul3A_1 : i32
    %mul3A_3 = arith.constant 128 : i32
    %mul3A_4 = arith.muli %add3A, %mul3A_3 : i32
    "tpu.region"() ({
      %run_scoped3A = tpu.sem_alloc : memref<!tpu.dma_semaphore, #tpu.memory_space<semaphore_mem>>
      %dma_start3A_71 = arith.constant 0 : i32
      %dma_start3A_72 = tpu.memref_slice %arg2[%mul3A_2, %dma_start3A_71] : memref<8192x112xi32, #tpu.memory_space<hbm>> -> memref<256x112xi32, #tpu.memory_space<hbm>>
      %dma_start3A_73 = arith.constant 0 : i32
      %dma_start3A_74 = tpu.memref_slice %arg2[%mul3A_2, %dma_start3A_73] : memref<8192x112xi32, #tpu.memory_space<hbm>> -> memref<256x112xi32, #tpu.memory_space<hbm>>
      tpu.enqueue_dma source(%dma_start3A_74 : memref<256x112xi32, #tpu.memory_space<hbm>>) target(%arg6 : memref<256x112xi32, #tpu.memory_space<vmem>>) target_semaphore(%run_scoped3A : memref<!tpu.dma_semaphore, #tpu.memory_space<semaphore_mem>>)
      %dma_wait3A = arith.constant 0 : i32
      %dma_wait3A_75 = tpu.memref_slice %arg2[%mul3A_2, %dma_wait3A] : memref<8192x112xi32, #tpu.memory_space<hbm>> -> memref<256x112xi32, #tpu.memory_space<hbm>>
      %dma_wait3A_76 = arith.constant 0 : i32
      %dma_wait3A_77 = tpu.memref_slice %arg2[%mul3A_2, %dma_wait3A_76] : memref<8192x112xi32, #tpu.memory_space<hbm>> -> memref<256x112xi32, #tpu.memory_space<hbm>>
      tpu.wait_dma2 semaphore(%run_scoped3A : memref<!tpu.dma_semaphore, #tpu.memory_space<semaphore_mem>>) src(%dma_wait3A_77 : memref<256x112xi32, #tpu.memory_space<hbm>>) dst(%arg6 : memref<256x112xi32, #tpu.memory_space<vmem>>)
      tpu.yield
    }) : () -> ()
    "tpu.region"() ({
      %run_scoped3A = tpu.sem_alloc : memref<!tpu.dma_semaphore, #tpu.memory_space<semaphore_mem>>
      %dma_start3A_71 = arith.constant 0 : i32
      %dma_start3A_72 = tpu.memref_slice %arg3[%mul3A_2, %dma_start3A_71] : memref<8192x112xi32, #tpu.memory_space<hbm>> -> memref<256x112xi32, #tpu.memory_space<hbm>>
      %dma_start3A_73 = arith.constant 0 : i32
      %dma_start3A_74 = tpu.memref_slice %arg3[%mul3A_2, %dma_start3A_73] : memref<8192x112xi32, #tpu.memory_space<hbm>> -> memref<256x112xi32, #tpu.memory_space<hbm>>
      tpu.enqueue_dma source(%dma_start3A_74 : memref<256x112xi32, #tpu.memory_space<hbm>>) target(%arg7 : memref<256x112xi32, #tpu.memory_space<vmem>>) target_semaphore(%run_scoped3A : memref<!tpu.dma_semaphore, #tpu.memory_space<semaphore_mem>>)
      %dma_wait3A = arith.constant 0 : i32
      %dma_wait3A_75 = tpu.memref_slice %arg3[%mul3A_2, %dma_wait3A] : memref<8192x112xi32, #tpu.memory_space<hbm>> -> memref<256x112xi32, #tpu.memory_space<hbm>>
      %dma_wait3A_76 = arith.constant 0 : i32
      %dma_wait3A_77 = tpu.memref_slice %arg3[%mul3A_2, %dma_wait3A_76] : memref<8192x112xi32, #tpu.memory_space<hbm>> -> memref<256x112xi32, #tpu.memory_space<hbm>>
      tpu.wait_dma2 semaphore(%run_scoped3A : memref<!tpu.dma_semaphore, #tpu.memory_space<semaphore_mem>>) src(%dma_wait3A_77 : memref<256x112xi32, #tpu.memory_space<hbm>>) dst(%arg7 : memref<256x112xi32, #tpu.memory_space<vmem>>)
      tpu.yield
    }) : () -> ()
    %scan3A = arith.constant 0 : i32
    %scan3A_5 = arith.constant 0 : i32
    %scan3A_6 = arith.constant 256 : i32
    %scan3A_7 = arith.addi %scan3A_5, %scan3A_6 : i32
    %scan3A_8 = arith.constant 1 : i32
    scf.for %scan3A_71 = %scan3A_5 to %scan3A_7 step %scan3A_8  : i32 {
      %get3A = arith.index_cast %scan3A_71 : i32 to index
      %get3A_72 = arith.constant 0 : index
      %get3A_73 = tpu.vector_load %arg7[%get3A, %get3A_72] {strides = array<i32>} : memref<256x112xi32, #tpu.memory_space<vmem>>, vector<1x16xi32>,
      %get3A_74 = vector.shape_cast %get3A_73 : vector<1x16xi32> to vector<16xi32>
      %ne3A = arith.constant 0 : i32
      %ne3A_75 = vector.broadcast %ne3A : i32 to vector<16xi32>
      %ne3A_76 = arith.cmpi ne, %get3A_74, %ne3A_75 : vector<16xi32>
      %get3A_77 = arith.index_cast %scan3A_71 : i32 to index
      %get3A_78 = arith.constant 0 : index
      %get3A_79 = tpu.vector_load %arg6[%get3A_77, %get3A_78] {strides = array<i32>} : memref<256x112xi32, #tpu.memory_space<vmem>>, vector<1x16xi32>,
      %get3A_80 = vector.shape_cast %get3A_79 : vector<1x16xi32> to vector<16xi32>
      %jit3A = arith.constant 0 : i32
      %broadcast_in_dim3A = vector.broadcast %jit3A : i32 to vector<16xi32>
      %select_n3A = arith.select %ne3A_76, %get3A_80, %broadcast_in_dim3A : vector<16xi1>, vector<16xi32>
      %swap3A = arith.index_cast %scan3A_71 : i32 to index
      %swap3A_81 = arith.constant 0 : index
      %swap3A_82 = tpu.vector_load %arg6[%swap3A, %swap3A_81] {strides = array<i32>} : memref<256x112xi32, #tpu.memory_space<vmem>>, vector<1x16xi32>,
      %swap3A_83 = vector.shape_cast %swap3A_82 : vector<1x16xi32> to vector<16xi32>
      %swap3A_84 = vector.shape_cast %select_n3A : vector<16xi32> to vector<1x16xi32>
      tpu.vector_store %arg6[%swap3A, %swap3A_81], %swap3A_84 {strides = array<i32>} : memref<256x112xi32, #tpu.memory_space<vmem>>, vector<1x16xi32>,
      %get3A_85 = arith.index_cast %scan3A_71 : i32 to index
      %get3A_86 = arith.constant 16 : index
      %get3A_87 = tpu.vector_load %arg7[%get3A_85, %get3A_86] {strides = array<i32>} : memref<256x112xi32, #tpu.memory_space<vmem>>, vector<1x16xi32>,
      %get3A_88 = vector.shape_cast %get3A_87 : vector<1x16xi32> to vector<16xi32>
      %ne3A_89 = arith.constant 0 : i32
      %ne3A_90 = vector.broadcast %ne3A_89 : i32 to vector<16xi32>
      %ne3A_91 = arith.cmpi ne, %get3A_88, %ne3A_90 : vector<16xi32>
      %get3A_92 = arith.index_cast %scan3A_71 : i32 to index
      %get3A_93 = arith.constant 16 : index
      %get3A_94 = tpu.vector_load %arg6[%get3A_92, %get3A_93] {strides = array<i32>} : memref<256x112xi32, #tpu.memory_space<vmem>>, vector<1x16xi32>,
      %get3A_95 = vector.shape_cast %get3A_94 : vector<1x16xi32> to vector<16xi32>
      %jit3A_96 = arith.constant 0 : i32
      %broadcast_in_dim3A_97 = vector.broadcast %jit3A_96 : i32 to vector<16xi32>
      %select_n3A_98 = arith.select %ne3A_91, %get3A_95, %broadcast_in_dim3A_97 : vector<16xi1>, vector<16xi32>
      %swap3A_99 = arith.index_cast %scan3A_71 : i32 to index
      %swap3A_100 = arith.constant 16 : index
      %swap3A_101 = tpu.vector_load %arg6[%swap3A_99, %swap3A_100] {strides = array<i32>} : memref<256x112xi32, #tpu.memory_space<vmem>>, vector<1x16xi32>,
      %swap3A_102 = vector.shape_cast %swap3A_101 : vector<1x16xi32> to vector<16xi32>
      %swap3A_103 = vector.shape_cast %select_n3A_98 : vector<16xi32> to vector<1x16xi32>
      tpu.vector_store %arg6[%swap3A_99, %swap3A_100], %swap3A_103 {strides = array<i32>} : memref<256x112xi32, #tpu.memory_space<vmem>>, vector<1x16xi32>,
      %get3A_104 = arith.index_cast %scan3A_71 : i32 to index
      %get3A_105 = arith.constant 32 : index
      %get3A_106 = tpu.vector_load %arg7[%get3A_104, %get3A_105] {strides = array<i32>} : memref<256x112xi32, #tpu.memory_space<vmem>>, vector<1x16xi32>,
      %get3A_107 = vector.shape_cast %get3A_106 : vector<1x16xi32> to vector<16xi32>
      %ne3A_108 = arith.constant 0 : i32
      %ne3A_109 = vector.broadcast %ne3A_108 : i32 to vector<16xi32>
      %ne3A_110 = arith.cmpi ne, %get3A_107, %ne3A_109 : vector<16xi32>
      %get3A_111 = arith.index_cast %scan3A_71 : i32 to index
      %get3A_112 = arith.constant 32 : index
      %get3A_113 = tpu.vector_load %arg6[%get3A_111, %get3A_112] {strides = array<i32>} : memref<256x112xi32, #tpu.memory_space<vmem>>, vector<1x16xi32>,
      %get3A_114 = vector.shape_cast %get3A_113 : vector<1x16xi32> to vector<16xi32>
      %jit3A_115 = arith.constant 0 : i32
      %broadcast_in_dim3A_116 = vector.broadcast %jit3A_115 : i32 to vector<16xi32>
      %select_n3A_117 = arith.select %ne3A_110, %get3A_114, %broadcast_in_dim3A_116 : vector<16xi1>, vector<16xi32>
      %swap3A_118 = arith.index_cast %scan3A_71 : i32 to index
      %swap3A_119 = arith.constant 32 : index
      %swap3A_120 = tpu.vector_load %arg6[%swap3A_118, %swap3A_119] {strides = array<i32>} : memref<256x112xi32, #tpu.memory_space<vmem>>, vector<1x16xi32>,
      %swap3A_121 = vector.shape_cast %swap3A_120 : vector<1x16xi32> to vector<16xi32>
      %swap3A_122 = vector.shape_cast %select_n3A_117 : vector<16xi32> to vector<1x16xi32>
      tpu.vector_store %arg6[%swap3A_118, %swap3A_119], %swap3A_122 {strides = array<i32>} : memref<256x112xi32, #tpu.memory_space<vmem>>, vector<1x16xi32>,
      %get3A_123 = arith.index_cast %scan3A_71 : i32 to index
      %get3A_124 = arith.constant 48 : index
      %get3A_125 = tpu.vector_load %arg7[%get3A_123, %get3A_124] {strides = array<i32>} : memref<256x112xi32, #tpu.memory_space<vmem>>, vector<1x16xi32>,
      %get3A_126 = vector.shape_cast %get3A_125 : vector<1x16xi32> to vector<16xi32>
      %ne3A_127 = arith.constant 0 : i32
      %ne3A_128 = vector.broadcast %ne3A_127 : i32 to vector<16xi32>
      %ne3A_129 = arith.cmpi ne, %get3A_126, %ne3A_128 : vector<16xi32>
      %get3A_130 = arith.index_cast %scan3A_71 : i32 to index
      %get3A_131 = arith.constant 48 : index
      %get3A_132 = tpu.vector_load %arg6[%get3A_130, %get3A_131] {strides = array<i32>} : memref<256x112xi32, #tpu.memory_space<vmem>>, vector<1x16xi32>,
      %get3A_133 = vector.shape_cast %get3A_132 : vector<1x16xi32> to vector<16xi32>
      %jit3A_134 = arith.constant 0 : i32
      %broadcast_in_dim3A_135 = vector.broadcast %jit3A_134 : i32 to vector<16xi32>
      %select_n3A_136 = arith.select %ne3A_129, %get3A_133, %broadcast_in_dim3A_135 : vector<16xi1>, vector<16xi32>
      %swap3A_137 = arith.index_cast %scan3A_71 : i32 to index
      %swap3A_138 = arith.constant 48 : index
      %swap3A_139 = tpu.vector_load %arg6[%swap3A_137, %swap3A_138] {strides = array<i32>} : memref<256x112xi32, #tpu.memory_space<vmem>>, vector<1x16xi32>,
      %swap3A_140 = vector.shape_cast %swap3A_139 : vector<1x16xi32> to vector<16xi32>
      %swap3A_141 = vector.shape_cast %select_n3A_136 : vector<16xi32> to vector<1x16xi32>
      tpu.vector_store %arg6[%swap3A_137, %swap3A_138], %swap3A_141 {strides = array<i32>} : memref<256x112xi32, #tpu.memory_space<vmem>>, vector<1x16xi32>,
      %get3A_142 = arith.index_cast %scan3A_71 : i32 to index
      %get3A_143 = arith.constant 64 : index
      %get3A_144 = tpu.vector_load %arg7[%get3A_142, %get3A_143] {strides = array<i32>} : memref<256x112xi32, #tpu.memory_space<vmem>>, vector<1x16xi32>,
      %get3A_145 = vector.shape_cast %get3A_144 : vector<1x16xi32> to vector<16xi32>
      %ne3A_146 = arith.constant 0 : i32
      %ne3A_147 = vector.broadcast %ne3A_146 : i32 to vector<16xi32>
      %ne3A_148 = arith.cmpi ne, %get3A_145, %ne3A_147 : vector<16xi32>
      %get3A_149 = arith.index_cast %scan3A_71 : i32 to index
      %get3A_150 = arith.constant 64 : index
      %get3A_151 = tpu.vector_load %arg6[%get3A_149, %get3A_150] {strides = array<i32>} : memref<256x112xi32, #tpu.memory_space<vmem>>, vector<1x16xi32>,
      %get3A_152 = vector.shape_cast %get3A_151 : vector<1x16xi32> to vector<16xi32>
      %jit3A_153 = arith.constant 0 : i32
      %broadcast_in_dim3A_154 = vector.broadcast %jit3A_153 : i32 to vector<16xi32>
      %select_n3A_155 = arith.select %ne3A_148, %get3A_152, %broadcast_in_dim3A_154 : vector<16xi1>, vector<16xi32>
      %swap3A_156 = arith.index_cast %scan3A_71 : i32 to index
      %swap3A_157 = arith.constant 64 : index
      %swap3A_158 = tpu.vector_load %arg6[%swap3A_156, %swap3A_157] {strides = array<i32>} : memref<256x112xi32, #tpu.memory_space<vmem>>, vector<1x16xi32>,
      %swap3A_159 = vector.shape_cast %swap3A_158 : vector<1x16xi32> to vector<16xi32>
      %swap3A_160 = vector.shape_cast %select_n3A_155 : vector<16xi32> to vector<1x16xi32>
      tpu.vector_store %arg6[%swap3A_156, %swap3A_157], %swap3A_160 {strides = array<i32>} : memref<256x112xi32, #tpu.memory_space<vmem>>, vector<1x16xi32>,
      %get3A_161 = arith.index_cast %scan3A_71 : i32 to index
      %get3A_162 = arith.constant 80 : index
      %get3A_163 = tpu.vector_load %arg7[%get3A_161, %get3A_162] {strides = array<i32>} : memref<256x112xi32, #tpu.memory_space<vmem>>, vector<1x16xi32>,
      %get3A_164 = vector.shape_cast %get3A_163 : vector<1x16xi32> to vector<16xi32>
      %ne3A_165 = arith.constant 0 : i32
      %ne3A_166 = vector.broadcast %ne3A_165 : i32 to vector<16xi32>
      %ne3A_167 = arith.cmpi ne, %get3A_164, %ne3A_166 : vector<16xi32>
      %get3A_168 = arith.index_cast %scan3A_71 : i32 to index
      %get3A_169 = arith.constant 80 : index
      %get3A_170 = tpu.vector_load %arg6[%get3A_168, %get3A_169] {strides = array<i32>} : memref<256x112xi32, #tpu.memory_space<vmem>>, vector<1x16xi32>,
      %get3A_171 = vector.shape_cast %get3A_170 : vector<1x16xi32> to vector<16xi32>
      %jit3A_172 = arith.constant 0 : i32
      %broadcast_in_dim3A_173 = vector.broadcast %jit3A_172 : i32 to vector<16xi32>
      %select_n3A_174 = arith.select %ne3A_167, %get3A_171, %broadcast_in_dim3A_173 : vector<16xi1>, vector<16xi32>
      %swap3A_175 = arith.index_cast %scan3A_71 : i32 to index
      %swap3A_176 = arith.constant 80 : index
      %swap3A_177 = tpu.vector_load %arg6[%swap3A_175, %swap3A_176] {strides = array<i32>} : memref<256x112xi32, #tpu.memory_space<vmem>>, vector<1x16xi32>,
      %swap3A_178 = vector.shape_cast %swap3A_177 : vector<1x16xi32> to vector<16xi32>
      %swap3A_179 = vector.shape_cast %select_n3A_174 : vector<16xi32> to vector<1x16xi32>
      tpu.vector_store %arg6[%swap3A_175, %swap3A_176], %swap3A_179 {strides = array<i32>} : memref<256x112xi32, #tpu.memory_space<vmem>>, vector<1x16xi32>,
      %get3A_180 = arith.index_cast %scan3A_71 : i32 to index
      %get3A_181 = arith.constant 96 : index
      %get3A_182 = tpu.vector_load %arg7[%get3A_180, %get3A_181] {strides = array<i32>} : memref<256x112xi32, #tpu.memory_space<vmem>>, vector<1x16xi32>,
      %get3A_183 = vector.shape_cast %get3A_182 : vector<1x16xi32> to vector<16xi32>
      %ne3A_184 = arith.constant 0 : i32
      %ne3A_185 = vector.broadcast %ne3A_184 : i32 to vector<16xi32>
      %ne3A_186 = arith.cmpi ne, %get3A_183, %ne3A_185 : vector<16xi32>
      %get3A_187 = arith.index_cast %scan3A_71 : i32 to index
      %get3A_188 = arith.constant 96 : index
      %get3A_189 = tpu.vector_load %arg6[%get3A_187, %get3A_188] {strides = array<i32>} : memref<256x112xi32, #tpu.memory_space<vmem>>, vector<1x16xi32>,
      %get3A_190 = vector.shape_cast %get3A_189 : vector<1x16xi32> to vector<16xi32>
      %jit3A_191 = arith.constant 0 : i32
      %broadcast_in_dim3A_192 = vector.broadcast %jit3A_191 : i32 to vector<16xi32>
      %select_n3A_193 = arith.select %ne3A_186, %get3A_190, %broadcast_in_dim3A_192 : vector<16xi1>, vector<16xi32>
      %swap3A_194 = arith.index_cast %scan3A_71 : i32 to index
      %swap3A_195 = arith.constant 96 : index
      %swap3A_196 = tpu.vector_load %arg6[%swap3A_194, %swap3A_195] {strides = array<i32>} : memref<256x112xi32, #tpu.memory_space<vmem>>, vector<1x16xi32>,
      %swap3A_197 = vector.shape_cast %swap3A_196 : vector<1x16xi32> to vector<16xi32>
      %swap3A_198 = vector.shape_cast %select_n3A_193 : vector<16xi32> to vector<1x16xi32>
      tpu.vector_store %arg6[%swap3A_194, %swap3A_195], %swap3A_198 {strides = array<i32>} : memref<256x112xi32, #tpu.memory_space<vmem>>, vector<1x16xi32>,
    }
    %scan3A_9 = arith.constant 256 : i32
    %dma_start3A = arith.constant 0 : i32
    %dma_start3A_10 = arith.constant 0 : i32
    %dma_start3A_11 = tpu.memref_slice %arg6[%dma_start3A, %dma_start3A_10] : memref<256x112xi32, #tpu.memory_space<vmem>> -> memref<1x112xi32, #tpu.memory_space<vmem>>
    %dma_start3A_12 = tpu.memref_squeeze %dma_start3A_11 : memref<1x112xi32, #tpu.memory_space<vmem>> -> memref<112xi32, #tpu.memory_space<vmem>>
    %dma_start3A_13 = arith.constant 0 : i32
    %dma_start3A_14 = arith.constant 0 : i32
    %dma_start3A_15 = tpu.memref_slice %arg4[%dma_start3A_13, %dma_start3A_14] : memref<1000000x64xf32, #tpu.memory_space<hbm>> -> memref<1000000x64xf32, #tpu.memory_space<hbm>>
    tpu.enqueue_indirect_dma source(%dma_start3A_15 : memref<1000000x64xf32, #tpu.memory_space<hbm>>) target(%arg9 : memref<112x64xf32, #tpu.memory_space<vmem>>) offsets(%dma_start3A_12 : memref<112xi32, #tpu.memory_space<vmem>>) semaphore(%arg17 : memref<!tpu.dma_semaphore, #tpu.memory_space<semaphore_mem>>)
    %dma_start3A_16 = arith.constant 1 : i32
    %dma_start3A_17 = arith.constant 0 : i32
    %dma_start3A_18 = tpu.memref_slice %arg6[%dma_start3A_16, %dma_start3A_17] : memref<256x112xi32, #tpu.memory_space<vmem>> -> memref<1x112xi32, #tpu.memory_space<vmem>>
    %dma_start3A_19 = tpu.memref_squeeze %dma_start3A_18 : memref<1x112xi32, #tpu.memory_space<vmem>> -> memref<112xi32, #tpu.memory_space<vmem>>
    %dma_start3A_20 = arith.constant 0 : i32
    %dma_start3A_21 = arith.constant 0 : i32
    %dma_start3A_22 = tpu.memref_slice %arg4[%dma_start3A_20, %dma_start3A_21] : memref<1000000x64xf32, #tpu.memory_space<hbm>> -> memref<1000000x64xf32, #tpu.memory_space<hbm>>
    tpu.enqueue_indirect_dma source(%dma_start3A_22 : memref<1000000x64xf32, #tpu.memory_space<hbm>>) target(%arg10 : memref<112x64xf32, #tpu.memory_space<vmem>>) offsets(%dma_start3A_19 : memref<112xi32, #tpu.memory_space<vmem>>) semaphore(%arg18 : memref<!tpu.dma_semaphore, #tpu.memory_space<semaphore_mem>>)
    %dma_start3A_23 = arith.constant 2 : i32
    %dma_start3A_24 = arith.constant 0 : i32
    %dma_start3A_25 = tpu.memref_slice %arg6[%dma_start3A_23, %dma_start3A_24] : memref<256x112xi32, #tpu.memory_space<vmem>> -> memref<1x112xi32, #tpu.memory_space<vmem>>
    %dma_start3A_26 = tpu.memref_squeeze %dma_start3A_25 : memref<1x112xi32, #tpu.memory_space<vmem>> -> memref<112xi32, #tpu.memory_space<vmem>>
    %dma_start3A_27 = arith.constant 0 : i32
    %dma_start3A_28 = arith.constant 0 : i32
    %dma_start3A_29 = tpu.memref_slice %arg4[%dma_start3A_27, %dma_start3A_28] : memref<1000000x64xf32, #tpu.memory_space<hbm>> -> memref<1000000x64xf32, #tpu.memory_space<hbm>>
    tpu.enqueue_indirect_dma source(%dma_start3A_29 : memref<1000000x64xf32, #tpu.memory_space<hbm>>) target(%arg11 : memref<112x64xf32, #tpu.memory_space<vmem>>) offsets(%dma_start3A_26 : memref<112xi32, #tpu.memory_space<vmem>>) semaphore(%arg19 : memref<!tpu.dma_semaphore, #tpu.memory_space<semaphore_mem>>)
    %dma_start3A_30 = arith.constant 3 : i32
    %dma_start3A_31 = arith.constant 0 : i32
    %dma_start3A_32 = tpu.memref_slice %arg6[%dma_start3A_30, %dma_start3A_31] : memref<256x112xi32, #tpu.memory_space<vmem>> -> memref<1x112xi32, #tpu.memory_space<vmem>>
    %dma_start3A_33 = tpu.memref_squeeze %dma_start3A_32 : memref<1x112xi32, #tpu.memory_space<vmem>> -> memref<112xi32, #tpu.memory_space<vmem>>
    %dma_start3A_34 = arith.constant 0 : i32
    %dma_start3A_35 = arith.constant 0 : i32
    %dma_start3A_36 = tpu.memref_slice %arg4[%dma_start3A_34, %dma_start3A_35] : memref<1000000x64xf32, #tpu.memory_space<hbm>> -> memref<1000000x64xf32, #tpu.memory_space<hbm>>
    tpu.enqueue_indirect_dma source(%dma_start3A_36 : memref<1000000x64xf32, #tpu.memory_space<hbm>>) target(%arg12 : memref<112x64xf32, #tpu.memory_space<vmem>>) offsets(%dma_start3A_33 : memref<112xi32, #tpu.memory_space<vmem>>) semaphore(%arg20 : memref<!tpu.dma_semaphore, #tpu.memory_space<semaphore_mem>>)
    %dma_start3A_37 = arith.constant 4 : i32
    %dma_start3A_38 = arith.constant 0 : i32
    %dma_start3A_39 = tpu.memref_slice %arg6[%dma_start3A_37, %dma_start3A_38] : memref<256x112xi32, #tpu.memory_space<vmem>> -> memref<1x112xi32, #tpu.memory_space<vmem>>
    %dma_start3A_40 = tpu.memref_squeeze %dma_start3A_39 : memref<1x112xi32, #tpu.memory_space<vmem>> -> memref<112xi32, #tpu.memory_space<vmem>>
    %dma_start3A_41 = arith.constant 0 : i32
    %dma_start3A_42 = arith.constant 0 : i32
    %dma_start3A_43 = tpu.memref_slice %arg4[%dma_start3A_41, %dma_start3A_42] : memref<1000000x64xf32, #tpu.memory_space<hbm>> -> memref<1000000x64xf32, #tpu.memory_space<hbm>>
    tpu.enqueue_indirect_dma source(%dma_start3A_43 : memref<1000000x64xf32, #tpu.memory_space<hbm>>) target(%arg13 : memref<112x64xf32, #tpu.memory_space<vmem>>) offsets(%dma_start3A_40 : memref<112xi32, #tpu.memory_space<vmem>>) semaphore(%arg21 : memref<!tpu.dma_semaphore, #tpu.memory_space<semaphore_mem>>)
    %dma_start3A_44 = arith.constant 5 : i32
    %dma_start3A_45 = arith.constant 0 : i32
    %dma_start3A_46 = tpu.memref_slice %arg6[%dma_start3A_44, %dma_start3A_45] : memref<256x112xi32, #tpu.memory_space<vmem>> -> memref<1x112xi32, #tpu.memory_space<vmem>>
    %dma_start3A_47 = tpu.memref_squeeze %dma_start3A_46 : memref<1x112xi32, #tpu.memory_space<vmem>> -> memref<112xi32, #tpu.memory_space<vmem>>
    %dma_start3A_48 = arith.constant 0 : i32
    %dma_start3A_49 = arith.constant 0 : i32
    %dma_start3A_50 = tpu.memref_slice %arg4[%dma_start3A_48, %dma_start3A_49] : memref<1000000x64xf32, #tpu.memory_space<hbm>> -> memref<1000000x64xf32, #tpu.memory_space<hbm>>
    tpu.enqueue_indirect_dma source(%dma_start3A_50 : memref<1000000x64xf32, #tpu.memory_space<hbm>>) target(%arg14 : memref<112x64xf32, #tpu.memory_space<vmem>>) offsets(%dma_start3A_47 : memref<112xi32, #tpu.memory_space<vmem>>) semaphore(%arg22 : memref<!tpu.dma_semaphore, #tpu.memory_space<semaphore_mem>>)
    %dma_start3A_51 = arith.constant 6 : i32
    %dma_start3A_52 = arith.constant 0 : i32
    %dma_start3A_53 = tpu.memref_slice %arg6[%dma_start3A_51, %dma_start3A_52] : memref<256x112xi32, #tpu.memory_space<vmem>> -> memref<1x112xi32, #tpu.memory_space<vmem>>
    %dma_start3A_54 = tpu.memref_squeeze %dma_start3A_53 : memref<1x112xi32, #tpu.memory_space<vmem>> -> memref<112xi32, #tpu.memory_space<vmem>>
    %dma_start3A_55 = arith.constant 0 : i32
    %dma_start3A_56 = arith.constant 0 : i32
    %dma_start3A_57 = tpu.memref_slice %arg4[%dma_start3A_55, %dma_start3A_56] : memref<1000000x64xf32, #tpu.memory_space<hbm>> -> memref<1000000x64xf32, #tpu.memory_space<hbm>>
    tpu.enqueue_indirect_dma source(%dma_start3A_57 : memref<1000000x64xf32, #tpu.memory_space<hbm>>) target(%arg15 : memref<112x64xf32, #tpu.memory_space<vmem>>) offsets(%dma_start3A_54 : memref<112xi32, #tpu.memory_space<vmem>>) semaphore(%arg23 : memref<!tpu.dma_semaphore, #tpu.memory_space<semaphore_mem>>)
    %dma_start3A_58 = arith.constant 7 : i32
    %dma_start3A_59 = arith.constant 0 : i32
    %dma_start3A_60 = tpu.memref_slice %arg6[%dma_start3A_58, %dma_start3A_59] : memref<256x112xi32, #tpu.memory_space<vmem>> -> memref<1x112xi32, #tpu.memory_space<vmem>>
    %dma_start3A_61 = tpu.memref_squeeze %dma_start3A_60 : memref<1x112xi32, #tpu.memory_space<vmem>> -> memref<112xi32, #tpu.memory_space<vmem>>
    %dma_start3A_62 = arith.constant 0 : i32
    %dma_start3A_63 = arith.constant 0 : i32
    %dma_start3A_64 = tpu.memref_slice %arg4[%dma_start3A_62, %dma_start3A_63] : memref<1000000x64xf32, #tpu.memory_space<hbm>> -> memref<1000000x64xf32, #tpu.memory_space<hbm>>
    tpu.enqueue_indirect_dma source(%dma_start3A_64 : memref<1000000x64xf32, #tpu.memory_space<hbm>>) target(%arg16 : memref<112x64xf32, #tpu.memory_space<vmem>>) offsets(%dma_start3A_61 : memref<112xi32, #tpu.memory_space<vmem>>) semaphore(%arg24 : memref<!tpu.dma_semaphore, #tpu.memory_space<semaphore_mem>>)
    %scan3A_65 = arith.constant 0 : i32
    %scan3A_66 = arith.constant 0 : i32
    %scan3A_67 = arith.constant 32 : i32
    %scan3A_68 = arith.addi %scan3A_66, %scan3A_67 : i32
    %scan3A_69 = arith.constant 1 : i32
    scf.for %scan3A_71 = %scan3A_66 to %scan3A_68 step %scan3A_69  : i32 {
      %mul3A_72 = arith.constant 8 : i32
      %mul3A_73 = arith.muli %scan3A_71, %mul3A_72 : i32
      %broadcast_in_dim3A = arith.constant 0.000000e+00 : f32
      %broadcast_in_dim3A_74 = vector.broadcast %broadcast_in_dim3A : f32 to vector<16xf32>
      %broadcast_in_dim3A_75 = arith.constant 0.000000e+00 : f32
      %broadcast_in_dim3A_76 = vector.broadcast %broadcast_in_dim3A_75 : f32 to vector<16xf32>
      %broadcast_in_dim3A_77 = arith.constant 0.000000e+00 : f32
      %broadcast_in_dim3A_78 = vector.broadcast %broadcast_in_dim3A_77 : f32 to vector<16xf32>
      %broadcast_in_dim3A_79 = arith.constant 0.000000e+00 : f32
      %broadcast_in_dim3A_80 = vector.broadcast %broadcast_in_dim3A_79 : f32 to vector<16xf32>
      %add3A_81 = arith.constant 0 : i32
      %add3A_82 = arith.addi %mul3A_73, %add3A_81 : i32
      %dma_wait3A = arith.constant 0 : i32
      %dma_wait3A_83 = tpu.memref_slice %arg6[%add3A_82, %dma_wait3A] : memref<256x112xi32, #tpu.memory_space<vmem>> -> memref<1x112xi32, #tpu.memory_space<vmem>>
      %dma_wait3A_84 = tpu.memref_squeeze %dma_wait3A_83 : memref<1x112xi32, #tpu.memory_space<vmem>> -> memref<112xi32, #tpu.memory_space<vmem>>
      %dma_wait3A_85 = arith.constant 0 : i32
      %dma_wait3A_86 = arith.constant 0 : i32
      %dma_wait3A_87 = tpu.memref_slice %arg4[%dma_wait3A_85, %dma_wait3A_86] : memref<1000000x64xf32, #tpu.memory_space<hbm>> -> memref<1000000x64xf32, #tpu.memory_space<hbm>>
      tpu.wait_indirect_dma semaphore(%arg17 : memref<!tpu.dma_semaphore, #tpu.memory_space<semaphore_mem>>) src(%dma_wait3A_87 : memref<1000000x64xf32, #tpu.memory_space<hbm>>) dst(%arg9 : memref<112x64xf32, #tpu.memory_space<vmem>>)
      %scan3A_88 = arith.constant 0 : i32
      %scan3A_89 = arith.constant 7 : i32
      %scan3A_90 = arith.addi %scan3A_88, %scan3A_89 : i32
      %scan3A_91 = arith.constant 1 : i32
      %scan3A_92:4 = scf.for %scan3A_364 = %scan3A_88 to %scan3A_90 step %scan3A_91 iter_args(%scan3A_365 = %broadcast_in_dim3A_74, %scan3A_366 = %broadcast_in_dim3A_76, %scan3A_367 = %broadcast_in_dim3A_78, %scan3A_368 = %broadcast_in_dim3A_80) -> (vector<16xf32>, vector<16xf32>, vector<16xf32>, vector<16xf32>)  : i32 {
        %mul3A_369 = arith.constant 16 : i32
        %mul3A_370 = arith.muli %scan3A_364, %mul3A_369 : i32
        %add3A_371 = arith.constant 0 : i32
        %add3A_372 = arith.addi %mul3A_370, %add3A_371 : i32
        %get3A = arith.index_cast %add3A_372 : i32 to index
        %get3A_373 = arith.constant 0 : index
        %get3A_374 = tpu.vector_load %arg9[%get3A, %get3A_373] {strides = array<i32>} : memref<112x64xf32, #tpu.memory_space<vmem>>, vector<1x16xf32>,
        %get3A_375 = vector.shape_cast %get3A_374 : vector<1x16xf32> to vector<16xf32>
        %add3A_376 = arith.addf %scan3A_365, %get3A_375 : vector<16xf32>
        %get3A_377 = arith.index_cast %add3A_372 : i32 to index
        %get3A_378 = arith.constant 16 : index
        %get3A_379 = tpu.vector_load %arg9[%get3A_377, %get3A_378] {strides = array<i32>} : memref<112x64xf32, #tpu.memory_space<vmem>>, vector<1x16xf32>,
        %get3A_380 = vector.shape_cast %get3A_379 : vector<1x16xf32> to vector<16xf32>
        %add3A_381 = arith.addf %scan3A_366, %get3A_380 : vector<16xf32>
        %get3A_382 = arith.index_cast %add3A_372 : i32 to index
        %get3A_383 = arith.constant 32 : index
        %get3A_384 = tpu.vector_load %arg9[%get3A_382, %get3A_383] {strides = array<i32>} : memref<112x64xf32, #tpu.memory_space<vmem>>, vector<1x16xf32>,
        %get3A_385 = vector.shape_cast %get3A_384 : vector<1x16xf32> to vector<16xf32>
        %add3A_386 = arith.addf %scan3A_367, %get3A_385 : vector<16xf32>
        %get3A_387 = arith.index_cast %add3A_372 : i32 to index
        %get3A_388 = arith.constant 48 : index
        %get3A_389 = tpu.vector_load %arg9[%get3A_387, %get3A_388] {strides = array<i32>} : memref<112x64xf32, #tpu.memory_space<vmem>>, vector<1x16xf32>,
        %get3A_390 = vector.shape_cast %get3A_389 : vector<1x16xf32> to vector<16xf32>
        %add3A_391 = arith.addf %scan3A_368, %get3A_390 : vector<16xf32>
        %add3A_392 = arith.constant 1 : i32
        %add3A_393 = arith.addi %mul3A_370, %add3A_392 : i32
        %get3A_394 = arith.index_cast %add3A_393 : i32 to index
        %get3A_395 = arith.constant 0 : index
        %get3A_396 = tpu.vector_load %arg9[%get3A_394, %get3A_395] {strides = array<i32>} : memref<112x64xf32, #tpu.memory_space<vmem>>, vector<1x16xf32>,
        %get3A_397 = vector.shape_cast %get3A_396 : vector<1x16xf32> to vector<16xf32>
        %add3A_398 = arith.addf %add3A_376, %get3A_397 : vector<16xf32>
        %get3A_399 = arith.index_cast %add3A_393 : i32 to index
        %get3A_400 = arith.constant 16 : index
        %get3A_401 = tpu.vector_load %arg9[%get3A_399, %get3A_400] {strides = array<i32>} : memref<112x64xf32, #tpu.memory_space<vmem>>, vector<1x16xf32>,
        %get3A_402 = vector.shape_cast %get3A_401 : vector<1x16xf32> to vector<16xf32>
        %add3A_403 = arith.addf %add3A_381, %get3A_402 : vector<16xf32>
        %get3A_404 = arith.index_cast %add3A_393 : i32 to index
        %get3A_405 = arith.constant 32 : index
        %get3A_406 = tpu.vector_load %arg9[%get3A_404, %get3A_405] {strides = array<i32>} : memref<112x64xf32, #tpu.memory_space<vmem>>, vector<1x16xf32>,
        %get3A_407 = vector.shape_cast %get3A_406 : vector<1x16xf32> to vector<16xf32>
        %add3A_408 = arith.addf %add3A_386, %get3A_407 : vector<16xf32>
        %get3A_409 = arith.index_cast %add3A_393 : i32 to index
        %get3A_410 = arith.constant 48 : index
        %get3A_411 = tpu.vector_load %arg9[%get3A_409, %get3A_410] {strides = array<i32>} : memref<112x64xf32, #tpu.memory_space<vmem>>, vector<1x16xf32>,
        %get3A_412 = vector.shape_cast %get3A_411 : vector<1x16xf32> to vector<16xf32>
        %add3A_413 = arith.addf %add3A_391, %get3A_412 : vector<16xf32>
        %add3A_414 = arith.constant 2 : i32
        %add3A_415 = arith.addi %mul3A_370, %add3A_414 : i32
        %get3A_416 = arith.index_cast %add3A_415 : i32 to index
        %get3A_417 = arith.constant 0 : index
        %get3A_418 = tpu.vector_load %arg9[%get3A_416, %get3A_417] {strides = array<i32>} : memref<112x64xf32, #tpu.memory_space<vmem>>, vector<1x16xf32>,
        %get3A_419 = vector.shape_cast %get3A_418 : vector<1x16xf32> to vector<16xf32>
        %add3A_420 = arith.addf %add3A_398, %get3A_419 : vector<16xf32>
        %get3A_421 = arith.index_cast %add3A_415 : i32 to index
        %get3A_422 = arith.constant 16 : index
        %get3A_423 = tpu.vector_load %arg9[%get3A_421, %get3A_422] {strides = array<i32>} : memref<112x64xf32, #tpu.memory_space<vmem>>, vector<1x16xf32>,
        %get3A_424 = vector.shape_cast %get3A_423 : vector<1x16xf32> to vector<16xf32>
        %add3A_425 = arith.addf %add3A_403, %get3A_424 : vector<16xf32>
        %get3A_426 = arith.index_cast %add3A_415 : i32 to index
        %get3A_427 = arith.constant 32 : index
        %get3A_428 = tpu.vector_load %arg9[%get3A_426, %get3A_427] {strides = array<i32>} : memref<112x64xf32, #tpu.memory_space<vmem>>, vector<1x16xf32>,
        %get3A_429 = vector.shape_cast %get3A_428 : vector<1x16xf32> to vector<16xf32>
        %add3A_430 = arith.addf %add3A_408, %get3A_429 : vector<16xf32>
        %get3A_431 = arith.index_cast %add3A_415 : i32 to index
        %get3A_432 = arith.constant 48 : index
        %get3A_433 = tpu.vector_load %arg9[%get3A_431, %get3A_432] {strides = array<i32>} : memref<112x64xf32, #tpu.memory_space<vmem>>, vector<1x16xf32>,
        %get3A_434 = vector.shape_cast %get3A_433 : vector<1x16xf32> to vector<16xf32>
        %add3A_435 = arith.addf %add3A_413, %get3A_434 : vector<16xf32>
        %add3A_436 = arith.constant 3 : i32
        %add3A_437 = arith.addi %mul3A_370, %add3A_436 : i32
        %get3A_438 = arith.index_cast %add3A_437 : i32 to index
        %get3A_439 = arith.constant 0 : index
        %get3A_440 = tpu.vector_load %arg9[%get3A_438, %get3A_439] {strides = array<i32>} : memref<112x64xf32, #tpu.memory_space<vmem>>, vector<1x16xf32>,
        %get3A_441 = vector.shape_cast %get3A_440 : vector<1x16xf32> to vector<16xf32>
        %add3A_442 = arith.addf %add3A_420, %get3A_441 : vector<16xf32>
        %get3A_443 = arith.index_cast %add3A_437 : i32 to index
        %get3A_444 = arith.constant 16 : index
        %get3A_445 = tpu.vector_load %arg9[%get3A_443, %get3A_444] {strides = array<i32>} : memref<112x64xf32, #tpu.memory_space<vmem>>, vector<1x16xf32>,
        %get3A_446 = vector.shape_cast %get3A_445 : vector<1x16xf32> to vector<16xf32>
        %add3A_447 = arith.addf %add3A_425, %get3A_446 : vector<16xf32>
        %get3A_448 = arith.index_cast %add3A_437 : i32 to index
        %get3A_449 = arith.constant 32 : index
        %get3A_450 = tpu.vector_load %arg9[%get3A_448, %get3A_449] {strides = array<i32>} : memref<112x64xf32, #tpu.memory_space<vmem>>, vector<1x16xf32>,
        %get3A_451 = vector.shape_cast %get3A_450 : vector<1x16xf32> to vector<16xf32>
        %add3A_452 = arith.addf %add3A_430, %get3A_451 : vector<16xf32>
        %get3A_453 = arith.index_cast %add3A_437 : i32 to index
        %get3A_454 = arith.constant 48 : index
        %get3A_455 = tpu.vector_load %arg9[%get3A_453, %get3A_454] {strides = array<i32>} : memref<112x64xf32, #tpu.memory_space<vmem>>, vector<1x16xf32>,
        %get3A_456 = vector.shape_cast %get3A_455 : vector<1x16xf32> to vector<16xf32>
        %add3A_457 = arith.addf %add3A_435, %get3A_456 : vector<16xf32>
        %add3A_458 = arith.constant 4 : i32
        %add3A_459 = arith.addi %mul3A_370, %add3A_458 : i32
        %get3A_460 = arith.index_cast %add3A_459 : i32 to index
        %get3A_461 = arith.constant 0 : index
        %get3A_462 = tpu.vector_load %arg9[%get3A_460, %get3A_461] {strides = array<i32>} : memref<112x64xf32, #tpu.memory_space<vmem>>, vector<1x16xf32>,
        %get3A_463 = vector.shape_cast %get3A_462 : vector<1x16xf32> to vector<16xf32>
        %add3A_464 = arith.addf %add3A_442, %get3A_463 : vector<16xf32>
        %get3A_465 = arith.index_cast %add3A_459 : i32 to index
        %get3A_466 = arith.constant 16 : index
        %get3A_467 = tpu.vector_load %arg9[%get3A_465, %get3A_466] {strides = array<i32>} : memref<112x64xf32, #tpu.memory_space<vmem>>, vector<1x16xf32>,
        %get3A_468 = vector.shape_cast %get3A_467 : vector<1x16xf32> to vector<16xf32>
        %add3A_469 = arith.addf %add3A_447, %get3A_468 : vector<16xf32>
        %get3A_470 = arith.index_cast %add3A_459 : i32 to index
        %get3A_471 = arith.constant 32 : index
        %get3A_472 = tpu.vector_load %arg9[%get3A_470, %get3A_471] {strides = array<i32>} : memref<112x64xf32, #tpu.memory_space<vmem>>, vector<1x16xf32>,
        %get3A_473 = vector.shape_cast %get3A_472 : vector<1x16xf32> to vector<16xf32>
        %add3A_474 = arith.addf %add3A_452, %get3A_473 : vector<16xf32>
        %get3A_475 = arith.index_cast %add3A_459 : i32 to index
        %get3A_476 = arith.constant 48 : index
        %get3A_477 = tpu.vector_load %arg9[%get3A_475, %get3A_476] {strides = array<i32>} : memref<112x64xf32, #tpu.memory_space<vmem>>, vector<1x16xf32>,
        %get3A_478 = vector.shape_cast %get3A_477 : vector<1x16xf32> to vector<16xf32>
        %add3A_479 = arith.addf %add3A_457, %get3A_478 : vector<16xf32>
        %add3A_480 = arith.constant 5 : i32
        %add3A_481 = arith.addi %mul3A_370, %add3A_480 : i32
        %get3A_482 = arith.index_cast %add3A_481 : i32 to index
        %get3A_483 = arith.constant 0 : index
        %get3A_484 = tpu.vector_load %arg9[%get3A_482, %get3A_483] {strides = array<i32>} : memref<112x64xf32, #tpu.memory_space<vmem>>, vector<1x16xf32>,
        %get3A_485 = vector.shape_cast %get3A_484 : vector<1x16xf32> to vector<16xf32>
        %add3A_486 = arith.addf %add3A_464, %get3A_485 : vector<16xf32>
        %get3A_487 = arith.index_cast %add3A_481 : i32 to index
        %get3A_488 = arith.constant 16 : index
        %get3A_489 = tpu.vector_load %arg9[%get3A_487, %get3A_488] {strides = array<i32>} : memref<112x64xf32, #tpu.memory_space<vmem>>, vector<1x16xf32>,
        %get3A_490 = vector.shape_cast %get3A_489 : vector<1x16xf32> to vector<16xf32>
        %add3A_491 = arith.addf %add3A_469, %get3A_490 : vector<16xf32>
        %get3A_492 = arith.index_cast %add3A_481 : i32 to index
        %get3A_493 = arith.constant 32 : index
        %get3A_494 = tpu.vector_load %arg9[%get3A_492, %get3A_493] {strides = array<i32>} : memref<112x64xf32, #tpu.memory_space<vmem>>, vector<1x16xf32>,
        %get3A_495 = vector.shape_cast %get3A_494 : vector<1x16xf32> to vector<16xf32>
        %add3A_496 = arith.addf %add3A_474, %get3A_495 : vector<16xf32>
        %get3A_497 = arith.index_cast %add3A_481 : i32 to index
        %get3A_498 = arith.constant 48 : index
        %get3A_499 = tpu.vector_load %arg9[%get3A_497, %get3A_498] {strides = array<i32>} : memref<112x64xf32, #tpu.memory_space<vmem>>, vector<1x16xf32>,
        %get3A_500 = vector.shape_cast %get3A_499 : vector<1x16xf32> to vector<16xf32>
        %add3A_501 = arith.addf %add3A_479, %get3A_500 : vector<16xf32>
        %add3A_502 = arith.constant 6 : i32
        %add3A_503 = arith.addi %mul3A_370, %add3A_502 : i32
        %get3A_504 = arith.index_cast %add3A_503 : i32 to index
        %get3A_505 = arith.constant 0 : index
        %get3A_506 = tpu.vector_load %arg9[%get3A_504, %get3A_505] {strides = array<i32>} : memref<112x64xf32, #tpu.memory_space<vmem>>, vector<1x16xf32>,
        %get3A_507 = vector.shape_cast %get3A_506 : vector<1x16xf32> to vector<16xf32>
        %add3A_508 = arith.addf %add3A_486, %get3A_507 : vector<16xf32>
        %get3A_509 = arith.index_cast %add3A_503 : i32 to index
        %get3A_510 = arith.constant 16 : index
        %get3A_511 = tpu.vector_load %arg9[%get3A_509, %get3A_510] {strides = array<i32>} : memref<112x64xf32, #tpu.memory_space<vmem>>, vector<1x16xf32>,
        %get3A_512 = vector.shape_cast %get3A_511 : vector<1x16xf32> to vector<16xf32>
        %add3A_513 = arith.addf %add3A_491, %get3A_512 : vector<16xf32>
        %get3A_514 = arith.index_cast %add3A_503 : i32 to index
        %get3A_515 = arith.constant 32 : index
        %get3A_516 = tpu.vector_load %arg9[%get3A_514, %get3A_515] {strides = array<i32>} : memref<112x64xf32, #tpu.memory_space<vmem>>, vector<1x16xf32>,
        %get3A_517 = vector.shape_cast %get3A_516 : vector<1x16xf32> to vector<16xf32>
        %add3A_518 = arith.addf %add3A_496, %get3A_517 : vector<16xf32>
        %get3A_519 = arith.index_cast %add3A_503 : i32 to index
        %get3A_520 = arith.constant 48 : index
        %get3A_521 = tpu.vector_load %arg9[%get3A_519, %get3A_520] {strides = array<i32>} : memref<112x64xf32, #tpu.memory_space<vmem>>, vector<1x16xf32>,
        %get3A_522 = vector.shape_cast %get3A_521 : vector<1x16xf32> to vector<16xf32>
        %add3A_523 = arith.addf %add3A_501, %get3A_522 : vector<16xf32>
        %add3A_524 = arith.constant 7 : i32
        %add3A_525 = arith.addi %mul3A_370, %add3A_524 : i32
        %get3A_526 = arith.index_cast %add3A_525 : i32 to index
        %get3A_527 = arith.constant 0 : index
        %get3A_528 = tpu.vector_load %arg9[%get3A_526, %get3A_527] {strides = array<i32>} : memref<112x64xf32, #tpu.memory_space<vmem>>, vector<1x16xf32>,
        %get3A_529 = vector.shape_cast %get3A_528 : vector<1x16xf32> to vector<16xf32>
        %add3A_530 = arith.addf %add3A_508, %get3A_529 : vector<16xf32>
        %get3A_531 = arith.index_cast %add3A_525 : i32 to index
        %get3A_532 = arith.constant 16 : index
        %get3A_533 = tpu.vector_load %arg9[%get3A_531, %get3A_532] {strides = array<i32>} : memref<112x64xf32, #tpu.memory_space<vmem>>, vector<1x16xf32>,
        %get3A_534 = vector.shape_cast %get3A_533 : vector<1x16xf32> to vector<16xf32>
        %add3A_535 = arith.addf %add3A_513, %get3A_534 : vector<16xf32>
        %get3A_536 = arith.index_cast %add3A_525 : i32 to index
        %get3A_537 = arith.constant 32 : index
        %get3A_538 = tpu.vector_load %arg9[%get3A_536, %get3A_537] {strides = array<i32>} : memref<112x64xf32, #tpu.memory_space<vmem>>, vector<1x16xf32>,
        %get3A_539 = vector.shape_cast %get3A_538 : vector<1x16xf32> to vector<16xf32>
        %add3A_540 = arith.addf %add3A_518, %get3A_539 : vector<16xf32>
        %get3A_541 = arith.index_cast %add3A_525 : i32 to index
        %get3A_542 = arith.constant 48 : index
        %get3A_543 = tpu.vector_load %arg9[%get3A_541, %get3A_542] {strides = array<i32>} : memref<112x64xf32, #tpu.memory_space<vmem>>, vector<1x16xf32>,
        %get3A_544 = vector.shape_cast %get3A_543 : vector<1x16xf32> to vector<16xf32>
        %add3A_545 = arith.addf %add3A_523, %get3A_544 : vector<16xf32>
        %add3A_546 = arith.constant 8 : i32
        %add3A_547 = arith.addi %mul3A_370, %add3A_546 : i32
        %get3A_548 = arith.index_cast %add3A_547 : i32 to index
        %get3A_549 = arith.constant 0 : index
        %get3A_550 = tpu.vector_load %arg9[%get3A_548, %get3A_549] {strides = array<i32>} : memref<112x64xf32, #tpu.memory_space<vmem>>, vector<1x16xf32>,
        %get3A_551 = vector.shape_cast %get3A_550 : vector<1x16xf32> to vector<16xf32>
        %add3A_552 = arith.addf %add3A_530, %get3A_551 : vector<16xf32>
        %get3A_553 = arith.index_cast %add3A_547 : i32 to index
        %get3A_554 = arith.constant 16 : index
        %get3A_555 = tpu.vector_load %arg9[%get3A_553, %get3A_554] {strides = array<i32>} : memref<112x64xf32, #tpu.memory_space<vmem>>, vector<1x16xf32>,
        %get3A_556 = vector.shape_cast %get3A_555 : vector<1x16xf32> to vector<16xf32>
        %add3A_557 = arith.addf %add3A_535, %get3A_556 : vector<16xf32>
        %get3A_558 = arith.index_cast %add3A_547 : i32 to index
        %get3A_559 = arith.constant 32 : index
        %get3A_560 = tpu.vector_load %arg9[%get3A_558, %get3A_559] {strides = array<i32>} : memref<112x64xf32, #tpu.memory_space<vmem>>, vector<1x16xf32>,
        %get3A_561 = vector.shape_cast %get3A_560 : vector<1x16xf32> to vector<16xf32>
        %add3A_562 = arith.addf %add3A_540, %get3A_561 : vector<16xf32>
        %get3A_563 = arith.index_cast %add3A_547 : i32 to index
        %get3A_564 = arith.constant 48 : index
        %get3A_565 = tpu.vector_load %arg9[%get3A_563, %get3A_564] {strides = array<i32>} : memref<112x64xf32, #tpu.memory_space<vmem>>, vector<1x16xf32>,
        %get3A_566 = vector.shape_cast %get3A_565 : vector<1x16xf32> to vector<16xf32>
        %add3A_567 = arith.addf %add3A_545, %get3A_566 : vector<16xf32>
        %add3A_568 = arith.constant 9 : i32
        %add3A_569 = arith.addi %mul3A_370, %add3A_568 : i32
        %get3A_570 = arith.index_cast %add3A_569 : i32 to index
        %get3A_571 = arith.constant 0 : index
        %get3A_572 = tpu.vector_load %arg9[%get3A_570, %get3A_571] {strides = array<i32>} : memref<112x64xf32, #tpu.memory_space<vmem>>, vector<1x16xf32>,
        %get3A_573 = vector.shape_cast %get3A_572 : vector<1x16xf32> to vector<16xf32>
        %add3A_574 = arith.addf %add3A_552, %get3A_573 : vector<16xf32>
        %get3A_575 = arith.index_cast %add3A_569 : i32 to index
        %get3A_576 = arith.constant 16 : index
        %get3A_577 = tpu.vector_load %arg9[%get3A_575, %get3A_576] {strides = array<i32>} : memref<112x64xf32, #tpu.memory_space<vmem>>, vector<1x16xf32>,
        %get3A_578 = vector.shape_cast %get3A_577 : vector<1x16xf32> to vector<16xf32>
        %add3A_579 = arith.addf %add3A_557, %get3A_578 : vector<16xf32>
        %get3A_580 = arith.index_cast %add3A_569 : i32 to index
        %get3A_581 = arith.constant 32 : index
        %get3A_582 = tpu.vector_load %arg9[%get3A_580, %get3A_581] {strides = array<i32>} : memref<112x64xf32, #tpu.memory_space<vmem>>, vector<1x16xf32>,
        %get3A_583 = vector.shape_cast %get3A_582 : vector<1x16xf32> to vector<16xf32>
        %add3A_584 = arith.addf %add3A_562, %get3A_583 : vector<16xf32>
        %get3A_585 = arith.index_cast %add3A_569 : i32 to index
        %get3A_586 = arith.constant 48 : index
        %get3A_587 = tpu.vector_load %arg9[%get3A_585, %get3A_586] {strides = array<i32>} : memref<112x64xf32, #tpu.memory_space<vmem>>, vector<1x16xf32>,
        %get3A_588 = vector.shape_cast %get3A_587 : vector<1x16xf32> to vector<16xf32>
        %add3A_589 = arith.addf %add3A_567, %get3A_588 : vector<16xf32>
        %add3A_590 = arith.constant 10 : i32
        %add3A_591 = arith.addi %mul3A_370, %add3A_590 : i32
        %get3A_592 = arith.index_cast %add3A_591 : i32 to index
        %get3A_593 = arith.constant 0 : index
        %get3A_594 = tpu.vector_load %arg9[%get3A_592, %get3A_593] {strides = array<i32>} : memref<112x64xf32, #tpu.memory_space<vmem>>, vector<1x16xf32>,
        %get3A_595 = vector.shape_cast %get3A_594 : vector<1x16xf32> to vector<16xf32>
        %add3A_596 = arith.addf %add3A_574, %get3A_595 : vector<16xf32>
        %get3A_597 = arith.index_cast %add3A_591 : i32 to index
        %get3A_598 = arith.constant 16 : index
        %get3A_599 = tpu.vector_load %arg9[%get3A_597, %get3A_598] {strides = array<i32>} : memref<112x64xf32, #tpu.memory_space<vmem>>, vector<1x16xf32>,
        %get3A_600 = vector.shape_cast %get3A_599 : vector<1x16xf32> to vector<16xf32>
        %add3A_601 = arith.addf %add3A_579, %get3A_600 : vector<16xf32>
        %get3A_602 = arith.index_cast %add3A_591 : i32 to index
        %get3A_603 = arith.constant 32 : index
        %get3A_604 = tpu.vector_load %arg9[%get3A_602, %get3A_603] {strides = array<i32>} : memref<112x64xf32, #tpu.memory_space<vmem>>, vector<1x16xf32>,
        %get3A_605 = vector.shape_cast %get3A_604 : vector<1x16xf32> to vector<16xf32>
        %add3A_606 = arith.addf %add3A_584, %get3A_605 : vector<16xf32>
        %get3A_607 = arith.index_cast %add3A_591 : i32 to index
        %get3A_608 = arith.constant 48 : index
        %get3A_609 = tpu.vector_load %arg9[%get3A_607, %get3A_608] {strides = array<i32>} : memref<112x64xf32, #tpu.memory_space<vmem>>, vector<1x16xf32>,
        %get3A_610 = vector.shape_cast %get3A_609 : vector<1x16xf32> to vector<16xf32>
        %add3A_611 = arith.addf %add3A_589, %get3A_610 : vector<16xf32>
        %add3A_612 = arith.constant 11 : i32
        %add3A_613 = arith.addi %mul3A_370, %add3A_612 : i32
        %get3A_614 = arith.index_cast %add3A_613 : i32 to index
        %get3A_615 = arith.constant 0 : index
        %get3A_616 = tpu.vector_load %arg9[%get3A_614, %get3A_615] {strides = array<i32>} : memref<112x64xf32, #tpu.memory_space<vmem>>, vector<1x16xf32>,
        %get3A_617 = vector.shape_cast %get3A_616 : vector<1x16xf32> to vector<16xf32>
        %add3A_618 = arith.addf %add3A_596, %get3A_617 : vector<16xf32>
        %get3A_619 = arith.index_cast %add3A_613 : i32 to index
        %get3A_620 = arith.constant 16 : index
        %get3A_621 = tpu.vector_load %arg9[%get3A_619, %get3A_620] {strides = array<i32>} : memref<112x64xf32, #tpu.memory_space<vmem>>, vector<1x16xf32>,
        %get3A_622 = vector.shape_cast %get3A_621 : vector<1x16xf32> to vector<16xf32>
        %add3A_623 = arith.addf %add3A_601, %get3A_622 : vector<16xf32>
        %get3A_624 = arith.index_cast %add3A_613 : i32 to index
        %get3A_625 = arith.constant 32 : index
        %get3A_626 = tpu.vector_load %arg9[%get3A_624, %get3A_625] {strides = array<i32>} : memref<112x64xf32, #tpu.memory_space<vmem>>, vector<1x16xf32>,
        %get3A_627 = vector.shape_cast %get3A_626 : vector<1x16xf32> to vector<16xf32>
        %add3A_628 = arith.addf %add3A_606, %get3A_627 : vector<16xf32>
        %get3A_629 = arith.index_cast %add3A_613 : i32 to index
        %get3A_630 = arith.constant 48 : index
        %get3A_631 = tpu.vector_load %arg9[%get3A_629, %get3A_630] {strides = array<i32>} : memref<112x64xf32, #tpu.memory_space<vmem>>, vector<1x16xf32>,
        %get3A_632 = vector.shape_cast %get3A_631 : vector<1x16xf32> to vector<16xf32>
        %add3A_633 = arith.addf %add3A_611, %get3A_632 : vector<16xf32>
        %add3A_634 = arith.constant 12 : i32
        %add3A_635 = arith.addi %mul3A_370, %add3A_634 : i32
        %get3A_636 = arith.index_cast %add3A_635 : i32 to index
        %get3A_637 = arith.constant 0 : index
        %get3A_638 = tpu.vector_load %arg9[%get3A_636, %get3A_637] {strides = array<i32>} : memref<112x64xf32, #tpu.memory_space<vmem>>, vector<1x16xf32>,
        %get3A_639 = vector.shape_cast %get3A_638 : vector<1x16xf32> to vector<16xf32>
        %add3A_640 = arith.addf %add3A_618, %get3A_639 : vector<16xf32>
        %get3A_641 = arith.index_cast %add3A_635 : i32 to index
        %get3A_642 = arith.constant 16 : index
        %get3A_643 = tpu.vector_load %arg9[%get3A_641, %get3A_642] {strides = array<i32>} : memref<112x64xf32, #tpu.memory_space<vmem>>, vector<1x16xf32>,
        %get3A_644 = vector.shape_cast %get3A_643 : vector<1x16xf32> to vector<16xf32>
        %add3A_645 = arith.addf %add3A_623, %get3A_644 : vector<16xf32>
        %get3A_646 = arith.index_cast %add3A_635 : i32 to index
        %get3A_647 = arith.constant 32 : index
        %get3A_648 = tpu.vector_load %arg9[%get3A_646, %get3A_647] {strides = array<i32>} : memref<112x64xf32, #tpu.memory_space<vmem>>, vector<1x16xf32>,
        %get3A_649 = vector.shape_cast %get3A_648 : vector<1x16xf32> to vector<16xf32>
        %add3A_650 = arith.addf %add3A_628, %get3A_649 : vector<16xf32>
        %get3A_651 = arith.index_cast %add3A_635 : i32 to index
        %get3A_652 = arith.constant 48 : index
        %get3A_653 = tpu.vector_load %arg9[%get3A_651, %get3A_652] {strides = array<i32>} : memref<112x64xf32, #tpu.memory_space<vmem>>, vector<1x16xf32>,
        %get3A_654 = vector.shape_cast %get3A_653 : vector<1x16xf32> to vector<16xf32>
        %add3A_655 = arith.addf %add3A_633, %get3A_654 : vector<16xf32>
        %add3A_656 = arith.constant 13 : i32
        %add3A_657 = arith.addi %mul3A_370, %add3A_656 : i32
        %get3A_658 = arith.index_cast %add3A_657 : i32 to index
        %get3A_659 = arith.constant 0 : index
        %get3A_660 = tpu.vector_load %arg9[%get3A_658, %get3A_659] {strides = array<i32>} : memref<112x64xf32, #tpu.memory_space<vmem>>, vector<1x16xf32>,
        %get3A_661 = vector.shape_cast %get3A_660 : vector<1x16xf32> to vector<16xf32>
        %add3A_662 = arith.addf %add3A_640, %get3A_661 : vector<16xf32>
        %get3A_663 = arith.index_cast %add3A_657 : i32 to index
        %get3A_664 = arith.constant 16 : index
        %get3A_665 = tpu.vector_load %arg9[%get3A_663, %get3A_664] {strides = array<i32>} : memref<112x64xf32, #tpu.memory_space<vmem>>, vector<1x16xf32>,
        %get3A_666 = vector.shape_cast %get3A_665 : vector<1x16xf32> to vector<16xf32>
        %add3A_667 = arith.addf %add3A_645, %get3A_666 : vector<16xf32>
        %get3A_668 = arith.index_cast %add3A_657 : i32 to index
        %get3A_669 = arith.constant 32 : index
        %get3A_670 = tpu.vector_load %arg9[%get3A_668, %get3A_669] {strides = array<i32>} : memref<112x64xf32, #tpu.memory_space<vmem>>, vector<1x16xf32>,
        %get3A_671 = vector.shape_cast %get3A_670 : vector<1x16xf32> to vector<16xf32>
        %add3A_672 = arith.addf %add3A_650, %get3A_671 : vector<16xf32>
        %get3A_673 = arith.index_cast %add3A_657 : i32 to index
        %get3A_674 = arith.constant 48 : index
        %get3A_675 = tpu.vector_load %arg9[%get3A_673, %get3A_674] {strides = array<i32>} : memref<112x64xf32, #tpu.memory_space<vmem>>, vector<1x16xf32>,
        %get3A_676 = vector.shape_cast %get3A_675 : vector<1x16xf32> to vector<16xf32>
        %add3A_677 = arith.addf %add3A_655, %get3A_676 : vector<16xf32>
        %add3A_678 = arith.constant 14 : i32
        %add3A_679 = arith.addi %mul3A_370, %add3A_678 : i32
        %get3A_680 = arith.index_cast %add3A_679 : i32 to index
        %get3A_681 = arith.constant 0 : index
        %get3A_682 = tpu.vector_load %arg9[%get3A_680, %get3A_681] {strides = array<i32>} : memref<112x64xf32, #tpu.memory_space<vmem>>, vector<1x16xf32>,
        %get3A_683 = vector.shape_cast %get3A_682 : vector<1x16xf32> to vector<16xf32>
        %add3A_684 = arith.addf %add3A_662, %get3A_683 : vector<16xf32>
        %get3A_685 = arith.index_cast %add3A_679 : i32 to index
        %get3A_686 = arith.constant 16 : index
        %get3A_687 = tpu.vector_load %arg9[%get3A_685, %get3A_686] {strides = array<i32>} : memref<112x64xf32, #tpu.memory_space<vmem>>, vector<1x16xf32>,
        %get3A_688 = vector.shape_cast %get3A_687 : vector<1x16xf32> to vector<16xf32>
        %add3A_689 = arith.addf %add3A_667, %get3A_688 : vector<16xf32>
        %get3A_690 = arith.index_cast %add3A_679 : i32 to index
        %get3A_691 = arith.constant 32 : index
        %get3A_692 = tpu.vector_load %arg9[%get3A_690, %get3A_691] {strides = array<i32>} : memref<112x64xf32, #tpu.memory_space<vmem>>, vector<1x16xf32>,
        %get3A_693 = vector.shape_cast %get3A_692 : vector<1x16xf32> to vector<16xf32>
        %add3A_694 = arith.addf %add3A_672, %get3A_693 : vector<16xf32>
        %get3A_695 = arith.index_cast %add3A_679 : i32 to index
        %get3A_696 = arith.constant 48 : index
        %get3A_697 = tpu.vector_load %arg9[%get3A_695, %get3A_696] {strides = array<i32>} : memref<112x64xf32, #tpu.memory_space<vmem>>, vector<1x16xf32>,
        %get3A_698 = vector.shape_cast %get3A_697 : vector<1x16xf32> to vector<16xf32>
        %add3A_699 = arith.addf %add3A_677, %get3A_698 : vector<16xf32>
        %add3A_700 = arith.constant 15 : i32
        %add3A_701 = arith.addi %mul3A_370, %add3A_700 : i32
        %get3A_702 = arith.index_cast %add3A_701 : i32 to index
        %get3A_703 = arith.constant 0 : index
        %get3A_704 = tpu.vector_load %arg9[%get3A_702, %get3A_703] {strides = array<i32>} : memref<112x64xf32, #tpu.memory_space<vmem>>, vector<1x16xf32>,
        %get3A_705 = vector.shape_cast %get3A_704 : vector<1x16xf32> to vector<16xf32>
        %add3A_706 = arith.addf %add3A_684, %get3A_705 : vector<16xf32>
        %get3A_707 = arith.index_cast %add3A_701 : i32 to index
        %get3A_708 = arith.constant 16 : index
        %get3A_709 = tpu.vector_load %arg9[%get3A_707, %get3A_708] {strides = array<i32>} : memref<112x64xf32, #tpu.memory_space<vmem>>, vector<1x16xf32>,
        %get3A_710 = vector.shape_cast %get3A_709 : vector<1x16xf32> to vector<16xf32>
        %add3A_711 = arith.addf %add3A_689, %get3A_710 : vector<16xf32>
        %get3A_712 = arith.index_cast %add3A_701 : i32 to index
        %get3A_713 = arith.constant 32 : index
        %get3A_714 = tpu.vector_load %arg9[%get3A_712, %get3A_713] {strides = array<i32>} : memref<112x64xf32, #tpu.memory_space<vmem>>, vector<1x16xf32>,
        %get3A_715 = vector.shape_cast %get3A_714 : vector<1x16xf32> to vector<16xf32>
        %add3A_716 = arith.addf %add3A_694, %get3A_715 : vector<16xf32>
        %get3A_717 = arith.index_cast %add3A_701 : i32 to index
        %get3A_718 = arith.constant 48 : index
        %get3A_719 = tpu.vector_load %arg9[%get3A_717, %get3A_718] {strides = array<i32>} : memref<112x64xf32, #tpu.memory_space<vmem>>, vector<1x16xf32>,
        %get3A_720 = vector.shape_cast %get3A_719 : vector<1x16xf32> to vector<16xf32>
        %add3A_721 = arith.addf %add3A_699, %get3A_720 : vector<16xf32>
        scf.yield %add3A_706, %add3A_711, %add3A_716, %add3A_721 : vector<16xf32>, vector<16xf32>, vector<16xf32>, vector<16xf32>
      }
      %scan3A_93 = arith.constant 7 : i32
      %add3A_94 = arith.constant 8 : i32
      %add3A_95 = arith.addi %add3A_82, %add3A_94 : i32
      %lt3A = arith.constant 256 : i32
      %lt3A_96 = arith.cmpi slt, %add3A_95, %lt3A : i32
      %convert_element_type3A = arith.extui %lt3A_96 : i1 to i32
      %cond3A = arith.constant 0 : i32
      %cond3A_97 = arith.cmpi ne, %convert_element_type3A, %cond3A : i32
      scf.if %cond3A_97 {
        %add3A_364 = arith.constant 8 : i32
        %add3A_365 = arith.addi %add3A_82, %add3A_364 : i32
        %dma_start3A_366 = arith.constant 0 : i32
        %dma_start3A_367 = tpu.memref_slice %arg6[%add3A_365, %dma_start3A_366] : memref<256x112xi32, #tpu.memory_space<vmem>> -> memref<1x112xi32, #tpu.memory_space<vmem>>
        %dma_start3A_368 = tpu.memref_squeeze %dma_start3A_367 : memref<1x112xi32, #tpu.memory_space<vmem>> -> memref<112xi32, #tpu.memory_space<vmem>>
        %dma_start3A_369 = arith.constant 0 : i32
        %dma_start3A_370 = arith.constant 0 : i32
        %dma_start3A_371 = tpu.memref_slice %arg4[%dma_start3A_369, %dma_start3A_370] : memref<1000000x64xf32, #tpu.memory_space<hbm>> -> memref<1000000x64xf32, #tpu.memory_space<hbm>>
        tpu.enqueue_indirect_dma source(%dma_start3A_371 : memref<1000000x64xf32, #tpu.memory_space<hbm>>) target(%arg9 : memref<112x64xf32, #tpu.memory_space<vmem>>) offsets(%dma_start3A_368 : memref<112xi32, #tpu.memory_space<vmem>>) semaphore(%arg17 : memref<!tpu.dma_semaphore, #tpu.memory_space<semaphore_mem>>)
      } else {
      }
      %add3A_98 = arith.constant 1 : i32
      %add3A_99 = arith.addi %mul3A_73, %add3A_98 : i32
      %dma_wait3A_100 = arith.constant 0 : i32
      %dma_wait3A_101 = tpu.memref_slice %arg6[%add3A_99, %dma_wait3A_100] : memref<256x112xi32, #tpu.memory_space<vmem>> -> memref<1x112xi32, #tpu.memory_space<vmem>>
      %dma_wait3A_102 = tpu.memref_squeeze %dma_wait3A_101 : memref<1x112xi32, #tpu.memory_space<vmem>> -> memref<112xi32, #tpu.memory_space<vmem>>
      %dma_wait3A_103 = arith.constant 0 : i32
      %dma_wait3A_104 = arith.constant 0 : i32
      %dma_wait3A_105 = tpu.memref_slice %arg4[%dma_wait3A_103, %dma_wait3A_104] : memref<1000000x64xf32, #tpu.memory_space<hbm>> -> memref<1000000x64xf32, #tpu.memory_space<hbm>>
      tpu.wait_indirect_dma semaphore(%arg18 : memref<!tpu.dma_semaphore, #tpu.memory_space<semaphore_mem>>) src(%dma_wait3A_105 : memref<1000000x64xf32, #tpu.memory_space<hbm>>) dst(%arg10 : memref<112x64xf32, #tpu.memory_space<vmem>>)
      %scan3A_106 = arith.constant 0 : i32
      %scan3A_107 = arith.constant 7 : i32
      %scan3A_108 = arith.addi %scan3A_106, %scan3A_107 : i32
      %scan3A_109 = arith.constant 1 : i32
      %scan3A_110:4 = scf.for %scan3A_364 = %scan3A_106 to %scan3A_108 step %scan3A_109 iter_args(%scan3A_365 = %scan3A_92#0, %scan3A_366 = %scan3A_92#1, %scan3A_367 = %scan3A_92#2, %scan3A_368 = %scan3A_92#3) -> (vector<16xf32>, vector<16xf32>, vector<16xf32>, vector<16xf32>)  : i32 {
        %mul3A_369 = arith.constant 16 : i32
        %mul3A_370 = arith.muli %scan3A_364, %mul3A_369 : i32
        %add3A_371 = arith.constant 0 : i32
        %add3A_372 = arith.addi %mul3A_370, %add3A_371 : i32
        %get3A = arith.index_cast %add3A_372 : i32 to index
        %get3A_373 = arith.constant 0 : index
        %get3A_374 = tpu.vector_load %arg10[%get3A, %get3A_373] {strides = array<i32>} : memref<112x64xf32, #tpu.memory_space<vmem>>, vector<1x16xf32>,
        %get3A_375 = vector.shape_cast %get3A_374 : vector<1x16xf32> to vector<16xf32>
        %add3A_376 = arith.addf %scan3A_365, %get3A_375 : vector<16xf32>
        %get3A_377 = arith.index_cast %add3A_372 : i32 to index
        %get3A_378 = arith.constant 16 : index
        %get3A_379 = tpu.vector_load %arg10[%get3A_377, %get3A_378] {strides = array<i32>} : memref<112x64xf32, #tpu.memory_space<vmem>>, vector<1x16xf32>,
        %get3A_380 = vector.shape_cast %get3A_379 : vector<1x16xf32> to vector<16xf32>
        %add3A_381 = arith.addf %scan3A_366, %get3A_380 : vector<16xf32>
        %get3A_382 = arith.index_cast %add3A_372 : i32 to index
        %get3A_383 = arith.constant 32 : index
        %get3A_384 = tpu.vector_load %arg10[%get3A_382, %get3A_383] {strides = array<i32>} : memref<112x64xf32, #tpu.memory_space<vmem>>, vector<1x16xf32>,
        %get3A_385 = vector.shape_cast %get3A_384 : vector<1x16xf32> to vector<16xf32>
        %add3A_386 = arith.addf %scan3A_367, %get3A_385 : vector<16xf32>
        %get3A_387 = arith.index_cast %add3A_372 : i32 to index
        %get3A_388 = arith.constant 48 : index
        %get3A_389 = tpu.vector_load %arg10[%get3A_387, %get3A_388] {strides = array<i32>} : memref<112x64xf32, #tpu.memory_space<vmem>>, vector<1x16xf32>,
        %get3A_390 = vector.shape_cast %get3A_389 : vector<1x16xf32> to vector<16xf32>
        %add3A_391 = arith.addf %scan3A_368, %get3A_390 : vector<16xf32>
        %add3A_392 = arith.constant 1 : i32
        %add3A_393 = arith.addi %mul3A_370, %add3A_392 : i32
        %get3A_394 = arith.index_cast %add3A_393 : i32 to index
        %get3A_395 = arith.constant 0 : index
        %get3A_396 = tpu.vector_load %arg10[%get3A_394, %get3A_395] {strides = array<i32>} : memref<112x64xf32, #tpu.memory_space<vmem>>, vector<1x16xf32>,
        %get3A_397 = vector.shape_cast %get3A_396 : vector<1x16xf32> to vector<16xf32>
        %add3A_398 = arith.addf %add3A_376, %get3A_397 : vector<16xf32>
        %get3A_399 = arith.index_cast %add3A_393 : i32 to index
        %get3A_400 = arith.constant 16 : index
        %get3A_401 = tpu.vector_load %arg10[%get3A_399, %get3A_400] {strides = array<i32>} : memref<112x64xf32, #tpu.memory_space<vmem>>, vector<1x16xf32>,
        %get3A_402 = vector.shape_cast %get3A_401 : vector<1x16xf32> to vector<16xf32>
        %add3A_403 = arith.addf %add3A_381, %get3A_402 : vector<16xf32>
        %get3A_404 = arith.index_cast %add3A_393 : i32 to index
        %get3A_405 = arith.constant 32 : index
        %get3A_406 = tpu.vector_load %arg10[%get3A_404, %get3A_405] {strides = array<i32>} : memref<112x64xf32, #tpu.memory_space<vmem>>, vector<1x16xf32>,
        %get3A_407 = vector.shape_cast %get3A_406 : vector<1x16xf32> to vector<16xf32>
        %add3A_408 = arith.addf %add3A_386, %get3A_407 : vector<16xf32>
        %get3A_409 = arith.index_cast %add3A_393 : i32 to index
        %get3A_410 = arith.constant 48 : index
        %get3A_411 = tpu.vector_load %arg10[%get3A_409, %get3A_410] {strides = array<i32>} : memref<112x64xf32, #tpu.memory_space<vmem>>, vector<1x16xf32>,
        %get3A_412 = vector.shape_cast %get3A_411 : vector<1x16xf32> to vector<16xf32>
        %add3A_413 = arith.addf %add3A_391, %get3A_412 : vector<16xf32>
        %add3A_414 = arith.constant 2 : i32
        %add3A_415 = arith.addi %mul3A_370, %add3A_414 : i32
        %get3A_416 = arith.index_cast %add3A_415 : i32 to index
        %get3A_417 = arith.constant 0 : index
        %get3A_418 = tpu.vector_load %arg10[%get3A_416, %get3A_417] {strides = array<i32>} : memref<112x64xf32, #tpu.memory_space<vmem>>, vector<1x16xf32>,
        %get3A_419 = vector.shape_cast %get3A_418 : vector<1x16xf32> to vector<16xf32>
        %add3A_420 = arith.addf %add3A_398, %get3A_419 : vector<16xf32>
        %get3A_421 = arith.index_cast %add3A_415 : i32 to index
        %get3A_422 = arith.constant 16 : index
        %get3A_423 = tpu.vector_load %arg10[%get3A_421, %get3A_422] {strides = array<i32>} : memref<112x64xf32, #tpu.memory_space<vmem>>, vector<1x16xf32>,
        %get3A_424 = vector.shape_cast %get3A_423 : vector<1x16xf32> to vector<16xf32>
        %add3A_425 = arith.addf %add3A_403, %get3A_424 : vector<16xf32>
        %get3A_426 = arith.index_cast %add3A_415 : i32 to index
        %get3A_427 = arith.constant 32 : index
        %get3A_428 = tpu.vector_load %arg10[%get3A_426, %get3A_427] {strides = array<i32>} : memref<112x64xf32, #tpu.memory_space<vmem>>, vector<1x16xf32>,
        %get3A_429 = vector.shape_cast %get3A_428 : vector<1x16xf32> to vector<16xf32>
        %add3A_430 = arith.addf %add3A_408, %get3A_429 : vector<16xf32>
        %get3A_431 = arith.index_cast %add3A_415 : i32 to index
        %get3A_432 = arith.constant 48 : index
        %get3A_433 = tpu.vector_load %arg10[%get3A_431, %get3A_432] {strides = array<i32>} : memref<112x64xf32, #tpu.memory_space<vmem>>, vector<1x16xf32>,
        %get3A_434 = vector.shape_cast %get3A_433 : vector<1x16xf32> to vector<16xf32>
        %add3A_435 = arith.addf %add3A_413, %get3A_434 : vector<16xf32>
        %add3A_436 = arith.constant 3 : i32
        %add3A_437 = arith.addi %mul3A_370, %add3A_436 : i32
        %get3A_438 = arith.index_cast %add3A_437 : i32 to index
        %get3A_439 = arith.constant 0 : index
        %get3A_440 = tpu.vector_load %arg10[%get3A_438, %get3A_439] {strides = array<i32>} : memref<112x64xf32, #tpu.memory_space<vmem>>, vector<1x16xf32>,
        %get3A_441 = vector.shape_cast %get3A_440 : vector<1x16xf32> to vector<16xf32>
        %add3A_442 = arith.addf %add3A_420, %get3A_441 : vector<16xf32>
        %get3A_443 = arith.index_cast %add3A_437 : i32 to index
        %get3A_444 = arith.constant 16 : index
        %get3A_445 = tpu.vector_load %arg10[%get3A_443, %get3A_444] {strides = array<i32>} : memref<112x64xf32, #tpu.memory_space<vmem>>, vector<1x16xf32>,
        %get3A_446 = vector.shape_cast %get3A_445 : vector<1x16xf32> to vector<16xf32>
        %add3A_447 = arith.addf %add3A_425, %get3A_446 : vector<16xf32>
        %get3A_448 = arith.index_cast %add3A_437 : i32 to index
        %get3A_449 = arith.constant 32 : index
        %get3A_450 = tpu.vector_load %arg10[%get3A_448, %get3A_449] {strides = array<i32>} : memref<112x64xf32, #tpu.memory_space<vmem>>, vector<1x16xf32>,
        %get3A_451 = vector.shape_cast %get3A_450 : vector<1x16xf32> to vector<16xf32>
        %add3A_452 = arith.addf %add3A_430, %get3A_451 : vector<16xf32>
        %get3A_453 = arith.index_cast %add3A_437 : i32 to index
        %get3A_454 = arith.constant 48 : index
        %get3A_455 = tpu.vector_load %arg10[%get3A_453, %get3A_454] {strides = array<i32>} : memref<112x64xf32, #tpu.memory_space<vmem>>, vector<1x16xf32>,
        %get3A_456 = vector.shape_cast %get3A_455 : vector<1x16xf32> to vector<16xf32>
        %add3A_457 = arith.addf %add3A_435, %get3A_456 : vector<16xf32>
        %add3A_458 = arith.constant 4 : i32
        %add3A_459 = arith.addi %mul3A_370, %add3A_458 : i32
        %get3A_460 = arith.index_cast %add3A_459 : i32 to index
        %get3A_461 = arith.constant 0 : index
        %get3A_462 = tpu.vector_load %arg10[%get3A_460, %get3A_461] {strides = array<i32>} : memref<112x64xf32, #tpu.memory_space<vmem>>, vector<1x16xf32>,
        %get3A_463 = vector.shape_cast %get3A_462 : vector<1x16xf32> to vector<16xf32>
        %add3A_464 = arith.addf %add3A_442, %get3A_463 : vector<16xf32>
        %get3A_465 = arith.index_cast %add3A_459 : i32 to index
        %get3A_466 = arith.constant 16 : index
        %get3A_467 = tpu.vector_load %arg10[%get3A_465, %get3A_466] {strides = array<i32>} : memref<112x64xf32, #tpu.memory_space<vmem>>, vector<1x16xf32>,
        %get3A_468 = vector.shape_cast %get3A_467 : vector<1x16xf32> to vector<16xf32>
        %add3A_469 = arith.addf %add3A_447, %get3A_468 : vector<16xf32>
        %get3A_470 = arith.index_cast %add3A_459 : i32 to index
        %get3A_471 = arith.constant 32 : index
        %get3A_472 = tpu.vector_load %arg10[%get3A_470, %get3A_471] {strides = array<i32>} : memref<112x64xf32, #tpu.memory_space<vmem>>, vector<1x16xf32>,
        %get3A_473 = vector.shape_cast %get3A_472 : vector<1x16xf32> to vector<16xf32>
        %add3A_474 = arith.addf %add3A_452, %get3A_473 : vector<16xf32>
        %get3A_475 = arith.index_cast %add3A_459 : i32 to index
        %get3A_476 = arith.constant 48 : index
        %get3A_477 = tpu.vector_load %arg10[%get3A_475, %get3A_476] {strides = array<i32>} : memref<112x64xf32, #tpu.memory_space<vmem>>, vector<1x16xf32>,
        %get3A_478 = vector.shape_cast %get3A_477 : vector<1x16xf32> to vector<16xf32>
        %add3A_479 = arith.addf %add3A_457, %get3A_478 : vector<16xf32>
        %add3A_480 = arith.constant 5 : i32
        %add3A_481 = arith.addi %mul3A_370, %add3A_480 : i32
        %get3A_482 = arith.index_cast %add3A_481 : i32 to index
        %get3A_483 = arith.constant 0 : index
        %get3A_484 = tpu.vector_load %arg10[%get3A_482, %get3A_483] {strides = array<i32>} : memref<112x64xf32, #tpu.memory_space<vmem>>, vector<1x16xf32>,
        %get3A_485 = vector.shape_cast %get3A_484 : vector<1x16xf32> to vector<16xf32>
        %add3A_486 = arith.addf %add3A_464, %get3A_485 : vector<16xf32>
        %get3A_487 = arith.index_cast %add3A_481 : i32 to index
        %get3A_488 = arith.constant 16 : index
        %get3A_489 = tpu.vector_load %arg10[%get3A_487, %get3A_488] {strides = array<i32>} : memref<112x64xf32, #tpu.memory_space<vmem>>, vector<1x16xf32>,
        %get3A_490 = vector.shape_cast %get3A_489 : vector<1x16xf32> to vector<16xf32>
        %add3A_491 = arith.addf %add3A_469, %get3A_490 : vector<16xf32>
        %get3A_492 = arith.index_cast %add3A_481 : i32 to index
        %get3A_493 = arith.constant 32 : index
        %get3A_494 = tpu.vector_load %arg10[%get3A_492, %get3A_493] {strides = array<i32>} : memref<112x64xf32, #tpu.memory_space<vmem>>, vector<1x16xf32>,
        %get3A_495 = vector.shape_cast %get3A_494 : vector<1x16xf32> to vector<16xf32>
        %add3A_496 = arith.addf %add3A_474, %get3A_495 : vector<16xf32>
        %get3A_497 = arith.index_cast %add3A_481 : i32 to index
        %get3A_498 = arith.constant 48 : index
        %get3A_499 = tpu.vector_load %arg10[%get3A_497, %get3A_498] {strides = array<i32>} : memref<112x64xf32, #tpu.memory_space<vmem>>, vector<1x16xf32>,
        %get3A_500 = vector.shape_cast %get3A_499 : vector<1x16xf32> to vector<16xf32>
        %add3A_501 = arith.addf %add3A_479, %get3A_500 : vector<16xf32>
        %add3A_502 = arith.constant 6 : i32
        %add3A_503 = arith.addi %mul3A_370, %add3A_502 : i32
        %get3A_504 = arith.index_cast %add3A_503 : i32 to index
        %get3A_505 = arith.constant 0 : index
        %get3A_506 = tpu.vector_load %arg10[%get3A_504, %get3A_505] {strides = array<i32>} : memref<112x64xf32, #tpu.memory_space<vmem>>, vector<1x16xf32>,
        %get3A_507 = vector.shape_cast %get3A_506 : vector<1x16xf32> to vector<16xf32>
        %add3A_508 = arith.addf %add3A_486, %get3A_507 : vector<16xf32>
        %get3A_509 = arith.index_cast %add3A_503 : i32 to index
        %get3A_510 = arith.constant 16 : index
        %get3A_511 = tpu.vector_load %arg10[%get3A_509, %get3A_510] {strides = array<i32>} : memref<112x64xf32, #tpu.memory_space<vmem>>, vector<1x16xf32>,
        %get3A_512 = vector.shape_cast %get3A_511 : vector<1x16xf32> to vector<16xf32>
        %add3A_513 = arith.addf %add3A_491, %get3A_512 : vector<16xf32>
        %get3A_514 = arith.index_cast %add3A_503 : i32 to index
        %get3A_515 = arith.constant 32 : index
        %get3A_516 = tpu.vector_load %arg10[%get3A_514, %get3A_515] {strides = array<i32>} : memref<112x64xf32, #tpu.memory_space<vmem>>, vector<1x16xf32>,
        %get3A_517 = vector.shape_cast %get3A_516 : vector<1x16xf32> to vector<16xf32>
        %add3A_518 = arith.addf %add3A_496, %get3A_517 : vector<16xf32>
        %get3A_519 = arith.index_cast %add3A_503 : i32 to index
        %get3A_520 = arith.constant 48 : index
        %get3A_521 = tpu.vector_load %arg10[%get3A_519, %get3A_520] {strides = array<i32>} : memref<112x64xf32, #tpu.memory_space<vmem>>, vector<1x16xf32>,
        %get3A_522 = vector.shape_cast %get3A_521 : vector<1x16xf32> to vector<16xf32>
        %add3A_523 = arith.addf %add3A_501, %get3A_522 : vector<16xf32>
        %add3A_524 = arith.constant 7 : i32
        %add3A_525 = arith.addi %mul3A_370, %add3A_524 : i32
        %get3A_526 = arith.index_cast %add3A_525 : i32 to index
        %get3A_527 = arith.constant 0 : index
        %get3A_528 = tpu.vector_load %arg10[%get3A_526, %get3A_527] {strides = array<i32>} : memref<112x64xf32, #tpu.memory_space<vmem>>, vector<1x16xf32>,
        %get3A_529 = vector.shape_cast %get3A_528 : vector<1x16xf32> to vector<16xf32>
        %add3A_530 = arith.addf %add3A_508, %get3A_529 : vector<16xf32>
        %get3A_531 = arith.index_cast %add3A_525 : i32 to index
        %get3A_532 = arith.constant 16 : index
        %get3A_533 = tpu.vector_load %arg10[%get3A_531, %get3A_532] {strides = array<i32>} : memref<112x64xf32, #tpu.memory_space<vmem>>, vector<1x16xf32>,
        %get3A_534 = vector.shape_cast %get3A_533 : vector<1x16xf32> to vector<16xf32>
        %add3A_535 = arith.addf %add3A_513, %get3A_534 : vector<16xf32>
        %get3A_536 = arith.index_cast %add3A_525 : i32 to index
        %get3A_537 = arith.constant 32 : index
        %get3A_538 = tpu.vector_load %arg10[%get3A_536, %get3A_537] {strides = array<i32>} : memref<112x64xf32, #tpu.memory_space<vmem>>, vector<1x16xf32>,
        %get3A_539 = vector.shape_cast %get3A_538 : vector<1x16xf32> to vector<16xf32>
        %add3A_540 = arith.addf %add3A_518, %get3A_539 : vector<16xf32>
        %get3A_541 = arith.index_cast %add3A_525 : i32 to index
        %get3A_542 = arith.constant 48 : index
        %get3A_543 = tpu.vector_load %arg10[%get3A_541, %get3A_542] {strides = array<i32>} : memref<112x64xf32, #tpu.memory_space<vmem>>, vector<1x16xf32>,
        %get3A_544 = vector.shape_cast %get3A_543 : vector<1x16xf32> to vector<16xf32>
        %add3A_545 = arith.addf %add3A_523, %get3A_544 : vector<16xf32>
        %add3A_546 = arith.constant 8 : i32
        %add3A_547 = arith.addi %mul3A_370, %add3A_546 : i32
        %get3A_548 = arith.index_cast %add3A_547 : i32 to index
        %get3A_549 = arith.constant 0 : index
        %get3A_550 = tpu.vector_load %arg10[%get3A_548, %get3A_549] {strides = array<i32>} : memref<112x64xf32, #tpu.memory_space<vmem>>, vector<1x16xf32>,
        %get3A_551 = vector.shape_cast %get3A_550 : vector<1x16xf32> to vector<16xf32>
        %add3A_552 = arith.addf %add3A_530, %get3A_551 : vector<16xf32>
        %get3A_553 = arith.index_cast %add3A_547 : i32 to index
        %get3A_554 = arith.constant 16 : index
        %get3A_555 = tpu.vector_load %arg10[%get3A_553, %get3A_554] {strides = array<i32>} : memref<112x64xf32, #tpu.memory_space<vmem>>, vector<1x16xf32>,
        %get3A_556 = vector.shape_cast %get3A_555 : vector<1x16xf32> to vector<16xf32>
        %add3A_557 = arith.addf %add3A_535, %get3A_556 : vector<16xf32>
        %get3A_558 = arith.index_cast %add3A_547 : i32 to index
        %get3A_559 = arith.constant 32 : index
        %get3A_560 = tpu.vector_load %arg10[%get3A_558, %get3A_559] {strides = array<i32>} : memref<112x64xf32, #tpu.memory_space<vmem>>, vector<1x16xf32>,
        %get3A_561 = vector.shape_cast %get3A_560 : vector<1x16xf32> to vector<16xf32>
        %add3A_562 = arith.addf %add3A_540, %get3A_561 : vector<16xf32>
        %get3A_563 = arith.index_cast %add3A_547 : i32 to index
        %get3A_564 = arith.constant 48 : index
        %get3A_565 = tpu.vector_load %arg10[%get3A_563, %get3A_564] {strides = array<i32>} : memref<112x64xf32, #tpu.memory_space<vmem>>, vector<1x16xf32>,
        %get3A_566 = vector.shape_cast %get3A_565 : vector<1x16xf32> to vector<16xf32>
        %add3A_567 = arith.addf %add3A_545, %get3A_566 : vector<16xf32>
        %add3A_568 = arith.constant 9 : i32
        %add3A_569 = arith.addi %mul3A_370, %add3A_568 : i32
        %get3A_570 = arith.index_cast %add3A_569 : i32 to index
        %get3A_571 = arith.constant 0 : index
        %get3A_572 = tpu.vector_load %arg10[%get3A_570, %get3A_571] {strides = array<i32>} : memref<112x64xf32, #tpu.memory_space<vmem>>, vector<1x16xf32>,
        %get3A_573 = vector.shape_cast %get3A_572 : vector<1x16xf32> to vector<16xf32>
        %add3A_574 = arith.addf %add3A_552, %get3A_573 : vector<16xf32>
        %get3A_575 = arith.index_cast %add3A_569 : i32 to index
        %get3A_576 = arith.constant 16 : index
        %get3A_577 = tpu.vector_load %arg10[%get3A_575, %get3A_576] {strides = array<i32>} : memref<112x64xf32, #tpu.memory_space<vmem>>, vector<1x16xf32>,
        %get3A_578 = vector.shape_cast %get3A_577 : vector<1x16xf32> to vector<16xf32>
        %add3A_579 = arith.addf %add3A_557, %get3A_578 : vector<16xf32>
        %get3A_580 = arith.index_cast %add3A_569 : i32 to index
        %get3A_581 = arith.constant 32 : index
        %get3A_582 = tpu.vector_load %arg10[%get3A_580, %get3A_581] {strides = array<i32>} : memref<112x64xf32, #tpu.memory_space<vmem>>, vector<1x16xf32>,
        %get3A_583 = vector.shape_cast %get3A_582 : vector<1x16xf32> to vector<16xf32>
        %add3A_584 = arith.addf %add3A_562, %get3A_583 : vector<16xf32>
        %get3A_585 = arith.index_cast %add3A_569 : i32 to index
        %get3A_586 = arith.constant 48 : index
        %get3A_587 = tpu.vector_load %arg10[%get3A_585, %get3A_586] {strides = array<i32>} : memref<112x64xf32, #tpu.memory_space<vmem>>, vector<1x16xf32>,
        %get3A_588 = vector.shape_cast %get3A_587 : vector<1x16xf32> to vector<16xf32>
        %add3A_589 = arith.addf %add3A_567, %get3A_588 : vector<16xf32>
        %add3A_590 = arith.constant 10 : i32
        %add3A_591 = arith.addi %mul3A_370, %add3A_590 : i32
        %get3A_592 = arith.index_cast %add3A_591 : i32 to index
        %get3A_593 = arith.constant 0 : index
        %get3A_594 = tpu.vector_load %arg10[%get3A_592, %get3A_593] {strides = array<i32>} : memref<112x64xf32, #tpu.memory_space<vmem>>, vector<1x16xf32>,
        %get3A_595 = vector.shape_cast %get3A_594 : vector<1x16xf32> to vector<16xf32>
        %add3A_596 = arith.addf %add3A_574, %get3A_595 : vector<16xf32>
        %get3A_597 = arith.index_cast %add3A_591 : i32 to index
        %get3A_598 = arith.constant 16 : index
        %get3A_599 = tpu.vector_load %arg10[%get3A_597, %get3A_598] {strides = array<i32>} : memref<112x64xf32, #tpu.memory_space<vmem>>, vector<1x16xf32>,
        %get3A_600 = vector.shape_cast %get3A_599 : vector<1x16xf32> to vector<16xf32>
        %add3A_601 = arith.addf %add3A_579, %get3A_600 : vector<16xf32>
        %get3A_602 = arith.index_cast %add3A_591 : i32 to index
        %get3A_603 = arith.constant 32 : index
        %get3A_604 = tpu.vector_load %arg10[%get3A_602, %get3A_603] {strides = array<i32>} : memref<112x64xf32, #tpu.memory_space<vmem>>, vector<1x16xf32>,
        %get3A_605 = vector.shape_cast %get3A_604 : vector<1x16xf32> to vector<16xf32>
        %add3A_606 = arith.addf %add3A_584, %get3A_605 : vector<16xf32>
        %get3A_607 = arith.index_cast %add3A_591 : i32 to index
        %get3A_608 = arith.constant 48 : index
        %get3A_609 = tpu.vector_load %arg10[%get3A_607, %get3A_608] {strides = array<i32>} : memref<112x64xf32, #tpu.memory_space<vmem>>, vector<1x16xf32>,
        %get3A_610 = vector.shape_cast %get3A_609 : vector<1x16xf32> to vector<16xf32>
        %add3A_611 = arith.addf %add3A_589, %get3A_610 : vector<16xf32>
        %add3A_612 = arith.constant 11 : i32
        %add3A_613 = arith.addi %mul3A_370, %add3A_612 : i32
        %get3A_614 = arith.index_cast %add3A_613 : i32 to index
        %get3A_615 = arith.constant 0 : index
        %get3A_616 = tpu.vector_load %arg10[%get3A_614, %get3A_615] {strides = array<i32>} : memref<112x64xf32, #tpu.memory_space<vmem>>, vector<1x16xf32>,
        %get3A_617 = vector.shape_cast %get3A_616 : vector<1x16xf32> to vector<16xf32>
        %add3A_618 = arith.addf %add3A_596, %get3A_617 : vector<16xf32>
        %get3A_619 = arith.index_cast %add3A_613 : i32 to index
        %get3A_620 = arith.constant 16 : index
        %get3A_621 = tpu.vector_load %arg10[%get3A_619, %get3A_620] {strides = array<i32>} : memref<112x64xf32, #tpu.memory_space<vmem>>, vector<1x16xf32>,
        %get3A_622 = vector.shape_cast %get3A_621 : vector<1x16xf32> to vector<16xf32>
        %add3A_623 = arith.addf %add3A_601, %get3A_622 : vector<16xf32>
        %get3A_624 = arith.index_cast %add3A_613 : i32 to index
        %get3A_625 = arith.constant 32 : index
        %get3A_626 = tpu.vector_load %arg10[%get3A_624, %get3A_625] {strides = array<i32>} : memref<112x64xf32, #tpu.memory_space<vmem>>, vector<1x16xf32>,
        %get3A_627 = vector.shape_cast %get3A_626 : vector<1x16xf32> to vector<16xf32>
        %add3A_628 = arith.addf %add3A_606, %get3A_627 : vector<16xf32>
        %get3A_629 = arith.index_cast %add3A_613 : i32 to index
        %get3A_630 = arith.constant 48 : index
        %get3A_631 = tpu.vector_load %arg10[%get3A_629, %get3A_630] {strides = array<i32>} : memref<112x64xf32, #tpu.memory_space<vmem>>, vector<1x16xf32>,
        %get3A_632 = vector.shape_cast %get3A_631 : vector<1x16xf32> to vector<16xf32>
        %add3A_633 = arith.addf %add3A_611, %get3A_632 : vector<16xf32>
        %add3A_634 = arith.constant 12 : i32
        %add3A_635 = arith.addi %mul3A_370, %add3A_634 : i32
        %get3A_636 = arith.index_cast %add3A_635 : i32 to index
        %get3A_637 = arith.constant 0 : index
        %get3A_638 = tpu.vector_load %arg10[%get3A_636, %get3A_637] {strides = array<i32>} : memref<112x64xf32, #tpu.memory_space<vmem>>, vector<1x16xf32>,
        %get3A_639 = vector.shape_cast %get3A_638 : vector<1x16xf32> to vector<16xf32>
        %add3A_640 = arith.addf %add3A_618, %get3A_639 : vector<16xf32>
        %get3A_641 = arith.index_cast %add3A_635 : i32 to index
        %get3A_642 = arith.constant 16 : index
        %get3A_643 = tpu.vector_load %arg10[%get3A_641, %get3A_642] {strides = array<i32>} : memref<112x64xf32, #tpu.memory_space<vmem>>, vector<1x16xf32>,
        %get3A_644 = vector.shape_cast %get3A_643 : vector<1x16xf32> to vector<16xf32>
        %add3A_645 = arith.addf %add3A_623, %get3A_644 : vector<16xf32>
        %get3A_646 = arith.index_cast %add3A_635 : i32 to index
        %get3A_647 = arith.constant 32 : index
        %get3A_648 = tpu.vector_load %arg10[%get3A_646, %get3A_647] {strides = array<i32>} : memref<112x64xf32, #tpu.memory_space<vmem>>, vector<1x16xf32>,
        %get3A_649 = vector.shape_cast %get3A_648 : vector<1x16xf32> to vector<16xf32>
        %add3A_650 = arith.addf %add3A_628, %get3A_649 : vector<16xf32>
        %get3A_651 = arith.index_cast %add3A_635 : i32 to index
        %get3A_652 = arith.constant 48 : index
        %get3A_653 = tpu.vector_load %arg10[%get3A_651, %get3A_652] {strides = array<i32>} : memref<112x64xf32, #tpu.memory_space<vmem>>, vector<1x16xf32>,
        %get3A_654 = vector.shape_cast %get3A_653 : vector<1x16xf32> to vector<16xf32>
        %add3A_655 = arith.addf %add3A_633, %get3A_654 : vector<16xf32>
        %add3A_656 = arith.constant 13 : i32
        %add3A_657 = arith.addi %mul3A_370, %add3A_656 : i32
        %get3A_658 = arith.index_cast %add3A_657 : i32 to index
        %get3A_659 = arith.constant 0 : index
        %get3A_660 = tpu.vector_load %arg10[%get3A_658, %get3A_659] {strides = array<i32>} : memref<112x64xf32, #tpu.memory_space<vmem>>, vector<1x16xf32>,
        %get3A_661 = vector.shape_cast %get3A_660 : vector<1x16xf32> to vector<16xf32>
        %add3A_662 = arith.addf %add3A_640, %get3A_661 : vector<16xf32>
        %get3A_663 = arith.index_cast %add3A_657 : i32 to index
        %get3A_664 = arith.constant 16 : index
        %get3A_665 = tpu.vector_load %arg10[%get3A_663, %get3A_664] {strides = array<i32>} : memref<112x64xf32, #tpu.memory_space<vmem>>, vector<1x16xf32>,
        %get3A_666 = vector.shape_cast %get3A_665 : vector<1x16xf32> to vector<16xf32>
        %add3A_667 = arith.addf %add3A_645, %get3A_666 : vector<16xf32>
        %get3A_668 = arith.index_cast %add3A_657 : i32 to index
        %get3A_669 = arith.constant 32 : index
        %get3A_670 = tpu.vector_load %arg10[%get3A_668, %get3A_669] {strides = array<i32>} : memref<112x64xf32, #tpu.memory_space<vmem>>, vector<1x16xf32>,
        %get3A_671 = vector.shape_cast %get3A_670 : vector<1x16xf32> to vector<16xf32>
        %add3A_672 = arith.addf %add3A_650, %get3A_671 : vector<16xf32>
        %get3A_673 = arith.index_cast %add3A_657 : i32 to index
        %get3A_674 = arith.constant 48 : index
        %get3A_675 = tpu.vector_load %arg10[%get3A_673, %get3A_674] {strides = array<i32>} : memref<112x64xf32, #tpu.memory_space<vmem>>, vector<1x16xf32>,
        %get3A_676 = vector.shape_cast %get3A_675 : vector<1x16xf32> to vector<16xf32>
        %add3A_677 = arith.addf %add3A_655, %get3A_676 : vector<16xf32>
        %add3A_678 = arith.constant 14 : i32
        %add3A_679 = arith.addi %mul3A_370, %add3A_678 : i32
        %get3A_680 = arith.index_cast %add3A_679 : i32 to index
        %get3A_681 = arith.constant 0 : index
        %get3A_682 = tpu.vector_load %arg10[%get3A_680, %get3A_681] {strides = array<i32>} : memref<112x64xf32, #tpu.memory_space<vmem>>, vector<1x16xf32>,
        %get3A_683 = vector.shape_cast %get3A_682 : vector<1x16xf32> to vector<16xf32>
        %add3A_684 = arith.addf %add3A_662, %get3A_683 : vector<16xf32>
        %get3A_685 = arith.index_cast %add3A_679 : i32 to index
        %get3A_686 = arith.constant 16 : index
        %get3A_687 = tpu.vector_load %arg10[%get3A_685, %get3A_686] {strides = array<i32>} : memref<112x64xf32, #tpu.memory_space<vmem>>, vector<1x16xf32>,
        %get3A_688 = vector.shape_cast %get3A_687 : vector<1x16xf32> to vector<16xf32>
        %add3A_689 = arith.addf %add3A_667, %get3A_688 : vector<16xf32>
        %get3A_690 = arith.index_cast %add3A_679 : i32 to index
        %get3A_691 = arith.constant 32 : index
        %get3A_692 = tpu.vector_load %arg10[%get3A_690, %get3A_691] {strides = array<i32>} : memref<112x64xf32, #tpu.memory_space<vmem>>, vector<1x16xf32>,
        %get3A_693 = vector.shape_cast %get3A_692 : vector<1x16xf32> to vector<16xf32>
        %add3A_694 = arith.addf %add3A_672, %get3A_693 : vector<16xf32>
        %get3A_695 = arith.index_cast %add3A_679 : i32 to index
        %get3A_696 = arith.constant 48 : index
        %get3A_697 = tpu.vector_load %arg10[%get3A_695, %get3A_696] {strides = array<i32>} : memref<112x64xf32, #tpu.memory_space<vmem>>, vector<1x16xf32>,
        %get3A_698 = vector.shape_cast %get3A_697 : vector<1x16xf32> to vector<16xf32>
        %add3A_699 = arith.addf %add3A_677, %get3A_698 : vector<16xf32>
        %add3A_700 = arith.constant 15 : i32
        %add3A_701 = arith.addi %mul3A_370, %add3A_700 : i32
        %get3A_702 = arith.index_cast %add3A_701 : i32 to index
        %get3A_703 = arith.constant 0 : index
        %get3A_704 = tpu.vector_load %arg10[%get3A_702, %get3A_703] {strides = array<i32>} : memref<112x64xf32, #tpu.memory_space<vmem>>, vector<1x16xf32>,
        %get3A_705 = vector.shape_cast %get3A_704 : vector<1x16xf32> to vector<16xf32>
        %add3A_706 = arith.addf %add3A_684, %get3A_705 : vector<16xf32>
        %get3A_707 = arith.index_cast %add3A_701 : i32 to index
        %get3A_708 = arith.constant 16 : index
        %get3A_709 = tpu.vector_load %arg10[%get3A_707, %get3A_708] {strides = array<i32>} : memref<112x64xf32, #tpu.memory_space<vmem>>, vector<1x16xf32>,
        %get3A_710 = vector.shape_cast %get3A_709 : vector<1x16xf32> to vector<16xf32>
        %add3A_711 = arith.addf %add3A_689, %get3A_710 : vector<16xf32>
        %get3A_712 = arith.index_cast %add3A_701 : i32 to index
        %get3A_713 = arith.constant 32 : index
        %get3A_714 = tpu.vector_load %arg10[%get3A_712, %get3A_713] {strides = array<i32>} : memref<112x64xf32, #tpu.memory_space<vmem>>, vector<1x16xf32>,
        %get3A_715 = vector.shape_cast %get3A_714 : vector<1x16xf32> to vector<16xf32>
        %add3A_716 = arith.addf %add3A_694, %get3A_715 : vector<16xf32>
        %get3A_717 = arith.index_cast %add3A_701 : i32 to index
        %get3A_718 = arith.constant 48 : index
        %get3A_719 = tpu.vector_load %arg10[%get3A_717, %get3A_718] {strides = array<i32>} : memref<112x64xf32, #tpu.memory_space<vmem>>, vector<1x16xf32>,
        %get3A_720 = vector.shape_cast %get3A_719 : vector<1x16xf32> to vector<16xf32>
        %add3A_721 = arith.addf %add3A_699, %get3A_720 : vector<16xf32>
        scf.yield %add3A_706, %add3A_711, %add3A_716, %add3A_721 : vector<16xf32>, vector<16xf32>, vector<16xf32>, vector<16xf32>
      }
      %scan3A_111 = arith.constant 7 : i32
      %add3A_112 = arith.constant 8 : i32
      %add3A_113 = arith.addi %add3A_99, %add3A_112 : i32
      %lt3A_114 = arith.constant 256 : i32
      %lt3A_115 = arith.cmpi slt, %add3A_113, %lt3A_114 : i32
      %convert_element_type3A_116 = arith.extui %lt3A_115 : i1 to i32
      %cond3A_117 = arith.constant 0 : i32
      %cond3A_118 = arith.cmpi ne, %convert_element_type3A_116, %cond3A_117 : i32
      scf.if %cond3A_118 {
        %add3A_364 = arith.constant 8 : i32
        %add3A_365 = arith.addi %add3A_99, %add3A_364 : i32
        %dma_start3A_366 = arith.constant 0 : i32
        %dma_start3A_367 = tpu.memref_slice %arg6[%add3A_365, %dma_start3A_366] : memref<256x112xi32, #tpu.memory_space<vmem>> -> memref<1x112xi32, #tpu.memory_space<vmem>>
        %dma_start3A_368 = tpu.memref_squeeze %dma_start3A_367 : memref<1x112xi32, #tpu.memory_space<vmem>> -> memref<112xi32, #tpu.memory_space<vmem>>
        %dma_start3A_369 = arith.constant 0 : i32
        %dma_start3A_370 = arith.constant 0 : i32
        %dma_start3A_371 = tpu.memref_slice %arg4[%dma_start3A_369, %dma_start3A_370] : memref<1000000x64xf32, #tpu.memory_space<hbm>> -> memref<1000000x64xf32, #tpu.memory_space<hbm>>
        tpu.enqueue_indirect_dma source(%dma_start3A_371 : memref<1000000x64xf32, #tpu.memory_space<hbm>>) target(%arg10 : memref<112x64xf32, #tpu.memory_space<vmem>>) offsets(%dma_start3A_368 : memref<112xi32, #tpu.memory_space<vmem>>) semaphore(%arg18 : memref<!tpu.dma_semaphore, #tpu.memory_space<semaphore_mem>>)
      } else {
      }
      %mul3A_119 = arith.constant 4 : i32
      %mul3A_120 = arith.muli %scan3A_71, %mul3A_119 : i32
      %add3A_121 = arith.constant 0 : i32
      %add3A_122 = arith.addi %mul3A_120, %add3A_121 : i32
      %swap3A = arith.index_cast %add3A_122 : i32 to index
      %swap3A_123 = arith.constant 0 : index
      %swap3A_124 = tpu.vector_load %arg8[%swap3A, %swap3A_123] {strides = array<i32>} : memref<128x64xf32, #tpu.memory_space<vmem>>, vector<1x16xf32>,
      %swap3A_125 = vector.shape_cast %swap3A_124 : vector<1x16xf32> to vector<16xf32>
      %swap3A_126 = vector.shape_cast %scan3A_110#0 : vector<16xf32> to vector<1x16xf32>
      tpu.vector_store %arg8[%swap3A, %swap3A_123], %swap3A_126 {strides = array<i32>} : memref<128x64xf32, #tpu.memory_space<vmem>>, vector<1x16xf32>,
      %swap3A_127 = arith.index_cast %add3A_122 : i32 to index
      %swap3A_128 = arith.constant 16 : index
      %swap3A_129 = tpu.vector_load %arg8[%swap3A_127, %swap3A_128] {strides = array<i32>} : memref<128x64xf32, #tpu.memory_space<vmem>>, vector<1x16xf32>,
      %swap3A_130 = vector.shape_cast %swap3A_129 : vector<1x16xf32> to vector<16xf32>
      %swap3A_131 = vector.shape_cast %scan3A_110#1 : vector<16xf32> to vector<1x16xf32>
      tpu.vector_store %arg8[%swap3A_127, %swap3A_128], %swap3A_131 {strides = array<i32>} : memref<128x64xf32, #tpu.memory_space<vmem>>, vector<1x16xf32>,
      %swap3A_132 = arith.index_cast %add3A_122 : i32 to index
      %swap3A_133 = arith.constant 32 : index
      %swap3A_134 = tpu.vector_load %arg8[%swap3A_132, %swap3A_133] {strides = array<i32>} : memref<128x64xf32, #tpu.memory_space<vmem>>, vector<1x16xf32>,
      %swap3A_135 = vector.shape_cast %swap3A_134 : vector<1x16xf32> to vector<16xf32>
      %swap3A_136 = vector.shape_cast %scan3A_110#2 : vector<16xf32> to vector<1x16xf32>
      tpu.vector_store %arg8[%swap3A_132, %swap3A_133], %swap3A_136 {strides = array<i32>} : memref<128x64xf32, #tpu.memory_space<vmem>>, vector<1x16xf32>,
      %swap3A_137 = arith.index_cast %add3A_122 : i32 to index
      %swap3A_138 = arith.constant 48 : index
      %swap3A_139 = tpu.vector_load %arg8[%swap3A_137, %swap3A_138] {strides = array<i32>} : memref<128x64xf32, #tpu.memory_space<vmem>>, vector<1x16xf32>,
      %swap3A_140 = vector.shape_cast %swap3A_139 : vector<1x16xf32> to vector<16xf32>
      %swap3A_141 = vector.shape_cast %scan3A_110#3 : vector<16xf32> to vector<1x16xf32>
      tpu.vector_store %arg8[%swap3A_137, %swap3A_138], %swap3A_141 {strides = array<i32>} : memref<128x64xf32, #tpu.memory_space<vmem>>, vector<1x16xf32>,
      %broadcast_in_dim3A_142 = arith.constant 0.000000e+00 : f32
      %broadcast_in_dim3A_143 = vector.broadcast %broadcast_in_dim3A_142 : f32 to vector<16xf32>
      %broadcast_in_dim3A_144 = arith.constant 0.000000e+00 : f32
      %broadcast_in_dim3A_145 = vector.broadcast %broadcast_in_dim3A_144 : f32 to vector<16xf32>
      %broadcast_in_dim3A_146 = arith.constant 0.000000e+00 : f32
      %broadcast_in_dim3A_147 = vector.broadcast %broadcast_in_dim3A_146 : f32 to vector<16xf32>
      %broadcast_in_dim3A_148 = arith.constant 0.000000e+00 : f32
      %broadcast_in_dim3A_149 = vector.broadcast %broadcast_in_dim3A_148 : f32 to vector<16xf32>
      %add3A_150 = arith.constant 2 : i32
      %add3A_151 = arith.addi %mul3A_73, %add3A_150 : i32
      %dma_wait3A_152 = arith.constant 0 : i32
      %dma_wait3A_153 = tpu.memref_slice %arg6[%add3A_151, %dma_wait3A_152] : memref<256x112xi32, #tpu.memory_space<vmem>> -> memref<1x112xi32, #tpu.memory_space<vmem>>
      %dma_wait3A_154 = tpu.memref_squeeze %dma_wait3A_153 : memref<1x112xi32, #tpu.memory_space<vmem>> -> memref<112xi32, #tpu.memory_space<vmem>>
      %dma_wait3A_155 = arith.constant 0 : i32
      %dma_wait3A_156 = arith.constant 0 : i32
      %dma_wait3A_157 = tpu.memref_slice %arg4[%dma_wait3A_155, %dma_wait3A_156] : memref<1000000x64xf32, #tpu.memory_space<hbm>> -> memref<1000000x64xf32, #tpu.memory_space<hbm>>
      tpu.wait_indirect_dma semaphore(%arg19 : memref<!tpu.dma_semaphore, #tpu.memory_space<semaphore_mem>>) src(%dma_wait3A_157 : memref<1000000x64xf32, #tpu.memory_space<hbm>>) dst(%arg11 : memref<112x64xf32, #tpu.memory_space<vmem>>)
      %scan3A_158 = arith.constant 0 : i32
      %scan3A_159 = arith.constant 7 : i32
      %scan3A_160 = arith.addi %scan3A_158, %scan3A_159 : i32
      %scan3A_161 = arith.constant 1 : i32
      %scan3A_162:4 = scf.for %scan3A_364 = %scan3A_158 to %scan3A_160 step %scan3A_161 iter_args(%scan3A_365 = %broadcast_in_dim3A_143, %scan3A_366 = %broadcast_in_dim3A_145, %scan3A_367 = %broadcast_in_dim3A_147, %scan3A_368 = %broadcast_in_dim3A_149) -> (vector<16xf32>, vector<16xf32>, vector<16xf32>, vector<16xf32>)  : i32 {
        %mul3A_369 = arith.constant 16 : i32
        %mul3A_370 = arith.muli %scan3A_364, %mul3A_369 : i32
        %add3A_371 = arith.constant 0 : i32
        %add3A_372 = arith.addi %mul3A_370, %add3A_371 : i32
        %get3A = arith.index_cast %add3A_372 : i32 to index
        %get3A_373 = arith.constant 0 : index
        %get3A_374 = tpu.vector_load %arg11[%get3A, %get3A_373] {strides = array<i32>} : memref<112x64xf32, #tpu.memory_space<vmem>>, vector<1x16xf32>,
        %get3A_375 = vector.shape_cast %get3A_374 : vector<1x16xf32> to vector<16xf32>
        %add3A_376 = arith.addf %scan3A_365, %get3A_375 : vector<16xf32>
        %get3A_377 = arith.index_cast %add3A_372 : i32 to index
        %get3A_378 = arith.constant 16 : index
        %get3A_379 = tpu.vector_load %arg11[%get3A_377, %get3A_378] {strides = array<i32>} : memref<112x64xf32, #tpu.memory_space<vmem>>, vector<1x16xf32>,
        %get3A_380 = vector.shape_cast %get3A_379 : vector<1x16xf32> to vector<16xf32>
        %add3A_381 = arith.addf %scan3A_366, %get3A_380 : vector<16xf32>
        %get3A_382 = arith.index_cast %add3A_372 : i32 to index
        %get3A_383 = arith.constant 32 : index
        %get3A_384 = tpu.vector_load %arg11[%get3A_382, %get3A_383] {strides = array<i32>} : memref<112x64xf32, #tpu.memory_space<vmem>>, vector<1x16xf32>,
        %get3A_385 = vector.shape_cast %get3A_384 : vector<1x16xf32> to vector<16xf32>
        %add3A_386 = arith.addf %scan3A_367, %get3A_385 : vector<16xf32>
        %get3A_387 = arith.index_cast %add3A_372 : i32 to index
        %get3A_388 = arith.constant 48 : index
        %get3A_389 = tpu.vector_load %arg11[%get3A_387, %get3A_388] {strides = array<i32>} : memref<112x64xf32, #tpu.memory_space<vmem>>, vector<1x16xf32>,
        %get3A_390 = vector.shape_cast %get3A_389 : vector<1x16xf32> to vector<16xf32>
        %add3A_391 = arith.addf %scan3A_368, %get3A_390 : vector<16xf32>
        %add3A_392 = arith.constant 1 : i32
        %add3A_393 = arith.addi %mul3A_370, %add3A_392 : i32
        %get3A_394 = arith.index_cast %add3A_393 : i32 to index
        %get3A_395 = arith.constant 0 : index
        %get3A_396 = tpu.vector_load %arg11[%get3A_394, %get3A_395] {strides = array<i32>} : memref<112x64xf32, #tpu.memory_space<vmem>>, vector<1x16xf32>,
        %get3A_397 = vector.shape_cast %get3A_396 : vector<1x16xf32> to vector<16xf32>
        %add3A_398 = arith.addf %add3A_376, %get3A_397 : vector<16xf32>
        %get3A_399 = arith.index_cast %add3A_393 : i32 to index
        %get3A_400 = arith.constant 16 : index
        %get3A_401 = tpu.vector_load %arg11[%get3A_399, %get3A_400] {strides = array<i32>} : memref<112x64xf32, #tpu.memory_space<vmem>>, vector<1x16xf32>,
        %get3A_402 = vector.shape_cast %get3A_401 : vector<1x16xf32> to vector<16xf32>
        %add3A_403 = arith.addf %add3A_381, %get3A_402 : vector<16xf32>
        %get3A_404 = arith.index_cast %add3A_393 : i32 to index
        %get3A_405 = arith.constant 32 : index
        %get3A_406 = tpu.vector_load %arg11[%get3A_404, %get3A_405] {strides = array<i32>} : memref<112x64xf32, #tpu.memory_space<vmem>>, vector<1x16xf32>,
        %get3A_407 = vector.shape_cast %get3A_406 : vector<1x16xf32> to vector<16xf32>
        %add3A_408 = arith.addf %add3A_386, %get3A_407 : vector<16xf32>
        %get3A_409 = arith.index_cast %add3A_393 : i32 to index
        %get3A_410 = arith.constant 48 : index
        %get3A_411 = tpu.vector_load %arg11[%get3A_409, %get3A_410] {strides = array<i32>} : memref<112x64xf32, #tpu.memory_space<vmem>>, vector<1x16xf32>,
        %get3A_412 = vector.shape_cast %get3A_411 : vector<1x16xf32> to vector<16xf32>
        %add3A_413 = arith.addf %add3A_391, %get3A_412 : vector<16xf32>
        %add3A_414 = arith.constant 2 : i32
        %add3A_415 = arith.addi %mul3A_370, %add3A_414 : i32
        %get3A_416 = arith.index_cast %add3A_415 : i32 to index
        %get3A_417 = arith.constant 0 : index
        %get3A_418 = tpu.vector_load %arg11[%get3A_416, %get3A_417] {strides = array<i32>} : memref<112x64xf32, #tpu.memory_space<vmem>>, vector<1x16xf32>,
        %get3A_419 = vector.shape_cast %get3A_418 : vector<1x16xf32> to vector<16xf32>
        %add3A_420 = arith.addf %add3A_398, %get3A_419 : vector<16xf32>
        %get3A_421 = arith.index_cast %add3A_415 : i32 to index
        %get3A_422 = arith.constant 16 : index
        %get3A_423 = tpu.vector_load %arg11[%get3A_421, %get3A_422] {strides = array<i32>} : memref<112x64xf32, #tpu.memory_space<vmem>>, vector<1x16xf32>,
        %get3A_424 = vector.shape_cast %get3A_423 : vector<1x16xf32> to vector<16xf32>
        %add3A_425 = arith.addf %add3A_403, %get3A_424 : vector<16xf32>
        %get3A_426 = arith.index_cast %add3A_415 : i32 to index
        %get3A_427 = arith.constant 32 : index
        %get3A_428 = tpu.vector_load %arg11[%get3A_426, %get3A_427] {strides = array<i32>} : memref<112x64xf32, #tpu.memory_space<vmem>>, vector<1x16xf32>,
        %get3A_429 = vector.shape_cast %get3A_428 : vector<1x16xf32> to vector<16xf32>
        %add3A_430 = arith.addf %add3A_408, %get3A_429 : vector<16xf32>
        %get3A_431 = arith.index_cast %add3A_415 : i32 to index
        %get3A_432 = arith.constant 48 : index
        %get3A_433 = tpu.vector_load %arg11[%get3A_431, %get3A_432] {strides = array<i32>} : memref<112x64xf32, #tpu.memory_space<vmem>>, vector<1x16xf32>,
        %get3A_434 = vector.shape_cast %get3A_433 : vector<1x16xf32> to vector<16xf32>
        %add3A_435 = arith.addf %add3A_413, %get3A_434 : vector<16xf32>
        %add3A_436 = arith.constant 3 : i32
        %add3A_437 = arith.addi %mul3A_370, %add3A_436 : i32
        %get3A_438 = arith.index_cast %add3A_437 : i32 to index
        %get3A_439 = arith.constant 0 : index
        %get3A_440 = tpu.vector_load %arg11[%get3A_438, %get3A_439] {strides = array<i32>} : memref<112x64xf32, #tpu.memory_space<vmem>>, vector<1x16xf32>,
        %get3A_441 = vector.shape_cast %get3A_440 : vector<1x16xf32> to vector<16xf32>
        %add3A_442 = arith.addf %add3A_420, %get3A_441 : vector<16xf32>
        %get3A_443 = arith.index_cast %add3A_437 : i32 to index
        %get3A_444 = arith.constant 16 : index
        %get3A_445 = tpu.vector_load %arg11[%get3A_443, %get3A_444] {strides = array<i32>} : memref<112x64xf32, #tpu.memory_space<vmem>>, vector<1x16xf32>,
        %get3A_446 = vector.shape_cast %get3A_445 : vector<1x16xf32> to vector<16xf32>
        %add3A_447 = arith.addf %add3A_425, %get3A_446 : vector<16xf32>
        %get3A_448 = arith.index_cast %add3A_437 : i32 to index
        %get3A_449 = arith.constant 32 : index
        %get3A_450 = tpu.vector_load %arg11[%get3A_448, %get3A_449] {strides = array<i32>} : memref<112x64xf32, #tpu.memory_space<vmem>>, vector<1x16xf32>,
        %get3A_451 = vector.shape_cast %get3A_450 : vector<1x16xf32> to vector<16xf32>
        %add3A_452 = arith.addf %add3A_430, %get3A_451 : vector<16xf32>
        %get3A_453 = arith.index_cast %add3A_437 : i32 to index
        %get3A_454 = arith.constant 48 : index
        %get3A_455 = tpu.vector_load %arg11[%get3A_453, %get3A_454] {strides = array<i32>} : memref<112x64xf32, #tpu.memory_space<vmem>>, vector<1x16xf32>,
        %get3A_456 = vector.shape_cast %get3A_455 : vector<1x16xf32> to vector<16xf32>
        %add3A_457 = arith.addf %add3A_435, %get3A_456 : vector<16xf32>
        %add3A_458 = arith.constant 4 : i32
        %add3A_459 = arith.addi %mul3A_370, %add3A_458 : i32
        %get3A_460 = arith.index_cast %add3A_459 : i32 to index
        %get3A_461 = arith.constant 0 : index
        %get3A_462 = tpu.vector_load %arg11[%get3A_460, %get3A_461] {strides = array<i32>} : memref<112x64xf32, #tpu.memory_space<vmem>>, vector<1x16xf32>,
        %get3A_463 = vector.shape_cast %get3A_462 : vector<1x16xf32> to vector<16xf32>
        %add3A_464 = arith.addf %add3A_442, %get3A_463 : vector<16xf32>
        %get3A_465 = arith.index_cast %add3A_459 : i32 to index
        %get3A_466 = arith.constant 16 : index
        %get3A_467 = tpu.vector_load %arg11[%get3A_465, %get3A_466] {strides = array<i32>} : memref<112x64xf32, #tpu.memory_space<vmem>>, vector<1x16xf32>,
        %get3A_468 = vector.shape_cast %get3A_467 : vector<1x16xf32> to vector<16xf32>
        %add3A_469 = arith.addf %add3A_447, %get3A_468 : vector<16xf32>
        %get3A_470 = arith.index_cast %add3A_459 : i32 to index
        %get3A_471 = arith.constant 32 : index
        %get3A_472 = tpu.vector_load %arg11[%get3A_470, %get3A_471] {strides = array<i32>} : memref<112x64xf32, #tpu.memory_space<vmem>>, vector<1x16xf32>,
        %get3A_473 = vector.shape_cast %get3A_472 : vector<1x16xf32> to vector<16xf32>
        %add3A_474 = arith.addf %add3A_452, %get3A_473 : vector<16xf32>
        %get3A_475 = arith.index_cast %add3A_459 : i32 to index
        %get3A_476 = arith.constant 48 : index
        %get3A_477 = tpu.vector_load %arg11[%get3A_475, %get3A_476] {strides = array<i32>} : memref<112x64xf32, #tpu.memory_space<vmem>>, vector<1x16xf32>,
        %get3A_478 = vector.shape_cast %get3A_477 : vector<1x16xf32> to vector<16xf32>
        %add3A_479 = arith.addf %add3A_457, %get3A_478 : vector<16xf32>
        %add3A_480 = arith.constant 5 : i32
        %add3A_481 = arith.addi %mul3A_370, %add3A_480 : i32
        %get3A_482 = arith.index_cast %add3A_481 : i32 to index
        %get3A_483 = arith.constant 0 : index
        %get3A_484 = tpu.vector_load %arg11[%get3A_482, %get3A_483] {strides = array<i32>} : memref<112x64xf32, #tpu.memory_space<vmem>>, vector<1x16xf32>,
        %get3A_485 = vector.shape_cast %get3A_484 : vector<1x16xf32> to vector<16xf32>
        %add3A_486 = arith.addf %add3A_464, %get3A_485 : vector<16xf32>
        %get3A_487 = arith.index_cast %add3A_481 : i32 to index
        %get3A_488 = arith.constant 16 : index
        %get3A_489 = tpu.vector_load %arg11[%get3A_487, %get3A_488] {strides = array<i32>} : memref<112x64xf32, #tpu.memory_space<vmem>>, vector<1x16xf32>,
        %get3A_490 = vector.shape_cast %get3A_489 : vector<1x16xf32> to vector<16xf32>
        %add3A_491 = arith.addf %add3A_469, %get3A_490 : vector<16xf32>
        %get3A_492 = arith.index_cast %add3A_481 : i32 to index
        %get3A_493 = arith.constant 32 : index
        %get3A_494 = tpu.vector_load %arg11[%get3A_492, %get3A_493] {strides = array<i32>} : memref<112x64xf32, #tpu.memory_space<vmem>>, vector<1x16xf32>,
        %get3A_495 = vector.shape_cast %get3A_494 : vector<1x16xf32> to vector<16xf32>
        %add3A_496 = arith.addf %add3A_474, %get3A_495 : vector<16xf32>
        %get3A_497 = arith.index_cast %add3A_481 : i32 to index
        %get3A_498 = arith.constant 48 : index
        %get3A_499 = tpu.vector_load %arg11[%get3A_497, %get3A_498] {strides = array<i32>} : memref<112x64xf32, #tpu.memory_space<vmem>>, vector<1x16xf32>,
        %get3A_500 = vector.shape_cast %get3A_499 : vector<1x16xf32> to vector<16xf32>
        %add3A_501 = arith.addf %add3A_479, %get3A_500 : vector<16xf32>
        %add3A_502 = arith.constant 6 : i32
        %add3A_503 = arith.addi %mul3A_370, %add3A_502 : i32
        %get3A_504 = arith.index_cast %add3A_503 : i32 to index
        %get3A_505 = arith.constant 0 : index
        %get3A_506 = tpu.vector_load %arg11[%get3A_504, %get3A_505] {strides = array<i32>} : memref<112x64xf32, #tpu.memory_space<vmem>>, vector<1x16xf32>,
        %get3A_507 = vector.shape_cast %get3A_506 : vector<1x16xf32> to vector<16xf32>
        %add3A_508 = arith.addf %add3A_486, %get3A_507 : vector<16xf32>
        %get3A_509 = arith.index_cast %add3A_503 : i32 to index
        %get3A_510 = arith.constant 16 : index
        %get3A_511 = tpu.vector_load %arg11[%get3A_509, %get3A_510] {strides = array<i32>} : memref<112x64xf32, #tpu.memory_space<vmem>>, vector<1x16xf32>,
        %get3A_512 = vector.shape_cast %get3A_511 : vector<1x16xf32> to vector<16xf32>
        %add3A_513 = arith.addf %add3A_491, %get3A_512 : vector<16xf32>
        %get3A_514 = arith.index_cast %add3A_503 : i32 to index
        %get3A_515 = arith.constant 32 : index
        %get3A_516 = tpu.vector_load %arg11[%get3A_514, %get3A_515] {strides = array<i32>} : memref<112x64xf32, #tpu.memory_space<vmem>>, vector<1x16xf32>,
        %get3A_517 = vector.shape_cast %get3A_516 : vector<1x16xf32> to vector<16xf32>
        %add3A_518 = arith.addf %add3A_496, %get3A_517 : vector<16xf32>
        %get3A_519 = arith.index_cast %add3A_503 : i32 to index
        %get3A_520 = arith.constant 48 : index
        %get3A_521 = tpu.vector_load %arg11[%get3A_519, %get3A_520] {strides = array<i32>} : memref<112x64xf32, #tpu.memory_space<vmem>>, vector<1x16xf32>,
        %get3A_522 = vector.shape_cast %get3A_521 : vector<1x16xf32> to vector<16xf32>
        %add3A_523 = arith.addf %add3A_501, %get3A_522 : vector<16xf32>
        %add3A_524 = arith.constant 7 : i32
        %add3A_525 = arith.addi %mul3A_370, %add3A_524 : i32
        %get3A_526 = arith.index_cast %add3A_525 : i32 to index
        %get3A_527 = arith.constant 0 : index
        %get3A_528 = tpu.vector_load %arg11[%get3A_526, %get3A_527] {strides = array<i32>} : memref<112x64xf32, #tpu.memory_space<vmem>>, vector<1x16xf32>,
        %get3A_529 = vector.shape_cast %get3A_528 : vector<1x16xf32> to vector<16xf32>
        %add3A_530 = arith.addf %add3A_508, %get3A_529 : vector<16xf32>
        %get3A_531 = arith.index_cast %add3A_525 : i32 to index
        %get3A_532 = arith.constant 16 : index
        %get3A_533 = tpu.vector_load %arg11[%get3A_531, %get3A_532] {strides = array<i32>} : memref<112x64xf32, #tpu.memory_space<vmem>>, vector<1x16xf32>,
        %get3A_534 = vector.shape_cast %get3A_533 : vector<1x16xf32> to vector<16xf32>
        %add3A_535 = arith.addf %add3A_513, %get3A_534 : vector<16xf32>
        %get3A_536 = arith.index_cast %add3A_525 : i32 to index
        %get3A_537 = arith.constant 32 : index
        %get3A_538 = tpu.vector_load %arg11[%get3A_536, %get3A_537] {strides = array<i32>} : memref<112x64xf32, #tpu.memory_space<vmem>>, vector<1x16xf32>,
        %get3A_539 = vector.shape_cast %get3A_538 : vector<1x16xf32> to vector<16xf32>
        %add3A_540 = arith.addf %add3A_518, %get3A_539 : vector<16xf32>
        %get3A_541 = arith.index_cast %add3A_525 : i32 to index
        %get3A_542 = arith.constant 48 : index
        %get3A_543 = tpu.vector_load %arg11[%get3A_541, %get3A_542] {strides = array<i32>} : memref<112x64xf32, #tpu.memory_space<vmem>>, vector<1x16xf32>,
        %get3A_544 = vector.shape_cast %get3A_543 : vector<1x16xf32> to vector<16xf32>
        %add3A_545 = arith.addf %add3A_523, %get3A_544 : vector<16xf32>
        %add3A_546 = arith.constant 8 : i32
        %add3A_547 = arith.addi %mul3A_370, %add3A_546 : i32
        %get3A_548 = arith.index_cast %add3A_547 : i32 to index
        %get3A_549 = arith.constant 0 : index
        %get3A_550 = tpu.vector_load %arg11[%get3A_548, %get3A_549] {strides = array<i32>} : memref<112x64xf32, #tpu.memory_space<vmem>>, vector<1x16xf32>,
        %get3A_551 = vector.shape_cast %get3A_550 : vector<1x16xf32> to vector<16xf32>
        %add3A_552 = arith.addf %add3A_530, %get3A_551 : vector<16xf32>
        %get3A_553 = arith.index_cast %add3A_547 : i32 to index
        %get3A_554 = arith.constant 16 : index
        %get3A_555 = tpu.vector_load %arg11[%get3A_553, %get3A_554] {strides = array<i32>} : memref<112x64xf32, #tpu.memory_space<vmem>>, vector<1x16xf32>,
        %get3A_556 = vector.shape_cast %get3A_555 : vector<1x16xf32> to vector<16xf32>
        %add3A_557 = arith.addf %add3A_535, %get3A_556 : vector<16xf32>
        %get3A_558 = arith.index_cast %add3A_547 : i32 to index
        %get3A_559 = arith.constant 32 : index
        %get3A_560 = tpu.vector_load %arg11[%get3A_558, %get3A_559] {strides = array<i32>} : memref<112x64xf32, #tpu.memory_space<vmem>>, vector<1x16xf32>,
        %get3A_561 = vector.shape_cast %get3A_560 : vector<1x16xf32> to vector<16xf32>
        %add3A_562 = arith.addf %add3A_540, %get3A_561 : vector<16xf32>
        %get3A_563 = arith.index_cast %add3A_547 : i32 to index
        %get3A_564 = arith.constant 48 : index
        %get3A_565 = tpu.vector_load %arg11[%get3A_563, %get3A_564] {strides = array<i32>} : memref<112x64xf32, #tpu.memory_space<vmem>>, vector<1x16xf32>,
        %get3A_566 = vector.shape_cast %get3A_565 : vector<1x16xf32> to vector<16xf32>
        %add3A_567 = arith.addf %add3A_545, %get3A_566 : vector<16xf32>
        %add3A_568 = arith.constant 9 : i32
        %add3A_569 = arith.addi %mul3A_370, %add3A_568 : i32
        %get3A_570 = arith.index_cast %add3A_569 : i32 to index
        %get3A_571 = arith.constant 0 : index
        %get3A_572 = tpu.vector_load %arg11[%get3A_570, %get3A_571] {strides = array<i32>} : memref<112x64xf32, #tpu.memory_space<vmem>>, vector<1x16xf32>,
        %get3A_573 = vector.shape_cast %get3A_572 : vector<1x16xf32> to vector<16xf32>
        %add3A_574 = arith.addf %add3A_552, %get3A_573 : vector<16xf32>
        %get3A_575 = arith.index_cast %add3A_569 : i32 to index
        %get3A_576 = arith.constant 16 : index
        %get3A_577 = tpu.vector_load %arg11[%get3A_575, %get3A_576] {strides = array<i32>} : memref<112x64xf32, #tpu.memory_space<vmem>>, vector<1x16xf32>,
        %get3A_578 = vector.shape_cast %get3A_577 : vector<1x16xf32> to vector<16xf32>
        %add3A_579 = arith.addf %add3A_557, %get3A_578 : vector<16xf32>
        %get3A_580 = arith.index_cast %add3A_569 : i32 to index
        %get3A_581 = arith.constant 32 : index
        %get3A_582 = tpu.vector_load %arg11[%get3A_580, %get3A_581] {strides = array<i32>} : memref<112x64xf32, #tpu.memory_space<vmem>>, vector<1x16xf32>,
        %get3A_583 = vector.shape_cast %get3A_582 : vector<1x16xf32> to vector<16xf32>
        %add3A_584 = arith.addf %add3A_562, %get3A_583 : vector<16xf32>
        %get3A_585 = arith.index_cast %add3A_569 : i32 to index
        %get3A_586 = arith.constant 48 : index
        %get3A_587 = tpu.vector_load %arg11[%get3A_585, %get3A_586] {strides = array<i32>} : memref<112x64xf32, #tpu.memory_space<vmem>>, vector<1x16xf32>,
        %get3A_588 = vector.shape_cast %get3A_587 : vector<1x16xf32> to vector<16xf32>
        %add3A_589 = arith.addf %add3A_567, %get3A_588 : vector<16xf32>
        %add3A_590 = arith.constant 10 : i32
        %add3A_591 = arith.addi %mul3A_370, %add3A_590 : i32
        %get3A_592 = arith.index_cast %add3A_591 : i32 to index
        %get3A_593 = arith.constant 0 : index
        %get3A_594 = tpu.vector_load %arg11[%get3A_592, %get3A_593] {strides = array<i32>} : memref<112x64xf32, #tpu.memory_space<vmem>>, vector<1x16xf32>,
        %get3A_595 = vector.shape_cast %get3A_594 : vector<1x16xf32> to vector<16xf32>
        %add3A_596 = arith.addf %add3A_574, %get3A_595 : vector<16xf32>
        %get3A_597 = arith.index_cast %add3A_591 : i32 to index
        %get3A_598 = arith.constant 16 : index
        %get3A_599 = tpu.vector_load %arg11[%get3A_597, %get3A_598] {strides = array<i32>} : memref<112x64xf32, #tpu.memory_space<vmem>>, vector<1x16xf32>,
        %get3A_600 = vector.shape_cast %get3A_599 : vector<1x16xf32> to vector<16xf32>
        %add3A_601 = arith.addf %add3A_579, %get3A_600 : vector<16xf32>
        %get3A_602 = arith.index_cast %add3A_591 : i32 to index
        %get3A_603 = arith.constant 32 : index
        %get3A_604 = tpu.vector_load %arg11[%get3A_602, %get3A_603] {strides = array<i32>} : memref<112x64xf32, #tpu.memory_space<vmem>>, vector<1x16xf32>,
        %get3A_605 = vector.shape_cast %get3A_604 : vector<1x16xf32> to vector<16xf32>
        %add3A_606 = arith.addf %add3A_584, %get3A_605 : vector<16xf32>
        %get3A_607 = arith.index_cast %add3A_591 : i32 to index
        %get3A_608 = arith.constant 48 : index
        %get3A_609 = tpu.vector_load %arg11[%get3A_607, %get3A_608] {strides = array<i32>} : memref<112x64xf32, #tpu.memory_space<vmem>>, vector<1x16xf32>,
        %get3A_610 = vector.shape_cast %get3A_609 : vector<1x16xf32> to vector<16xf32>
        %add3A_611 = arith.addf %add3A_589, %get3A_610 : vector<16xf32>
        %add3A_612 = arith.constant 11 : i32
        %add3A_613 = arith.addi %mul3A_370, %add3A_612 : i32
        %get3A_614 = arith.index_cast %add3A_613 : i32 to index
        %get3A_615 = arith.constant 0 : index
        %get3A_616 = tpu.vector_load %arg11[%get3A_614, %get3A_615] {strides = array<i32>} : memref<112x64xf32, #tpu.memory_space<vmem>>, vector<1x16xf32>,
        %get3A_617 = vector.shape_cast %get3A_616 : vector<1x16xf32> to vector<16xf32>
        %add3A_618 = arith.addf %add3A_596, %get3A_617 : vector<16xf32>
        %get3A_619 = arith.index_cast %add3A_613 : i32 to index
        %get3A_620 = arith.constant 16 : index
        %get3A_621 = tpu.vector_load %arg11[%get3A_619, %get3A_620] {strides = array<i32>} : memref<112x64xf32, #tpu.memory_space<vmem>>, vector<1x16xf32>,
        %get3A_622 = vector.shape_cast %get3A_621 : vector<1x16xf32> to vector<16xf32>
        %add3A_623 = arith.addf %add3A_601, %get3A_622 : vector<16xf32>
        %get3A_624 = arith.index_cast %add3A_613 : i32 to index
        %get3A_625 = arith.constant 32 : index
        %get3A_626 = tpu.vector_load %arg11[%get3A_624, %get3A_625] {strides = array<i32>} : memref<112x64xf32, #tpu.memory_space<vmem>>, vector<1x16xf32>,
        %get3A_627 = vector.shape_cast %get3A_626 : vector<1x16xf32> to vector<16xf32>
        %add3A_628 = arith.addf %add3A_606, %get3A_627 : vector<16xf32>
        %get3A_629 = arith.index_cast %add3A_613 : i32 to index
        %get3A_630 = arith.constant 48 : index
        %get3A_631 = tpu.vector_load %arg11[%get3A_629, %get3A_630] {strides = array<i32>} : memref<112x64xf32, #tpu.memory_space<vmem>>, vector<1x16xf32>,
        %get3A_632 = vector.shape_cast %get3A_631 : vector<1x16xf32> to vector<16xf32>
        %add3A_633 = arith.addf %add3A_611, %get3A_632 : vector<16xf32>
        %add3A_634 = arith.constant 12 : i32
        %add3A_635 = arith.addi %mul3A_370, %add3A_634 : i32
        %get3A_636 = arith.index_cast %add3A_635 : i32 to index
        %get3A_637 = arith.constant 0 : index
        %get3A_638 = tpu.vector_load %arg11[%get3A_636, %get3A_637] {strides = array<i32>} : memref<112x64xf32, #tpu.memory_space<vmem>>, vector<1x16xf32>,
        %get3A_639 = vector.shape_cast %get3A_638 : vector<1x16xf32> to vector<16xf32>
        %add3A_640 = arith.addf %add3A_618, %get3A_639 : vector<16xf32>
        %get3A_641 = arith.index_cast %add3A_635 : i32 to index
        %get3A_642 = arith.constant 16 : index
        %get3A_643 = tpu.vector_load %arg11[%get3A_641, %get3A_642] {strides = array<i32>} : memref<112x64xf32, #tpu.memory_space<vmem>>, vector<1x16xf32>,
        %get3A_644 = vector.shape_cast %get3A_643 : vector<1x16xf32> to vector<16xf32>
        %add3A_645 = arith.addf %add3A_623, %get3A_644 : vector<16xf32>
        %get3A_646 = arith.index_cast %add3A_635 : i32 to index
        %get3A_647 = arith.constant 32 : index
        %get3A_648 = tpu.vector_load %arg11[%get3A_646, %get3A_647] {strides = array<i32>} : memref<112x64xf32, #tpu.memory_space<vmem>>, vector<1x16xf32>,
        %get3A_649 = vector.shape_cast %get3A_648 : vector<1x16xf32> to vector<16xf32>
        %add3A_650 = arith.addf %add3A_628, %get3A_649 : vector<16xf32>
        %get3A_651 = arith.index_cast %add3A_635 : i32 to index
        %get3A_652 = arith.constant 48 : index
        %get3A_653 = tpu.vector_load %arg11[%get3A_651, %get3A_652] {strides = array<i32>} : memref<112x64xf32, #tpu.memory_space<vmem>>, vector<1x16xf32>,
        %get3A_654 = vector.shape_cast %get3A_653 : vector<1x16xf32> to vector<16xf32>
        %add3A_655 = arith.addf %add3A_633, %get3A_654 : vector<16xf32>
        %add3A_656 = arith.constant 13 : i32
        %add3A_657 = arith.addi %mul3A_370, %add3A_656 : i32
        %get3A_658 = arith.index_cast %add3A_657 : i32 to index
        %get3A_659 = arith.constant 0 : index
        %get3A_660 = tpu.vector_load %arg11[%get3A_658, %get3A_659] {strides = array<i32>} : memref<112x64xf32, #tpu.memory_space<vmem>>, vector<1x16xf32>,
        %get3A_661 = vector.shape_cast %get3A_660 : vector<1x16xf32> to vector<16xf32>
        %add3A_662 = arith.addf %add3A_640, %get3A_661 : vector<16xf32>
        %get3A_663 = arith.index_cast %add3A_657 : i32 to index
        %get3A_664 = arith.constant 16 : index
        %get3A_665 = tpu.vector_load %arg11[%get3A_663, %get3A_664] {strides = array<i32>} : memref<112x64xf32, #tpu.memory_space<vmem>>, vector<1x16xf32>,
        %get3A_666 = vector.shape_cast %get3A_665 : vector<1x16xf32> to vector<16xf32>
        %add3A_667 = arith.addf %add3A_645, %get3A_666 : vector<16xf32>
        %get3A_668 = arith.index_cast %add3A_657 : i32 to index
        %get3A_669 = arith.constant 32 : index
        %get3A_670 = tpu.vector_load %arg11[%get3A_668, %get3A_669] {strides = array<i32>} : memref<112x64xf32, #tpu.memory_space<vmem>>, vector<1x16xf32>,
        %get3A_671 = vector.shape_cast %get3A_670 : vector<1x16xf32> to vector<16xf32>
        %add3A_672 = arith.addf %add3A_650, %get3A_671 : vector<16xf32>
        %get3A_673 = arith.index_cast %add3A_657 : i32 to index
        %get3A_674 = arith.constant 48 : index
        %get3A_675 = tpu.vector_load %arg11[%get3A_673, %get3A_674] {strides = array<i32>} : memref<112x64xf32, #tpu.memory_space<vmem>>, vector<1x16xf32>,
        %get3A_676 = vector.shape_cast %get3A_675 : vector<1x16xf32> to vector<16xf32>
        %add3A_677 = arith.addf %add3A_655, %get3A_676 : vector<16xf32>
        %add3A_678 = arith.constant 14 : i32
        %add3A_679 = arith.addi %mul3A_370, %add3A_678 : i32
        %get3A_680 = arith.index_cast %add3A_679 : i32 to index
        %get3A_681 = arith.constant 0 : index
        %get3A_682 = tpu.vector_load %arg11[%get3A_680, %get3A_681] {strides = array<i32>} : memref<112x64xf32, #tpu.memory_space<vmem>>, vector<1x16xf32>,
        %get3A_683 = vector.shape_cast %get3A_682 : vector<1x16xf32> to vector<16xf32>
        %add3A_684 = arith.addf %add3A_662, %get3A_683 : vector<16xf32>
        %get3A_685 = arith.index_cast %add3A_679 : i32 to index
        %get3A_686 = arith.constant 16 : index
        %get3A_687 = tpu.vector_load %arg11[%get3A_685, %get3A_686] {strides = array<i32>} : memref<112x64xf32, #tpu.memory_space<vmem>>, vector<1x16xf32>,
        %get3A_688 = vector.shape_cast %get3A_687 : vector<1x16xf32> to vector<16xf32>
        %add3A_689 = arith.addf %add3A_667, %get3A_688 : vector<16xf32>
        %get3A_690 = arith.index_cast %add3A_679 : i32 to index
        %get3A_691 = arith.constant 32 : index
        %get3A_692 = tpu.vector_load %arg11[%get3A_690, %get3A_691] {strides = array<i32>} : memref<112x64xf32, #tpu.memory_space<vmem>>, vector<1x16xf32>,
        %get3A_693 = vector.shape_cast %get3A_692 : vector<1x16xf32> to vector<16xf32>
        %add3A_694 = arith.addf %add3A_672, %get3A_693 : vector<16xf32>
        %get3A_695 = arith.index_cast %add3A_679 : i32 to index
        %get3A_696 = arith.constant 48 : index
        %get3A_697 = tpu.vector_load %arg11[%get3A_695, %get3A_696] {strides = array<i32>} : memref<112x64xf32, #tpu.memory_space<vmem>>, vector<1x16xf32>,
        %get3A_698 = vector.shape_cast %get3A_697 : vector<1x16xf32> to vector<16xf32>
        %add3A_699 = arith.addf %add3A_677, %get3A_698 : vector<16xf32>
        %add3A_700 = arith.constant 15 : i32
        %add3A_701 = arith.addi %mul3A_370, %add3A_700 : i32
        %get3A_702 = arith.index_cast %add3A_701 : i32 to index
        %get3A_703 = arith.constant 0 : index
        %get3A_704 = tpu.vector_load %arg11[%get3A_702, %get3A_703] {strides = array<i32>} : memref<112x64xf32, #tpu.memory_space<vmem>>, vector<1x16xf32>,
        %get3A_705 = vector.shape_cast %get3A_704 : vector<1x16xf32> to vector<16xf32>
        %add3A_706 = arith.addf %add3A_684, %get3A_705 : vector<16xf32>
        %get3A_707 = arith.index_cast %add3A_701 : i32 to index
        %get3A_708 = arith.constant 16 : index
        %get3A_709 = tpu.vector_load %arg11[%get3A_707, %get3A_708] {strides = array<i32>} : memref<112x64xf32, #tpu.memory_space<vmem>>, vector<1x16xf32>,
        %get3A_710 = vector.shape_cast %get3A_709 : vector<1x16xf32> to vector<16xf32>
        %add3A_711 = arith.addf %add3A_689, %get3A_710 : vector<16xf32>
        %get3A_712 = arith.index_cast %add3A_701 : i32 to index
        %get3A_713 = arith.constant 32 : index
        %get3A_714 = tpu.vector_load %arg11[%get3A_712, %get3A_713] {strides = array<i32>} : memref<112x64xf32, #tpu.memory_space<vmem>>, vector<1x16xf32>,
        %get3A_715 = vector.shape_cast %get3A_714 : vector<1x16xf32> to vector<16xf32>
        %add3A_716 = arith.addf %add3A_694, %get3A_715 : vector<16xf32>
        %get3A_717 = arith.index_cast %add3A_701 : i32 to index
        %get3A_718 = arith.constant 48 : index
        %get3A_719 = tpu.vector_load %arg11[%get3A_717, %get3A_718] {strides = array<i32>} : memref<112x64xf32, #tpu.memory_space<vmem>>, vector<1x16xf32>,
        %get3A_720 = vector.shape_cast %get3A_719 : vector<1x16xf32> to vector<16xf32>
        %add3A_721 = arith.addf %add3A_699, %get3A_720 : vector<16xf32>
        scf.yield %add3A_706, %add3A_711, %add3A_716, %add3A_721 : vector<16xf32>, vector<16xf32>, vector<16xf32>, vector<16xf32>
      }
      %scan3A_163 = arith.constant 7 : i32
      %add3A_164 = arith.constant 8 : i32
      %add3A_165 = arith.addi %add3A_151, %add3A_164 : i32
      %lt3A_166 = arith.constant 256 : i32
      %lt3A_167 = arith.cmpi slt, %add3A_165, %lt3A_166 : i32
      %convert_element_type3A_168 = arith.extui %lt3A_167 : i1 to i32
      %cond3A_169 = arith.constant 0 : i32
      %cond3A_170 = arith.cmpi ne, %convert_element_type3A_168, %cond3A_169 : i32
      scf.if %cond3A_170 {
        %add3A_364 = arith.constant 8 : i32
        %add3A_365 = arith.addi %add3A_151, %add3A_364 : i32
        %dma_start3A_366 = arith.constant 0 : i32
        %dma_start3A_367 = tpu.memref_slice %arg6[%add3A_365, %dma_start3A_366] : memref<256x112xi32, #tpu.memory_space<vmem>> -> memref<1x112xi32, #tpu.memory_space<vmem>>
        %dma_start3A_368 = tpu.memref_squeeze %dma_start3A_367 : memref<1x112xi32, #tpu.memory_space<vmem>> -> memref<112xi32, #tpu.memory_space<vmem>>
        %dma_start3A_369 = arith.constant 0 : i32
        %dma_start3A_370 = arith.constant 0 : i32
        %dma_start3A_371 = tpu.memref_slice %arg4[%dma_start3A_369, %dma_start3A_370] : memref<1000000x64xf32, #tpu.memory_space<hbm>> -> memref<1000000x64xf32, #tpu.memory_space<hbm>>
        tpu.enqueue_indirect_dma source(%dma_start3A_371 : memref<1000000x64xf32, #tpu.memory_space<hbm>>) target(%arg11 : memref<112x64xf32, #tpu.memory_space<vmem>>) offsets(%dma_start3A_368 : memref<112xi32, #tpu.memory_space<vmem>>) semaphore(%arg19 : memref<!tpu.dma_semaphore, #tpu.memory_space<semaphore_mem>>)
      } else {
      }
      %add3A_171 = arith.constant 3 : i32
      %add3A_172 = arith.addi %mul3A_73, %add3A_171 : i32
      %dma_wait3A_173 = arith.constant 0 : i32
      %dma_wait3A_174 = tpu.memref_slice %arg6[%add3A_172, %dma_wait3A_173] : memref<256x112xi32, #tpu.memory_space<vmem>> -> memref<1x112xi32, #tpu.memory_space<vmem>>
      %dma_wait3A_175 = tpu.memref_squeeze %dma_wait3A_174 : memref<1x112xi32, #tpu.memory_space<vmem>> -> memref<112xi32, #tpu.memory_space<vmem>>
      %dma_wait3A_176 = arith.constant 0 : i32
      %dma_wait3A_177 = arith.constant 0 : i32
      %dma_wait3A_178 = tpu.memref_slice %arg4[%dma_wait3A_176, %dma_wait3A_177] : memref<1000000x64xf32, #tpu.memory_space<hbm>> -> memref<1000000x64xf32, #tpu.memory_space<hbm>>
      tpu.wait_indirect_dma semaphore(%arg20 : memref<!tpu.dma_semaphore, #tpu.memory_space<semaphore_mem>>) src(%dma_wait3A_178 : memref<1000000x64xf32, #tpu.memory_space<hbm>>) dst(%arg12 : memref<112x64xf32, #tpu.memory_space<vmem>>)
      %scan3A_179 = arith.constant 0 : i32
      %scan3A_180 = arith.constant 7 : i32
      %scan3A_181 = arith.addi %scan3A_179, %scan3A_180 : i32
      %scan3A_182 = arith.constant 1 : i32
      %scan3A_183:4 = scf.for %scan3A_364 = %scan3A_179 to %scan3A_181 step %scan3A_182 iter_args(%scan3A_365 = %scan3A_162#0, %scan3A_366 = %scan3A_162#1, %scan3A_367 = %scan3A_162#2, %scan3A_368 = %scan3A_162#3) -> (vector<16xf32>, vector<16xf32>, vector<16xf32>, vector<16xf32>)  : i32 {
        %mul3A_369 = arith.constant 16 : i32
        %mul3A_370 = arith.muli %scan3A_364, %mul3A_369 : i32
        %add3A_371 = arith.constant 0 : i32
        %add3A_372 = arith.addi %mul3A_370, %add3A_371 : i32
        %get3A = arith.index_cast %add3A_372 : i32 to index
        %get3A_373 = arith.constant 0 : index
        %get3A_374 = tpu.vector_load %arg12[%get3A, %get3A_373] {strides = array<i32>} : memref<112x64xf32, #tpu.memory_space<vmem>>, vector<1x16xf32>,
        %get3A_375 = vector.shape_cast %get3A_374 : vector<1x16xf32> to vector<16xf32>
        %add3A_376 = arith.addf %scan3A_365, %get3A_375 : vector<16xf32>
        %get3A_377 = arith.index_cast %add3A_372 : i32 to index
        %get3A_378 = arith.constant 16 : index
        %get3A_379 = tpu.vector_load %arg12[%get3A_377, %get3A_378] {strides = array<i32>} : memref<112x64xf32, #tpu.memory_space<vmem>>, vector<1x16xf32>,
        %get3A_380 = vector.shape_cast %get3A_379 : vector<1x16xf32> to vector<16xf32>
        %add3A_381 = arith.addf %scan3A_366, %get3A_380 : vector<16xf32>
        %get3A_382 = arith.index_cast %add3A_372 : i32 to index
        %get3A_383 = arith.constant 32 : index
        %get3A_384 = tpu.vector_load %arg12[%get3A_382, %get3A_383] {strides = array<i32>} : memref<112x64xf32, #tpu.memory_space<vmem>>, vector<1x16xf32>,
        %get3A_385 = vector.shape_cast %get3A_384 : vector<1x16xf32> to vector<16xf32>
        %add3A_386 = arith.addf %scan3A_367, %get3A_385 : vector<16xf32>
        %get3A_387 = arith.index_cast %add3A_372 : i32 to index
        %get3A_388 = arith.constant 48 : index
        %get3A_389 = tpu.vector_load %arg12[%get3A_387, %get3A_388] {strides = array<i32>} : memref<112x64xf32, #tpu.memory_space<vmem>>, vector<1x16xf32>,
        %get3A_390 = vector.shape_cast %get3A_389 : vector<1x16xf32> to vector<16xf32>
        %add3A_391 = arith.addf %scan3A_368, %get3A_390 : vector<16xf32>
        %add3A_392 = arith.constant 1 : i32
        %add3A_393 = arith.addi %mul3A_370, %add3A_392 : i32
        %get3A_394 = arith.index_cast %add3A_393 : i32 to index
        %get3A_395 = arith.constant 0 : index
        %get3A_396 = tpu.vector_load %arg12[%get3A_394, %get3A_395] {strides = array<i32>} : memref<112x64xf32, #tpu.memory_space<vmem>>, vector<1x16xf32>,
        %get3A_397 = vector.shape_cast %get3A_396 : vector<1x16xf32> to vector<16xf32>
        %add3A_398 = arith.addf %add3A_376, %get3A_397 : vector<16xf32>
        %get3A_399 = arith.index_cast %add3A_393 : i32 to index
        %get3A_400 = arith.constant 16 : index
        %get3A_401 = tpu.vector_load %arg12[%get3A_399, %get3A_400] {strides = array<i32>} : memref<112x64xf32, #tpu.memory_space<vmem>>, vector<1x16xf32>,
        %get3A_402 = vector.shape_cast %get3A_401 : vector<1x16xf32> to vector<16xf32>
        %add3A_403 = arith.addf %add3A_381, %get3A_402 : vector<16xf32>
        %get3A_404 = arith.index_cast %add3A_393 : i32 to index
        %get3A_405 = arith.constant 32 : index
        %get3A_406 = tpu.vector_load %arg12[%get3A_404, %get3A_405] {strides = array<i32>} : memref<112x64xf32, #tpu.memory_space<vmem>>, vector<1x16xf32>,
        %get3A_407 = vector.shape_cast %get3A_406 : vector<1x16xf32> to vector<16xf32>
        %add3A_408 = arith.addf %add3A_386, %get3A_407 : vector<16xf32>
        %get3A_409 = arith.index_cast %add3A_393 : i32 to index
        %get3A_410 = arith.constant 48 : index
        %get3A_411 = tpu.vector_load %arg12[%get3A_409, %get3A_410] {strides = array<i32>} : memref<112x64xf32, #tpu.memory_space<vmem>>, vector<1x16xf32>,
        %get3A_412 = vector.shape_cast %get3A_411 : vector<1x16xf32> to vector<16xf32>
        %add3A_413 = arith.addf %add3A_391, %get3A_412 : vector<16xf32>
        %add3A_414 = arith.constant 2 : i32
        %add3A_415 = arith.addi %mul3A_370, %add3A_414 : i32
        %get3A_416 = arith.index_cast %add3A_415 : i32 to index
        %get3A_417 = arith.constant 0 : index
        %get3A_418 = tpu.vector_load %arg12[%get3A_416, %get3A_417] {strides = array<i32>} : memref<112x64xf32, #tpu.memory_space<vmem>>, vector<1x16xf32>,
        %get3A_419 = vector.shape_cast %get3A_418 : vector<1x16xf32> to vector<16xf32>
        %add3A_420 = arith.addf %add3A_398, %get3A_419 : vector<16xf32>
        %get3A_421 = arith.index_cast %add3A_415 : i32 to index
        %get3A_422 = arith.constant 16 : index
        %get3A_423 = tpu.vector_load %arg12[%get3A_421, %get3A_422] {strides = array<i32>} : memref<112x64xf32, #tpu.memory_space<vmem>>, vector<1x16xf32>,
        %get3A_424 = vector.shape_cast %get3A_423 : vector<1x16xf32> to vector<16xf32>
        %add3A_425 = arith.addf %add3A_403, %get3A_424 : vector<16xf32>
        %get3A_426 = arith.index_cast %add3A_415 : i32 to index
        %get3A_427 = arith.constant 32 : index
        %get3A_428 = tpu.vector_load %arg12[%get3A_426, %get3A_427] {strides = array<i32>} : memref<112x64xf32, #tpu.memory_space<vmem>>, vector<1x16xf32>,
        %get3A_429 = vector.shape_cast %get3A_428 : vector<1x16xf32> to vector<16xf32>
        %add3A_430 = arith.addf %add3A_408, %get3A_429 : vector<16xf32>
        %get3A_431 = arith.index_cast %add3A_415 : i32 to index
        %get3A_432 = arith.constant 48 : index
        %get3A_433 = tpu.vector_load %arg12[%get3A_431, %get3A_432] {strides = array<i32>} : memref<112x64xf32, #tpu.memory_space<vmem>>, vector<1x16xf32>,
        %get3A_434 = vector.shape_cast %get3A_433 : vector<1x16xf32> to vector<16xf32>
        %add3A_435 = arith.addf %add3A_413, %get3A_434 : vector<16xf32>
        %add3A_436 = arith.constant 3 : i32
        %add3A_437 = arith.addi %mul3A_370, %add3A_436 : i32
        %get3A_438 = arith.index_cast %add3A_437 : i32 to index
        %get3A_439 = arith.constant 0 : index
        %get3A_440 = tpu.vector_load %arg12[%get3A_438, %get3A_439] {strides = array<i32>} : memref<112x64xf32, #tpu.memory_space<vmem>>, vector<1x16xf32>,
        %get3A_441 = vector.shape_cast %get3A_440 : vector<1x16xf32> to vector<16xf32>
        %add3A_442 = arith.addf %add3A_420, %get3A_441 : vector<16xf32>
        %get3A_443 = arith.index_cast %add3A_437 : i32 to index
        %get3A_444 = arith.constant 16 : index
        %get3A_445 = tpu.vector_load %arg12[%get3A_443, %get3A_444] {strides = array<i32>} : memref<112x64xf32, #tpu.memory_space<vmem>>, vector<1x16xf32>,
        %get3A_446 = vector.shape_cast %get3A_445 : vector<1x16xf32> to vector<16xf32>
        %add3A_447 = arith.addf %add3A_425, %get3A_446 : vector<16xf32>
        %get3A_448 = arith.index_cast %add3A_437 : i32 to index
        %get3A_449 = arith.constant 32 : index
        %get3A_450 = tpu.vector_load %arg12[%get3A_448, %get3A_449] {strides = array<i32>} : memref<112x64xf32, #tpu.memory_space<vmem>>, vector<1x16xf32>,
        %get3A_451 = vector.shape_cast %get3A_450 : vector<1x16xf32> to vector<16xf32>
        %add3A_452 = arith.addf %add3A_430, %get3A_451 : vector<16xf32>
        %get3A_453 = arith.index_cast %add3A_437 : i32 to index
        %get3A_454 = arith.constant 48 : index
        %get3A_455 = tpu.vector_load %arg12[%get3A_453, %get3A_454] {strides = array<i32>} : memref<112x64xf32, #tpu.memory_space<vmem>>, vector<1x16xf32>,
        %get3A_456 = vector.shape_cast %get3A_455 : vector<1x16xf32> to vector<16xf32>
        %add3A_457 = arith.addf %add3A_435, %get3A_456 : vector<16xf32>
        %add3A_458 = arith.constant 4 : i32
        %add3A_459 = arith.addi %mul3A_370, %add3A_458 : i32
        %get3A_460 = arith.index_cast %add3A_459 : i32 to index
        %get3A_461 = arith.constant 0 : index
        %get3A_462 = tpu.vector_load %arg12[%get3A_460, %get3A_461] {strides = array<i32>} : memref<112x64xf32, #tpu.memory_space<vmem>>, vector<1x16xf32>,
        %get3A_463 = vector.shape_cast %get3A_462 : vector<1x16xf32> to vector<16xf32>
        %add3A_464 = arith.addf %add3A_442, %get3A_463 : vector<16xf32>
        %get3A_465 = arith.index_cast %add3A_459 : i32 to index
        %get3A_466 = arith.constant 16 : index
        %get3A_467 = tpu.vector_load %arg12[%get3A_465, %get3A_466] {strides = array<i32>} : memref<112x64xf32, #tpu.memory_space<vmem>>, vector<1x16xf32>,
        %get3A_468 = vector.shape_cast %get3A_467 : vector<1x16xf32> to vector<16xf32>
        %add3A_469 = arith.addf %add3A_447, %get3A_468 : vector<16xf32>
        %get3A_470 = arith.index_cast %add3A_459 : i32 to index
        %get3A_471 = arith.constant 32 : index
        %get3A_472 = tpu.vector_load %arg12[%get3A_470, %get3A_471] {strides = array<i32>} : memref<112x64xf32, #tpu.memory_space<vmem>>, vector<1x16xf32>,
        %get3A_473 = vector.shape_cast %get3A_472 : vector<1x16xf32> to vector<16xf32>
        %add3A_474 = arith.addf %add3A_452, %get3A_473 : vector<16xf32>
        %get3A_475 = arith.index_cast %add3A_459 : i32 to index
        %get3A_476 = arith.constant 48 : index
        %get3A_477 = tpu.vector_load %arg12[%get3A_475, %get3A_476] {strides = array<i32>} : memref<112x64xf32, #tpu.memory_space<vmem>>, vector<1x16xf32>,
        %get3A_478 = vector.shape_cast %get3A_477 : vector<1x16xf32> to vector<16xf32>
        %add3A_479 = arith.addf %add3A_457, %get3A_478 : vector<16xf32>
        %add3A_480 = arith.constant 5 : i32
        %add3A_481 = arith.addi %mul3A_370, %add3A_480 : i32
        %get3A_482 = arith.index_cast %add3A_481 : i32 to index
        %get3A_483 = arith.constant 0 : index
        %get3A_484 = tpu.vector_load %arg12[%get3A_482, %get3A_483] {strides = array<i32>} : memref<112x64xf32, #tpu.memory_space<vmem>>, vector<1x16xf32>,
        %get3A_485 = vector.shape_cast %get3A_484 : vector<1x16xf32> to vector<16xf32>
        %add3A_486 = arith.addf %add3A_464, %get3A_485 : vector<16xf32>
        %get3A_487 = arith.index_cast %add3A_481 : i32 to index
        %get3A_488 = arith.constant 16 : index
        %get3A_489 = tpu.vector_load %arg12[%get3A_487, %get3A_488] {strides = array<i32>} : memref<112x64xf32, #tpu.memory_space<vmem>>, vector<1x16xf32>,
        %get3A_490 = vector.shape_cast %get3A_489 : vector<1x16xf32> to vector<16xf32>
        %add3A_491 = arith.addf %add3A_469, %get3A_490 : vector<16xf32>
        %get3A_492 = arith.index_cast %add3A_481 : i32 to index
        %get3A_493 = arith.constant 32 : index
        %get3A_494 = tpu.vector_load %arg12[%get3A_492, %get3A_493] {strides = array<i32>} : memref<112x64xf32, #tpu.memory_space<vmem>>, vector<1x16xf32>,
        %get3A_495 = vector.shape_cast %get3A_494 : vector<1x16xf32> to vector<16xf32>
        %add3A_496 = arith.addf %add3A_474, %get3A_495 : vector<16xf32>
        %get3A_497 = arith.index_cast %add3A_481 : i32 to index
        %get3A_498 = arith.constant 48 : index
        %get3A_499 = tpu.vector_load %arg12[%get3A_497, %get3A_498] {strides = array<i32>} : memref<112x64xf32, #tpu.memory_space<vmem>>, vector<1x16xf32>,
        %get3A_500 = vector.shape_cast %get3A_499 : vector<1x16xf32> to vector<16xf32>
        %add3A_501 = arith.addf %add3A_479, %get3A_500 : vector<16xf32>
        %add3A_502 = arith.constant 6 : i32
        %add3A_503 = arith.addi %mul3A_370, %add3A_502 : i32
        %get3A_504 = arith.index_cast %add3A_503 : i32 to index
        %get3A_505 = arith.constant 0 : index
        %get3A_506 = tpu.vector_load %arg12[%get3A_504, %get3A_505] {strides = array<i32>} : memref<112x64xf32, #tpu.memory_space<vmem>>, vector<1x16xf32>,
        %get3A_507 = vector.shape_cast %get3A_506 : vector<1x16xf32> to vector<16xf32>
        %add3A_508 = arith.addf %add3A_486, %get3A_507 : vector<16xf32>
        %get3A_509 = arith.index_cast %add3A_503 : i32 to index
        %get3A_510 = arith.constant 16 : index
        %get3A_511 = tpu.vector_load %arg12[%get3A_509, %get3A_510] {strides = array<i32>} : memref<112x64xf32, #tpu.memory_space<vmem>>, vector<1x16xf32>,
        %get3A_512 = vector.shape_cast %get3A_511 : vector<1x16xf32> to vector<16xf32>
        %add3A_513 = arith.addf %add3A_491, %get3A_512 : vector<16xf32>
        %get3A_514 = arith.index_cast %add3A_503 : i32 to index
        %get3A_515 = arith.constant 32 : index
        %get3A_516 = tpu.vector_load %arg12[%get3A_514, %get3A_515] {strides = array<i32>} : memref<112x64xf32, #tpu.memory_space<vmem>>, vector<1x16xf32>,
        %get3A_517 = vector.shape_cast %get3A_516 : vector<1x16xf32> to vector<16xf32>
        %add3A_518 = arith.addf %add3A_496, %get3A_517 : vector<16xf32>
        %get3A_519 = arith.index_cast %add3A_503 : i32 to index
        %get3A_520 = arith.constant 48 : index
        %get3A_521 = tpu.vector_load %arg12[%get3A_519, %get3A_520] {strides = array<i32>} : memref<112x64xf32, #tpu.memory_space<vmem>>, vector<1x16xf32>,
        %get3A_522 = vector.shape_cast %get3A_521 : vector<1x16xf32> to vector<16xf32>
        %add3A_523 = arith.addf %add3A_501, %get3A_522 : vector<16xf32>
        %add3A_524 = arith.constant 7 : i32
        %add3A_525 = arith.addi %mul3A_370, %add3A_524 : i32
        %get3A_526 = arith.index_cast %add3A_525 : i32 to index
        %get3A_527 = arith.constant 0 : index
        %get3A_528 = tpu.vector_load %arg12[%get3A_526, %get3A_527] {strides = array<i32>} : memref<112x64xf32, #tpu.memory_space<vmem>>, vector<1x16xf32>,
        %get3A_529 = vector.shape_cast %get3A_528 : vector<1x16xf32> to vector<16xf32>
        %add3A_530 = arith.addf %add3A_508, %get3A_529 : vector<16xf32>
        %get3A_531 = arith.index_cast %add3A_525 : i32 to index
        %get3A_532 = arith.constant 16 : index
        %get3A_533 = tpu.vector_load %arg12[%get3A_531, %get3A_532] {strides = array<i32>} : memref<112x64xf32, #tpu.memory_space<vmem>>, vector<1x16xf32>,
        %get3A_534 = vector.shape_cast %get3A_533 : vector<1x16xf32> to vector<16xf32>
        %add3A_535 = arith.addf %add3A_513, %get3A_534 : vector<16xf32>
        %get3A_536 = arith.index_cast %add3A_525 : i32 to index
        %get3A_537 = arith.constant 32 : index
        %get3A_538 = tpu.vector_load %arg12[%get3A_536, %get3A_537] {strides = array<i32>} : memref<112x64xf32, #tpu.memory_space<vmem>>, vector<1x16xf32>,
        %get3A_539 = vector.shape_cast %get3A_538 : vector<1x16xf32> to vector<16xf32>
        %add3A_540 = arith.addf %add3A_518, %get3A_539 : vector<16xf32>
        %get3A_541 = arith.index_cast %add3A_525 : i32 to index
        %get3A_542 = arith.constant 48 : index
        %get3A_543 = tpu.vector_load %arg12[%get3A_541, %get3A_542] {strides = array<i32>} : memref<112x64xf32, #tpu.memory_space<vmem>>, vector<1x16xf32>,
        %get3A_544 = vector.shape_cast %get3A_543 : vector<1x16xf32> to vector<16xf32>
        %add3A_545 = arith.addf %add3A_523, %get3A_544 : vector<16xf32>
        %add3A_546 = arith.constant 8 : i32
        %add3A_547 = arith.addi %mul3A_370, %add3A_546 : i32
        %get3A_548 = arith.index_cast %add3A_547 : i32 to index
        %get3A_549 = arith.constant 0 : index
        %get3A_550 = tpu.vector_load %arg12[%get3A_548, %get3A_549] {strides = array<i32>} : memref<112x64xf32, #tpu.memory_space<vmem>>, vector<1x16xf32>,
        %get3A_551 = vector.shape_cast %get3A_550 : vector<1x16xf32> to vector<16xf32>
        %add3A_552 = arith.addf %add3A_530, %get3A_551 : vector<16xf32>
        %get3A_553 = arith.index_cast %add3A_547 : i32 to index
        %get3A_554 = arith.constant 16 : index
        %get3A_555 = tpu.vector_load %arg12[%get3A_553, %get3A_554] {strides = array<i32>} : memref<112x64xf32, #tpu.memory_space<vmem>>, vector<1x16xf32>,
        %get3A_556 = vector.shape_cast %get3A_555 : vector<1x16xf32> to vector<16xf32>
        %add3A_557 = arith.addf %add3A_535, %get3A_556 : vector<16xf32>
        %get3A_558 = arith.index_cast %add3A_547 : i32 to index
        %get3A_559 = arith.constant 32 : index
        %get3A_560 = tpu.vector_load %arg12[%get3A_558, %get3A_559] {strides = array<i32>} : memref<112x64xf32, #tpu.memory_space<vmem>>, vector<1x16xf32>,
        %get3A_561 = vector.shape_cast %get3A_560 : vector<1x16xf32> to vector<16xf32>
        %add3A_562 = arith.addf %add3A_540, %get3A_561 : vector<16xf32>
        %get3A_563 = arith.index_cast %add3A_547 : i32 to index
        %get3A_564 = arith.constant 48 : index
        %get3A_565 = tpu.vector_load %arg12[%get3A_563, %get3A_564] {strides = array<i32>} : memref<112x64xf32, #tpu.memory_space<vmem>>, vector<1x16xf32>,
        %get3A_566 = vector.shape_cast %get3A_565 : vector<1x16xf32> to vector<16xf32>
        %add3A_567 = arith.addf %add3A_545, %get3A_566 : vector<16xf32>
        %add3A_568 = arith.constant 9 : i32
        %add3A_569 = arith.addi %mul3A_370, %add3A_568 : i32
        %get3A_570 = arith.index_cast %add3A_569 : i32 to index
        %get3A_571 = arith.constant 0 : index
        %get3A_572 = tpu.vector_load %arg12[%get3A_570, %get3A_571] {strides = array<i32>} : memref<112x64xf32, #tpu.memory_space<vmem>>, vector<1x16xf32>,
        %get3A_573 = vector.shape_cast %get3A_572 : vector<1x16xf32> to vector<16xf32>
        %add3A_574 = arith.addf %add3A_552, %get3A_573 : vector<16xf32>
        %get3A_575 = arith.index_cast %add3A_569 : i32 to index
        %get3A_576 = arith.constant 16 : index
        %get3A_577 = tpu.vector_load %arg12[%get3A_575, %get3A_576] {strides = array<i32>} : memref<112x64xf32, #tpu.memory_space<vmem>>, vector<1x16xf32>,
        %get3A_578 = vector.shape_cast %get3A_577 : vector<1x16xf32> to vector<16xf32>
        %add3A_579 = arith.addf %add3A_557, %get3A_578 : vector<16xf32>
        %get3A_580 = arith.index_cast %add3A_569 : i32 to index
        %get3A_581 = arith.constant 32 : index
        %get3A_582 = tpu.vector_load %arg12[%get3A_580, %get3A_581] {strides = array<i32>} : memref<112x64xf32, #tpu.memory_space<vmem>>, vector<1x16xf32>,
        %get3A_583 = vector.shape_cast %get3A_582 : vector<1x16xf32> to vector<16xf32>
        %add3A_584 = arith.addf %add3A_562, %get3A_583 : vector<16xf32>
        %get3A_585 = arith.index_cast %add3A_569 : i32 to index
        %get3A_586 = arith.constant 48 : index
        %get3A_587 = tpu.vector_load %arg12[%get3A_585, %get3A_586] {strides = array<i32>} : memref<112x64xf32, #tpu.memory_space<vmem>>, vector<1x16xf32>,
        %get3A_588 = vector.shape_cast %get3A_587 : vector<1x16xf32> to vector<16xf32>
        %add3A_589 = arith.addf %add3A_567, %get3A_588 : vector<16xf32>
        %add3A_590 = arith.constant 10 : i32
        %add3A_591 = arith.addi %mul3A_370, %add3A_590 : i32
        %get3A_592 = arith.index_cast %add3A_591 : i32 to index
        %get3A_593 = arith.constant 0 : index
        %get3A_594 = tpu.vector_load %arg12[%get3A_592, %get3A_593] {strides = array<i32>} : memref<112x64xf32, #tpu.memory_space<vmem>>, vector<1x16xf32>,
        %get3A_595 = vector.shape_cast %get3A_594 : vector<1x16xf32> to vector<16xf32>
        %add3A_596 = arith.addf %add3A_574, %get3A_595 : vector<16xf32>
        %get3A_597 = arith.index_cast %add3A_591 : i32 to index
        %get3A_598 = arith.constant 16 : index
        %get3A_599 = tpu.vector_load %arg12[%get3A_597, %get3A_598] {strides = array<i32>} : memref<112x64xf32, #tpu.memory_space<vmem>>, vector<1x16xf32>,
        %get3A_600 = vector.shape_cast %get3A_599 : vector<1x16xf32> to vector<16xf32>
        %add3A_601 = arith.addf %add3A_579, %get3A_600 : vector<16xf32>
        %get3A_602 = arith.index_cast %add3A_591 : i32 to index
        %get3A_603 = arith.constant 32 : index
        %get3A_604 = tpu.vector_load %arg12[%get3A_602, %get3A_603] {strides = array<i32>} : memref<112x64xf32, #tpu.memory_space<vmem>>, vector<1x16xf32>,
        %get3A_605 = vector.shape_cast %get3A_604 : vector<1x16xf32> to vector<16xf32>
        %add3A_606 = arith.addf %add3A_584, %get3A_605 : vector<16xf32>
        %get3A_607 = arith.index_cast %add3A_591 : i32 to index
        %get3A_608 = arith.constant 48 : index
        %get3A_609 = tpu.vector_load %arg12[%get3A_607, %get3A_608] {strides = array<i32>} : memref<112x64xf32, #tpu.memory_space<vmem>>, vector<1x16xf32>,
        %get3A_610 = vector.shape_cast %get3A_609 : vector<1x16xf32> to vector<16xf32>
        %add3A_611 = arith.addf %add3A_589, %get3A_610 : vector<16xf32>
        %add3A_612 = arith.constant 11 : i32
        %add3A_613 = arith.addi %mul3A_370, %add3A_612 : i32
        %get3A_614 = arith.index_cast %add3A_613 : i32 to index
        %get3A_615 = arith.constant 0 : index
        %get3A_616 = tpu.vector_load %arg12[%get3A_614, %get3A_615] {strides = array<i32>} : memref<112x64xf32, #tpu.memory_space<vmem>>, vector<1x16xf32>,
        %get3A_617 = vector.shape_cast %get3A_616 : vector<1x16xf32> to vector<16xf32>
        %add3A_618 = arith.addf %add3A_596, %get3A_617 : vector<16xf32>
        %get3A_619 = arith.index_cast %add3A_613 : i32 to index
        %get3A_620 = arith.constant 16 : index
        %get3A_621 = tpu.vector_load %arg12[%get3A_619, %get3A_620] {strides = array<i32>} : memref<112x64xf32, #tpu.memory_space<vmem>>, vector<1x16xf32>,
        %get3A_622 = vector.shape_cast %get3A_621 : vector<1x16xf32> to vector<16xf32>
        %add3A_623 = arith.addf %add3A_601, %get3A_622 : vector<16xf32>
        %get3A_624 = arith.index_cast %add3A_613 : i32 to index
        %get3A_625 = arith.constant 32 : index
        %get3A_626 = tpu.vector_load %arg12[%get3A_624, %get3A_625] {strides = array<i32>} : memref<112x64xf32, #tpu.memory_space<vmem>>, vector<1x16xf32>,
        %get3A_627 = vector.shape_cast %get3A_626 : vector<1x16xf32> to vector<16xf32>
        %add3A_628 = arith.addf %add3A_606, %get3A_627 : vector<16xf32>
        %get3A_629 = arith.index_cast %add3A_613 : i32 to index
        %get3A_630 = arith.constant 48 : index
        %get3A_631 = tpu.vector_load %arg12[%get3A_629, %get3A_630] {strides = array<i32>} : memref<112x64xf32, #tpu.memory_space<vmem>>, vector<1x16xf32>,
        %get3A_632 = vector.shape_cast %get3A_631 : vector<1x16xf32> to vector<16xf32>
        %add3A_633 = arith.addf %add3A_611, %get3A_632 : vector<16xf32>
        %add3A_634 = arith.constant 12 : i32
        %add3A_635 = arith.addi %mul3A_370, %add3A_634 : i32
        %get3A_636 = arith.index_cast %add3A_635 : i32 to index
        %get3A_637 = arith.constant 0 : index
        %get3A_638 = tpu.vector_load %arg12[%get3A_636, %get3A_637] {strides = array<i32>} : memref<112x64xf32, #tpu.memory_space<vmem>>, vector<1x16xf32>,
        %get3A_639 = vector.shape_cast %get3A_638 : vector<1x16xf32> to vector<16xf32>
        %add3A_640 = arith.addf %add3A_618, %get3A_639 : vector<16xf32>
        %get3A_641 = arith.index_cast %add3A_635 : i32 to index
        %get3A_642 = arith.constant 16 : index
        %get3A_643 = tpu.vector_load %arg12[%get3A_641, %get3A_642] {strides = array<i32>} : memref<112x64xf32, #tpu.memory_space<vmem>>, vector<1x16xf32>,
        %get3A_644 = vector.shape_cast %get3A_643 : vector<1x16xf32> to vector<16xf32>
        %add3A_645 = arith.addf %add3A_623, %get3A_644 : vector<16xf32>
        %get3A_646 = arith.index_cast %add3A_635 : i32 to index
        %get3A_647 = arith.constant 32 : index
        %get3A_648 = tpu.vector_load %arg12[%get3A_646, %get3A_647] {strides = array<i32>} : memref<112x64xf32, #tpu.memory_space<vmem>>, vector<1x16xf32>,
        %get3A_649 = vector.shape_cast %get3A_648 : vector<1x16xf32> to vector<16xf32>
        %add3A_650 = arith.addf %add3A_628, %get3A_649 : vector<16xf32>
        %get3A_651 = arith.index_cast %add3A_635 : i32 to index
        %get3A_652 = arith.constant 48 : index
        %get3A_653 = tpu.vector_load %arg12[%get3A_651, %get3A_652] {strides = array<i32>} : memref<112x64xf32, #tpu.memory_space<vmem>>, vector<1x16xf32>,
        %get3A_654 = vector.shape_cast %get3A_653 : vector<1x16xf32> to vector<16xf32>
        %add3A_655 = arith.addf %add3A_633, %get3A_654 : vector<16xf32>
        %add3A_656 = arith.constant 13 : i32
        %add3A_657 = arith.addi %mul3A_370, %add3A_656 : i32
        %get3A_658 = arith.index_cast %add3A_657 : i32 to index
        %get3A_659 = arith.constant 0 : index
        %get3A_660 = tpu.vector_load %arg12[%get3A_658, %get3A_659] {strides = array<i32>} : memref<112x64xf32, #tpu.memory_space<vmem>>, vector<1x16xf32>,
        %get3A_661 = vector.shape_cast %get3A_660 : vector<1x16xf32> to vector<16xf32>
        %add3A_662 = arith.addf %add3A_640, %get3A_661 : vector<16xf32>
        %get3A_663 = arith.index_cast %add3A_657 : i32 to index
        %get3A_664 = arith.constant 16 : index
        %get3A_665 = tpu.vector_load %arg12[%get3A_663, %get3A_664] {strides = array<i32>} : memref<112x64xf32, #tpu.memory_space<vmem>>, vector<1x16xf32>,
        %get3A_666 = vector.shape_cast %get3A_665 : vector<1x16xf32> to vector<16xf32>
        %add3A_667 = arith.addf %add3A_645, %get3A_666 : vector<16xf32>
        %get3A_668 = arith.index_cast %add3A_657 : i32 to index
        %get3A_669 = arith.constant 32 : index
        %get3A_670 = tpu.vector_load %arg12[%get3A_668, %get3A_669] {strides = array<i32>} : memref<112x64xf32, #tpu.memory_space<vmem>>, vector<1x16xf32>,
        %get3A_671 = vector.shape_cast %get3A_670 : vector<1x16xf32> to vector<16xf32>
        %add3A_672 = arith.addf %add3A_650, %get3A_671 : vector<16xf32>
        %get3A_673 = arith.index_cast %add3A_657 : i32 to index
        %get3A_674 = arith.constant 48 : index
        %get3A_675 = tpu.vector_load %arg12[%get3A_673, %get3A_674] {strides = array<i32>} : memref<112x64xf32, #tpu.memory_space<vmem>>, vector<1x16xf32>,
        %get3A_676 = vector.shape_cast %get3A_675 : vector<1x16xf32> to vector<16xf32>
        %add3A_677 = arith.addf %add3A_655, %get3A_676 : vector<16xf32>
        %add3A_678 = arith.constant 14 : i32
        %add3A_679 = arith.addi %mul3A_370, %add3A_678 : i32
        %get3A_680 = arith.index_cast %add3A_679 : i32 to index
        %get3A_681 = arith.constant 0 : index
        %get3A_682 = tpu.vector_load %arg12[%get3A_680, %get3A_681] {strides = array<i32>} : memref<112x64xf32, #tpu.memory_space<vmem>>, vector<1x16xf32>,
        %get3A_683 = vector.shape_cast %get3A_682 : vector<1x16xf32> to vector<16xf32>
        %add3A_684 = arith.addf %add3A_662, %get3A_683 : vector<16xf32>
        %get3A_685 = arith.index_cast %add3A_679 : i32 to index
        %get3A_686 = arith.constant 16 : index
        %get3A_687 = tpu.vector_load %arg12[%get3A_685, %get3A_686] {strides = array<i32>} : memref<112x64xf32, #tpu.memory_space<vmem>>, vector<1x16xf32>,
        %get3A_688 = vector.shape_cast %get3A_687 : vector<1x16xf32> to vector<16xf32>
        %add3A_689 = arith.addf %add3A_667, %get3A_688 : vector<16xf32>
        %get3A_690 = arith.index_cast %add3A_679 : i32 to index
        %get3A_691 = arith.constant 32 : index
        %get3A_692 = tpu.vector_load %arg12[%get3A_690, %get3A_691] {strides = array<i32>} : memref<112x64xf32, #tpu.memory_space<vmem>>, vector<1x16xf32>,
        %get3A_693 = vector.shape_cast %get3A_692 : vector<1x16xf32> to vector<16xf32>
        %add3A_694 = arith.addf %add3A_672, %get3A_693 : vector<16xf32>
        %get3A_695 = arith.index_cast %add3A_679 : i32 to index
        %get3A_696 = arith.constant 48 : index
        %get3A_697 = tpu.vector_load %arg12[%get3A_695, %get3A_696] {strides = array<i32>} : memref<112x64xf32, #tpu.memory_space<vmem>>, vector<1x16xf32>,
        %get3A_698 = vector.shape_cast %get3A_697 : vector<1x16xf32> to vector<16xf32>
        %add3A_699 = arith.addf %add3A_677, %get3A_698 : vector<16xf32>
        %add3A_700 = arith.constant 15 : i32
        %add3A_701 = arith.addi %mul3A_370, %add3A_700 : i32
        %get3A_702 = arith.index_cast %add3A_701 : i32 to index
        %get3A_703 = arith.constant 0 : index
        %get3A_704 = tpu.vector_load %arg12[%get3A_702, %get3A_703] {strides = array<i32>} : memref<112x64xf32, #tpu.memory_space<vmem>>, vector<1x16xf32>,
        %get3A_705 = vector.shape_cast %get3A_704 : vector<1x16xf32> to vector<16xf32>
        %add3A_706 = arith.addf %add3A_684, %get3A_705 : vector<16xf32>
        %get3A_707 = arith.index_cast %add3A_701 : i32 to index
        %get3A_708 = arith.constant 16 : index
        %get3A_709 = tpu.vector_load %arg12[%get3A_707, %get3A_708] {strides = array<i32>} : memref<112x64xf32, #tpu.memory_space<vmem>>, vector<1x16xf32>,
        %get3A_710 = vector.shape_cast %get3A_709 : vector<1x16xf32> to vector<16xf32>
        %add3A_711 = arith.addf %add3A_689, %get3A_710 : vector<16xf32>
        %get3A_712 = arith.index_cast %add3A_701 : i32 to index
        %get3A_713 = arith.constant 32 : index
        %get3A_714 = tpu.vector_load %arg12[%get3A_712, %get3A_713] {strides = array<i32>} : memref<112x64xf32, #tpu.memory_space<vmem>>, vector<1x16xf32>,
        %get3A_715 = vector.shape_cast %get3A_714 : vector<1x16xf32> to vector<16xf32>
        %add3A_716 = arith.addf %add3A_694, %get3A_715 : vector<16xf32>
        %get3A_717 = arith.index_cast %add3A_701 : i32 to index
        %get3A_718 = arith.constant 48 : index
        %get3A_719 = tpu.vector_load %arg12[%get3A_717, %get3A_718] {strides = array<i32>} : memref<112x64xf32, #tpu.memory_space<vmem>>, vector<1x16xf32>,
        %get3A_720 = vector.shape_cast %get3A_719 : vector<1x16xf32> to vector<16xf32>
        %add3A_721 = arith.addf %add3A_699, %get3A_720 : vector<16xf32>
        scf.yield %add3A_706, %add3A_711, %add3A_716, %add3A_721 : vector<16xf32>, vector<16xf32>, vector<16xf32>, vector<16xf32>
      }
      %scan3A_184 = arith.constant 7 : i32
      %add3A_185 = arith.constant 8 : i32
      %add3A_186 = arith.addi %add3A_172, %add3A_185 : i32
      %lt3A_187 = arith.constant 256 : i32
      %lt3A_188 = arith.cmpi slt, %add3A_186, %lt3A_187 : i32
      %convert_element_type3A_189 = arith.extui %lt3A_188 : i1 to i32
      %cond3A_190 = arith.constant 0 : i32
      %cond3A_191 = arith.cmpi ne, %convert_element_type3A_189, %cond3A_190 : i32
      scf.if %cond3A_191 {
        %add3A_364 = arith.constant 8 : i32
        %add3A_365 = arith.addi %add3A_172, %add3A_364 : i32
        %dma_start3A_366 = arith.constant 0 : i32
        %dma_start3A_367 = tpu.memref_slice %arg6[%add3A_365, %dma_start3A_366] : memref<256x112xi32, #tpu.memory_space<vmem>> -> memref<1x112xi32, #tpu.memory_space<vmem>>
        %dma_start3A_368 = tpu.memref_squeeze %dma_start3A_367 : memref<1x112xi32, #tpu.memory_space<vmem>> -> memref<112xi32, #tpu.memory_space<vmem>>
        %dma_start3A_369 = arith.constant 0 : i32
        %dma_start3A_370 = arith.constant 0 : i32
        %dma_start3A_371 = tpu.memref_slice %arg4[%dma_start3A_369, %dma_start3A_370] : memref<1000000x64xf32, #tpu.memory_space<hbm>> -> memref<1000000x64xf32, #tpu.memory_space<hbm>>
        tpu.enqueue_indirect_dma source(%dma_start3A_371 : memref<1000000x64xf32, #tpu.memory_space<hbm>>) target(%arg12 : memref<112x64xf32, #tpu.memory_space<vmem>>) offsets(%dma_start3A_368 : memref<112xi32, #tpu.memory_space<vmem>>) semaphore(%arg20 : memref<!tpu.dma_semaphore, #tpu.memory_space<semaphore_mem>>)
      } else {
      }
      %mul3A_192 = arith.constant 4 : i32
      %mul3A_193 = arith.muli %scan3A_71, %mul3A_192 : i32
      %add3A_194 = arith.constant 1 : i32
      %add3A_195 = arith.addi %mul3A_193, %add3A_194 : i32
      %swap3A_196 = arith.index_cast %add3A_195 : i32 to index
      %swap3A_197 = arith.constant 0 : index
      %swap3A_198 = tpu.vector_load %arg8[%swap3A_196, %swap3A_197] {strides = array<i32>} : memref<128x64xf32, #tpu.memory_space<vmem>>, vector<1x16xf32>,
      %swap3A_199 = vector.shape_cast %swap3A_198 : vector<1x16xf32> to vector<16xf32>
      %swap3A_200 = vector.shape_cast %scan3A_183#0 : vector<16xf32> to vector<1x16xf32>
      tpu.vector_store %arg8[%swap3A_196, %swap3A_197], %swap3A_200 {strides = array<i32>} : memref<128x64xf32, #tpu.memory_space<vmem>>, vector<1x16xf32>,
      %swap3A_201 = arith.index_cast %add3A_195 : i32 to index
      %swap3A_202 = arith.constant 16 : index
      %swap3A_203 = tpu.vector_load %arg8[%swap3A_201, %swap3A_202] {strides = array<i32>} : memref<128x64xf32, #tpu.memory_space<vmem>>, vector<1x16xf32>,
      %swap3A_204 = vector.shape_cast %swap3A_203 : vector<1x16xf32> to vector<16xf32>
      %swap3A_205 = vector.shape_cast %scan3A_183#1 : vector<16xf32> to vector<1x16xf32>
      tpu.vector_store %arg8[%swap3A_201, %swap3A_202], %swap3A_205 {strides = array<i32>} : memref<128x64xf32, #tpu.memory_space<vmem>>, vector<1x16xf32>,
      %swap3A_206 = arith.index_cast %add3A_195 : i32 to index
      %swap3A_207 = arith.constant 32 : index
      %swap3A_208 = tpu.vector_load %arg8[%swap3A_206, %swap3A_207] {strides = array<i32>} : memref<128x64xf32, #tpu.memory_space<vmem>>, vector<1x16xf32>,
      %swap3A_209 = vector.shape_cast %swap3A_208 : vector<1x16xf32> to vector<16xf32>
      %swap3A_210 = vector.shape_cast %scan3A_183#2 : vector<16xf32> to vector<1x16xf32>
      tpu.vector_store %arg8[%swap3A_206, %swap3A_207], %swap3A_210 {strides = array<i32>} : memref<128x64xf32, #tpu.memory_space<vmem>>, vector<1x16xf32>,
      %swap3A_211 = arith.index_cast %add3A_195 : i32 to index
      %swap3A_212 = arith.constant 48 : index
      %swap3A_213 = tpu.vector_load %arg8[%swap3A_211, %swap3A_212] {strides = array<i32>} : memref<128x64xf32, #tpu.memory_space<vmem>>, vector<1x16xf32>,
      %swap3A_214 = vector.shape_cast %swap3A_213 : vector<1x16xf32> to vector<16xf32>
      %swap3A_215 = vector.shape_cast %scan3A_183#3 : vector<16xf32> to vector<1x16xf32>
      tpu.vector_store %arg8[%swap3A_211, %swap3A_212], %swap3A_215 {strides = array<i32>} : memref<128x64xf32, #tpu.memory_space<vmem>>, vector<1x16xf32>,
      %broadcast_in_dim3A_216 = arith.constant 0.000000e+00 : f32
      %broadcast_in_dim3A_217 = vector.broadcast %broadcast_in_dim3A_216 : f32 to vector<16xf32>
      %broadcast_in_dim3A_218 = arith.constant 0.000000e+00 : f32
      %broadcast_in_dim3A_219 = vector.broadcast %broadcast_in_dim3A_218 : f32 to vector<16xf32>
      %broadcast_in_dim3A_220 = arith.constant 0.000000e+00 : f32
      %broadcast_in_dim3A_221 = vector.broadcast %broadcast_in_dim3A_220 : f32 to vector<16xf32>
      %broadcast_in_dim3A_222 = arith.constant 0.000000e+00 : f32
      %broadcast_in_dim3A_223 = vector.broadcast %broadcast_in_dim3A_222 : f32 to vector<16xf32>
      %add3A_224 = arith.constant 4 : i32
      %add3A_225 = arith.addi %mul3A_73, %add3A_224 : i32
      %dma_wait3A_226 = arith.constant 0 : i32
      %dma_wait3A_227 = tpu.memref_slice %arg6[%add3A_225, %dma_wait3A_226] : memref<256x112xi32, #tpu.memory_space<vmem>> -> memref<1x112xi32, #tpu.memory_space<vmem>>
      %dma_wait3A_228 = tpu.memref_squeeze %dma_wait3A_227 : memref<1x112xi32, #tpu.memory_space<vmem>> -> memref<112xi32, #tpu.memory_space<vmem>>
      %dma_wait3A_229 = arith.constant 0 : i32
      %dma_wait3A_230 = arith.constant 0 : i32
      %dma_wait3A_231 = tpu.memref_slice %arg4[%dma_wait3A_229, %dma_wait3A_230] : memref<1000000x64xf32, #tpu.memory_space<hbm>> -> memref<1000000x64xf32, #tpu.memory_space<hbm>>
      tpu.wait_indirect_dma semaphore(%arg21 : memref<!tpu.dma_semaphore, #tpu.memory_space<semaphore_mem>>) src(%dma_wait3A_231 : memref<1000000x64xf32, #tpu.memory_space<hbm>>) dst(%arg13 : memref<112x64xf32, #tpu.memory_space<vmem>>)
      %scan3A_232 = arith.constant 0 : i32
      %scan3A_233 = arith.constant 7 : i32
      %scan3A_234 = arith.addi %scan3A_232, %scan3A_233 : i32
      %scan3A_235 = arith.constant 1 : i32
      %scan3A_236:4 = scf.for %scan3A_364 = %scan3A_232 to %scan3A_234 step %scan3A_235 iter_args(%scan3A_365 = %broadcast_in_dim3A_217, %scan3A_366 = %broadcast_in_dim3A_219, %scan3A_367 = %broadcast_in_dim3A_221, %scan3A_368 = %broadcast_in_dim3A_223) -> (vector<16xf32>, vector<16xf32>, vector<16xf32>, vector<16xf32>)  : i32 {
        %mul3A_369 = arith.constant 16 : i32
        %mul3A_370 = arith.muli %scan3A_364, %mul3A_369 : i32
        %add3A_371 = arith.constant 0 : i32
        %add3A_372 = arith.addi %mul3A_370, %add3A_371 : i32
        %get3A = arith.index_cast %add3A_372 : i32 to index
        %get3A_373 = arith.constant 0 : index
        %get3A_374 = tpu.vector_load %arg13[%get3A, %get3A_373] {strides = array<i32>} : memref<112x64xf32, #tpu.memory_space<vmem>>, vector<1x16xf32>,
        %get3A_375 = vector.shape_cast %get3A_374 : vector<1x16xf32> to vector<16xf32>
        %add3A_376 = arith.addf %scan3A_365, %get3A_375 : vector<16xf32>
        %get3A_377 = arith.index_cast %add3A_372 : i32 to index
        %get3A_378 = arith.constant 16 : index
        %get3A_379 = tpu.vector_load %arg13[%get3A_377, %get3A_378] {strides = array<i32>} : memref<112x64xf32, #tpu.memory_space<vmem>>, vector<1x16xf32>,
        %get3A_380 = vector.shape_cast %get3A_379 : vector<1x16xf32> to vector<16xf32>
        %add3A_381 = arith.addf %scan3A_366, %get3A_380 : vector<16xf32>
        %get3A_382 = arith.index_cast %add3A_372 : i32 to index
        %get3A_383 = arith.constant 32 : index
        %get3A_384 = tpu.vector_load %arg13[%get3A_382, %get3A_383] {strides = array<i32>} : memref<112x64xf32, #tpu.memory_space<vmem>>, vector<1x16xf32>,
        %get3A_385 = vector.shape_cast %get3A_384 : vector<1x16xf32> to vector<16xf32>
        %add3A_386 = arith.addf %scan3A_367, %get3A_385 : vector<16xf32>
        %get3A_387 = arith.index_cast %add3A_372 : i32 to index
        %get3A_388 = arith.constant 48 : index
        %get3A_389 = tpu.vector_load %arg13[%get3A_387, %get3A_388] {strides = array<i32>} : memref<112x64xf32, #tpu.memory_space<vmem>>, vector<1x16xf32>,
        %get3A_390 = vector.shape_cast %get3A_389 : vector<1x16xf32> to vector<16xf32>
        %add3A_391 = arith.addf %scan3A_368, %get3A_390 : vector<16xf32>
        %add3A_392 = arith.constant 1 : i32
        %add3A_393 = arith.addi %mul3A_370, %add3A_392 : i32
        %get3A_394 = arith.index_cast %add3A_393 : i32 to index
        %get3A_395 = arith.constant 0 : index
        %get3A_396 = tpu.vector_load %arg13[%get3A_394, %get3A_395] {strides = array<i32>} : memref<112x64xf32, #tpu.memory_space<vmem>>, vector<1x16xf32>,
        %get3A_397 = vector.shape_cast %get3A_396 : vector<1x16xf32> to vector<16xf32>
        %add3A_398 = arith.addf %add3A_376, %get3A_397 : vector<16xf32>
        %get3A_399 = arith.index_cast %add3A_393 : i32 to index
        %get3A_400 = arith.constant 16 : index
        %get3A_401 = tpu.vector_load %arg13[%get3A_399, %get3A_400] {strides = array<i32>} : memref<112x64xf32, #tpu.memory_space<vmem>>, vector<1x16xf32>,
        %get3A_402 = vector.shape_cast %get3A_401 : vector<1x16xf32> to vector<16xf32>
        %add3A_403 = arith.addf %add3A_381, %get3A_402 : vector<16xf32>
        %get3A_404 = arith.index_cast %add3A_393 : i32 to index
        %get3A_405 = arith.constant 32 : index
        %get3A_406 = tpu.vector_load %arg13[%get3A_404, %get3A_405] {strides = array<i32>} : memref<112x64xf32, #tpu.memory_space<vmem>>, vector<1x16xf32>,
        %get3A_407 = vector.shape_cast %get3A_406 : vector<1x16xf32> to vector<16xf32>
        %add3A_408 = arith.addf %add3A_386, %get3A_407 : vector<16xf32>
        %get3A_409 = arith.index_cast %add3A_393 : i32 to index
        %get3A_410 = arith.constant 48 : index
        %get3A_411 = tpu.vector_load %arg13[%get3A_409, %get3A_410] {strides = array<i32>} : memref<112x64xf32, #tpu.memory_space<vmem>>, vector<1x16xf32>,
        %get3A_412 = vector.shape_cast %get3A_411 : vector<1x16xf32> to vector<16xf32>
        %add3A_413 = arith.addf %add3A_391, %get3A_412 : vector<16xf32>
        %add3A_414 = arith.constant 2 : i32
        %add3A_415 = arith.addi %mul3A_370, %add3A_414 : i32
        %get3A_416 = arith.index_cast %add3A_415 : i32 to index
        %get3A_417 = arith.constant 0 : index
        %get3A_418 = tpu.vector_load %arg13[%get3A_416, %get3A_417] {strides = array<i32>} : memref<112x64xf32, #tpu.memory_space<vmem>>, vector<1x16xf32>,
        %get3A_419 = vector.shape_cast %get3A_418 : vector<1x16xf32> to vector<16xf32>
        %add3A_420 = arith.addf %add3A_398, %get3A_419 : vector<16xf32>
        %get3A_421 = arith.index_cast %add3A_415 : i32 to index
        %get3A_422 = arith.constant 16 : index
        %get3A_423 = tpu.vector_load %arg13[%get3A_421, %get3A_422] {strides = array<i32>} : memref<112x64xf32, #tpu.memory_space<vmem>>, vector<1x16xf32>,
        %get3A_424 = vector.shape_cast %get3A_423 : vector<1x16xf32> to vector<16xf32>
        %add3A_425 = arith.addf %add3A_403, %get3A_424 : vector<16xf32>
        %get3A_426 = arith.index_cast %add3A_415 : i32 to index
        %get3A_427 = arith.constant 32 : index
        %get3A_428 = tpu.vector_load %arg13[%get3A_426, %get3A_427] {strides = array<i32>} : memref<112x64xf32, #tpu.memory_space<vmem>>, vector<1x16xf32>,
        %get3A_429 = vector.shape_cast %get3A_428 : vector<1x16xf32> to vector<16xf32>
        %add3A_430 = arith.addf %add3A_408, %get3A_429 : vector<16xf32>
        %get3A_431 = arith.index_cast %add3A_415 : i32 to index
        %get3A_432 = arith.constant 48 : index
        %get3A_433 = tpu.vector_load %arg13[%get3A_431, %get3A_432] {strides = array<i32>} : memref<112x64xf32, #tpu.memory_space<vmem>>, vector<1x16xf32>,
        %get3A_434 = vector.shape_cast %get3A_433 : vector<1x16xf32> to vector<16xf32>
        %add3A_435 = arith.addf %add3A_413, %get3A_434 : vector<16xf32>
        %add3A_436 = arith.constant 3 : i32
        %add3A_437 = arith.addi %mul3A_370, %add3A_436 : i32
        %get3A_438 = arith.index_cast %add3A_437 : i32 to index
        %get3A_439 = arith.constant 0 : index
        %get3A_440 = tpu.vector_load %arg13[%get3A_438, %get3A_439] {strides = array<i32>} : memref<112x64xf32, #tpu.memory_space<vmem>>, vector<1x16xf32>,
        %get3A_441 = vector.shape_cast %get3A_440 : vector<1x16xf32> to vector<16xf32>
        %add3A_442 = arith.addf %add3A_420, %get3A_441 : vector<16xf32>
        %get3A_443 = arith.index_cast %add3A_437 : i32 to index
        %get3A_444 = arith.constant 16 : index
        %get3A_445 = tpu.vector_load %arg13[%get3A_443, %get3A_444] {strides = array<i32>} : memref<112x64xf32, #tpu.memory_space<vmem>>, vector<1x16xf32>,
        %get3A_446 = vector.shape_cast %get3A_445 : vector<1x16xf32> to vector<16xf32>
        %add3A_447 = arith.addf %add3A_425, %get3A_446 : vector<16xf32>
        %get3A_448 = arith.index_cast %add3A_437 : i32 to index
        %get3A_449 = arith.constant 32 : index
        %get3A_450 = tpu.vector_load %arg13[%get3A_448, %get3A_449] {strides = array<i32>} : memref<112x64xf32, #tpu.memory_space<vmem>>, vector<1x16xf32>,
        %get3A_451 = vector.shape_cast %get3A_450 : vector<1x16xf32> to vector<16xf32>
        %add3A_452 = arith.addf %add3A_430, %get3A_451 : vector<16xf32>
        %get3A_453 = arith.index_cast %add3A_437 : i32 to index
        %get3A_454 = arith.constant 48 : index
        %get3A_455 = tpu.vector_load %arg13[%get3A_453, %get3A_454] {strides = array<i32>} : memref<112x64xf32, #tpu.memory_space<vmem>>, vector<1x16xf32>,
        %get3A_456 = vector.shape_cast %get3A_455 : vector<1x16xf32> to vector<16xf32>
        %add3A_457 = arith.addf %add3A_435, %get3A_456 : vector<16xf32>
        %add3A_458 = arith.constant 4 : i32
        %add3A_459 = arith.addi %mul3A_370, %add3A_458 : i32
        %get3A_460 = arith.index_cast %add3A_459 : i32 to index
        %get3A_461 = arith.constant 0 : index
        %get3A_462 = tpu.vector_load %arg13[%get3A_460, %get3A_461] {strides = array<i32>} : memref<112x64xf32, #tpu.memory_space<vmem>>, vector<1x16xf32>,
        %get3A_463 = vector.shape_cast %get3A_462 : vector<1x16xf32> to vector<16xf32>
        %add3A_464 = arith.addf %add3A_442, %get3A_463 : vector<16xf32>
        %get3A_465 = arith.index_cast %add3A_459 : i32 to index
        %get3A_466 = arith.constant 16 : index
        %get3A_467 = tpu.vector_load %arg13[%get3A_465, %get3A_466] {strides = array<i32>} : memref<112x64xf32, #tpu.memory_space<vmem>>, vector<1x16xf32>,
        %get3A_468 = vector.shape_cast %get3A_467 : vector<1x16xf32> to vector<16xf32>
        %add3A_469 = arith.addf %add3A_447, %get3A_468 : vector<16xf32>
        %get3A_470 = arith.index_cast %add3A_459 : i32 to index
        %get3A_471 = arith.constant 32 : index
        %get3A_472 = tpu.vector_load %arg13[%get3A_470, %get3A_471] {strides = array<i32>} : memref<112x64xf32, #tpu.memory_space<vmem>>, vector<1x16xf32>,
        %get3A_473 = vector.shape_cast %get3A_472 : vector<1x16xf32> to vector<16xf32>
        %add3A_474 = arith.addf %add3A_452, %get3A_473 : vector<16xf32>
        %get3A_475 = arith.index_cast %add3A_459 : i32 to index
        %get3A_476 = arith.constant 48 : index
        %get3A_477 = tpu.vector_load %arg13[%get3A_475, %get3A_476] {strides = array<i32>} : memref<112x64xf32, #tpu.memory_space<vmem>>, vector<1x16xf32>,
        %get3A_478 = vector.shape_cast %get3A_477 : vector<1x16xf32> to vector<16xf32>
        %add3A_479 = arith.addf %add3A_457, %get3A_478 : vector<16xf32>
        %add3A_480 = arith.constant 5 : i32
        %add3A_481 = arith.addi %mul3A_370, %add3A_480 : i32
        %get3A_482 = arith.index_cast %add3A_481 : i32 to index
        %get3A_483 = arith.constant 0 : index
        %get3A_484 = tpu.vector_load %arg13[%get3A_482, %get3A_483] {strides = array<i32>} : memref<112x64xf32, #tpu.memory_space<vmem>>, vector<1x16xf32>,
        %get3A_485 = vector.shape_cast %get3A_484 : vector<1x16xf32> to vector<16xf32>
        %add3A_486 = arith.addf %add3A_464, %get3A_485 : vector<16xf32>
        %get3A_487 = arith.index_cast %add3A_481 : i32 to index
        %get3A_488 = arith.constant 16 : index
        %get3A_489 = tpu.vector_load %arg13[%get3A_487, %get3A_488] {strides = array<i32>} : memref<112x64xf32, #tpu.memory_space<vmem>>, vector<1x16xf32>,
        %get3A_490 = vector.shape_cast %get3A_489 : vector<1x16xf32> to vector<16xf32>
        %add3A_491 = arith.addf %add3A_469, %get3A_490 : vector<16xf32>
        %get3A_492 = arith.index_cast %add3A_481 : i32 to index
        %get3A_493 = arith.constant 32 : index
        %get3A_494 = tpu.vector_load %arg13[%get3A_492, %get3A_493] {strides = array<i32>} : memref<112x64xf32, #tpu.memory_space<vmem>>, vector<1x16xf32>,
        %get3A_495 = vector.shape_cast %get3A_494 : vector<1x16xf32> to vector<16xf32>
        %add3A_496 = arith.addf %add3A_474, %get3A_495 : vector<16xf32>
        %get3A_497 = arith.index_cast %add3A_481 : i32 to index
        %get3A_498 = arith.constant 48 : index
        %get3A_499 = tpu.vector_load %arg13[%get3A_497, %get3A_498] {strides = array<i32>} : memref<112x64xf32, #tpu.memory_space<vmem>>, vector<1x16xf32>,
        %get3A_500 = vector.shape_cast %get3A_499 : vector<1x16xf32> to vector<16xf32>
        %add3A_501 = arith.addf %add3A_479, %get3A_500 : vector<16xf32>
        %add3A_502 = arith.constant 6 : i32
        %add3A_503 = arith.addi %mul3A_370, %add3A_502 : i32
        %get3A_504 = arith.index_cast %add3A_503 : i32 to index
        %get3A_505 = arith.constant 0 : index
        %get3A_506 = tpu.vector_load %arg13[%get3A_504, %get3A_505] {strides = array<i32>} : memref<112x64xf32, #tpu.memory_space<vmem>>, vector<1x16xf32>,
        %get3A_507 = vector.shape_cast %get3A_506 : vector<1x16xf32> to vector<16xf32>
        %add3A_508 = arith.addf %add3A_486, %get3A_507 : vector<16xf32>
        %get3A_509 = arith.index_cast %add3A_503 : i32 to index
        %get3A_510 = arith.constant 16 : index
        %get3A_511 = tpu.vector_load %arg13[%get3A_509, %get3A_510] {strides = array<i32>} : memref<112x64xf32, #tpu.memory_space<vmem>>, vector<1x16xf32>,
        %get3A_512 = vector.shape_cast %get3A_511 : vector<1x16xf32> to vector<16xf32>
        %add3A_513 = arith.addf %add3A_491, %get3A_512 : vector<16xf32>
        %get3A_514 = arith.index_cast %add3A_503 : i32 to index
        %get3A_515 = arith.constant 32 : index
        %get3A_516 = tpu.vector_load %arg13[%get3A_514, %get3A_515] {strides = array<i32>} : memref<112x64xf32, #tpu.memory_space<vmem>>, vector<1x16xf32>,
        %get3A_517 = vector.shape_cast %get3A_516 : vector<1x16xf32> to vector<16xf32>
        %add3A_518 = arith.addf %add3A_496, %get3A_517 : vector<16xf32>
        %get3A_519 = arith.index_cast %add3A_503 : i32 to index
        %get3A_520 = arith.constant 48 : index
        %get3A_521 = tpu.vector_load %arg13[%get3A_519, %get3A_520] {strides = array<i32>} : memref<112x64xf32, #tpu.memory_space<vmem>>, vector<1x16xf32>,
        %get3A_522 = vector.shape_cast %get3A_521 : vector<1x16xf32> to vector<16xf32>
        %add3A_523 = arith.addf %add3A_501, %get3A_522 : vector<16xf32>
        %add3A_524 = arith.constant 7 : i32
        %add3A_525 = arith.addi %mul3A_370, %add3A_524 : i32
        %get3A_526 = arith.index_cast %add3A_525 : i32 to index
        %get3A_527 = arith.constant 0 : index
        %get3A_528 = tpu.vector_load %arg13[%get3A_526, %get3A_527] {strides = array<i32>} : memref<112x64xf32, #tpu.memory_space<vmem>>, vector<1x16xf32>,
        %get3A_529 = vector.shape_cast %get3A_528 : vector<1x16xf32> to vector<16xf32>
        %add3A_530 = arith.addf %add3A_508, %get3A_529 : vector<16xf32>
        %get3A_531 = arith.index_cast %add3A_525 : i32 to index
        %get3A_532 = arith.constant 16 : index
        %get3A_533 = tpu.vector_load %arg13[%get3A_531, %get3A_532] {strides = array<i32>} : memref<112x64xf32, #tpu.memory_space<vmem>>, vector<1x16xf32>,
        %get3A_534 = vector.shape_cast %get3A_533 : vector<1x16xf32> to vector<16xf32>
        %add3A_535 = arith.addf %add3A_513, %get3A_534 : vector<16xf32>
        %get3A_536 = arith.index_cast %add3A_525 : i32 to index
        %get3A_537 = arith.constant 32 : index
        %get3A_538 = tpu.vector_load %arg13[%get3A_536, %get3A_537] {strides = array<i32>} : memref<112x64xf32, #tpu.memory_space<vmem>>, vector<1x16xf32>,
        %get3A_539 = vector.shape_cast %get3A_538 : vector<1x16xf32> to vector<16xf32>
        %add3A_540 = arith.addf %add3A_518, %get3A_539 : vector<16xf32>
        %get3A_541 = arith.index_cast %add3A_525 : i32 to index
        %get3A_542 = arith.constant 48 : index
        %get3A_543 = tpu.vector_load %arg13[%get3A_541, %get3A_542] {strides = array<i32>} : memref<112x64xf32, #tpu.memory_space<vmem>>, vector<1x16xf32>,
        %get3A_544 = vector.shape_cast %get3A_543 : vector<1x16xf32> to vector<16xf32>
        %add3A_545 = arith.addf %add3A_523, %get3A_544 : vector<16xf32>
        %add3A_546 = arith.constant 8 : i32
        %add3A_547 = arith.addi %mul3A_370, %add3A_546 : i32
        %get3A_548 = arith.index_cast %add3A_547 : i32 to index
        %get3A_549 = arith.constant 0 : index
        %get3A_550 = tpu.vector_load %arg13[%get3A_548, %get3A_549] {strides = array<i32>} : memref<112x64xf32, #tpu.memory_space<vmem>>, vector<1x16xf32>,
        %get3A_551 = vector.shape_cast %get3A_550 : vector<1x16xf32> to vector<16xf32>
        %add3A_552 = arith.addf %add3A_530, %get3A_551 : vector<16xf32>
        %get3A_553 = arith.index_cast %add3A_547 : i32 to index
        %get3A_554 = arith.constant 16 : index
        %get3A_555 = tpu.vector_load %arg13[%get3A_553, %get3A_554] {strides = array<i32>} : memref<112x64xf32, #tpu.memory_space<vmem>>, vector<1x16xf32>,
        %get3A_556 = vector.shape_cast %get3A_555 : vector<1x16xf32> to vector<16xf32>
        %add3A_557 = arith.addf %add3A_535, %get3A_556 : vector<16xf32>
        %get3A_558 = arith.index_cast %add3A_547 : i32 to index
        %get3A_559 = arith.constant 32 : index
        %get3A_560 = tpu.vector_load %arg13[%get3A_558, %get3A_559] {strides = array<i32>} : memref<112x64xf32, #tpu.memory_space<vmem>>, vector<1x16xf32>,
        %get3A_561 = vector.shape_cast %get3A_560 : vector<1x16xf32> to vector<16xf32>
        %add3A_562 = arith.addf %add3A_540, %get3A_561 : vector<16xf32>
        %get3A_563 = arith.index_cast %add3A_547 : i32 to index
        %get3A_564 = arith.constant 48 : index
        %get3A_565 = tpu.vector_load %arg13[%get3A_563, %get3A_564] {strides = array<i32>} : memref<112x64xf32, #tpu.memory_space<vmem>>, vector<1x16xf32>,
        %get3A_566 = vector.shape_cast %get3A_565 : vector<1x16xf32> to vector<16xf32>
        %add3A_567 = arith.addf %add3A_545, %get3A_566 : vector<16xf32>
        %add3A_568 = arith.constant 9 : i32
        %add3A_569 = arith.addi %mul3A_370, %add3A_568 : i32
        %get3A_570 = arith.index_cast %add3A_569 : i32 to index
        %get3A_571 = arith.constant 0 : index
        %get3A_572 = tpu.vector_load %arg13[%get3A_570, %get3A_571] {strides = array<i32>} : memref<112x64xf32, #tpu.memory_space<vmem>>, vector<1x16xf32>,
        %get3A_573 = vector.shape_cast %get3A_572 : vector<1x16xf32> to vector<16xf32>
        %add3A_574 = arith.addf %add3A_552, %get3A_573 : vector<16xf32>
        %get3A_575 = arith.index_cast %add3A_569 : i32 to index
        %get3A_576 = arith.constant 16 : index
        %get3A_577 = tpu.vector_load %arg13[%get3A_575, %get3A_576] {strides = array<i32>} : memref<112x64xf32, #tpu.memory_space<vmem>>, vector<1x16xf32>,
        %get3A_578 = vector.shape_cast %get3A_577 : vector<1x16xf32> to vector<16xf32>
        %add3A_579 = arith.addf %add3A_557, %get3A_578 : vector<16xf32>
        %get3A_580 = arith.index_cast %add3A_569 : i32 to index
        %get3A_581 = arith.constant 32 : index
        %get3A_582 = tpu.vector_load %arg13[%get3A_580, %get3A_581] {strides = array<i32>} : memref<112x64xf32, #tpu.memory_space<vmem>>, vector<1x16xf32>,
        %get3A_583 = vector.shape_cast %get3A_582 : vector<1x16xf32> to vector<16xf32>
        %add3A_584 = arith.addf %add3A_562, %get3A_583 : vector<16xf32>
        %get3A_585 = arith.index_cast %add3A_569 : i32 to index
        %get3A_586 = arith.constant 48 : index
        %get3A_587 = tpu.vector_load %arg13[%get3A_585, %get3A_586] {strides = array<i32>} : memref<112x64xf32, #tpu.memory_space<vmem>>, vector<1x16xf32>,
        %get3A_588 = vector.shape_cast %get3A_587 : vector<1x16xf32> to vector<16xf32>
        %add3A_589 = arith.addf %add3A_567, %get3A_588 : vector<16xf32>
        %add3A_590 = arith.constant 10 : i32
        %add3A_591 = arith.addi %mul3A_370, %add3A_590 : i32
        %get3A_592 = arith.index_cast %add3A_591 : i32 to index
        %get3A_593 = arith.constant 0 : index
        %get3A_594 = tpu.vector_load %arg13[%get3A_592, %get3A_593] {strides = array<i32>} : memref<112x64xf32, #tpu.memory_space<vmem>>, vector<1x16xf32>,
        %get3A_595 = vector.shape_cast %get3A_594 : vector<1x16xf32> to vector<16xf32>
        %add3A_596 = arith.addf %add3A_574, %get3A_595 : vector<16xf32>
        %get3A_597 = arith.index_cast %add3A_591 : i32 to index
        %get3A_598 = arith.constant 16 : index
        %get3A_599 = tpu.vector_load %arg13[%get3A_597, %get3A_598] {strides = array<i32>} : memref<112x64xf32, #tpu.memory_space<vmem>>, vector<1x16xf32>,
        %get3A_600 = vector.shape_cast %get3A_599 : vector<1x16xf32> to vector<16xf32>
        %add3A_601 = arith.addf %add3A_579, %get3A_600 : vector<16xf32>
        %get3A_602 = arith.index_cast %add3A_591 : i32 to index
        %get3A_603 = arith.constant 32 : index
        %get3A_604 = tpu.vector_load %arg13[%get3A_602, %get3A_603] {strides = array<i32>} : memref<112x64xf32, #tpu.memory_space<vmem>>, vector<1x16xf32>,
        %get3A_605 = vector.shape_cast %get3A_604 : vector<1x16xf32> to vector<16xf32>
        %add3A_606 = arith.addf %add3A_584, %get3A_605 : vector<16xf32>
        %get3A_607 = arith.index_cast %add3A_591 : i32 to index
        %get3A_608 = arith.constant 48 : index
        %get3A_609 = tpu.vector_load %arg13[%get3A_607, %get3A_608] {strides = array<i32>} : memref<112x64xf32, #tpu.memory_space<vmem>>, vector<1x16xf32>,
        %get3A_610 = vector.shape_cast %get3A_609 : vector<1x16xf32> to vector<16xf32>
        %add3A_611 = arith.addf %add3A_589, %get3A_610 : vector<16xf32>
        %add3A_612 = arith.constant 11 : i32
        %add3A_613 = arith.addi %mul3A_370, %add3A_612 : i32
        %get3A_614 = arith.index_cast %add3A_613 : i32 to index
        %get3A_615 = arith.constant 0 : index
        %get3A_616 = tpu.vector_load %arg13[%get3A_614, %get3A_615] {strides = array<i32>} : memref<112x64xf32, #tpu.memory_space<vmem>>, vector<1x16xf32>,
        %get3A_617 = vector.shape_cast %get3A_616 : vector<1x16xf32> to vector<16xf32>
        %add3A_618 = arith.addf %add3A_596, %get3A_617 : vector<16xf32>
        %get3A_619 = arith.index_cast %add3A_613 : i32 to index
        %get3A_620 = arith.constant 16 : index
        %get3A_621 = tpu.vector_load %arg13[%get3A_619, %get3A_620] {strides = array<i32>} : memref<112x64xf32, #tpu.memory_space<vmem>>, vector<1x16xf32>,
        %get3A_622 = vector.shape_cast %get3A_621 : vector<1x16xf32> to vector<16xf32>
        %add3A_623 = arith.addf %add3A_601, %get3A_622 : vector<16xf32>
        %get3A_624 = arith.index_cast %add3A_613 : i32 to index
        %get3A_625 = arith.constant 32 : index
        %get3A_626 = tpu.vector_load %arg13[%get3A_624, %get3A_625] {strides = array<i32>} : memref<112x64xf32, #tpu.memory_space<vmem>>, vector<1x16xf32>,
        %get3A_627 = vector.shape_cast %get3A_626 : vector<1x16xf32> to vector<16xf32>
        %add3A_628 = arith.addf %add3A_606, %get3A_627 : vector<16xf32>
        %get3A_629 = arith.index_cast %add3A_613 : i32 to index
        %get3A_630 = arith.constant 48 : index
        %get3A_631 = tpu.vector_load %arg13[%get3A_629, %get3A_630] {strides = array<i32>} : memref<112x64xf32, #tpu.memory_space<vmem>>, vector<1x16xf32>,
        %get3A_632 = vector.shape_cast %get3A_631 : vector<1x16xf32> to vector<16xf32>
        %add3A_633 = arith.addf %add3A_611, %get3A_632 : vector<16xf32>
        %add3A_634 = arith.constant 12 : i32
        %add3A_635 = arith.addi %mul3A_370, %add3A_634 : i32
        %get3A_636 = arith.index_cast %add3A_635 : i32 to index
        %get3A_637 = arith.constant 0 : index
        %get3A_638 = tpu.vector_load %arg13[%get3A_636, %get3A_637] {strides = array<i32>} : memref<112x64xf32, #tpu.memory_space<vmem>>, vector<1x16xf32>,
        %get3A_639 = vector.shape_cast %get3A_638 : vector<1x16xf32> to vector<16xf32>
        %add3A_640 = arith.addf %add3A_618, %get3A_639 : vector<16xf32>
        %get3A_641 = arith.index_cast %add3A_635 : i32 to index
        %get3A_642 = arith.constant 16 : index
        %get3A_643 = tpu.vector_load %arg13[%get3A_641, %get3A_642] {strides = array<i32>} : memref<112x64xf32, #tpu.memory_space<vmem>>, vector<1x16xf32>,
        %get3A_644 = vector.shape_cast %get3A_643 : vector<1x16xf32> to vector<16xf32>
        %add3A_645 = arith.addf %add3A_623, %get3A_644 : vector<16xf32>
        %get3A_646 = arith.index_cast %add3A_635 : i32 to index
        %get3A_647 = arith.constant 32 : index
        %get3A_648 = tpu.vector_load %arg13[%get3A_646, %get3A_647] {strides = array<i32>} : memref<112x64xf32, #tpu.memory_space<vmem>>, vector<1x16xf32>,
        %get3A_649 = vector.shape_cast %get3A_648 : vector<1x16xf32> to vector<16xf32>
        %add3A_650 = arith.addf %add3A_628, %get3A_649 : vector<16xf32>
        %get3A_651 = arith.index_cast %add3A_635 : i32 to index
        %get3A_652 = arith.constant 48 : index
        %get3A_653 = tpu.vector_load %arg13[%get3A_651, %get3A_652] {strides = array<i32>} : memref<112x64xf32, #tpu.memory_space<vmem>>, vector<1x16xf32>,
        %get3A_654 = vector.shape_cast %get3A_653 : vector<1x16xf32> to vector<16xf32>
        %add3A_655 = arith.addf %add3A_633, %get3A_654 : vector<16xf32>
        %add3A_656 = arith.constant 13 : i32
        %add3A_657 = arith.addi %mul3A_370, %add3A_656 : i32
        %get3A_658 = arith.index_cast %add3A_657 : i32 to index
        %get3A_659 = arith.constant 0 : index
        %get3A_660 = tpu.vector_load %arg13[%get3A_658, %get3A_659] {strides = array<i32>} : memref<112x64xf32, #tpu.memory_space<vmem>>, vector<1x16xf32>,
        %get3A_661 = vector.shape_cast %get3A_660 : vector<1x16xf32> to vector<16xf32>
        %add3A_662 = arith.addf %add3A_640, %get3A_661 : vector<16xf32>
        %get3A_663 = arith.index_cast %add3A_657 : i32 to index
        %get3A_664 = arith.constant 16 : index
        %get3A_665 = tpu.vector_load %arg13[%get3A_663, %get3A_664] {strides = array<i32>} : memref<112x64xf32, #tpu.memory_space<vmem>>, vector<1x16xf32>,
        %get3A_666 = vector.shape_cast %get3A_665 : vector<1x16xf32> to vector<16xf32>
        %add3A_667 = arith.addf %add3A_645, %get3A_666 : vector<16xf32>
        %get3A_668 = arith.index_cast %add3A_657 : i32 to index
        %get3A_669 = arith.constant 32 : index
        %get3A_670 = tpu.vector_load %arg13[%get3A_668, %get3A_669] {strides = array<i32>} : memref<112x64xf32, #tpu.memory_space<vmem>>, vector<1x16xf32>,
        %get3A_671 = vector.shape_cast %get3A_670 : vector<1x16xf32> to vector<16xf32>
        %add3A_672 = arith.addf %add3A_650, %get3A_671 : vector<16xf32>
        %get3A_673 = arith.index_cast %add3A_657 : i32 to index
        %get3A_674 = arith.constant 48 : index
        %get3A_675 = tpu.vector_load %arg13[%get3A_673, %get3A_674] {strides = array<i32>} : memref<112x64xf32, #tpu.memory_space<vmem>>, vector<1x16xf32>,
        %get3A_676 = vector.shape_cast %get3A_675 : vector<1x16xf32> to vector<16xf32>
        %add3A_677 = arith.addf %add3A_655, %get3A_676 : vector<16xf32>
        %add3A_678 = arith.constant 14 : i32
        %add3A_679 = arith.addi %mul3A_370, %add3A_678 : i32
        %get3A_680 = arith.index_cast %add3A_679 : i32 to index
        %get3A_681 = arith.constant 0 : index
        %get3A_682 = tpu.vector_load %arg13[%get3A_680, %get3A_681] {strides = array<i32>} : memref<112x64xf32, #tpu.memory_space<vmem>>, vector<1x16xf32>,
        %get3A_683 = vector.shape_cast %get3A_682 : vector<1x16xf32> to vector<16xf32>
        %add3A_684 = arith.addf %add3A_662, %get3A_683 : vector<16xf32>
        %get3A_685 = arith.index_cast %add3A_679 : i32 to index
        %get3A_686 = arith.constant 16 : index
        %get3A_687 = tpu.vector_load %arg13[%get3A_685, %get3A_686] {strides = array<i32>} : memref<112x64xf32, #tpu.memory_space<vmem>>, vector<1x16xf32>,
        %get3A_688 = vector.shape_cast %get3A_687 : vector<1x16xf32> to vector<16xf32>
        %add3A_689 = arith.addf %add3A_667, %get3A_688 : vector<16xf32>
        %get3A_690 = arith.index_cast %add3A_679 : i32 to index
        %get3A_691 = arith.constant 32 : index
        %get3A_692 = tpu.vector_load %arg13[%get3A_690, %get3A_691] {strides = array<i32>} : memref<112x64xf32, #tpu.memory_space<vmem>>, vector<1x16xf32>,
        %get3A_693 = vector.shape_cast %get3A_692 : vector<1x16xf32> to vector<16xf32>
        %add3A_694 = arith.addf %add3A_672, %get3A_693 : vector<16xf32>
        %get3A_695 = arith.index_cast %add3A_679 : i32 to index
        %get3A_696 = arith.constant 48 : index
        %get3A_697 = tpu.vector_load %arg13[%get3A_695, %get3A_696] {strides = array<i32>} : memref<112x64xf32, #tpu.memory_space<vmem>>, vector<1x16xf32>,
        %get3A_698 = vector.shape_cast %get3A_697 : vector<1x16xf32> to vector<16xf32>
        %add3A_699 = arith.addf %add3A_677, %get3A_698 : vector<16xf32>
        %add3A_700 = arith.constant 15 : i32
        %add3A_701 = arith.addi %mul3A_370, %add3A_700 : i32
        %get3A_702 = arith.index_cast %add3A_701 : i32 to index
        %get3A_703 = arith.constant 0 : index
        %get3A_704 = tpu.vector_load %arg13[%get3A_702, %get3A_703] {strides = array<i32>} : memref<112x64xf32, #tpu.memory_space<vmem>>, vector<1x16xf32>,
        %get3A_705 = vector.shape_cast %get3A_704 : vector<1x16xf32> to vector<16xf32>
        %add3A_706 = arith.addf %add3A_684, %get3A_705 : vector<16xf32>
        %get3A_707 = arith.index_cast %add3A_701 : i32 to index
        %get3A_708 = arith.constant 16 : index
        %get3A_709 = tpu.vector_load %arg13[%get3A_707, %get3A_708] {strides = array<i32>} : memref<112x64xf32, #tpu.memory_space<vmem>>, vector<1x16xf32>,
        %get3A_710 = vector.shape_cast %get3A_709 : vector<1x16xf32> to vector<16xf32>
        %add3A_711 = arith.addf %add3A_689, %get3A_710 : vector<16xf32>
        %get3A_712 = arith.index_cast %add3A_701 : i32 to index
        %get3A_713 = arith.constant 32 : index
        %get3A_714 = tpu.vector_load %arg13[%get3A_712, %get3A_713] {strides = array<i32>} : memref<112x64xf32, #tpu.memory_space<vmem>>, vector<1x16xf32>,
        %get3A_715 = vector.shape_cast %get3A_714 : vector<1x16xf32> to vector<16xf32>
        %add3A_716 = arith.addf %add3A_694, %get3A_715 : vector<16xf32>
        %get3A_717 = arith.index_cast %add3A_701 : i32 to index
        %get3A_718 = arith.constant 48 : index
        %get3A_719 = tpu.vector_load %arg13[%get3A_717, %get3A_718] {strides = array<i32>} : memref<112x64xf32, #tpu.memory_space<vmem>>, vector<1x16xf32>,
        %get3A_720 = vector.shape_cast %get3A_719 : vector<1x16xf32> to vector<16xf32>
        %add3A_721 = arith.addf %add3A_699, %get3A_720 : vector<16xf32>
        scf.yield %add3A_706, %add3A_711, %add3A_716, %add3A_721 : vector<16xf32>, vector<16xf32>, vector<16xf32>, vector<16xf32>
      }
      %scan3A_237 = arith.constant 7 : i32
      %add3A_238 = arith.constant 8 : i32
      %add3A_239 = arith.addi %add3A_225, %add3A_238 : i32
      %lt3A_240 = arith.constant 256 : i32
      %lt3A_241 = arith.cmpi slt, %add3A_239, %lt3A_240 : i32
      %convert_element_type3A_242 = arith.extui %lt3A_241 : i1 to i32
      %cond3A_243 = arith.constant 0 : i32
      %cond3A_244 = arith.cmpi ne, %convert_element_type3A_242, %cond3A_243 : i32
      scf.if %cond3A_244 {
        %add3A_364 = arith.constant 8 : i32
        %add3A_365 = arith.addi %add3A_225, %add3A_364 : i32
        %dma_start3A_366 = arith.constant 0 : i32
        %dma_start3A_367 = tpu.memref_slice %arg6[%add3A_365, %dma_start3A_366] : memref<256x112xi32, #tpu.memory_space<vmem>> -> memref<1x112xi32, #tpu.memory_space<vmem>>
        %dma_start3A_368 = tpu.memref_squeeze %dma_start3A_367 : memref<1x112xi32, #tpu.memory_space<vmem>> -> memref<112xi32, #tpu.memory_space<vmem>>
        %dma_start3A_369 = arith.constant 0 : i32
        %dma_start3A_370 = arith.constant 0 : i32
        %dma_start3A_371 = tpu.memref_slice %arg4[%dma_start3A_369, %dma_start3A_370] : memref<1000000x64xf32, #tpu.memory_space<hbm>> -> memref<1000000x64xf32, #tpu.memory_space<hbm>>
        tpu.enqueue_indirect_dma source(%dma_start3A_371 : memref<1000000x64xf32, #tpu.memory_space<hbm>>) target(%arg13 : memref<112x64xf32, #tpu.memory_space<vmem>>) offsets(%dma_start3A_368 : memref<112xi32, #tpu.memory_space<vmem>>) semaphore(%arg21 : memref<!tpu.dma_semaphore, #tpu.memory_space<semaphore_mem>>)
      } else {
      }
      %add3A_245 = arith.constant 5 : i32
      %add3A_246 = arith.addi %mul3A_73, %add3A_245 : i32
      %dma_wait3A_247 = arith.constant 0 : i32
      %dma_wait3A_248 = tpu.memref_slice %arg6[%add3A_246, %dma_wait3A_247] : memref<256x112xi32, #tpu.memory_space<vmem>> -> memref<1x112xi32, #tpu.memory_space<vmem>>
      %dma_wait3A_249 = tpu.memref_squeeze %dma_wait3A_248 : memref<1x112xi32, #tpu.memory_space<vmem>> -> memref<112xi32, #tpu.memory_space<vmem>>
      %dma_wait3A_250 = arith.constant 0 : i32
      %dma_wait3A_251 = arith.constant 0 : i32
      %dma_wait3A_252 = tpu.memref_slice %arg4[%dma_wait3A_250, %dma_wait3A_251] : memref<1000000x64xf32, #tpu.memory_space<hbm>> -> memref<1000000x64xf32, #tpu.memory_space<hbm>>
      tpu.wait_indirect_dma semaphore(%arg22 : memref<!tpu.dma_semaphore, #tpu.memory_space<semaphore_mem>>) src(%dma_wait3A_252 : memref<1000000x64xf32, #tpu.memory_space<hbm>>) dst(%arg14 : memref<112x64xf32, #tpu.memory_space<vmem>>)
      %scan3A_253 = arith.constant 0 : i32
      %scan3A_254 = arith.constant 7 : i32
      %scan3A_255 = arith.addi %scan3A_253, %scan3A_254 : i32
      %scan3A_256 = arith.constant 1 : i32
      %scan3A_257:4 = scf.for %scan3A_364 = %scan3A_253 to %scan3A_255 step %scan3A_256 iter_args(%scan3A_365 = %scan3A_236#0, %scan3A_366 = %scan3A_236#1, %scan3A_367 = %scan3A_236#2, %scan3A_368 = %scan3A_236#3) -> (vector<16xf32>, vector<16xf32>, vector<16xf32>, vector<16xf32>)  : i32 {
        %mul3A_369 = arith.constant 16 : i32
        %mul3A_370 = arith.muli %scan3A_364, %mul3A_369 : i32
        %add3A_371 = arith.constant 0 : i32
        %add3A_372 = arith.addi %mul3A_370, %add3A_371 : i32
        %get3A = arith.index_cast %add3A_372 : i32 to index
        %get3A_373 = arith.constant 0 : index
        %get3A_374 = tpu.vector_load %arg14[%get3A, %get3A_373] {strides = array<i32>} : memref<112x64xf32, #tpu.memory_space<vmem>>, vector<1x16xf32>,
        %get3A_375 = vector.shape_cast %get3A_374 : vector<1x16xf32> to vector<16xf32>
        %add3A_376 = arith.addf %scan3A_365, %get3A_375 : vector<16xf32>
        %get3A_377 = arith.index_cast %add3A_372 : i32 to index
        %get3A_378 = arith.constant 16 : index
        %get3A_379 = tpu.vector_load %arg14[%get3A_377, %get3A_378] {strides = array<i32>} : memref<112x64xf32, #tpu.memory_space<vmem>>, vector<1x16xf32>,
        %get3A_380 = vector.shape_cast %get3A_379 : vector<1x16xf32> to vector<16xf32>
        %add3A_381 = arith.addf %scan3A_366, %get3A_380 : vector<16xf32>
        %get3A_382 = arith.index_cast %add3A_372 : i32 to index
        %get3A_383 = arith.constant 32 : index
        %get3A_384 = tpu.vector_load %arg14[%get3A_382, %get3A_383] {strides = array<i32>} : memref<112x64xf32, #tpu.memory_space<vmem>>, vector<1x16xf32>,
        %get3A_385 = vector.shape_cast %get3A_384 : vector<1x16xf32> to vector<16xf32>
        %add3A_386 = arith.addf %scan3A_367, %get3A_385 : vector<16xf32>
        %get3A_387 = arith.index_cast %add3A_372 : i32 to index
        %get3A_388 = arith.constant 48 : index
        %get3A_389 = tpu.vector_load %arg14[%get3A_387, %get3A_388] {strides = array<i32>} : memref<112x64xf32, #tpu.memory_space<vmem>>, vector<1x16xf32>,
        %get3A_390 = vector.shape_cast %get3A_389 : vector<1x16xf32> to vector<16xf32>
        %add3A_391 = arith.addf %scan3A_368, %get3A_390 : vector<16xf32>
        %add3A_392 = arith.constant 1 : i32
        %add3A_393 = arith.addi %mul3A_370, %add3A_392 : i32
        %get3A_394 = arith.index_cast %add3A_393 : i32 to index
        %get3A_395 = arith.constant 0 : index
        %get3A_396 = tpu.vector_load %arg14[%get3A_394, %get3A_395] {strides = array<i32>} : memref<112x64xf32, #tpu.memory_space<vmem>>, vector<1x16xf32>,
        %get3A_397 = vector.shape_cast %get3A_396 : vector<1x16xf32> to vector<16xf32>
        %add3A_398 = arith.addf %add3A_376, %get3A_397 : vector<16xf32>
        %get3A_399 = arith.index_cast %add3A_393 : i32 to index
        %get3A_400 = arith.constant 16 : index
        %get3A_401 = tpu.vector_load %arg14[%get3A_399, %get3A_400] {strides = array<i32>} : memref<112x64xf32, #tpu.memory_space<vmem>>, vector<1x16xf32>,
        %get3A_402 = vector.shape_cast %get3A_401 : vector<1x16xf32> to vector<16xf32>
        %add3A_403 = arith.addf %add3A_381, %get3A_402 : vector<16xf32>
        %get3A_404 = arith.index_cast %add3A_393 : i32 to index
        %get3A_405 = arith.constant 32 : index
        %get3A_406 = tpu.vector_load %arg14[%get3A_404, %get3A_405] {strides = array<i32>} : memref<112x64xf32, #tpu.memory_space<vmem>>, vector<1x16xf32>,
        %get3A_407 = vector.shape_cast %get3A_406 : vector<1x16xf32> to vector<16xf32>
        %add3A_408 = arith.addf %add3A_386, %get3A_407 : vector<16xf32>
        %get3A_409 = arith.index_cast %add3A_393 : i32 to index
        %get3A_410 = arith.constant 48 : index
        %get3A_411 = tpu.vector_load %arg14[%get3A_409, %get3A_410] {strides = array<i32>} : memref<112x64xf32, #tpu.memory_space<vmem>>, vector<1x16xf32>,
        %get3A_412 = vector.shape_cast %get3A_411 : vector<1x16xf32> to vector<16xf32>
        %add3A_413 = arith.addf %add3A_391, %get3A_412 : vector<16xf32>
        %add3A_414 = arith.constant 2 : i32
        %add3A_415 = arith.addi %mul3A_370, %add3A_414 : i32
        %get3A_416 = arith.index_cast %add3A_415 : i32 to index
        %get3A_417 = arith.constant 0 : index
        %get3A_418 = tpu.vector_load %arg14[%get3A_416, %get3A_417] {strides = array<i32>} : memref<112x64xf32, #tpu.memory_space<vmem>>, vector<1x16xf32>,
        %get3A_419 = vector.shape_cast %get3A_418 : vector<1x16xf32> to vector<16xf32>
        %add3A_420 = arith.addf %add3A_398, %get3A_419 : vector<16xf32>
        %get3A_421 = arith.index_cast %add3A_415 : i32 to index
        %get3A_422 = arith.constant 16 : index
        %get3A_423 = tpu.vector_load %arg14[%get3A_421, %get3A_422] {strides = array<i32>} : memref<112x64xf32, #tpu.memory_space<vmem>>, vector<1x16xf32>,
        %get3A_424 = vector.shape_cast %get3A_423 : vector<1x16xf32> to vector<16xf32>
        %add3A_425 = arith.addf %add3A_403, %get3A_424 : vector<16xf32>
        %get3A_426 = arith.index_cast %add3A_415 : i32 to index
        %get3A_427 = arith.constant 32 : index
        %get3A_428 = tpu.vector_load %arg14[%get3A_426, %get3A_427] {strides = array<i32>} : memref<112x64xf32, #tpu.memory_space<vmem>>, vector<1x16xf32>,
        %get3A_429 = vector.shape_cast %get3A_428 : vector<1x16xf32> to vector<16xf32>
        %add3A_430 = arith.addf %add3A_408, %get3A_429 : vector<16xf32>
        %get3A_431 = arith.index_cast %add3A_415 : i32 to index
        %get3A_432 = arith.constant 48 : index
        %get3A_433 = tpu.vector_load %arg14[%get3A_431, %get3A_432] {strides = array<i32>} : memref<112x64xf32, #tpu.memory_space<vmem>>, vector<1x16xf32>,
        %get3A_434 = vector.shape_cast %get3A_433 : vector<1x16xf32> to vector<16xf32>
        %add3A_435 = arith.addf %add3A_413, %get3A_434 : vector<16xf32>
        %add3A_436 = arith.constant 3 : i32
        %add3A_437 = arith.addi %mul3A_370, %add3A_436 : i32
        %get3A_438 = arith.index_cast %add3A_437 : i32 to index
        %get3A_439 = arith.constant 0 : index
        %get3A_440 = tpu.vector_load %arg14[%get3A_438, %get3A_439] {strides = array<i32>} : memref<112x64xf32, #tpu.memory_space<vmem>>, vector<1x16xf32>,
        %get3A_441 = vector.shape_cast %get3A_440 : vector<1x16xf32> to vector<16xf32>
        %add3A_442 = arith.addf %add3A_420, %get3A_441 : vector<16xf32>
        %get3A_443 = arith.index_cast %add3A_437 : i32 to index
        %get3A_444 = arith.constant 16 : index
        %get3A_445 = tpu.vector_load %arg14[%get3A_443, %get3A_444] {strides = array<i32>} : memref<112x64xf32, #tpu.memory_space<vmem>>, vector<1x16xf32>,
        %get3A_446 = vector.shape_cast %get3A_445 : vector<1x16xf32> to vector<16xf32>
        %add3A_447 = arith.addf %add3A_425, %get3A_446 : vector<16xf32>
        %get3A_448 = arith.index_cast %add3A_437 : i32 to index
        %get3A_449 = arith.constant 32 : index
        %get3A_450 = tpu.vector_load %arg14[%get3A_448, %get3A_449] {strides = array<i32>} : memref<112x64xf32, #tpu.memory_space<vmem>>, vector<1x16xf32>,
        %get3A_451 = vector.shape_cast %get3A_450 : vector<1x16xf32> to vector<16xf32>
        %add3A_452 = arith.addf %add3A_430, %get3A_451 : vector<16xf32>
        %get3A_453 = arith.index_cast %add3A_437 : i32 to index
        %get3A_454 = arith.constant 48 : index
        %get3A_455 = tpu.vector_load %arg14[%get3A_453, %get3A_454] {strides = array<i32>} : memref<112x64xf32, #tpu.memory_space<vmem>>, vector<1x16xf32>,
        %get3A_456 = vector.shape_cast %get3A_455 : vector<1x16xf32> to vector<16xf32>
        %add3A_457 = arith.addf %add3A_435, %get3A_456 : vector<16xf32>
        %add3A_458 = arith.constant 4 : i32
        %add3A_459 = arith.addi %mul3A_370, %add3A_458 : i32
        %get3A_460 = arith.index_cast %add3A_459 : i32 to index
        %get3A_461 = arith.constant 0 : index
        %get3A_462 = tpu.vector_load %arg14[%get3A_460, %get3A_461] {strides = array<i32>} : memref<112x64xf32, #tpu.memory_space<vmem>>, vector<1x16xf32>,
        %get3A_463 = vector.shape_cast %get3A_462 : vector<1x16xf32> to vector<16xf32>
        %add3A_464 = arith.addf %add3A_442, %get3A_463 : vector<16xf32>
        %get3A_465 = arith.index_cast %add3A_459 : i32 to index
        %get3A_466 = arith.constant 16 : index
        %get3A_467 = tpu.vector_load %arg14[%get3A_465, %get3A_466] {strides = array<i32>} : memref<112x64xf32, #tpu.memory_space<vmem>>, vector<1x16xf32>,
        %get3A_468 = vector.shape_cast %get3A_467 : vector<1x16xf32> to vector<16xf32>
        %add3A_469 = arith.addf %add3A_447, %get3A_468 : vector<16xf32>
        %get3A_470 = arith.index_cast %add3A_459 : i32 to index
        %get3A_471 = arith.constant 32 : index
        %get3A_472 = tpu.vector_load %arg14[%get3A_470, %get3A_471] {strides = array<i32>} : memref<112x64xf32, #tpu.memory_space<vmem>>, vector<1x16xf32>,
        %get3A_473 = vector.shape_cast %get3A_472 : vector<1x16xf32> to vector<16xf32>
        %add3A_474 = arith.addf %add3A_452, %get3A_473 : vector<16xf32>
        %get3A_475 = arith.index_cast %add3A_459 : i32 to index
        %get3A_476 = arith.constant 48 : index
        %get3A_477 = tpu.vector_load %arg14[%get3A_475, %get3A_476] {strides = array<i32>} : memref<112x64xf32, #tpu.memory_space<vmem>>, vector<1x16xf32>,
        %get3A_478 = vector.shape_cast %get3A_477 : vector<1x16xf32> to vector<16xf32>
        %add3A_479 = arith.addf %add3A_457, %get3A_478 : vector<16xf32>
        %add3A_480 = arith.constant 5 : i32
        %add3A_481 = arith.addi %mul3A_370, %add3A_480 : i32
        %get3A_482 = arith.index_cast %add3A_481 : i32 to index
        %get3A_483 = arith.constant 0 : index
        %get3A_484 = tpu.vector_load %arg14[%get3A_482, %get3A_483] {strides = array<i32>} : memref<112x64xf32, #tpu.memory_space<vmem>>, vector<1x16xf32>,
        %get3A_485 = vector.shape_cast %get3A_484 : vector<1x16xf32> to vector<16xf32>
        %add3A_486 = arith.addf %add3A_464, %get3A_485 : vector<16xf32>
        %get3A_487 = arith.index_cast %add3A_481 : i32 to index
        %get3A_488 = arith.constant 16 : index
        %get3A_489 = tpu.vector_load %arg14[%get3A_487, %get3A_488] {strides = array<i32>} : memref<112x64xf32, #tpu.memory_space<vmem>>, vector<1x16xf32>,
        %get3A_490 = vector.shape_cast %get3A_489 : vector<1x16xf32> to vector<16xf32>
        %add3A_491 = arith.addf %add3A_469, %get3A_490 : vector<16xf32>
        %get3A_492 = arith.index_cast %add3A_481 : i32 to index
        %get3A_493 = arith.constant 32 : index
        %get3A_494 = tpu.vector_load %arg14[%get3A_492, %get3A_493] {strides = array<i32>} : memref<112x64xf32, #tpu.memory_space<vmem>>, vector<1x16xf32>,
        %get3A_495 = vector.shape_cast %get3A_494 : vector<1x16xf32> to vector<16xf32>
        %add3A_496 = arith.addf %add3A_474, %get3A_495 : vector<16xf32>
        %get3A_497 = arith.index_cast %add3A_481 : i32 to index
        %get3A_498 = arith.constant 48 : index
        %get3A_499 = tpu.vector_load %arg14[%get3A_497, %get3A_498] {strides = array<i32>} : memref<112x64xf32, #tpu.memory_space<vmem>>, vector<1x16xf32>,
        %get3A_500 = vector.shape_cast %get3A_499 : vector<1x16xf32> to vector<16xf32>
        %add3A_501 = arith.addf %add3A_479, %get3A_500 : vector<16xf32>
        %add3A_502 = arith.constant 6 : i32
        %add3A_503 = arith.addi %mul3A_370, %add3A_502 : i32
        %get3A_504 = arith.index_cast %add3A_503 : i32 to index
        %get3A_505 = arith.constant 0 : index
        %get3A_506 = tpu.vector_load %arg14[%get3A_504, %get3A_505] {strides = array<i32>} : memref<112x64xf32, #tpu.memory_space<vmem>>, vector<1x16xf32>,
        %get3A_507 = vector.shape_cast %get3A_506 : vector<1x16xf32> to vector<16xf32>
        %add3A_508 = arith.addf %add3A_486, %get3A_507 : vector<16xf32>
        %get3A_509 = arith.index_cast %add3A_503 : i32 to index
        %get3A_510 = arith.constant 16 : index
        %get3A_511 = tpu.vector_load %arg14[%get3A_509, %get3A_510] {strides = array<i32>} : memref<112x64xf32, #tpu.memory_space<vmem>>, vector<1x16xf32>,
        %get3A_512 = vector.shape_cast %get3A_511 : vector<1x16xf32> to vector<16xf32>
        %add3A_513 = arith.addf %add3A_491, %get3A_512 : vector<16xf32>
        %get3A_514 = arith.index_cast %add3A_503 : i32 to index
        %get3A_515 = arith.constant 32 : index
        %get3A_516 = tpu.vector_load %arg14[%get3A_514, %get3A_515] {strides = array<i32>} : memref<112x64xf32, #tpu.memory_space<vmem>>, vector<1x16xf32>,
        %get3A_517 = vector.shape_cast %get3A_516 : vector<1x16xf32> to vector<16xf32>
        %add3A_518 = arith.addf %add3A_496, %get3A_517 : vector<16xf32>
        %get3A_519 = arith.index_cast %add3A_503 : i32 to index
        %get3A_520 = arith.constant 48 : index
        %get3A_521 = tpu.vector_load %arg14[%get3A_519, %get3A_520] {strides = array<i32>} : memref<112x64xf32, #tpu.memory_space<vmem>>, vector<1x16xf32>,
        %get3A_522 = vector.shape_cast %get3A_521 : vector<1x16xf32> to vector<16xf32>
        %add3A_523 = arith.addf %add3A_501, %get3A_522 : vector<16xf32>
        %add3A_524 = arith.constant 7 : i32
        %add3A_525 = arith.addi %mul3A_370, %add3A_524 : i32
        %get3A_526 = arith.index_cast %add3A_525 : i32 to index
        %get3A_527 = arith.constant 0 : index
        %get3A_528 = tpu.vector_load %arg14[%get3A_526, %get3A_527] {strides = array<i32>} : memref<112x64xf32, #tpu.memory_space<vmem>>, vector<1x16xf32>,
        %get3A_529 = vector.shape_cast %get3A_528 : vector<1x16xf32> to vector<16xf32>
        %add3A_530 = arith.addf %add3A_508, %get3A_529 : vector<16xf32>
        %get3A_531 = arith.index_cast %add3A_525 : i32 to index
        %get3A_532 = arith.constant 16 : index
        %get3A_533 = tpu.vector_load %arg14[%get3A_531, %get3A_532] {strides = array<i32>} : memref<112x64xf32, #tpu.memory_space<vmem>>, vector<1x16xf32>,
        %get3A_534 = vector.shape_cast %get3A_533 : vector<1x16xf32> to vector<16xf32>
        %add3A_535 = arith.addf %add3A_513, %get3A_534 : vector<16xf32>
        %get3A_536 = arith.index_cast %add3A_525 : i32 to index
        %get3A_537 = arith.constant 32 : index
        %get3A_538 = tpu.vector_load %arg14[%get3A_536, %get3A_537] {strides = array<i32>} : memref<112x64xf32, #tpu.memory_space<vmem>>, vector<1x16xf32>,
        %get3A_539 = vector.shape_cast %get3A_538 : vector<1x16xf32> to vector<16xf32>
        %add3A_540 = arith.addf %add3A_518, %get3A_539 : vector<16xf32>
        %get3A_541 = arith.index_cast %add3A_525 : i32 to index
        %get3A_542 = arith.constant 48 : index
        %get3A_543 = tpu.vector_load %arg14[%get3A_541, %get3A_542] {strides = array<i32>} : memref<112x64xf32, #tpu.memory_space<vmem>>, vector<1x16xf32>,
        %get3A_544 = vector.shape_cast %get3A_543 : vector<1x16xf32> to vector<16xf32>
        %add3A_545 = arith.addf %add3A_523, %get3A_544 : vector<16xf32>
        %add3A_546 = arith.constant 8 : i32
        %add3A_547 = arith.addi %mul3A_370, %add3A_546 : i32
        %get3A_548 = arith.index_cast %add3A_547 : i32 to index
        %get3A_549 = arith.constant 0 : index
        %get3A_550 = tpu.vector_load %arg14[%get3A_548, %get3A_549] {strides = array<i32>} : memref<112x64xf32, #tpu.memory_space<vmem>>, vector<1x16xf32>,
        %get3A_551 = vector.shape_cast %get3A_550 : vector<1x16xf32> to vector<16xf32>
        %add3A_552 = arith.addf %add3A_530, %get3A_551 : vector<16xf32>
        %get3A_553 = arith.index_cast %add3A_547 : i32 to index
        %get3A_554 = arith.constant 16 : index
        %get3A_555 = tpu.vector_load %arg14[%get3A_553, %get3A_554] {strides = array<i32>} : memref<112x64xf32, #tpu.memory_space<vmem>>, vector<1x16xf32>,
        %get3A_556 = vector.shape_cast %get3A_555 : vector<1x16xf32> to vector<16xf32>
        %add3A_557 = arith.addf %add3A_535, %get3A_556 : vector<16xf32>
        %get3A_558 = arith.index_cast %add3A_547 : i32 to index
        %get3A_559 = arith.constant 32 : index
        %get3A_560 = tpu.vector_load %arg14[%get3A_558, %get3A_559] {strides = array<i32>} : memref<112x64xf32, #tpu.memory_space<vmem>>, vector<1x16xf32>,
        %get3A_561 = vector.shape_cast %get3A_560 : vector<1x16xf32> to vector<16xf32>
        %add3A_562 = arith.addf %add3A_540, %get3A_561 : vector<16xf32>
        %get3A_563 = arith.index_cast %add3A_547 : i32 to index
        %get3A_564 = arith.constant 48 : index
        %get3A_565 = tpu.vector_load %arg14[%get3A_563, %get3A_564] {strides = array<i32>} : memref<112x64xf32, #tpu.memory_space<vmem>>, vector<1x16xf32>,
        %get3A_566 = vector.shape_cast %get3A_565 : vector<1x16xf32> to vector<16xf32>
        %add3A_567 = arith.addf %add3A_545, %get3A_566 : vector<16xf32>
        %add3A_568 = arith.constant 9 : i32
        %add3A_569 = arith.addi %mul3A_370, %add3A_568 : i32
        %get3A_570 = arith.index_cast %add3A_569 : i32 to index
        %get3A_571 = arith.constant 0 : index
        %get3A_572 = tpu.vector_load %arg14[%get3A_570, %get3A_571] {strides = array<i32>} : memref<112x64xf32, #tpu.memory_space<vmem>>, vector<1x16xf32>,
        %get3A_573 = vector.shape_cast %get3A_572 : vector<1x16xf32> to vector<16xf32>
        %add3A_574 = arith.addf %add3A_552, %get3A_573 : vector<16xf32>
        %get3A_575 = arith.index_cast %add3A_569 : i32 to index
        %get3A_576 = arith.constant 16 : index
        %get3A_577 = tpu.vector_load %arg14[%get3A_575, %get3A_576] {strides = array<i32>} : memref<112x64xf32, #tpu.memory_space<vmem>>, vector<1x16xf32>,
        %get3A_578 = vector.shape_cast %get3A_577 : vector<1x16xf32> to vector<16xf32>
        %add3A_579 = arith.addf %add3A_557, %get3A_578 : vector<16xf32>
        %get3A_580 = arith.index_cast %add3A_569 : i32 to index
        %get3A_581 = arith.constant 32 : index
        %get3A_582 = tpu.vector_load %arg14[%get3A_580, %get3A_581] {strides = array<i32>} : memref<112x64xf32, #tpu.memory_space<vmem>>, vector<1x16xf32>,
        %get3A_583 = vector.shape_cast %get3A_582 : vector<1x16xf32> to vector<16xf32>
        %add3A_584 = arith.addf %add3A_562, %get3A_583 : vector<16xf32>
        %get3A_585 = arith.index_cast %add3A_569 : i32 to index
        %get3A_586 = arith.constant 48 : index
        %get3A_587 = tpu.vector_load %arg14[%get3A_585, %get3A_586] {strides = array<i32>} : memref<112x64xf32, #tpu.memory_space<vmem>>, vector<1x16xf32>,
        %get3A_588 = vector.shape_cast %get3A_587 : vector<1x16xf32> to vector<16xf32>
        %add3A_589 = arith.addf %add3A_567, %get3A_588 : vector<16xf32>
        %add3A_590 = arith.constant 10 : i32
        %add3A_591 = arith.addi %mul3A_370, %add3A_590 : i32
        %get3A_592 = arith.index_cast %add3A_591 : i32 to index
        %get3A_593 = arith.constant 0 : index
        %get3A_594 = tpu.vector_load %arg14[%get3A_592, %get3A_593] {strides = array<i32>} : memref<112x64xf32, #tpu.memory_space<vmem>>, vector<1x16xf32>,
        %get3A_595 = vector.shape_cast %get3A_594 : vector<1x16xf32> to vector<16xf32>
        %add3A_596 = arith.addf %add3A_574, %get3A_595 : vector<16xf32>
        %get3A_597 = arith.index_cast %add3A_591 : i32 to index
        %get3A_598 = arith.constant 16 : index
        %get3A_599 = tpu.vector_load %arg14[%get3A_597, %get3A_598] {strides = array<i32>} : memref<112x64xf32, #tpu.memory_space<vmem>>, vector<1x16xf32>,
        %get3A_600 = vector.shape_cast %get3A_599 : vector<1x16xf32> to vector<16xf32>
        %add3A_601 = arith.addf %add3A_579, %get3A_600 : vector<16xf32>
        %get3A_602 = arith.index_cast %add3A_591 : i32 to index
        %get3A_603 = arith.constant 32 : index
        %get3A_604 = tpu.vector_load %arg14[%get3A_602, %get3A_603] {strides = array<i32>} : memref<112x64xf32, #tpu.memory_space<vmem>>, vector<1x16xf32>,
        %get3A_605 = vector.shape_cast %get3A_604 : vector<1x16xf32> to vector<16xf32>
        %add3A_606 = arith.addf %add3A_584, %get3A_605 : vector<16xf32>
        %get3A_607 = arith.index_cast %add3A_591 : i32 to index
        %get3A_608 = arith.constant 48 : index
        %get3A_609 = tpu.vector_load %arg14[%get3A_607, %get3A_608] {strides = array<i32>} : memref<112x64xf32, #tpu.memory_space<vmem>>, vector<1x16xf32>,
        %get3A_610 = vector.shape_cast %get3A_609 : vector<1x16xf32> to vector<16xf32>
        %add3A_611 = arith.addf %add3A_589, %get3A_610 : vector<16xf32>
        %add3A_612 = arith.constant 11 : i32
        %add3A_613 = arith.addi %mul3A_370, %add3A_612 : i32
        %get3A_614 = arith.index_cast %add3A_613 : i32 to index
        %get3A_615 = arith.constant 0 : index
        %get3A_616 = tpu.vector_load %arg14[%get3A_614, %get3A_615] {strides = array<i32>} : memref<112x64xf32, #tpu.memory_space<vmem>>, vector<1x16xf32>,
        %get3A_617 = vector.shape_cast %get3A_616 : vector<1x16xf32> to vector<16xf32>
        %add3A_618 = arith.addf %add3A_596, %get3A_617 : vector<16xf32>
        %get3A_619 = arith.index_cast %add3A_613 : i32 to index
        %get3A_620 = arith.constant 16 : index
        %get3A_621 = tpu.vector_load %arg14[%get3A_619, %get3A_620] {strides = array<i32>} : memref<112x64xf32, #tpu.memory_space<vmem>>, vector<1x16xf32>,
        %get3A_622 = vector.shape_cast %get3A_621 : vector<1x16xf32> to vector<16xf32>
        %add3A_623 = arith.addf %add3A_601, %get3A_622 : vector<16xf32>
        %get3A_624 = arith.index_cast %add3A_613 : i32 to index
        %get3A_625 = arith.constant 32 : index
        %get3A_626 = tpu.vector_load %arg14[%get3A_624, %get3A_625] {strides = array<i32>} : memref<112x64xf32, #tpu.memory_space<vmem>>, vector<1x16xf32>,
        %get3A_627 = vector.shape_cast %get3A_626 : vector<1x16xf32> to vector<16xf32>
        %add3A_628 = arith.addf %add3A_606, %get3A_627 : vector<16xf32>
        %get3A_629 = arith.index_cast %add3A_613 : i32 to index
        %get3A_630 = arith.constant 48 : index
        %get3A_631 = tpu.vector_load %arg14[%get3A_629, %get3A_630] {strides = array<i32>} : memref<112x64xf32, #tpu.memory_space<vmem>>, vector<1x16xf32>,
        %get3A_632 = vector.shape_cast %get3A_631 : vector<1x16xf32> to vector<16xf32>
        %add3A_633 = arith.addf %add3A_611, %get3A_632 : vector<16xf32>
        %add3A_634 = arith.constant 12 : i32
        %add3A_635 = arith.addi %mul3A_370, %add3A_634 : i32
        %get3A_636 = arith.index_cast %add3A_635 : i32 to index
        %get3A_637 = arith.constant 0 : index
        %get3A_638 = tpu.vector_load %arg14[%get3A_636, %get3A_637] {strides = array<i32>} : memref<112x64xf32, #tpu.memory_space<vmem>>, vector<1x16xf32>,
        %get3A_639 = vector.shape_cast %get3A_638 : vector<1x16xf32> to vector<16xf32>
        %add3A_640 = arith.addf %add3A_618, %get3A_639 : vector<16xf32>
        %get3A_641 = arith.index_cast %add3A_635 : i32 to index
        %get3A_642 = arith.constant 16 : index
        %get3A_643 = tpu.vector_load %arg14[%get3A_641, %get3A_642] {strides = array<i32>} : memref<112x64xf32, #tpu.memory_space<vmem>>, vector<1x16xf32>,
        %get3A_644 = vector.shape_cast %get3A_643 : vector<1x16xf32> to vector<16xf32>
        %add3A_645 = arith.addf %add3A_623, %get3A_644 : vector<16xf32>
        %get3A_646 = arith.index_cast %add3A_635 : i32 to index
        %get3A_647 = arith.constant 32 : index
        %get3A_648 = tpu.vector_load %arg14[%get3A_646, %get3A_647] {strides = array<i32>} : memref<112x64xf32, #tpu.memory_space<vmem>>, vector<1x16xf32>,
        %get3A_649 = vector.shape_cast %get3A_648 : vector<1x16xf32> to vector<16xf32>
        %add3A_650 = arith.addf %add3A_628, %get3A_649 : vector<16xf32>
        %get3A_651 = arith.index_cast %add3A_635 : i32 to index
        %get3A_652 = arith.constant 48 : index
        %get3A_653 = tpu.vector_load %arg14[%get3A_651, %get3A_652] {strides = array<i32>} : memref<112x64xf32, #tpu.memory_space<vmem>>, vector<1x16xf32>,
        %get3A_654 = vector.shape_cast %get3A_653 : vector<1x16xf32> to vector<16xf32>
        %add3A_655 = arith.addf %add3A_633, %get3A_654 : vector<16xf32>
        %add3A_656 = arith.constant 13 : i32
        %add3A_657 = arith.addi %mul3A_370, %add3A_656 : i32
        %get3A_658 = arith.index_cast %add3A_657 : i32 to index
        %get3A_659 = arith.constant 0 : index
        %get3A_660 = tpu.vector_load %arg14[%get3A_658, %get3A_659] {strides = array<i32>} : memref<112x64xf32, #tpu.memory_space<vmem>>, vector<1x16xf32>,
        %get3A_661 = vector.shape_cast %get3A_660 : vector<1x16xf32> to vector<16xf32>
        %add3A_662 = arith.addf %add3A_640, %get3A_661 : vector<16xf32>
        %get3A_663 = arith.index_cast %add3A_657 : i32 to index
        %get3A_664 = arith.constant 16 : index
        %get3A_665 = tpu.vector_load %arg14[%get3A_663, %get3A_664] {strides = array<i32>} : memref<112x64xf32, #tpu.memory_space<vmem>>, vector<1x16xf32>,
        %get3A_666 = vector.shape_cast %get3A_665 : vector<1x16xf32> to vector<16xf32>
        %add3A_667 = arith.addf %add3A_645, %get3A_666 : vector<16xf32>
        %get3A_668 = arith.index_cast %add3A_657 : i32 to index
        %get3A_669 = arith.constant 32 : index
        %get3A_670 = tpu.vector_load %arg14[%get3A_668, %get3A_669] {strides = array<i32>} : memref<112x64xf32, #tpu.memory_space<vmem>>, vector<1x16xf32>,
        %get3A_671 = vector.shape_cast %get3A_670 : vector<1x16xf32> to vector<16xf32>
        %add3A_672 = arith.addf %add3A_650, %get3A_671 : vector<16xf32>
        %get3A_673 = arith.index_cast %add3A_657 : i32 to index
        %get3A_674 = arith.constant 48 : index
        %get3A_675 = tpu.vector_load %arg14[%get3A_673, %get3A_674] {strides = array<i32>} : memref<112x64xf32, #tpu.memory_space<vmem>>, vector<1x16xf32>,
        %get3A_676 = vector.shape_cast %get3A_675 : vector<1x16xf32> to vector<16xf32>
        %add3A_677 = arith.addf %add3A_655, %get3A_676 : vector<16xf32>
        %add3A_678 = arith.constant 14 : i32
        %add3A_679 = arith.addi %mul3A_370, %add3A_678 : i32
        %get3A_680 = arith.index_cast %add3A_679 : i32 to index
        %get3A_681 = arith.constant 0 : index
        %get3A_682 = tpu.vector_load %arg14[%get3A_680, %get3A_681] {strides = array<i32>} : memref<112x64xf32, #tpu.memory_space<vmem>>, vector<1x16xf32>,
        %get3A_683 = vector.shape_cast %get3A_682 : vector<1x16xf32> to vector<16xf32>
        %add3A_684 = arith.addf %add3A_662, %get3A_683 : vector<16xf32>
        %get3A_685 = arith.index_cast %add3A_679 : i32 to index
        %get3A_686 = arith.constant 16 : index
        %get3A_687 = tpu.vector_load %arg14[%get3A_685, %get3A_686] {strides = array<i32>} : memref<112x64xf32, #tpu.memory_space<vmem>>, vector<1x16xf32>,
        %get3A_688 = vector.shape_cast %get3A_687 : vector<1x16xf32> to vector<16xf32>
        %add3A_689 = arith.addf %add3A_667, %get3A_688 : vector<16xf32>
        %get3A_690 = arith.index_cast %add3A_679 : i32 to index
        %get3A_691 = arith.constant 32 : index
        %get3A_692 = tpu.vector_load %arg14[%get3A_690, %get3A_691] {strides = array<i32>} : memref<112x64xf32, #tpu.memory_space<vmem>>, vector<1x16xf32>,
        %get3A_693 = vector.shape_cast %get3A_692 : vector<1x16xf32> to vector<16xf32>
        %add3A_694 = arith.addf %add3A_672, %get3A_693 : vector<16xf32>
        %get3A_695 = arith.index_cast %add3A_679 : i32 to index
        %get3A_696 = arith.constant 48 : index
        %get3A_697 = tpu.vector_load %arg14[%get3A_695, %get3A_696] {strides = array<i32>} : memref<112x64xf32, #tpu.memory_space<vmem>>, vector<1x16xf32>,
        %get3A_698 = vector.shape_cast %get3A_697 : vector<1x16xf32> to vector<16xf32>
        %add3A_699 = arith.addf %add3A_677, %get3A_698 : vector<16xf32>
        %add3A_700 = arith.constant 15 : i32
        %add3A_701 = arith.addi %mul3A_370, %add3A_700 : i32
        %get3A_702 = arith.index_cast %add3A_701 : i32 to index
        %get3A_703 = arith.constant 0 : index
        %get3A_704 = tpu.vector_load %arg14[%get3A_702, %get3A_703] {strides = array<i32>} : memref<112x64xf32, #tpu.memory_space<vmem>>, vector<1x16xf32>,
        %get3A_705 = vector.shape_cast %get3A_704 : vector<1x16xf32> to vector<16xf32>
        %add3A_706 = arith.addf %add3A_684, %get3A_705 : vector<16xf32>
        %get3A_707 = arith.index_cast %add3A_701 : i32 to index
        %get3A_708 = arith.constant 16 : index
        %get3A_709 = tpu.vector_load %arg14[%get3A_707, %get3A_708] {strides = array<i32>} : memref<112x64xf32, #tpu.memory_space<vmem>>, vector<1x16xf32>,
        %get3A_710 = vector.shape_cast %get3A_709 : vector<1x16xf32> to vector<16xf32>
        %add3A_711 = arith.addf %add3A_689, %get3A_710 : vector<16xf32>
        %get3A_712 = arith.index_cast %add3A_701 : i32 to index
        %get3A_713 = arith.constant 32 : index
        %get3A_714 = tpu.vector_load %arg14[%get3A_712, %get3A_713] {strides = array<i32>} : memref<112x64xf32, #tpu.memory_space<vmem>>, vector<1x16xf32>,
        %get3A_715 = vector.shape_cast %get3A_714 : vector<1x16xf32> to vector<16xf32>
        %add3A_716 = arith.addf %add3A_694, %get3A_715 : vector<16xf32>
        %get3A_717 = arith.index_cast %add3A_701 : i32 to index
        %get3A_718 = arith.constant 48 : index
        %get3A_719 = tpu.vector_load %arg14[%get3A_717, %get3A_718] {strides = array<i32>} : memref<112x64xf32, #tpu.memory_space<vmem>>, vector<1x16xf32>,
        %get3A_720 = vector.shape_cast %get3A_719 : vector<1x16xf32> to vector<16xf32>
        %add3A_721 = arith.addf %add3A_699, %get3A_720 : vector<16xf32>
        scf.yield %add3A_706, %add3A_711, %add3A_716, %add3A_721 : vector<16xf32>, vector<16xf32>, vector<16xf32>, vector<16xf32>
      }
      %scan3A_258 = arith.constant 7 : i32
      %add3A_259 = arith.constant 8 : i32
      %add3A_260 = arith.addi %add3A_246, %add3A_259 : i32
      %lt3A_261 = arith.constant 256 : i32
      %lt3A_262 = arith.cmpi slt, %add3A_260, %lt3A_261 : i32
      %convert_element_type3A_263 = arith.extui %lt3A_262 : i1 to i32
      %cond3A_264 = arith.constant 0 : i32
      %cond3A_265 = arith.cmpi ne, %convert_element_type3A_263, %cond3A_264 : i32
      scf.if %cond3A_265 {
        %add3A_364 = arith.constant 8 : i32
        %add3A_365 = arith.addi %add3A_246, %add3A_364 : i32
        %dma_start3A_366 = arith.constant 0 : i32
        %dma_start3A_367 = tpu.memref_slice %arg6[%add3A_365, %dma_start3A_366] : memref<256x112xi32, #tpu.memory_space<vmem>> -> memref<1x112xi32, #tpu.memory_space<vmem>>
        %dma_start3A_368 = tpu.memref_squeeze %dma_start3A_367 : memref<1x112xi32, #tpu.memory_space<vmem>> -> memref<112xi32, #tpu.memory_space<vmem>>
        %dma_start3A_369 = arith.constant 0 : i32
        %dma_start3A_370 = arith.constant 0 : i32
        %dma_start3A_371 = tpu.memref_slice %arg4[%dma_start3A_369, %dma_start3A_370] : memref<1000000x64xf32, #tpu.memory_space<hbm>> -> memref<1000000x64xf32, #tpu.memory_space<hbm>>
        tpu.enqueue_indirect_dma source(%dma_start3A_371 : memref<1000000x64xf32, #tpu.memory_space<hbm>>) target(%arg14 : memref<112x64xf32, #tpu.memory_space<vmem>>) offsets(%dma_start3A_368 : memref<112xi32, #tpu.memory_space<vmem>>) semaphore(%arg22 : memref<!tpu.dma_semaphore, #tpu.memory_space<semaphore_mem>>)
      } else {
      }
      %mul3A_266 = arith.constant 4 : i32
      %mul3A_267 = arith.muli %scan3A_71, %mul3A_266 : i32
      %add3A_268 = arith.constant 2 : i32
      %add3A_269 = arith.addi %mul3A_267, %add3A_268 : i32
      %swap3A_270 = arith.index_cast %add3A_269 : i32 to index
      %swap3A_271 = arith.constant 0 : index
      %swap3A_272 = tpu.vector_load %arg8[%swap3A_270, %swap3A_271] {strides = array<i32>} : memref<128x64xf32, #tpu.memory_space<vmem>>, vector<1x16xf32>,
      %swap3A_273 = vector.shape_cast %swap3A_272 : vector<1x16xf32> to vector<16xf32>
      %swap3A_274 = vector.shape_cast %scan3A_257#0 : vector<16xf32> to vector<1x16xf32>
      tpu.vector_store %arg8[%swap3A_270, %swap3A_271], %swap3A_274 {strides = array<i32>} : memref<128x64xf32, #tpu.memory_space<vmem>>, vector<1x16xf32>,
      %swap3A_275 = arith.index_cast %add3A_269 : i32 to index
      %swap3A_276 = arith.constant 16 : index
      %swap3A_277 = tpu.vector_load %arg8[%swap3A_275, %swap3A_276] {strides = array<i32>} : memref<128x64xf32, #tpu.memory_space<vmem>>, vector<1x16xf32>,
      %swap3A_278 = vector.shape_cast %swap3A_277 : vector<1x16xf32> to vector<16xf32>
      %swap3A_279 = vector.shape_cast %scan3A_257#1 : vector<16xf32> to vector<1x16xf32>
      tpu.vector_store %arg8[%swap3A_275, %swap3A_276], %swap3A_279 {strides = array<i32>} : memref<128x64xf32, #tpu.memory_space<vmem>>, vector<1x16xf32>,
      %swap3A_280 = arith.index_cast %add3A_269 : i32 to index
      %swap3A_281 = arith.constant 32 : index
      %swap3A_282 = tpu.vector_load %arg8[%swap3A_280, %swap3A_281] {strides = array<i32>} : memref<128x64xf32, #tpu.memory_space<vmem>>, vector<1x16xf32>,
      %swap3A_283 = vector.shape_cast %swap3A_282 : vector<1x16xf32> to vector<16xf32>
      %swap3A_284 = vector.shape_cast %scan3A_257#2 : vector<16xf32> to vector<1x16xf32>
      tpu.vector_store %arg8[%swap3A_280, %swap3A_281], %swap3A_284 {strides = array<i32>} : memref<128x64xf32, #tpu.memory_space<vmem>>, vector<1x16xf32>,
      %swap3A_285 = arith.index_cast %add3A_269 : i32 to index
      %swap3A_286 = arith.constant 48 : index
      %swap3A_287 = tpu.vector_load %arg8[%swap3A_285, %swap3A_286] {strides = array<i32>} : memref<128x64xf32, #tpu.memory_space<vmem>>, vector<1x16xf32>,
      %swap3A_288 = vector.shape_cast %swap3A_287 : vector<1x16xf32> to vector<16xf32>
      %swap3A_289 = vector.shape_cast %scan3A_257#3 : vector<16xf32> to vector<1x16xf32>
      tpu.vector_store %arg8[%swap3A_285, %swap3A_286], %swap3A_289 {strides = array<i32>} : memref<128x64xf32, #tpu.memory_space<vmem>>, vector<1x16xf32>,
      %broadcast_in_dim3A_290 = arith.constant 0.000000e+00 : f32
      %broadcast_in_dim3A_291 = vector.broadcast %broadcast_in_dim3A_290 : f32 to vector<16xf32>
      %broadcast_in_dim3A_292 = arith.constant 0.000000e+00 : f32
      %broadcast_in_dim3A_293 = vector.broadcast %broadcast_in_dim3A_292 : f32 to vector<16xf32>
      %broadcast_in_dim3A_294 = arith.constant 0.000000e+00 : f32
      %broadcast_in_dim3A_295 = vector.broadcast %broadcast_in_dim3A_294 : f32 to vector<16xf32>
      %broadcast_in_dim3A_296 = arith.constant 0.000000e+00 : f32
      %broadcast_in_dim3A_297 = vector.broadcast %broadcast_in_dim3A_296 : f32 to vector<16xf32>
      %add3A_298 = arith.constant 6 : i32
      %add3A_299 = arith.addi %mul3A_73, %add3A_298 : i32
      %dma_wait3A_300 = arith.constant 0 : i32
      %dma_wait3A_301 = tpu.memref_slice %arg6[%add3A_299, %dma_wait3A_300] : memref<256x112xi32, #tpu.memory_space<vmem>> -> memref<1x112xi32, #tpu.memory_space<vmem>>
      %dma_wait3A_302 = tpu.memref_squeeze %dma_wait3A_301 : memref<1x112xi32, #tpu.memory_space<vmem>> -> memref<112xi32, #tpu.memory_space<vmem>>
      %dma_wait3A_303 = arith.constant 0 : i32
      %dma_wait3A_304 = arith.constant 0 : i32
      %dma_wait3A_305 = tpu.memref_slice %arg4[%dma_wait3A_303, %dma_wait3A_304] : memref<1000000x64xf32, #tpu.memory_space<hbm>> -> memref<1000000x64xf32, #tpu.memory_space<hbm>>
      tpu.wait_indirect_dma semaphore(%arg23 : memref<!tpu.dma_semaphore, #tpu.memory_space<semaphore_mem>>) src(%dma_wait3A_305 : memref<1000000x64xf32, #tpu.memory_space<hbm>>) dst(%arg15 : memref<112x64xf32, #tpu.memory_space<vmem>>)
      %scan3A_306 = arith.constant 0 : i32
      %scan3A_307 = arith.constant 7 : i32
      %scan3A_308 = arith.addi %scan3A_306, %scan3A_307 : i32
      %scan3A_309 = arith.constant 1 : i32
      %scan3A_310:4 = scf.for %scan3A_364 = %scan3A_306 to %scan3A_308 step %scan3A_309 iter_args(%scan3A_365 = %broadcast_in_dim3A_291, %scan3A_366 = %broadcast_in_dim3A_293, %scan3A_367 = %broadcast_in_dim3A_295, %scan3A_368 = %broadcast_in_dim3A_297) -> (vector<16xf32>, vector<16xf32>, vector<16xf32>, vector<16xf32>)  : i32 {
        %mul3A_369 = arith.constant 16 : i32
        %mul3A_370 = arith.muli %scan3A_364, %mul3A_369 : i32
        %add3A_371 = arith.constant 0 : i32
        %add3A_372 = arith.addi %mul3A_370, %add3A_371 : i32
        %get3A = arith.index_cast %add3A_372 : i32 to index
        %get3A_373 = arith.constant 0 : index
        %get3A_374 = tpu.vector_load %arg15[%get3A, %get3A_373] {strides = array<i32>} : memref<112x64xf32, #tpu.memory_space<vmem>>, vector<1x16xf32>,
        %get3A_375 = vector.shape_cast %get3A_374 : vector<1x16xf32> to vector<16xf32>
        %add3A_376 = arith.addf %scan3A_365, %get3A_375 : vector<16xf32>
        %get3A_377 = arith.index_cast %add3A_372 : i32 to index
        %get3A_378 = arith.constant 16 : index
        %get3A_379 = tpu.vector_load %arg15[%get3A_377, %get3A_378] {strides = array<i32>} : memref<112x64xf32, #tpu.memory_space<vmem>>, vector<1x16xf32>,
        %get3A_380 = vector.shape_cast %get3A_379 : vector<1x16xf32> to vector<16xf32>
        %add3A_381 = arith.addf %scan3A_366, %get3A_380 : vector<16xf32>
        %get3A_382 = arith.index_cast %add3A_372 : i32 to index
        %get3A_383 = arith.constant 32 : index
        %get3A_384 = tpu.vector_load %arg15[%get3A_382, %get3A_383] {strides = array<i32>} : memref<112x64xf32, #tpu.memory_space<vmem>>, vector<1x16xf32>,
        %get3A_385 = vector.shape_cast %get3A_384 : vector<1x16xf32> to vector<16xf32>
        %add3A_386 = arith.addf %scan3A_367, %get3A_385 : vector<16xf32>
        %get3A_387 = arith.index_cast %add3A_372 : i32 to index
        %get3A_388 = arith.constant 48 : index
        %get3A_389 = tpu.vector_load %arg15[%get3A_387, %get3A_388] {strides = array<i32>} : memref<112x64xf32, #tpu.memory_space<vmem>>, vector<1x16xf32>,
        %get3A_390 = vector.shape_cast %get3A_389 : vector<1x16xf32> to vector<16xf32>
        %add3A_391 = arith.addf %scan3A_368, %get3A_390 : vector<16xf32>
        %add3A_392 = arith.constant 1 : i32
        %add3A_393 = arith.addi %mul3A_370, %add3A_392 : i32
        %get3A_394 = arith.index_cast %add3A_393 : i32 to index
        %get3A_395 = arith.constant 0 : index
        %get3A_396 = tpu.vector_load %arg15[%get3A_394, %get3A_395] {strides = array<i32>} : memref<112x64xf32, #tpu.memory_space<vmem>>, vector<1x16xf32>,
        %get3A_397 = vector.shape_cast %get3A_396 : vector<1x16xf32> to vector<16xf32>
        %add3A_398 = arith.addf %add3A_376, %get3A_397 : vector<16xf32>
        %get3A_399 = arith.index_cast %add3A_393 : i32 to index
        %get3A_400 = arith.constant 16 : index
        %get3A_401 = tpu.vector_load %arg15[%get3A_399, %get3A_400] {strides = array<i32>} : memref<112x64xf32, #tpu.memory_space<vmem>>, vector<1x16xf32>,
        %get3A_402 = vector.shape_cast %get3A_401 : vector<1x16xf32> to vector<16xf32>
        %add3A_403 = arith.addf %add3A_381, %get3A_402 : vector<16xf32>
        %get3A_404 = arith.index_cast %add3A_393 : i32 to index
        %get3A_405 = arith.constant 32 : index
        %get3A_406 = tpu.vector_load %arg15[%get3A_404, %get3A_405] {strides = array<i32>} : memref<112x64xf32, #tpu.memory_space<vmem>>, vector<1x16xf32>,
        %get3A_407 = vector.shape_cast %get3A_406 : vector<1x16xf32> to vector<16xf32>
        %add3A_408 = arith.addf %add3A_386, %get3A_407 : vector<16xf32>
        %get3A_409 = arith.index_cast %add3A_393 : i32 to index
        %get3A_410 = arith.constant 48 : index
        %get3A_411 = tpu.vector_load %arg15[%get3A_409, %get3A_410] {strides = array<i32>} : memref<112x64xf32, #tpu.memory_space<vmem>>, vector<1x16xf32>,
        %get3A_412 = vector.shape_cast %get3A_411 : vector<1x16xf32> to vector<16xf32>
        %add3A_413 = arith.addf %add3A_391, %get3A_412 : vector<16xf32>
        %add3A_414 = arith.constant 2 : i32
        %add3A_415 = arith.addi %mul3A_370, %add3A_414 : i32
        %get3A_416 = arith.index_cast %add3A_415 : i32 to index
        %get3A_417 = arith.constant 0 : index
        %get3A_418 = tpu.vector_load %arg15[%get3A_416, %get3A_417] {strides = array<i32>} : memref<112x64xf32, #tpu.memory_space<vmem>>, vector<1x16xf32>,
        %get3A_419 = vector.shape_cast %get3A_418 : vector<1x16xf32> to vector<16xf32>
        %add3A_420 = arith.addf %add3A_398, %get3A_419 : vector<16xf32>
        %get3A_421 = arith.index_cast %add3A_415 : i32 to index
        %get3A_422 = arith.constant 16 : index
        %get3A_423 = tpu.vector_load %arg15[%get3A_421, %get3A_422] {strides = array<i32>} : memref<112x64xf32, #tpu.memory_space<vmem>>, vector<1x16xf32>,
        %get3A_424 = vector.shape_cast %get3A_423 : vector<1x16xf32> to vector<16xf32>
        %add3A_425 = arith.addf %add3A_403, %get3A_424 : vector<16xf32>
        %get3A_426 = arith.index_cast %add3A_415 : i32 to index
        %get3A_427 = arith.constant 32 : index
        %get3A_428 = tpu.vector_load %arg15[%get3A_426, %get3A_427] {strides = array<i32>} : memref<112x64xf32, #tpu.memory_space<vmem>>, vector<1x16xf32>,
        %get3A_429 = vector.shape_cast %get3A_428 : vector<1x16xf32> to vector<16xf32>
        %add3A_430 = arith.addf %add3A_408, %get3A_429 : vector<16xf32>
        %get3A_431 = arith.index_cast %add3A_415 : i32 to index
        %get3A_432 = arith.constant 48 : index
        %get3A_433 = tpu.vector_load %arg15[%get3A_431, %get3A_432] {strides = array<i32>} : memref<112x64xf32, #tpu.memory_space<vmem>>, vector<1x16xf32>,
        %get3A_434 = vector.shape_cast %get3A_433 : vector<1x16xf32> to vector<16xf32>
        %add3A_435 = arith.addf %add3A_413, %get3A_434 : vector<16xf32>
        %add3A_436 = arith.constant 3 : i32
        %add3A_437 = arith.addi %mul3A_370, %add3A_436 : i32
        %get3A_438 = arith.index_cast %add3A_437 : i32 to index
        %get3A_439 = arith.constant 0 : index
        %get3A_440 = tpu.vector_load %arg15[%get3A_438, %get3A_439] {strides = array<i32>} : memref<112x64xf32, #tpu.memory_space<vmem>>, vector<1x16xf32>,
        %get3A_441 = vector.shape_cast %get3A_440 : vector<1x16xf32> to vector<16xf32>
        %add3A_442 = arith.addf %add3A_420, %get3A_441 : vector<16xf32>
        %get3A_443 = arith.index_cast %add3A_437 : i32 to index
        %get3A_444 = arith.constant 16 : index
        %get3A_445 = tpu.vector_load %arg15[%get3A_443, %get3A_444] {strides = array<i32>} : memref<112x64xf32, #tpu.memory_space<vmem>>, vector<1x16xf32>,
        %get3A_446 = vector.shape_cast %get3A_445 : vector<1x16xf32> to vector<16xf32>
        %add3A_447 = arith.addf %add3A_425, %get3A_446 : vector<16xf32>
        %get3A_448 = arith.index_cast %add3A_437 : i32 to index
        %get3A_449 = arith.constant 32 : index
        %get3A_450 = tpu.vector_load %arg15[%get3A_448, %get3A_449] {strides = array<i32>} : memref<112x64xf32, #tpu.memory_space<vmem>>, vector<1x16xf32>,
        %get3A_451 = vector.shape_cast %get3A_450 : vector<1x16xf32> to vector<16xf32>
        %add3A_452 = arith.addf %add3A_430, %get3A_451 : vector<16xf32>
        %get3A_453 = arith.index_cast %add3A_437 : i32 to index
        %get3A_454 = arith.constant 48 : index
        %get3A_455 = tpu.vector_load %arg15[%get3A_453, %get3A_454] {strides = array<i32>} : memref<112x64xf32, #tpu.memory_space<vmem>>, vector<1x16xf32>,
        %get3A_456 = vector.shape_cast %get3A_455 : vector<1x16xf32> to vector<16xf32>
        %add3A_457 = arith.addf %add3A_435, %get3A_456 : vector<16xf32>
        %add3A_458 = arith.constant 4 : i32
        %add3A_459 = arith.addi %mul3A_370, %add3A_458 : i32
        %get3A_460 = arith.index_cast %add3A_459 : i32 to index
        %get3A_461 = arith.constant 0 : index
        %get3A_462 = tpu.vector_load %arg15[%get3A_460, %get3A_461] {strides = array<i32>} : memref<112x64xf32, #tpu.memory_space<vmem>>, vector<1x16xf32>,
        %get3A_463 = vector.shape_cast %get3A_462 : vector<1x16xf32> to vector<16xf32>
        %add3A_464 = arith.addf %add3A_442, %get3A_463 : vector<16xf32>
        %get3A_465 = arith.index_cast %add3A_459 : i32 to index
        %get3A_466 = arith.constant 16 : index
        %get3A_467 = tpu.vector_load %arg15[%get3A_465, %get3A_466] {strides = array<i32>} : memref<112x64xf32, #tpu.memory_space<vmem>>, vector<1x16xf32>,
        %get3A_468 = vector.shape_cast %get3A_467 : vector<1x16xf32> to vector<16xf32>
        %add3A_469 = arith.addf %add3A_447, %get3A_468 : vector<16xf32>
        %get3A_470 = arith.index_cast %add3A_459 : i32 to index
        %get3A_471 = arith.constant 32 : index
        %get3A_472 = tpu.vector_load %arg15[%get3A_470, %get3A_471] {strides = array<i32>} : memref<112x64xf32, #tpu.memory_space<vmem>>, vector<1x16xf32>,
        %get3A_473 = vector.shape_cast %get3A_472 : vector<1x16xf32> to vector<16xf32>
        %add3A_474 = arith.addf %add3A_452, %get3A_473 : vector<16xf32>
        %get3A_475 = arith.index_cast %add3A_459 : i32 to index
        %get3A_476 = arith.constant 48 : index
        %get3A_477 = tpu.vector_load %arg15[%get3A_475, %get3A_476] {strides = array<i32>} : memref<112x64xf32, #tpu.memory_space<vmem>>, vector<1x16xf32>,
        %get3A_478 = vector.shape_cast %get3A_477 : vector<1x16xf32> to vector<16xf32>
        %add3A_479 = arith.addf %add3A_457, %get3A_478 : vector<16xf32>
        %add3A_480 = arith.constant 5 : i32
        %add3A_481 = arith.addi %mul3A_370, %add3A_480 : i32
        %get3A_482 = arith.index_cast %add3A_481 : i32 to index
        %get3A_483 = arith.constant 0 : index
        %get3A_484 = tpu.vector_load %arg15[%get3A_482, %get3A_483] {strides = array<i32>} : memref<112x64xf32, #tpu.memory_space<vmem>>, vector<1x16xf32>,
        %get3A_485 = vector.shape_cast %get3A_484 : vector<1x16xf32> to vector<16xf32>
        %add3A_486 = arith.addf %add3A_464, %get3A_485 : vector<16xf32>
        %get3A_487 = arith.index_cast %add3A_481 : i32 to index
        %get3A_488 = arith.constant 16 : index
        %get3A_489 = tpu.vector_load %arg15[%get3A_487, %get3A_488] {strides = array<i32>} : memref<112x64xf32, #tpu.memory_space<vmem>>, vector<1x16xf32>,
        %get3A_490 = vector.shape_cast %get3A_489 : vector<1x16xf32> to vector<16xf32>
        %add3A_491 = arith.addf %add3A_469, %get3A_490 : vector<16xf32>
        %get3A_492 = arith.index_cast %add3A_481 : i32 to index
        %get3A_493 = arith.constant 32 : index
        %get3A_494 = tpu.vector_load %arg15[%get3A_492, %get3A_493] {strides = array<i32>} : memref<112x64xf32, #tpu.memory_space<vmem>>, vector<1x16xf32>,
        %get3A_495 = vector.shape_cast %get3A_494 : vector<1x16xf32> to vector<16xf32>
        %add3A_496 = arith.addf %add3A_474, %get3A_495 : vector<16xf32>
        %get3A_497 = arith.index_cast %add3A_481 : i32 to index
        %get3A_498 = arith.constant 48 : index
        %get3A_499 = tpu.vector_load %arg15[%get3A_497, %get3A_498] {strides = array<i32>} : memref<112x64xf32, #tpu.memory_space<vmem>>, vector<1x16xf32>,
        %get3A_500 = vector.shape_cast %get3A_499 : vector<1x16xf32> to vector<16xf32>
        %add3A_501 = arith.addf %add3A_479, %get3A_500 : vector<16xf32>
        %add3A_502 = arith.constant 6 : i32
        %add3A_503 = arith.addi %mul3A_370, %add3A_502 : i32
        %get3A_504 = arith.index_cast %add3A_503 : i32 to index
        %get3A_505 = arith.constant 0 : index
        %get3A_506 = tpu.vector_load %arg15[%get3A_504, %get3A_505] {strides = array<i32>} : memref<112x64xf32, #tpu.memory_space<vmem>>, vector<1x16xf32>,
        %get3A_507 = vector.shape_cast %get3A_506 : vector<1x16xf32> to vector<16xf32>
        %add3A_508 = arith.addf %add3A_486, %get3A_507 : vector<16xf32>
        %get3A_509 = arith.index_cast %add3A_503 : i32 to index
        %get3A_510 = arith.constant 16 : index
        %get3A_511 = tpu.vector_load %arg15[%get3A_509, %get3A_510] {strides = array<i32>} : memref<112x64xf32, #tpu.memory_space<vmem>>, vector<1x16xf32>,
        %get3A_512 = vector.shape_cast %get3A_511 : vector<1x16xf32> to vector<16xf32>
        %add3A_513 = arith.addf %add3A_491, %get3A_512 : vector<16xf32>
        %get3A_514 = arith.index_cast %add3A_503 : i32 to index
        %get3A_515 = arith.constant 32 : index
        %get3A_516 = tpu.vector_load %arg15[%get3A_514, %get3A_515] {strides = array<i32>} : memref<112x64xf32, #tpu.memory_space<vmem>>, vector<1x16xf32>,
        %get3A_517 = vector.shape_cast %get3A_516 : vector<1x16xf32> to vector<16xf32>
        %add3A_518 = arith.addf %add3A_496, %get3A_517 : vector<16xf32>
        %get3A_519 = arith.index_cast %add3A_503 : i32 to index
        %get3A_520 = arith.constant 48 : index
        %get3A_521 = tpu.vector_load %arg15[%get3A_519, %get3A_520] {strides = array<i32>} : memref<112x64xf32, #tpu.memory_space<vmem>>, vector<1x16xf32>,
        %get3A_522 = vector.shape_cast %get3A_521 : vector<1x16xf32> to vector<16xf32>
        %add3A_523 = arith.addf %add3A_501, %get3A_522 : vector<16xf32>
        %add3A_524 = arith.constant 7 : i32
        %add3A_525 = arith.addi %mul3A_370, %add3A_524 : i32
        %get3A_526 = arith.index_cast %add3A_525 : i32 to index
        %get3A_527 = arith.constant 0 : index
        %get3A_528 = tpu.vector_load %arg15[%get3A_526, %get3A_527] {strides = array<i32>} : memref<112x64xf32, #tpu.memory_space<vmem>>, vector<1x16xf32>,
        %get3A_529 = vector.shape_cast %get3A_528 : vector<1x16xf32> to vector<16xf32>
        %add3A_530 = arith.addf %add3A_508, %get3A_529 : vector<16xf32>
        %get3A_531 = arith.index_cast %add3A_525 : i32 to index
        %get3A_532 = arith.constant 16 : index
        %get3A_533 = tpu.vector_load %arg15[%get3A_531, %get3A_532] {strides = array<i32>} : memref<112x64xf32, #tpu.memory_space<vmem>>, vector<1x16xf32>,
        %get3A_534 = vector.shape_cast %get3A_533 : vector<1x16xf32> to vector<16xf32>
        %add3A_535 = arith.addf %add3A_513, %get3A_534 : vector<16xf32>
        %get3A_536 = arith.index_cast %add3A_525 : i32 to index
        %get3A_537 = arith.constant 32 : index
        %get3A_538 = tpu.vector_load %arg15[%get3A_536, %get3A_537] {strides = array<i32>} : memref<112x64xf32, #tpu.memory_space<vmem>>, vector<1x16xf32>,
        %get3A_539 = vector.shape_cast %get3A_538 : vector<1x16xf32> to vector<16xf32>
        %add3A_540 = arith.addf %add3A_518, %get3A_539 : vector<16xf32>
        %get3A_541 = arith.index_cast %add3A_525 : i32 to index
        %get3A_542 = arith.constant 48 : index
        %get3A_543 = tpu.vector_load %arg15[%get3A_541, %get3A_542] {strides = array<i32>} : memref<112x64xf32, #tpu.memory_space<vmem>>, vector<1x16xf32>,
        %get3A_544 = vector.shape_cast %get3A_543 : vector<1x16xf32> to vector<16xf32>
        %add3A_545 = arith.addf %add3A_523, %get3A_544 : vector<16xf32>
        %add3A_546 = arith.constant 8 : i32
        %add3A_547 = arith.addi %mul3A_370, %add3A_546 : i32
        %get3A_548 = arith.index_cast %add3A_547 : i32 to index
        %get3A_549 = arith.constant 0 : index
        %get3A_550 = tpu.vector_load %arg15[%get3A_548, %get3A_549] {strides = array<i32>} : memref<112x64xf32, #tpu.memory_space<vmem>>, vector<1x16xf32>,
        %get3A_551 = vector.shape_cast %get3A_550 : vector<1x16xf32> to vector<16xf32>
        %add3A_552 = arith.addf %add3A_530, %get3A_551 : vector<16xf32>
        %get3A_553 = arith.index_cast %add3A_547 : i32 to index
        %get3A_554 = arith.constant 16 : index
        %get3A_555 = tpu.vector_load %arg15[%get3A_553, %get3A_554] {strides = array<i32>} : memref<112x64xf32, #tpu.memory_space<vmem>>, vector<1x16xf32>,
        %get3A_556 = vector.shape_cast %get3A_555 : vector<1x16xf32> to vector<16xf32>
        %add3A_557 = arith.addf %add3A_535, %get3A_556 : vector<16xf32>
        %get3A_558 = arith.index_cast %add3A_547 : i32 to index
        %get3A_559 = arith.constant 32 : index
        %get3A_560 = tpu.vector_load %arg15[%get3A_558, %get3A_559] {strides = array<i32>} : memref<112x64xf32, #tpu.memory_space<vmem>>, vector<1x16xf32>,
        %get3A_561 = vector.shape_cast %get3A_560 : vector<1x16xf32> to vector<16xf32>
        %add3A_562 = arith.addf %add3A_540, %get3A_561 : vector<16xf32>
        %get3A_563 = arith.index_cast %add3A_547 : i32 to index
        %get3A_564 = arith.constant 48 : index
        %get3A_565 = tpu.vector_load %arg15[%get3A_563, %get3A_564] {strides = array<i32>} : memref<112x64xf32, #tpu.memory_space<vmem>>, vector<1x16xf32>,
        %get3A_566 = vector.shape_cast %get3A_565 : vector<1x16xf32> to vector<16xf32>
        %add3A_567 = arith.addf %add3A_545, %get3A_566 : vector<16xf32>
        %add3A_568 = arith.constant 9 : i32
        %add3A_569 = arith.addi %mul3A_370, %add3A_568 : i32
        %get3A_570 = arith.index_cast %add3A_569 : i32 to index
        %get3A_571 = arith.constant 0 : index
        %get3A_572 = tpu.vector_load %arg15[%get3A_570, %get3A_571] {strides = array<i32>} : memref<112x64xf32, #tpu.memory_space<vmem>>, vector<1x16xf32>,
        %get3A_573 = vector.shape_cast %get3A_572 : vector<1x16xf32> to vector<16xf32>
        %add3A_574 = arith.addf %add3A_552, %get3A_573 : vector<16xf32>
        %get3A_575 = arith.index_cast %add3A_569 : i32 to index
        %get3A_576 = arith.constant 16 : index
        %get3A_577 = tpu.vector_load %arg15[%get3A_575, %get3A_576] {strides = array<i32>} : memref<112x64xf32, #tpu.memory_space<vmem>>, vector<1x16xf32>,
        %get3A_578 = vector.shape_cast %get3A_577 : vector<1x16xf32> to vector<16xf32>
        %add3A_579 = arith.addf %add3A_557, %get3A_578 : vector<16xf32>
        %get3A_580 = arith.index_cast %add3A_569 : i32 to index
        %get3A_581 = arith.constant 32 : index
        %get3A_582 = tpu.vector_load %arg15[%get3A_580, %get3A_581] {strides = array<i32>} : memref<112x64xf32, #tpu.memory_space<vmem>>, vector<1x16xf32>,
        %get3A_583 = vector.shape_cast %get3A_582 : vector<1x16xf32> to vector<16xf32>
        %add3A_584 = arith.addf %add3A_562, %get3A_583 : vector<16xf32>
        %get3A_585 = arith.index_cast %add3A_569 : i32 to index
        %get3A_586 = arith.constant 48 : index
        %get3A_587 = tpu.vector_load %arg15[%get3A_585, %get3A_586] {strides = array<i32>} : memref<112x64xf32, #tpu.memory_space<vmem>>, vector<1x16xf32>,
        %get3A_588 = vector.shape_cast %get3A_587 : vector<1x16xf32> to vector<16xf32>
        %add3A_589 = arith.addf %add3A_567, %get3A_588 : vector<16xf32>
        %add3A_590 = arith.constant 10 : i32
        %add3A_591 = arith.addi %mul3A_370, %add3A_590 : i32
        %get3A_592 = arith.index_cast %add3A_591 : i32 to index
        %get3A_593 = arith.constant 0 : index
        %get3A_594 = tpu.vector_load %arg15[%get3A_592, %get3A_593] {strides = array<i32>} : memref<112x64xf32, #tpu.memory_space<vmem>>, vector<1x16xf32>,
        %get3A_595 = vector.shape_cast %get3A_594 : vector<1x16xf32> to vector<16xf32>
        %add3A_596 = arith.addf %add3A_574, %get3A_595 : vector<16xf32>
        %get3A_597 = arith.index_cast %add3A_591 : i32 to index
        %get3A_598 = arith.constant 16 : index
        %get3A_599 = tpu.vector_load %arg15[%get3A_597, %get3A_598] {strides = array<i32>} : memref<112x64xf32, #tpu.memory_space<vmem>>, vector<1x16xf32>,
        %get3A_600 = vector.shape_cast %get3A_599 : vector<1x16xf32> to vector<16xf32>
        %add3A_601 = arith.addf %add3A_579, %get3A_600 : vector<16xf32>
        %get3A_602 = arith.index_cast %add3A_591 : i32 to index
        %get3A_603 = arith.constant 32 : index
        %get3A_604 = tpu.vector_load %arg15[%get3A_602, %get3A_603] {strides = array<i32>} : memref<112x64xf32, #tpu.memory_space<vmem>>, vector<1x16xf32>,
        %get3A_605 = vector.shape_cast %get3A_604 : vector<1x16xf32> to vector<16xf32>
        %add3A_606 = arith.addf %add3A_584, %get3A_605 : vector<16xf32>
        %get3A_607 = arith.index_cast %add3A_591 : i32 to index
        %get3A_608 = arith.constant 48 : index
        %get3A_609 = tpu.vector_load %arg15[%get3A_607, %get3A_608] {strides = array<i32>} : memref<112x64xf32, #tpu.memory_space<vmem>>, vector<1x16xf32>,
        %get3A_610 = vector.shape_cast %get3A_609 : vector<1x16xf32> to vector<16xf32>
        %add3A_611 = arith.addf %add3A_589, %get3A_610 : vector<16xf32>
        %add3A_612 = arith.constant 11 : i32
        %add3A_613 = arith.addi %mul3A_370, %add3A_612 : i32
        %get3A_614 = arith.index_cast %add3A_613 : i32 to index
        %get3A_615 = arith.constant 0 : index
        %get3A_616 = tpu.vector_load %arg15[%get3A_614, %get3A_615] {strides = array<i32>} : memref<112x64xf32, #tpu.memory_space<vmem>>, vector<1x16xf32>,
        %get3A_617 = vector.shape_cast %get3A_616 : vector<1x16xf32> to vector<16xf32>
        %add3A_618 = arith.addf %add3A_596, %get3A_617 : vector<16xf32>
        %get3A_619 = arith.index_cast %add3A_613 : i32 to index
        %get3A_620 = arith.constant 16 : index
        %get3A_621 = tpu.vector_load %arg15[%get3A_619, %get3A_620] {strides = array<i32>} : memref<112x64xf32, #tpu.memory_space<vmem>>, vector<1x16xf32>,
        %get3A_622 = vector.shape_cast %get3A_621 : vector<1x16xf32> to vector<16xf32>
        %add3A_623 = arith.addf %add3A_601, %get3A_622 : vector<16xf32>
        %get3A_624 = arith.index_cast %add3A_613 : i32 to index
        %get3A_625 = arith.constant 32 : index
        %get3A_626 = tpu.vector_load %arg15[%get3A_624, %get3A_625] {strides = array<i32>} : memref<112x64xf32, #tpu.memory_space<vmem>>, vector<1x16xf32>,
        %get3A_627 = vector.shape_cast %get3A_626 : vector<1x16xf32> to vector<16xf32>
        %add3A_628 = arith.addf %add3A_606, %get3A_627 : vector<16xf32>
        %get3A_629 = arith.index_cast %add3A_613 : i32 to index
        %get3A_630 = arith.constant 48 : index
        %get3A_631 = tpu.vector_load %arg15[%get3A_629, %get3A_630] {strides = array<i32>} : memref<112x64xf32, #tpu.memory_space<vmem>>, vector<1x16xf32>,
        %get3A_632 = vector.shape_cast %get3A_631 : vector<1x16xf32> to vector<16xf32>
        %add3A_633 = arith.addf %add3A_611, %get3A_632 : vector<16xf32>
        %add3A_634 = arith.constant 12 : i32
        %add3A_635 = arith.addi %mul3A_370, %add3A_634 : i32
        %get3A_636 = arith.index_cast %add3A_635 : i32 to index
        %get3A_637 = arith.constant 0 : index
        %get3A_638 = tpu.vector_load %arg15[%get3A_636, %get3A_637] {strides = array<i32>} : memref<112x64xf32, #tpu.memory_space<vmem>>, vector<1x16xf32>,
        %get3A_639 = vector.shape_cast %get3A_638 : vector<1x16xf32> to vector<16xf32>
        %add3A_640 = arith.addf %add3A_618, %get3A_639 : vector<16xf32>
        %get3A_641 = arith.index_cast %add3A_635 : i32 to index
        %get3A_642 = arith.constant 16 : index
        %get3A_643 = tpu.vector_load %arg15[%get3A_641, %get3A_642] {strides = array<i32>} : memref<112x64xf32, #tpu.memory_space<vmem>>, vector<1x16xf32>,
        %get3A_644 = vector.shape_cast %get3A_643 : vector<1x16xf32> to vector<16xf32>
        %add3A_645 = arith.addf %add3A_623, %get3A_644 : vector<16xf32>
        %get3A_646 = arith.index_cast %add3A_635 : i32 to index
        %get3A_647 = arith.constant 32 : index
        %get3A_648 = tpu.vector_load %arg15[%get3A_646, %get3A_647] {strides = array<i32>} : memref<112x64xf32, #tpu.memory_space<vmem>>, vector<1x16xf32>,
        %get3A_649 = vector.shape_cast %get3A_648 : vector<1x16xf32> to vector<16xf32>
        %add3A_650 = arith.addf %add3A_628, %get3A_649 : vector<16xf32>
        %get3A_651 = arith.index_cast %add3A_635 : i32 to index
        %get3A_652 = arith.constant 48 : index
        %get3A_653 = tpu.vector_load %arg15[%get3A_651, %get3A_652] {strides = array<i32>} : memref<112x64xf32, #tpu.memory_space<vmem>>, vector<1x16xf32>,
        %get3A_654 = vector.shape_cast %get3A_653 : vector<1x16xf32> to vector<16xf32>
        %add3A_655 = arith.addf %add3A_633, %get3A_654 : vector<16xf32>
        %add3A_656 = arith.constant 13 : i32
        %add3A_657 = arith.addi %mul3A_370, %add3A_656 : i32
        %get3A_658 = arith.index_cast %add3A_657 : i32 to index
        %get3A_659 = arith.constant 0 : index
        %get3A_660 = tpu.vector_load %arg15[%get3A_658, %get3A_659] {strides = array<i32>} : memref<112x64xf32, #tpu.memory_space<vmem>>, vector<1x16xf32>,
        %get3A_661 = vector.shape_cast %get3A_660 : vector<1x16xf32> to vector<16xf32>
        %add3A_662 = arith.addf %add3A_640, %get3A_661 : vector<16xf32>
        %get3A_663 = arith.index_cast %add3A_657 : i32 to index
        %get3A_664 = arith.constant 16 : index
        %get3A_665 = tpu.vector_load %arg15[%get3A_663, %get3A_664] {strides = array<i32>} : memref<112x64xf32, #tpu.memory_space<vmem>>, vector<1x16xf32>,
        %get3A_666 = vector.shape_cast %get3A_665 : vector<1x16xf32> to vector<16xf32>
        %add3A_667 = arith.addf %add3A_645, %get3A_666 : vector<16xf32>
        %get3A_668 = arith.index_cast %add3A_657 : i32 to index
        %get3A_669 = arith.constant 32 : index
        %get3A_670 = tpu.vector_load %arg15[%get3A_668, %get3A_669] {strides = array<i32>} : memref<112x64xf32, #tpu.memory_space<vmem>>, vector<1x16xf32>,
        %get3A_671 = vector.shape_cast %get3A_670 : vector<1x16xf32> to vector<16xf32>
        %add3A_672 = arith.addf %add3A_650, %get3A_671 : vector<16xf32>
        %get3A_673 = arith.index_cast %add3A_657 : i32 to index
        %get3A_674 = arith.constant 48 : index
        %get3A_675 = tpu.vector_load %arg15[%get3A_673, %get3A_674] {strides = array<i32>} : memref<112x64xf32, #tpu.memory_space<vmem>>, vector<1x16xf32>,
        %get3A_676 = vector.shape_cast %get3A_675 : vector<1x16xf32> to vector<16xf32>
        %add3A_677 = arith.addf %add3A_655, %get3A_676 : vector<16xf32>
        %add3A_678 = arith.constant 14 : i32
        %add3A_679 = arith.addi %mul3A_370, %add3A_678 : i32
        %get3A_680 = arith.index_cast %add3A_679 : i32 to index
        %get3A_681 = arith.constant 0 : index
        %get3A_682 = tpu.vector_load %arg15[%get3A_680, %get3A_681] {strides = array<i32>} : memref<112x64xf32, #tpu.memory_space<vmem>>, vector<1x16xf32>,
        %get3A_683 = vector.shape_cast %get3A_682 : vector<1x16xf32> to vector<16xf32>
        %add3A_684 = arith.addf %add3A_662, %get3A_683 : vector<16xf32>
        %get3A_685 = arith.index_cast %add3A_679 : i32 to index
        %get3A_686 = arith.constant 16 : index
        %get3A_687 = tpu.vector_load %arg15[%get3A_685, %get3A_686] {strides = array<i32>} : memref<112x64xf32, #tpu.memory_space<vmem>>, vector<1x16xf32>,
        %get3A_688 = vector.shape_cast %get3A_687 : vector<1x16xf32> to vector<16xf32>
        %add3A_689 = arith.addf %add3A_667, %get3A_688 : vector<16xf32>
        %get3A_690 = arith.index_cast %add3A_679 : i32 to index
        %get3A_691 = arith.constant 32 : index
        %get3A_692 = tpu.vector_load %arg15[%get3A_690, %get3A_691] {strides = array<i32>} : memref<112x64xf32, #tpu.memory_space<vmem>>, vector<1x16xf32>,
        %get3A_693 = vector.shape_cast %get3A_692 : vector<1x16xf32> to vector<16xf32>
        %add3A_694 = arith.addf %add3A_672, %get3A_693 : vector<16xf32>
        %get3A_695 = arith.index_cast %add3A_679 : i32 to index
        %get3A_696 = arith.constant 48 : index
        %get3A_697 = tpu.vector_load %arg15[%get3A_695, %get3A_696] {strides = array<i32>} : memref<112x64xf32, #tpu.memory_space<vmem>>, vector<1x16xf32>,
        %get3A_698 = vector.shape_cast %get3A_697 : vector<1x16xf32> to vector<16xf32>
        %add3A_699 = arith.addf %add3A_677, %get3A_698 : vector<16xf32>
        %add3A_700 = arith.constant 15 : i32
        %add3A_701 = arith.addi %mul3A_370, %add3A_700 : i32
        %get3A_702 = arith.index_cast %add3A_701 : i32 to index
        %get3A_703 = arith.constant 0 : index
        %get3A_704 = tpu.vector_load %arg15[%get3A_702, %get3A_703] {strides = array<i32>} : memref<112x64xf32, #tpu.memory_space<vmem>>, vector<1x16xf32>,
        %get3A_705 = vector.shape_cast %get3A_704 : vector<1x16xf32> to vector<16xf32>
        %add3A_706 = arith.addf %add3A_684, %get3A_705 : vector<16xf32>
        %get3A_707 = arith.index_cast %add3A_701 : i32 to index
        %get3A_708 = arith.constant 16 : index
        %get3A_709 = tpu.vector_load %arg15[%get3A_707, %get3A_708] {strides = array<i32>} : memref<112x64xf32, #tpu.memory_space<vmem>>, vector<1x16xf32>,
        %get3A_710 = vector.shape_cast %get3A_709 : vector<1x16xf32> to vector<16xf32>
        %add3A_711 = arith.addf %add3A_689, %get3A_710 : vector<16xf32>
        %get3A_712 = arith.index_cast %add3A_701 : i32 to index
        %get3A_713 = arith.constant 32 : index
        %get3A_714 = tpu.vector_load %arg15[%get3A_712, %get3A_713] {strides = array<i32>} : memref<112x64xf32, #tpu.memory_space<vmem>>, vector<1x16xf32>,
        %get3A_715 = vector.shape_cast %get3A_714 : vector<1x16xf32> to vector<16xf32>
        %add3A_716 = arith.addf %add3A_694, %get3A_715 : vector<16xf32>
        %get3A_717 = arith.index_cast %add3A_701 : i32 to index
        %get3A_718 = arith.constant 48 : index
        %get3A_719 = tpu.vector_load %arg15[%get3A_717, %get3A_718] {strides = array<i32>} : memref<112x64xf32, #tpu.memory_space<vmem>>, vector<1x16xf32>,
        %get3A_720 = vector.shape_cast %get3A_719 : vector<1x16xf32> to vector<16xf32>
        %add3A_721 = arith.addf %add3A_699, %get3A_720 : vector<16xf32>
        scf.yield %add3A_706, %add3A_711, %add3A_716, %add3A_721 : vector<16xf32>, vector<16xf32>, vector<16xf32>, vector<16xf32>
      }
      %scan3A_311 = arith.constant 7 : i32
      %add3A_312 = arith.constant 8 : i32
      %add3A_313 = arith.addi %add3A_299, %add3A_312 : i32
      %lt3A_314 = arith.constant 256 : i32
      %lt3A_315 = arith.cmpi slt, %add3A_313, %lt3A_314 : i32
      %convert_element_type3A_316 = arith.extui %lt3A_315 : i1 to i32
      %cond3A_317 = arith.constant 0 : i32
      %cond3A_318 = arith.cmpi ne, %convert_element_type3A_316, %cond3A_317 : i32
      scf.if %cond3A_318 {
        %add3A_364 = arith.constant 8 : i32
        %add3A_365 = arith.addi %add3A_299, %add3A_364 : i32
        %dma_start3A_366 = arith.constant 0 : i32
        %dma_start3A_367 = tpu.memref_slice %arg6[%add3A_365, %dma_start3A_366] : memref<256x112xi32, #tpu.memory_space<vmem>> -> memref<1x112xi32, #tpu.memory_space<vmem>>
        %dma_start3A_368 = tpu.memref_squeeze %dma_start3A_367 : memref<1x112xi32, #tpu.memory_space<vmem>> -> memref<112xi32, #tpu.memory_space<vmem>>
        %dma_start3A_369 = arith.constant 0 : i32
        %dma_start3A_370 = arith.constant 0 : i32
        %dma_start3A_371 = tpu.memref_slice %arg4[%dma_start3A_369, %dma_start3A_370] : memref<1000000x64xf32, #tpu.memory_space<hbm>> -> memref<1000000x64xf32, #tpu.memory_space<hbm>>
        tpu.enqueue_indirect_dma source(%dma_start3A_371 : memref<1000000x64xf32, #tpu.memory_space<hbm>>) target(%arg15 : memref<112x64xf32, #tpu.memory_space<vmem>>) offsets(%dma_start3A_368 : memref<112xi32, #tpu.memory_space<vmem>>) semaphore(%arg23 : memref<!tpu.dma_semaphore, #tpu.memory_space<semaphore_mem>>)
      } else {
      }
      %add3A_319 = arith.constant 7 : i32
      %add3A_320 = arith.addi %mul3A_73, %add3A_319 : i32
      %dma_wait3A_321 = arith.constant 0 : i32
      %dma_wait3A_322 = tpu.memref_slice %arg6[%add3A_320, %dma_wait3A_321] : memref<256x112xi32, #tpu.memory_space<vmem>> -> memref<1x112xi32, #tpu.memory_space<vmem>>
      %dma_wait3A_323 = tpu.memref_squeeze %dma_wait3A_322 : memref<1x112xi32, #tpu.memory_space<vmem>> -> memref<112xi32, #tpu.memory_space<vmem>>
      %dma_wait3A_324 = arith.constant 0 : i32
      %dma_wait3A_325 = arith.constant 0 : i32
      %dma_wait3A_326 = tpu.memref_slice %arg4[%dma_wait3A_324, %dma_wait3A_325] : memref<1000000x64xf32, #tpu.memory_space<hbm>> -> memref<1000000x64xf32, #tpu.memory_space<hbm>>
      tpu.wait_indirect_dma semaphore(%arg24 : memref<!tpu.dma_semaphore, #tpu.memory_space<semaphore_mem>>) src(%dma_wait3A_326 : memref<1000000x64xf32, #tpu.memory_space<hbm>>) dst(%arg16 : memref<112x64xf32, #tpu.memory_space<vmem>>)
      %scan3A_327 = arith.constant 0 : i32
      %scan3A_328 = arith.constant 7 : i32
      %scan3A_329 = arith.addi %scan3A_327, %scan3A_328 : i32
      %scan3A_330 = arith.constant 1 : i32
      %scan3A_331:4 = scf.for %scan3A_364 = %scan3A_327 to %scan3A_329 step %scan3A_330 iter_args(%scan3A_365 = %scan3A_310#0, %scan3A_366 = %scan3A_310#1, %scan3A_367 = %scan3A_310#2, %scan3A_368 = %scan3A_310#3) -> (vector<16xf32>, vector<16xf32>, vector<16xf32>, vector<16xf32>)  : i32 {
        %mul3A_369 = arith.constant 16 : i32
        %mul3A_370 = arith.muli %scan3A_364, %mul3A_369 : i32
        %add3A_371 = arith.constant 0 : i32
        %add3A_372 = arith.addi %mul3A_370, %add3A_371 : i32
        %get3A = arith.index_cast %add3A_372 : i32 to index
        %get3A_373 = arith.constant 0 : index
        %get3A_374 = tpu.vector_load %arg16[%get3A, %get3A_373] {strides = array<i32>} : memref<112x64xf32, #tpu.memory_space<vmem>>, vector<1x16xf32>,
        %get3A_375 = vector.shape_cast %get3A_374 : vector<1x16xf32> to vector<16xf32>
        %add3A_376 = arith.addf %scan3A_365, %get3A_375 : vector<16xf32>
        %get3A_377 = arith.index_cast %add3A_372 : i32 to index
        %get3A_378 = arith.constant 16 : index
        %get3A_379 = tpu.vector_load %arg16[%get3A_377, %get3A_378] {strides = array<i32>} : memref<112x64xf32, #tpu.memory_space<vmem>>, vector<1x16xf32>,
        %get3A_380 = vector.shape_cast %get3A_379 : vector<1x16xf32> to vector<16xf32>
        %add3A_381 = arith.addf %scan3A_366, %get3A_380 : vector<16xf32>
        %get3A_382 = arith.index_cast %add3A_372 : i32 to index
        %get3A_383 = arith.constant 32 : index
        %get3A_384 = tpu.vector_load %arg16[%get3A_382, %get3A_383] {strides = array<i32>} : memref<112x64xf32, #tpu.memory_space<vmem>>, vector<1x16xf32>,
        %get3A_385 = vector.shape_cast %get3A_384 : vector<1x16xf32> to vector<16xf32>
        %add3A_386 = arith.addf %scan3A_367, %get3A_385 : vector<16xf32>
        %get3A_387 = arith.index_cast %add3A_372 : i32 to index
        %get3A_388 = arith.constant 48 : index
        %get3A_389 = tpu.vector_load %arg16[%get3A_387, %get3A_388] {strides = array<i32>} : memref<112x64xf32, #tpu.memory_space<vmem>>, vector<1x16xf32>,
        %get3A_390 = vector.shape_cast %get3A_389 : vector<1x16xf32> to vector<16xf32>
        %add3A_391 = arith.addf %scan3A_368, %get3A_390 : vector<16xf32>
        %add3A_392 = arith.constant 1 : i32
        %add3A_393 = arith.addi %mul3A_370, %add3A_392 : i32
        %get3A_394 = arith.index_cast %add3A_393 : i32 to index
        %get3A_395 = arith.constant 0 : index
        %get3A_396 = tpu.vector_load %arg16[%get3A_394, %get3A_395] {strides = array<i32>} : memref<112x64xf32, #tpu.memory_space<vmem>>, vector<1x16xf32>,
        %get3A_397 = vector.shape_cast %get3A_396 : vector<1x16xf32> to vector<16xf32>
        %add3A_398 = arith.addf %add3A_376, %get3A_397 : vector<16xf32>
        %get3A_399 = arith.index_cast %add3A_393 : i32 to index
        %get3A_400 = arith.constant 16 : index
        %get3A_401 = tpu.vector_load %arg16[%get3A_399, %get3A_400] {strides = array<i32>} : memref<112x64xf32, #tpu.memory_space<vmem>>, vector<1x16xf32>,
        %get3A_402 = vector.shape_cast %get3A_401 : vector<1x16xf32> to vector<16xf32>
        %add3A_403 = arith.addf %add3A_381, %get3A_402 : vector<16xf32>
        %get3A_404 = arith.index_cast %add3A_393 : i32 to index
        %get3A_405 = arith.constant 32 : index
        %get3A_406 = tpu.vector_load %arg16[%get3A_404, %get3A_405] {strides = array<i32>} : memref<112x64xf32, #tpu.memory_space<vmem>>, vector<1x16xf32>,
        %get3A_407 = vector.shape_cast %get3A_406 : vector<1x16xf32> to vector<16xf32>
        %add3A_408 = arith.addf %add3A_386, %get3A_407 : vector<16xf32>
        %get3A_409 = arith.index_cast %add3A_393 : i32 to index
        %get3A_410 = arith.constant 48 : index
        %get3A_411 = tpu.vector_load %arg16[%get3A_409, %get3A_410] {strides = array<i32>} : memref<112x64xf32, #tpu.memory_space<vmem>>, vector<1x16xf32>,
        %get3A_412 = vector.shape_cast %get3A_411 : vector<1x16xf32> to vector<16xf32>
        %add3A_413 = arith.addf %add3A_391, %get3A_412 : vector<16xf32>
        %add3A_414 = arith.constant 2 : i32
        %add3A_415 = arith.addi %mul3A_370, %add3A_414 : i32
        %get3A_416 = arith.index_cast %add3A_415 : i32 to index
        %get3A_417 = arith.constant 0 : index
        %get3A_418 = tpu.vector_load %arg16[%get3A_416, %get3A_417] {strides = array<i32>} : memref<112x64xf32, #tpu.memory_space<vmem>>, vector<1x16xf32>,
        %get3A_419 = vector.shape_cast %get3A_418 : vector<1x16xf32> to vector<16xf32>
        %add3A_420 = arith.addf %add3A_398, %get3A_419 : vector<16xf32>
        %get3A_421 = arith.index_cast %add3A_415 : i32 to index
        %get3A_422 = arith.constant 16 : index
        %get3A_423 = tpu.vector_load %arg16[%get3A_421, %get3A_422] {strides = array<i32>} : memref<112x64xf32, #tpu.memory_space<vmem>>, vector<1x16xf32>,
        %get3A_424 = vector.shape_cast %get3A_423 : vector<1x16xf32> to vector<16xf32>
        %add3A_425 = arith.addf %add3A_403, %get3A_424 : vector<16xf32>
        %get3A_426 = arith.index_cast %add3A_415 : i32 to index
        %get3A_427 = arith.constant 32 : index
        %get3A_428 = tpu.vector_load %arg16[%get3A_426, %get3A_427] {strides = array<i32>} : memref<112x64xf32, #tpu.memory_space<vmem>>, vector<1x16xf32>,
        %get3A_429 = vector.shape_cast %get3A_428 : vector<1x16xf32> to vector<16xf32>
        %add3A_430 = arith.addf %add3A_408, %get3A_429 : vector<16xf32>
        %get3A_431 = arith.index_cast %add3A_415 : i32 to index
        %get3A_432 = arith.constant 48 : index
        %get3A_433 = tpu.vector_load %arg16[%get3A_431, %get3A_432] {strides = array<i32>} : memref<112x64xf32, #tpu.memory_space<vmem>>, vector<1x16xf32>,
        %get3A_434 = vector.shape_cast %get3A_433 : vector<1x16xf32> to vector<16xf32>
        %add3A_435 = arith.addf %add3A_413, %get3A_434 : vector<16xf32>
        %add3A_436 = arith.constant 3 : i32
        %add3A_437 = arith.addi %mul3A_370, %add3A_436 : i32
        %get3A_438 = arith.index_cast %add3A_437 : i32 to index
        %get3A_439 = arith.constant 0 : index
        %get3A_440 = tpu.vector_load %arg16[%get3A_438, %get3A_439] {strides = array<i32>} : memref<112x64xf32, #tpu.memory_space<vmem>>, vector<1x16xf32>,
        %get3A_441 = vector.shape_cast %get3A_440 : vector<1x16xf32> to vector<16xf32>
        %add3A_442 = arith.addf %add3A_420, %get3A_441 : vector<16xf32>
        %get3A_443 = arith.index_cast %add3A_437 : i32 to index
        %get3A_444 = arith.constant 16 : index
        %get3A_445 = tpu.vector_load %arg16[%get3A_443, %get3A_444] {strides = array<i32>} : memref<112x64xf32, #tpu.memory_space<vmem>>, vector<1x16xf32>,
        %get3A_446 = vector.shape_cast %get3A_445 : vector<1x16xf32> to vector<16xf32>
        %add3A_447 = arith.addf %add3A_425, %get3A_446 : vector<16xf32>
        %get3A_448 = arith.index_cast %add3A_437 : i32 to index
        %get3A_449 = arith.constant 32 : index
        %get3A_450 = tpu.vector_load %arg16[%get3A_448, %get3A_449] {strides = array<i32>} : memref<112x64xf32, #tpu.memory_space<vmem>>, vector<1x16xf32>,
        %get3A_451 = vector.shape_cast %get3A_450 : vector<1x16xf32> to vector<16xf32>
        %add3A_452 = arith.addf %add3A_430, %get3A_451 : vector<16xf32>
        %get3A_453 = arith.index_cast %add3A_437 : i32 to index
        %get3A_454 = arith.constant 48 : index
        %get3A_455 = tpu.vector_load %arg16[%get3A_453, %get3A_454] {strides = array<i32>} : memref<112x64xf32, #tpu.memory_space<vmem>>, vector<1x16xf32>,
        %get3A_456 = vector.shape_cast %get3A_455 : vector<1x16xf32> to vector<16xf32>
        %add3A_457 = arith.addf %add3A_435, %get3A_456 : vector<16xf32>
        %add3A_458 = arith.constant 4 : i32
        %add3A_459 = arith.addi %mul3A_370, %add3A_458 : i32
        %get3A_460 = arith.index_cast %add3A_459 : i32 to index
        %get3A_461 = arith.constant 0 : index
        %get3A_462 = tpu.vector_load %arg16[%get3A_460, %get3A_461] {strides = array<i32>} : memref<112x64xf32, #tpu.memory_space<vmem>>, vector<1x16xf32>,
        %get3A_463 = vector.shape_cast %get3A_462 : vector<1x16xf32> to vector<16xf32>
        %add3A_464 = arith.addf %add3A_442, %get3A_463 : vector<16xf32>
        %get3A_465 = arith.index_cast %add3A_459 : i32 to index
        %get3A_466 = arith.constant 16 : index
        %get3A_467 = tpu.vector_load %arg16[%get3A_465, %get3A_466] {strides = array<i32>} : memref<112x64xf32, #tpu.memory_space<vmem>>, vector<1x16xf32>,
        %get3A_468 = vector.shape_cast %get3A_467 : vector<1x16xf32> to vector<16xf32>
        %add3A_469 = arith.addf %add3A_447, %get3A_468 : vector<16xf32>
        %get3A_470 = arith.index_cast %add3A_459 : i32 to index
        %get3A_471 = arith.constant 32 : index
        %get3A_472 = tpu.vector_load %arg16[%get3A_470, %get3A_471] {strides = array<i32>} : memref<112x64xf32, #tpu.memory_space<vmem>>, vector<1x16xf32>,
        %get3A_473 = vector.shape_cast %get3A_472 : vector<1x16xf32> to vector<16xf32>
        %add3A_474 = arith.addf %add3A_452, %get3A_473 : vector<16xf32>
        %get3A_475 = arith.index_cast %add3A_459 : i32 to index
        %get3A_476 = arith.constant 48 : index
        %get3A_477 = tpu.vector_load %arg16[%get3A_475, %get3A_476] {strides = array<i32>} : memref<112x64xf32, #tpu.memory_space<vmem>>, vector<1x16xf32>,
        %get3A_478 = vector.shape_cast %get3A_477 : vector<1x16xf32> to vector<16xf32>
        %add3A_479 = arith.addf %add3A_457, %get3A_478 : vector<16xf32>
        %add3A_480 = arith.constant 5 : i32
        %add3A_481 = arith.addi %mul3A_370, %add3A_480 : i32
        %get3A_482 = arith.index_cast %add3A_481 : i32 to index
        %get3A_483 = arith.constant 0 : index
        %get3A_484 = tpu.vector_load %arg16[%get3A_482, %get3A_483] {strides = array<i32>} : memref<112x64xf32, #tpu.memory_space<vmem>>, vector<1x16xf32>,
        %get3A_485 = vector.shape_cast %get3A_484 : vector<1x16xf32> to vector<16xf32>
        %add3A_486 = arith.addf %add3A_464, %get3A_485 : vector<16xf32>
        %get3A_487 = arith.index_cast %add3A_481 : i32 to index
        %get3A_488 = arith.constant 16 : index
        %get3A_489 = tpu.vector_load %arg16[%get3A_487, %get3A_488] {strides = array<i32>} : memref<112x64xf32, #tpu.memory_space<vmem>>, vector<1x16xf32>,
        %get3A_490 = vector.shape_cast %get3A_489 : vector<1x16xf32> to vector<16xf32>
        %add3A_491 = arith.addf %add3A_469, %get3A_490 : vector<16xf32>
        %get3A_492 = arith.index_cast %add3A_481 : i32 to index
        %get3A_493 = arith.constant 32 : index
        %get3A_494 = tpu.vector_load %arg16[%get3A_492, %get3A_493] {strides = array<i32>} : memref<112x64xf32, #tpu.memory_space<vmem>>, vector<1x16xf32>,
        %get3A_495 = vector.shape_cast %get3A_494 : vector<1x16xf32> to vector<16xf32>
        %add3A_496 = arith.addf %add3A_474, %get3A_495 : vector<16xf32>
        %get3A_497 = arith.index_cast %add3A_481 : i32 to index
        %get3A_498 = arith.constant 48 : index
        %get3A_499 = tpu.vector_load %arg16[%get3A_497, %get3A_498] {strides = array<i32>} : memref<112x64xf32, #tpu.memory_space<vmem>>, vector<1x16xf32>,
        %get3A_500 = vector.shape_cast %get3A_499 : vector<1x16xf32> to vector<16xf32>
        %add3A_501 = arith.addf %add3A_479, %get3A_500 : vector<16xf32>
        %add3A_502 = arith.constant 6 : i32
        %add3A_503 = arith.addi %mul3A_370, %add3A_502 : i32
        %get3A_504 = arith.index_cast %add3A_503 : i32 to index
        %get3A_505 = arith.constant 0 : index
        %get3A_506 = tpu.vector_load %arg16[%get3A_504, %get3A_505] {strides = array<i32>} : memref<112x64xf32, #tpu.memory_space<vmem>>, vector<1x16xf32>,
        %get3A_507 = vector.shape_cast %get3A_506 : vector<1x16xf32> to vector<16xf32>
        %add3A_508 = arith.addf %add3A_486, %get3A_507 : vector<16xf32>
        %get3A_509 = arith.index_cast %add3A_503 : i32 to index
        %get3A_510 = arith.constant 16 : index
        %get3A_511 = tpu.vector_load %arg16[%get3A_509, %get3A_510] {strides = array<i32>} : memref<112x64xf32, #tpu.memory_space<vmem>>, vector<1x16xf32>,
        %get3A_512 = vector.shape_cast %get3A_511 : vector<1x16xf32> to vector<16xf32>
        %add3A_513 = arith.addf %add3A_491, %get3A_512 : vector<16xf32>
        %get3A_514 = arith.index_cast %add3A_503 : i32 to index
        %get3A_515 = arith.constant 32 : index
        %get3A_516 = tpu.vector_load %arg16[%get3A_514, %get3A_515] {strides = array<i32>} : memref<112x64xf32, #tpu.memory_space<vmem>>, vector<1x16xf32>,
        %get3A_517 = vector.shape_cast %get3A_516 : vector<1x16xf32> to vector<16xf32>
        %add3A_518 = arith.addf %add3A_496, %get3A_517 : vector<16xf32>
        %get3A_519 = arith.index_cast %add3A_503 : i32 to index
        %get3A_520 = arith.constant 48 : index
        %get3A_521 = tpu.vector_load %arg16[%get3A_519, %get3A_520] {strides = array<i32>} : memref<112x64xf32, #tpu.memory_space<vmem>>, vector<1x16xf32>,
        %get3A_522 = vector.shape_cast %get3A_521 : vector<1x16xf32> to vector<16xf32>
        %add3A_523 = arith.addf %add3A_501, %get3A_522 : vector<16xf32>
        %add3A_524 = arith.constant 7 : i32
        %add3A_525 = arith.addi %mul3A_370, %add3A_524 : i32
        %get3A_526 = arith.index_cast %add3A_525 : i32 to index
        %get3A_527 = arith.constant 0 : index
        %get3A_528 = tpu.vector_load %arg16[%get3A_526, %get3A_527] {strides = array<i32>} : memref<112x64xf32, #tpu.memory_space<vmem>>, vector<1x16xf32>,
        %get3A_529 = vector.shape_cast %get3A_528 : vector<1x16xf32> to vector<16xf32>
        %add3A_530 = arith.addf %add3A_508, %get3A_529 : vector<16xf32>
        %get3A_531 = arith.index_cast %add3A_525 : i32 to index
        %get3A_532 = arith.constant 16 : index
        %get3A_533 = tpu.vector_load %arg16[%get3A_531, %get3A_532] {strides = array<i32>} : memref<112x64xf32, #tpu.memory_space<vmem>>, vector<1x16xf32>,
        %get3A_534 = vector.shape_cast %get3A_533 : vector<1x16xf32> to vector<16xf32>
        %add3A_535 = arith.addf %add3A_513, %get3A_534 : vector<16xf32>
        %get3A_536 = arith.index_cast %add3A_525 : i32 to index
        %get3A_537 = arith.constant 32 : index
        %get3A_538 = tpu.vector_load %arg16[%get3A_536, %get3A_537] {strides = array<i32>} : memref<112x64xf32, #tpu.memory_space<vmem>>, vector<1x16xf32>,
        %get3A_539 = vector.shape_cast %get3A_538 : vector<1x16xf32> to vector<16xf32>
        %add3A_540 = arith.addf %add3A_518, %get3A_539 : vector<16xf32>
        %get3A_541 = arith.index_cast %add3A_525 : i32 to index
        %get3A_542 = arith.constant 48 : index
        %get3A_543 = tpu.vector_load %arg16[%get3A_541, %get3A_542] {strides = array<i32>} : memref<112x64xf32, #tpu.memory_space<vmem>>, vector<1x16xf32>,
        %get3A_544 = vector.shape_cast %get3A_543 : vector<1x16xf32> to vector<16xf32>
        %add3A_545 = arith.addf %add3A_523, %get3A_544 : vector<16xf32>
        %add3A_546 = arith.constant 8 : i32
        %add3A_547 = arith.addi %mul3A_370, %add3A_546 : i32
        %get3A_548 = arith.index_cast %add3A_547 : i32 to index
        %get3A_549 = arith.constant 0 : index
        %get3A_550 = tpu.vector_load %arg16[%get3A_548, %get3A_549] {strides = array<i32>} : memref<112x64xf32, #tpu.memory_space<vmem>>, vector<1x16xf32>,
        %get3A_551 = vector.shape_cast %get3A_550 : vector<1x16xf32> to vector<16xf32>
        %add3A_552 = arith.addf %add3A_530, %get3A_551 : vector<16xf32>
        %get3A_553 = arith.index_cast %add3A_547 : i32 to index
        %get3A_554 = arith.constant 16 : index
        %get3A_555 = tpu.vector_load %arg16[%get3A_553, %get3A_554] {strides = array<i32>} : memref<112x64xf32, #tpu.memory_space<vmem>>, vector<1x16xf32>,
        %get3A_556 = vector.shape_cast %get3A_555 : vector<1x16xf32> to vector<16xf32>
        %add3A_557 = arith.addf %add3A_535, %get3A_556 : vector<16xf32>
        %get3A_558 = arith.index_cast %add3A_547 : i32 to index
        %get3A_559 = arith.constant 32 : index
        %get3A_560 = tpu.vector_load %arg16[%get3A_558, %get3A_559] {strides = array<i32>} : memref<112x64xf32, #tpu.memory_space<vmem>>, vector<1x16xf32>,
        %get3A_561 = vector.shape_cast %get3A_560 : vector<1x16xf32> to vector<16xf32>
        %add3A_562 = arith.addf %add3A_540, %get3A_561 : vector<16xf32>
        %get3A_563 = arith.index_cast %add3A_547 : i32 to index
        %get3A_564 = arith.constant 48 : index
        %get3A_565 = tpu.vector_load %arg16[%get3A_563, %get3A_564] {strides = array<i32>} : memref<112x64xf32, #tpu.memory_space<vmem>>, vector<1x16xf32>,
        %get3A_566 = vector.shape_cast %get3A_565 : vector<1x16xf32> to vector<16xf32>
        %add3A_567 = arith.addf %add3A_545, %get3A_566 : vector<16xf32>
        %add3A_568 = arith.constant 9 : i32
        %add3A_569 = arith.addi %mul3A_370, %add3A_568 : i32
        %get3A_570 = arith.index_cast %add3A_569 : i32 to index
        %get3A_571 = arith.constant 0 : index
        %get3A_572 = tpu.vector_load %arg16[%get3A_570, %get3A_571] {strides = array<i32>} : memref<112x64xf32, #tpu.memory_space<vmem>>, vector<1x16xf32>,
        %get3A_573 = vector.shape_cast %get3A_572 : vector<1x16xf32> to vector<16xf32>
        %add3A_574 = arith.addf %add3A_552, %get3A_573 : vector<16xf32>
        %get3A_575 = arith.index_cast %add3A_569 : i32 to index
        %get3A_576 = arith.constant 16 : index
        %get3A_577 = tpu.vector_load %arg16[%get3A_575, %get3A_576] {strides = array<i32>} : memref<112x64xf32, #tpu.memory_space<vmem>>, vector<1x16xf32>,
        %get3A_578 = vector.shape_cast %get3A_577 : vector<1x16xf32> to vector<16xf32>
        %add3A_579 = arith.addf %add3A_557, %get3A_578 : vector<16xf32>
        %get3A_580 = arith.index_cast %add3A_569 : i32 to index
        %get3A_581 = arith.constant 32 : index
        %get3A_582 = tpu.vector_load %arg16[%get3A_580, %get3A_581] {strides = array<i32>} : memref<112x64xf32, #tpu.memory_space<vmem>>, vector<1x16xf32>,
        %get3A_583 = vector.shape_cast %get3A_582 : vector<1x16xf32> to vector<16xf32>
        %add3A_584 = arith.addf %add3A_562, %get3A_583 : vector<16xf32>
        %get3A_585 = arith.index_cast %add3A_569 : i32 to index
        %get3A_586 = arith.constant 48 : index
        %get3A_587 = tpu.vector_load %arg16[%get3A_585, %get3A_586] {strides = array<i32>} : memref<112x64xf32, #tpu.memory_space<vmem>>, vector<1x16xf32>,
        %get3A_588 = vector.shape_cast %get3A_587 : vector<1x16xf32> to vector<16xf32>
        %add3A_589 = arith.addf %add3A_567, %get3A_588 : vector<16xf32>
        %add3A_590 = arith.constant 10 : i32
        %add3A_591 = arith.addi %mul3A_370, %add3A_590 : i32
        %get3A_592 = arith.index_cast %add3A_591 : i32 to index
        %get3A_593 = arith.constant 0 : index
        %get3A_594 = tpu.vector_load %arg16[%get3A_592, %get3A_593] {strides = array<i32>} : memref<112x64xf32, #tpu.memory_space<vmem>>, vector<1x16xf32>,
        %get3A_595 = vector.shape_cast %get3A_594 : vector<1x16xf32> to vector<16xf32>
        %add3A_596 = arith.addf %add3A_574, %get3A_595 : vector<16xf32>
        %get3A_597 = arith.index_cast %add3A_591 : i32 to index
        %get3A_598 = arith.constant 16 : index
        %get3A_599 = tpu.vector_load %arg16[%get3A_597, %get3A_598] {strides = array<i32>} : memref<112x64xf32, #tpu.memory_space<vmem>>, vector<1x16xf32>,
        %get3A_600 = vector.shape_cast %get3A_599 : vector<1x16xf32> to vector<16xf32>
        %add3A_601 = arith.addf %add3A_579, %get3A_600 : vector<16xf32>
        %get3A_602 = arith.index_cast %add3A_591 : i32 to index
        %get3A_603 = arith.constant 32 : index
        %get3A_604 = tpu.vector_load %arg16[%get3A_602, %get3A_603] {strides = array<i32>} : memref<112x64xf32, #tpu.memory_space<vmem>>, vector<1x16xf32>,
        %get3A_605 = vector.shape_cast %get3A_604 : vector<1x16xf32> to vector<16xf32>
        %add3A_606 = arith.addf %add3A_584, %get3A_605 : vector<16xf32>
        %get3A_607 = arith.index_cast %add3A_591 : i32 to index
        %get3A_608 = arith.constant 48 : index
        %get3A_609 = tpu.vector_load %arg16[%get3A_607, %get3A_608] {strides = array<i32>} : memref<112x64xf32, #tpu.memory_space<vmem>>, vector<1x16xf32>,
        %get3A_610 = vector.shape_cast %get3A_609 : vector<1x16xf32> to vector<16xf32>
        %add3A_611 = arith.addf %add3A_589, %get3A_610 : vector<16xf32>
        %add3A_612 = arith.constant 11 : i32
        %add3A_613 = arith.addi %mul3A_370, %add3A_612 : i32
        %get3A_614 = arith.index_cast %add3A_613 : i32 to index
        %get3A_615 = arith.constant 0 : index
        %get3A_616 = tpu.vector_load %arg16[%get3A_614, %get3A_615] {strides = array<i32>} : memref<112x64xf32, #tpu.memory_space<vmem>>, vector<1x16xf32>,
        %get3A_617 = vector.shape_cast %get3A_616 : vector<1x16xf32> to vector<16xf32>
        %add3A_618 = arith.addf %add3A_596, %get3A_617 : vector<16xf32>
        %get3A_619 = arith.index_cast %add3A_613 : i32 to index
        %get3A_620 = arith.constant 16 : index
        %get3A_621 = tpu.vector_load %arg16[%get3A_619, %get3A_620] {strides = array<i32>} : memref<112x64xf32, #tpu.memory_space<vmem>>, vector<1x16xf32>,
        %get3A_622 = vector.shape_cast %get3A_621 : vector<1x16xf32> to vector<16xf32>
        %add3A_623 = arith.addf %add3A_601, %get3A_622 : vector<16xf32>
        %get3A_624 = arith.index_cast %add3A_613 : i32 to index
        %get3A_625 = arith.constant 32 : index
        %get3A_626 = tpu.vector_load %arg16[%get3A_624, %get3A_625] {strides = array<i32>} : memref<112x64xf32, #tpu.memory_space<vmem>>, vector<1x16xf32>,
        %get3A_627 = vector.shape_cast %get3A_626 : vector<1x16xf32> to vector<16xf32>
        %add3A_628 = arith.addf %add3A_606, %get3A_627 : vector<16xf32>
        %get3A_629 = arith.index_cast %add3A_613 : i32 to index
        %get3A_630 = arith.constant 48 : index
        %get3A_631 = tpu.vector_load %arg16[%get3A_629, %get3A_630] {strides = array<i32>} : memref<112x64xf32, #tpu.memory_space<vmem>>, vector<1x16xf32>,
        %get3A_632 = vector.shape_cast %get3A_631 : vector<1x16xf32> to vector<16xf32>
        %add3A_633 = arith.addf %add3A_611, %get3A_632 : vector<16xf32>
        %add3A_634 = arith.constant 12 : i32
        %add3A_635 = arith.addi %mul3A_370, %add3A_634 : i32
        %get3A_636 = arith.index_cast %add3A_635 : i32 to index
        %get3A_637 = arith.constant 0 : index
        %get3A_638 = tpu.vector_load %arg16[%get3A_636, %get3A_637] {strides = array<i32>} : memref<112x64xf32, #tpu.memory_space<vmem>>, vector<1x16xf32>,
        %get3A_639 = vector.shape_cast %get3A_638 : vector<1x16xf32> to vector<16xf32>
        %add3A_640 = arith.addf %add3A_618, %get3A_639 : vector<16xf32>
        %get3A_641 = arith.index_cast %add3A_635 : i32 to index
        %get3A_642 = arith.constant 16 : index
        %get3A_643 = tpu.vector_load %arg16[%get3A_641, %get3A_642] {strides = array<i32>} : memref<112x64xf32, #tpu.memory_space<vmem>>, vector<1x16xf32>,
        %get3A_644 = vector.shape_cast %get3A_643 : vector<1x16xf32> to vector<16xf32>
        %add3A_645 = arith.addf %add3A_623, %get3A_644 : vector<16xf32>
        %get3A_646 = arith.index_cast %add3A_635 : i32 to index
        %get3A_647 = arith.constant 32 : index
        %get3A_648 = tpu.vector_load %arg16[%get3A_646, %get3A_647] {strides = array<i32>} : memref<112x64xf32, #tpu.memory_space<vmem>>, vector<1x16xf32>,
        %get3A_649 = vector.shape_cast %get3A_648 : vector<1x16xf32> to vector<16xf32>
        %add3A_650 = arith.addf %add3A_628, %get3A_649 : vector<16xf32>
        %get3A_651 = arith.index_cast %add3A_635 : i32 to index
        %get3A_652 = arith.constant 48 : index
        %get3A_653 = tpu.vector_load %arg16[%get3A_651, %get3A_652] {strides = array<i32>} : memref<112x64xf32, #tpu.memory_space<vmem>>, vector<1x16xf32>,
        %get3A_654 = vector.shape_cast %get3A_653 : vector<1x16xf32> to vector<16xf32>
        %add3A_655 = arith.addf %add3A_633, %get3A_654 : vector<16xf32>
        %add3A_656 = arith.constant 13 : i32
        %add3A_657 = arith.addi %mul3A_370, %add3A_656 : i32
        %get3A_658 = arith.index_cast %add3A_657 : i32 to index
        %get3A_659 = arith.constant 0 : index
        %get3A_660 = tpu.vector_load %arg16[%get3A_658, %get3A_659] {strides = array<i32>} : memref<112x64xf32, #tpu.memory_space<vmem>>, vector<1x16xf32>,
        %get3A_661 = vector.shape_cast %get3A_660 : vector<1x16xf32> to vector<16xf32>
        %add3A_662 = arith.addf %add3A_640, %get3A_661 : vector<16xf32>
        %get3A_663 = arith.index_cast %add3A_657 : i32 to index
        %get3A_664 = arith.constant 16 : index
        %get3A_665 = tpu.vector_load %arg16[%get3A_663, %get3A_664] {strides = array<i32>} : memref<112x64xf32, #tpu.memory_space<vmem>>, vector<1x16xf32>,
        %get3A_666 = vector.shape_cast %get3A_665 : vector<1x16xf32> to vector<16xf32>
        %add3A_667 = arith.addf %add3A_645, %get3A_666 : vector<16xf32>
        %get3A_668 = arith.index_cast %add3A_657 : i32 to index
        %get3A_669 = arith.constant 32 : index
        %get3A_670 = tpu.vector_load %arg16[%get3A_668, %get3A_669] {strides = array<i32>} : memref<112x64xf32, #tpu.memory_space<vmem>>, vector<1x16xf32>,
        %get3A_671 = vector.shape_cast %get3A_670 : vector<1x16xf32> to vector<16xf32>
        %add3A_672 = arith.addf %add3A_650, %get3A_671 : vector<16xf32>
        %get3A_673 = arith.index_cast %add3A_657 : i32 to index
        %get3A_674 = arith.constant 48 : index
        %get3A_675 = tpu.vector_load %arg16[%get3A_673, %get3A_674] {strides = array<i32>} : memref<112x64xf32, #tpu.memory_space<vmem>>, vector<1x16xf32>,
        %get3A_676 = vector.shape_cast %get3A_675 : vector<1x16xf32> to vector<16xf32>
        %add3A_677 = arith.addf %add3A_655, %get3A_676 : vector<16xf32>
        %add3A_678 = arith.constant 14 : i32
        %add3A_679 = arith.addi %mul3A_370, %add3A_678 : i32
        %get3A_680 = arith.index_cast %add3A_679 : i32 to index
        %get3A_681 = arith.constant 0 : index
        %get3A_682 = tpu.vector_load %arg16[%get3A_680, %get3A_681] {strides = array<i32>} : memref<112x64xf32, #tpu.memory_space<vmem>>, vector<1x16xf32>,
        %get3A_683 = vector.shape_cast %get3A_682 : vector<1x16xf32> to vector<16xf32>
        %add3A_684 = arith.addf %add3A_662, %get3A_683 : vector<16xf32>
        %get3A_685 = arith.index_cast %add3A_679 : i32 to index
        %get3A_686 = arith.constant 16 : index
        %get3A_687 = tpu.vector_load %arg16[%get3A_685, %get3A_686] {strides = array<i32>} : memref<112x64xf32, #tpu.memory_space<vmem>>, vector<1x16xf32>,
        %get3A_688 = vector.shape_cast %get3A_687 : vector<1x16xf32> to vector<16xf32>
        %add3A_689 = arith.addf %add3A_667, %get3A_688 : vector<16xf32>
        %get3A_690 = arith.index_cast %add3A_679 : i32 to index
        %get3A_691 = arith.constant 32 : index
        %get3A_692 = tpu.vector_load %arg16[%get3A_690, %get3A_691] {strides = array<i32>} : memref<112x64xf32, #tpu.memory_space<vmem>>, vector<1x16xf32>,
        %get3A_693 = vector.shape_cast %get3A_692 : vector<1x16xf32> to vector<16xf32>
        %add3A_694 = arith.addf %add3A_672, %get3A_693 : vector<16xf32>
        %get3A_695 = arith.index_cast %add3A_679 : i32 to index
        %get3A_696 = arith.constant 48 : index
        %get3A_697 = tpu.vector_load %arg16[%get3A_695, %get3A_696] {strides = array<i32>} : memref<112x64xf32, #tpu.memory_space<vmem>>, vector<1x16xf32>,
        %get3A_698 = vector.shape_cast %get3A_697 : vector<1x16xf32> to vector<16xf32>
        %add3A_699 = arith.addf %add3A_677, %get3A_698 : vector<16xf32>
        %add3A_700 = arith.constant 15 : i32
        %add3A_701 = arith.addi %mul3A_370, %add3A_700 : i32
        %get3A_702 = arith.index_cast %add3A_701 : i32 to index
        %get3A_703 = arith.constant 0 : index
        %get3A_704 = tpu.vector_load %arg16[%get3A_702, %get3A_703] {strides = array<i32>} : memref<112x64xf32, #tpu.memory_space<vmem>>, vector<1x16xf32>,
        %get3A_705 = vector.shape_cast %get3A_704 : vector<1x16xf32> to vector<16xf32>
        %add3A_706 = arith.addf %add3A_684, %get3A_705 : vector<16xf32>
        %get3A_707 = arith.index_cast %add3A_701 : i32 to index
        %get3A_708 = arith.constant 16 : index
        %get3A_709 = tpu.vector_load %arg16[%get3A_707, %get3A_708] {strides = array<i32>} : memref<112x64xf32, #tpu.memory_space<vmem>>, vector<1x16xf32>,
        %get3A_710 = vector.shape_cast %get3A_709 : vector<1x16xf32> to vector<16xf32>
        %add3A_711 = arith.addf %add3A_689, %get3A_710 : vector<16xf32>
        %get3A_712 = arith.index_cast %add3A_701 : i32 to index
        %get3A_713 = arith.constant 32 : index
        %get3A_714 = tpu.vector_load %arg16[%get3A_712, %get3A_713] {strides = array<i32>} : memref<112x64xf32, #tpu.memory_space<vmem>>, vector<1x16xf32>,
        %get3A_715 = vector.shape_cast %get3A_714 : vector<1x16xf32> to vector<16xf32>
        %add3A_716 = arith.addf %add3A_694, %get3A_715 : vector<16xf32>
        %get3A_717 = arith.index_cast %add3A_701 : i32 to index
        %get3A_718 = arith.constant 48 : index
        %get3A_719 = tpu.vector_load %arg16[%get3A_717, %get3A_718] {strides = array<i32>} : memref<112x64xf32, #tpu.memory_space<vmem>>, vector<1x16xf32>,
        %get3A_720 = vector.shape_cast %get3A_719 : vector<1x16xf32> to vector<16xf32>
        %add3A_721 = arith.addf %add3A_699, %get3A_720 : vector<16xf32>
        scf.yield %add3A_706, %add3A_711, %add3A_716, %add3A_721 : vector<16xf32>, vector<16xf32>, vector<16xf32>, vector<16xf32>
      }
      %scan3A_332 = arith.constant 7 : i32
      %add3A_333 = arith.constant 8 : i32
      %add3A_334 = arith.addi %add3A_320, %add3A_333 : i32
      %lt3A_335 = arith.constant 256 : i32
      %lt3A_336 = arith.cmpi slt, %add3A_334, %lt3A_335 : i32
      %convert_element_type3A_337 = arith.extui %lt3A_336 : i1 to i32
      %cond3A_338 = arith.constant 0 : i32
      %cond3A_339 = arith.cmpi ne, %convert_element_type3A_337, %cond3A_338 : i32
      scf.if %cond3A_339 {
        %add3A_364 = arith.constant 8 : i32
        %add3A_365 = arith.addi %add3A_320, %add3A_364 : i32
        %dma_start3A_366 = arith.constant 0 : i32
        %dma_start3A_367 = tpu.memref_slice %arg6[%add3A_365, %dma_start3A_366] : memref<256x112xi32, #tpu.memory_space<vmem>> -> memref<1x112xi32, #tpu.memory_space<vmem>>
        %dma_start3A_368 = tpu.memref_squeeze %dma_start3A_367 : memref<1x112xi32, #tpu.memory_space<vmem>> -> memref<112xi32, #tpu.memory_space<vmem>>
        %dma_start3A_369 = arith.constant 0 : i32
        %dma_start3A_370 = arith.constant 0 : i32
        %dma_start3A_371 = tpu.memref_slice %arg4[%dma_start3A_369, %dma_start3A_370] : memref<1000000x64xf32, #tpu.memory_space<hbm>> -> memref<1000000x64xf32, #tpu.memory_space<hbm>>
        tpu.enqueue_indirect_dma source(%dma_start3A_371 : memref<1000000x64xf32, #tpu.memory_space<hbm>>) target(%arg16 : memref<112x64xf32, #tpu.memory_space<vmem>>) offsets(%dma_start3A_368 : memref<112xi32, #tpu.memory_space<vmem>>) semaphore(%arg24 : memref<!tpu.dma_semaphore, #tpu.memory_space<semaphore_mem>>)
      } else {
      }
      %mul3A_340 = arith.constant 4 : i32
      %mul3A_341 = arith.muli %scan3A_71, %mul3A_340 : i32
      %add3A_342 = arith.constant 3 : i32
      %add3A_343 = arith.addi %mul3A_341, %add3A_342 : i32
      %swap3A_344 = arith.index_cast %add3A_343 : i32 to index
      %swap3A_345 = arith.constant 0 : index
      %swap3A_346 = tpu.vector_load %arg8[%swap3A_344, %swap3A_345] {strides = array<i32>} : memref<128x64xf32, #tpu.memory_space<vmem>>, vector<1x16xf32>,
      %swap3A_347 = vector.shape_cast %swap3A_346 : vector<1x16xf32> to vector<16xf32>
      %swap3A_348 = vector.shape_cast %scan3A_331#0 : vector<16xf32> to vector<1x16xf32>
      tpu.vector_store %arg8[%swap3A_344, %swap3A_345], %swap3A_348 {strides = array<i32>} : memref<128x64xf32, #tpu.memory_space<vmem>>, vector<1x16xf32>,
      %swap3A_349 = arith.index_cast %add3A_343 : i32 to index
      %swap3A_350 = arith.constant 16 : index
      %swap3A_351 = tpu.vector_load %arg8[%swap3A_349, %swap3A_350] {strides = array<i32>} : memref<128x64xf32, #tpu.memory_space<vmem>>, vector<1x16xf32>,
      %swap3A_352 = vector.shape_cast %swap3A_351 : vector<1x16xf32> to vector<16xf32>
      %swap3A_353 = vector.shape_cast %scan3A_331#1 : vector<16xf32> to vector<1x16xf32>
      tpu.vector_store %arg8[%swap3A_349, %swap3A_350], %swap3A_353 {strides = array<i32>} : memref<128x64xf32, #tpu.memory_space<vmem>>, vector<1x16xf32>,
      %swap3A_354 = arith.index_cast %add3A_343 : i32 to index
      %swap3A_355 = arith.constant 32 : index
      %swap3A_356 = tpu.vector_load %arg8[%swap3A_354, %swap3A_355] {strides = array<i32>} : memref<128x64xf32, #tpu.memory_space<vmem>>, vector<1x16xf32>,
      %swap3A_357 = vector.shape_cast %swap3A_356 : vector<1x16xf32> to vector<16xf32>
      %swap3A_358 = vector.shape_cast %scan3A_331#2 : vector<16xf32> to vector<1x16xf32>
      tpu.vector_store %arg8[%swap3A_354, %swap3A_355], %swap3A_358 {strides = array<i32>} : memref<128x64xf32, #tpu.memory_space<vmem>>, vector<1x16xf32>,
      %swap3A_359 = arith.index_cast %add3A_343 : i32 to index
      %swap3A_360 = arith.constant 48 : index
      %swap3A_361 = tpu.vector_load %arg8[%swap3A_359, %swap3A_360] {strides = array<i32>} : memref<128x64xf32, #tpu.memory_space<vmem>>, vector<1x16xf32>,
      %swap3A_362 = vector.shape_cast %swap3A_361 : vector<1x16xf32> to vector<16xf32>
      %swap3A_363 = vector.shape_cast %scan3A_331#3 : vector<16xf32> to vector<1x16xf32>
      tpu.vector_store %arg8[%swap3A_359, %swap3A_360], %swap3A_363 {strides = array<i32>} : memref<128x64xf32, #tpu.memory_space<vmem>>, vector<1x16xf32>,
    }
    %scan3A_70 = arith.constant 32 : i32
    "tpu.region"() ({
      %run_scoped3A = tpu.sem_alloc : memref<!tpu.dma_semaphore, #tpu.memory_space<semaphore_mem>>
      %dma_start3A_71 = arith.constant 0 : i32
      %dma_start3A_72 = tpu.memref_slice %arg5[%mul3A_4, %dma_start3A_71] : memref<4096x64xf32, #tpu.memory_space<hbm>> -> memref<128x64xf32, #tpu.memory_space<hbm>>
      %dma_start3A_73 = arith.constant 0 : i32
      %dma_start3A_74 = tpu.memref_slice %arg5[%mul3A_4, %dma_start3A_73] : memref<4096x64xf32, #tpu.memory_space<hbm>> -> memref<128x64xf32, #tpu.memory_space<hbm>>
      tpu.enqueue_dma source(%arg8 : memref<128x64xf32, #tpu.memory_space<vmem>>) target(%dma_start3A_74 : memref<128x64xf32, #tpu.memory_space<hbm>>) target_semaphore(%run_scoped3A : memref<!tpu.dma_semaphore, #tpu.memory_space<semaphore_mem>>)
      %dma_wait3A = arith.constant 0 : i32
      %dma_wait3A_75 = tpu.memref_slice %arg5[%mul3A_4, %dma_wait3A] : memref<4096x64xf32, #tpu.memory_space<hbm>> -> memref<128x64xf32, #tpu.memory_space<hbm>>
      %dma_wait3A_76 = arith.constant 0 : i32
      %dma_wait3A_77 = tpu.memref_slice %arg5[%mul3A_4, %dma_wait3A_76] : memref<4096x64xf32, #tpu.memory_space<hbm>> -> memref<128x64xf32, #tpu.memory_space<hbm>>
      tpu.wait_dma2 semaphore(%run_scoped3A : memref<!tpu.dma_semaphore, #tpu.memory_space<semaphore_mem>>) src(%arg8 : memref<128x64xf32, #tpu.memory_space<vmem>>) dst(%dma_wait3A_77 : memref<128x64xf32, #tpu.memory_space<hbm>>)
      tpu.yield
    }) : () -> ()
    return
  }
}

</mosaic_0001>

<sc_bundles>
// kernel: _sc_pool.3.cloned.1.call-start
scs
__scs_entry_jumppad:
0x0: {  	(pc) =	sbr.rel $0x88, $3  }
0x1: {  	(tag) =	ssettag $0x0;
	lr =	simm.s32 $0x1  }
0x2: {  	[smem:$0x3F9E] =	sst lr;
	_ =	strace $0xD0000000  }
0x3: {  	_ = 	snop  }
0x4: {  	_ = 	snop  }
0x5: {  	_ = 	snop  }
0x6: {  	_ = 	snop  }
0x7: {  	_ = 	snop  }
__scs_overlays_trampoline_lowered:
0x8: {  	[smem:$0x3FAD] =	sst s0  }
0x9: {  	[smem:$0x3FAE] =	sst s1  }
0xa: {  	[smem:$0x3FAF] =	sst s2  }
0xb: {  	[smem:$0x3FB0] =	sst s3  }
0xc: {  	[smem:$0x3FB1] =	sst s4  }
0xd: {  	[smem:$0x3FB2] =	sst s5  }
0xe: {  	[smem:$0x3FB3] =	sst s6  }
0xf: {  	[smem:$0x3FB4] =	sst s7  }
0x10: {  	[smem:$0x3FB5] =	sst s8  }
0x11: {  	[smem:$0x3FB6] =	sst s9;
	s0 =	simm.s32 @!p0 $0x0  }
0x12: {  	s1 =	sld [smem:$0x3F9C];
	s0 =	simm.s32 @p0 $0x1  }
0x13: {  	[smem:$0x3FB7] =	sst s0;
	s0 =	simm.s32 @!p1 $0x0  }
0x14: {  	s2 =	sld [smem:$0x3F9B];
	s0 =	simm.s32 @p1 $0x1  }
0x15: {  	[smem:$0x3FB8] =	sst s0;
	s0 =	simm.s32 @!p2 $0x0  }
0x16: {  	s3 =	sld [smem:$0x3FDB];
	s0 =	simm.s32 @p2 $0x1  }
0x17: {  	s4 =	simm.s32 $0x1BF5;
	[smem:$0x3FBA] =	sst s0  }
0x18: {  	s0 =	sld [smem:$0x3F9D];
	_ =	swait.ge [sflag:s4], $0x0  }
0x19: {  	s7 =	sld [smem:$0x3F9E]  }
0x1a: {  	s8 =	sadd.s32 $0xFFFFE003, lr  }
0x1b: {  	s9 =	sadd.s32 $0xFFFFFEF7, lr;
	s5 =	simm.s32 $0xFFFFFFFF;
	p2 =	slt.u32 s8, $0xFFFFF086  }
0x1c: {  	p1 =	slt.u32 s9, $0xF7A;
	s5 =	simm.s32 @!p2 $0x0  }
0x1d: {  	s5 =	simm.s32 @p1 $0x1;
	p0 =	seq.s32 s7, s2  }
0x1e: {  	s7 =	smul.u32 @!p0 $0xF7A, s2;
	p2 =	seq.s32 @!p0 s5, $0x0  }
0x1f: {  	s9 =	smul.u32 $0xF7A, s1;
	s8 =	simm.s32 @!p0 $0x1BF5;
	p2 =	por !p2, p0  }
0x20: {  	[sflag:s8] =	ssyncset.s32 @!p0 $0xFFFFF086;
	s6 =	sadd.s32 @!p0 s3, s7;
	s7 =	simm.s32 @!p0 $0x108  }
0x21: {  	s3 =	sadd.s32 s3, s9;
	s6 =	sadd.s32 @!p0 $0x88, s6;
	s7 =	simm.s32 @p2 $0x1082  }
0x22: {  	[simem:s7], [sflag:s8] =	dma.local @!p0 [hbm:s6], $0xF7A  }
0x23: {  	s9 =	sor.u32 $0xD0000000, s2;
	s6 =	simm.s32 $0x108;
	_ =	swait.ge @!p0 [sflag:s8], $0x0  }
0x24: {  	s3 =	sadd.s32 $0x88, s3;
	s6 =	simm.s32 @!p1 $0x1082;
	[sflag:s4] =	ssyncset.s32 $0xFFFFF086  }
0x25: {  	[simem:s6], [sflag:s4] =	dma.local [hbm:s3], $0xF7A  }
0x26: {  	[smem:$0x3F9E] =	sst s1;
	(tag) =	ssettag s2;
	_ =	strace s9  }
0x27: {  	s1 =	sld [smem:$0x3FAE]  }
0x28: {  	s2 =	sld [smem:$0x3FAF]  }
0x29: {  	s4 =	sld [smem:$0x3FB1]  }
0x2a: {  	p0 =	seq.s32 s5, $0x0;
	s5 =	sld [smem:$0x3FB2]  }
0x2b: {  	s6 =	sld [smem:$0x3FB3]  }
0x2c: {  	s7 =	sld [smem:$0x3FB4]  }
0x2d: {  	s3 =	simm.s32 $0x108;
	s8 =	sld [smem:$0x3FB5]  }
0x2e: {  	s3 =	simm.s32 @!p0 $0x1082;
	s9 =	sld [smem:$0x3FB6]  }
0x2f: {  	lr =	sadd.s32 s0, s3;
	s0 =	sld [smem:$0x3FAD]  }
0x30: {  	s3 =	sld [smem:$0x3FB0]  }
0x31: {  	[smem:$0x3FB9] =	sst s10  }
0x32: {  	s10 =	sld [smem:$0x3FB7];
	_ =	sdelay $0x3  }
0x33: {  	p0 =	seq.s32 s10, $0x1;
	s10 =	sld [smem:$0x3FB9];
	_ =	sdelay $0x3  }
0x34: {  	[smem:$0x3FB9] =	sst s10  }
0x35: {  	s10 =	sld [smem:$0x3FB8];
	_ =	sdelay $0x3  }
0x36: {  	p1 =	seq.s32 s10, $0x1;
	s10 =	sld [smem:$0x3FB9];
	_ =	sdelay $0x3  }
0x37: {  	[smem:$0x3FB9] =	sst s10  }
0x38: {  	s10 =	sld [smem:$0x3FBA]  }
0x39: {  	_ = 	snop;
	(pc) =	sbr.ind lr, $3  }
0x3a: {  	_ = 	snop  }
0x3b: {  	_ = 	snop  }
0x3c: {  	p2 =	seq.s32 s10, $0x1;
	s10 =	sld [smem:$0x3FB9]  }
0x3d: {  	_ =	shalt  }
0x3e: {  	_ =	shalt  }
0x3f: {  	_ =	shalt  }
0x40: {  	_ =	shalt  }
0x41: {  	_ =	shalt  }
0x42: {  	_ =	shalt  }
0x43: {  	_ =	shalt  }
0x44: {  	_ =	shalt  }
0x45: {  	_ =	shalt  }
0x46: {  	_ =	shalt  }
0x47: {  	_ =	shalt  }
0x48: {  	_ =	shalt  }
0x49: {  	_ =	shalt  }
0x4a: {  	_ =	shalt  }
0x4b: {  	_ =	shalt  }
0x4c: {  	_ =	shalt  }
0x4d: {  	_ =	shalt  }
0x4e: {  	_ =	shalt  }
0x4f: {  	_ =	shalt  }
0x50: {  	_ =	shalt  }
0x51: {  	_ =	shalt  }
0x52: {  	_ =	shalt  }
0x53: {  	_ =	shalt  }
0x54: {  	_ =	shalt  }
0x55: {  	_ =	shalt  }
0x56: {  	_ =	shalt  }
0x57: {  	_ =	shalt  }
0x58: {  	_ =	shalt  }
0x59: {  	_ =	shalt  }
0x5a: {  	_ =	shalt  }
0x5b: {  	_ =	shalt  }
0x5c: {  	_ =	shalt  }
0x5d: {  	_ =	shalt  }
0x5e: {  	_ =	shalt  }
0x5f: {  	_ =	shalt  }
0x60: {  	_ =	shalt  }
0x61: {  	_ =	shalt  }
0x62: {  	_ =	shalt  }
0x63: {  	_ =	shalt  }
0x64: {  	_ =	shalt  }
0x65: {  	_ =	shalt  }
0x66: {  	_ =	shalt  }
0x67: {  	_ =	shalt  }
0x68: {  	_ =	shalt  }
0x69: {  	_ =	shalt  }
0x6a: {  	_ =	shalt  }
0x6b: {  	_ =	shalt  }
0x6c: {  	_ =	shalt  }
0x6d: {  	_ =	shalt  }
0x6e: {  	_ =	shalt  }
0x6f: {  	_ =	shalt  }
0x70: {  	_ =	shalt  }
0x71: {  	_ =	shalt  }
0x72: {  	_ =	shalt  }
0x73: {  	_ =	shalt  }
0x74: {  	_ =	shalt  }
0x75: {  	_ =	shalt  }
0x76: {  	_ =	shalt  }
0x77: {  	_ =	shalt  }
0x78: {  	_ =	shalt  }
0x79: {  	_ =	shalt  }
0x7a: {  	_ =	shalt  }
0x7b: {  	_ =	shalt  }
0x7c: {  	_ =	shalt  }
0x7d: {  	_ =	shalt  }
0x7e: {  	_ =	shalt  }
0x7f: {  	_ =	shalt  }
0x80: {  	_ =	shalt  }
0x81: {  	_ =	shalt  }
0x82: {  	_ =	shalt  }
0x83: {  	_ =	shalt  }
0x84: {  	_ =	shalt  }
0x85: {  	_ =	shalt  }
0x86: {  	_ =	shalt  }
0x87: {  	_ =	shalt  }
.Lfunc_end0:
.L_simem_size_0:
called_computation_lowered:
.L_overlay_start_0:
0x88: {  	s2 =	sld [smem:$0x3FD9]  }
0x89: {  	s3 =	sld [smem:$0x3FFE];
	_ =	sdelay $0x1  }
0x8a: {  	s1 =	srdreg.scid  }
0x8b: {  	s0 =	sand.u32 $0x1, s1  }
0x8c: {  	s17 =	sshll.u32 s0, $0xA;
	s2 =	sadd.s32 s3, s2  }
0x8d: {  	s2 =	sadd.s32 s2, s17  }
0x8e: {  	[smem:$0x3FC5] =	sst s2  }
0x8f: {  	_ = 	snop  }
0x90: {  	s2 =	sld [smem:$0x3FD0];
	(tm) =	ssettm $0x1  }
0x91: {  	s18 =	sld [smem:$0x3FFB];
	_ =	sdelay $0x3  }
0x92: {  	_ =	strace s18  }
0x93: {  	s3 =	sld [smem:$0x3FFC];
	_ =	sdelay $0x3  }
0x94: {  	_ =	strace s3  }
0x95: {  	s3 =	sld [smem:$0x3FFD];
	_ =	sdelay $0x3  }
0x96: {  	_ =	strace s3  }
0x97: {  	_ =	strace $0x8FFFFFFF  }
0x98: {  	s19 =	sld [smem:$0x3FDB];
	_ =	sdelay $0x1  }
0x99: {  	s4 =	simm.s32 $_scs_section_size  }
0x9a: {  	s5 =	simm.s32 $_size__tile_overlayer_lowered;
	s6 =	simm.s32 $_tile_overlayer_lowered  }
0x9b: {  	s22 =	simm.s32 $0x1BFF;
	s21 =	sshll.u32 s6, $0x1;
	s3 =	sadd.s32 s4, s19  }
0x9c: {  	s7 =	simm.s32 $0x0;
	s20 =	sshll.u32 s5, $0x1;
	s5 =	sadd.s32 s21, s3  }
0x9d: {  	[timem:s7], [sflag:s22] =	dma.local [hbm:s5], s20  }
0x9e: {  	_ =	swait.ge [sflag:s22], s20  }
0x9f: {  	s4 =	ssub.s32 $0x0, s20;
	[sflag:s22] =	ssyncset.done $0x0  }
0xa0: {  	[sflag:s22] =	ssyncadd.s32 s4;
	_ =	sdelay $0x1  }
0xa1: {  	s23 =	simm.s32 $0x1B8B  }
0xa2: {  	_ =	swait.ge [sflag:s23], $0x1  }
0xa3: {  	[sflag:s23] =	ssyncset.done $0x0  }
0xa4: {  	s25 =	simm.s32 $0x1B8E;
	s24 =	sld [smem:$0x3FFE];
	[sflag:s23] =	ssyncadd.s32 $0xFFFFFFFF  }
0xa5: {  	s26 =	simm.s32 $execute0_lowered;
	[smem:$0x3FD2] =	sst s25  }
0xa6: {  	s5 =	sshll.u32 s26, $0x1;
	_ =	strace $0x80000046;
	[dreg:$0x1] =	wrdreg $0xFFFFFFFF  }
0xa7: {  	s28 =	simm.s32 $_size_execute0_lowered;
	s3 =	sadd.s32 s3, s5;
	[dreg:$0x0] =	wrdreg $0x0  }
0xa8: {  	s5 =	sshll.u32 s28, $0x1;
	[dreg:$0x2] =	wrdreg s3  }
0xa9: {  	[dreg:$0x3] =	wrdreg s5  }
0xaa: {  	[dreg:$0x4] =	wrdreg $0xC0  }
0xab: {  	_ =	task [dreg:s7], $0x5FFFF  }
0xac: {  	[dreg:$0x1] =	wrdreg $0xFFFFFFFF  }
0xad: {  	[dreg:$0x0] =	wrdreg $0x60  }
0xae: {  	[dreg:$0x2] =	wrdreg s24  }
0xaf: {  	[dreg:$0x3] =	wrdreg s2  }
0xb0: {  	[dreg:$0x4] =	wrdreg $0x9  }
0xb1: {  	_ =	task.clear_ibuf [dreg:s7], $0x5FFFF;
	_ =	strace $0x90000046  }
0xb2: {  	s29 =	simm.s32 $0x9;
	_ =	strace $0x80000048  }
0xb3: {  	_ =	swait.ge [sflag:s29], $0x1  }
0xb4: {  	[sflag:s29] =	ssyncadd.s32 $0xFFFFFFFF  }
0xb5: {  	_ =	strace $0x90000048  }
0xb6: {  	_ =	sfence  }
0xb7: {  	s30 =	sld [smem:$0x0];
	_ =	sdelay $0x2  }
0xb8: {  	s31 =	sshll.u32 s1, $0xD;
	s1 =	sshrl.u32 s1, $0x2  }
0xb9: {  	s3 =	sand.u32 $0x4000, s31;
	s1 =	sadd.s32 s1, s30  }
0xba: {  	s0 =	sor.u32 s3, s0;
	s1 =	sshll.u32 s1, $0x11  }
0xbb: {  	s0 =	sor.u32 s1, s0  }
0xbc: {  	s0 =	sadd.s32 $0x8F2B, s0  }
0xbd: {  	[sflag:s0] =	ssyncadd.remote.s32 $0x1  }
0xbe: {  	_ =	sfence.sel $0xFFFF  }
0xbf: {  	[dreg:$0x0] =	wrdreg $0xFFFFFFFF;
	(pc) =	sbr.abs _section_cstart, $3  }
0xc0: {  	[dreg:$0x1] =	wrdreg $0xFFFFFFFF  }
0xc1: {  	_ =	task.clear_ibuf [dreg:s7], $0x2FFFF;
	_ =	strace $0x9FFFFFFF  }
0xc2: {  	(tm) =	ssettm $0x7FFFFFFF  }
0xc3: {  	_ =	shalt  }
tec
execute0_lowered:
.L_overlay_start_1:
0x0: {  	(tag) =	ssettag $0x1  }
0x1: {  	s0 =	rddreg [dreg:$0x0];
	s1 =	srdreg.scid  }
0x2: {  	s2 =	stileid.u32;
	s6 =	rddreg [dreg:$0x1]  }
0x3: {  	s8 =	simm.s32 $0x9;
	s10 =	simm.s32 $0x70;
	s19 =	simm.s32 $0x230  }
0x4: {  	s20 =	simm.s32 $0x18C00;
	s21 =	simm.s32 $0x2A0;
	s22 =	simm.s32 $0x1A800  }
0x5: {  	s23 =	simm.s32 $0x310;
	s24 =	simm.s32 $0x1C400;
	s28 =	simm.s32 $0x3  }
0x6: {  	s29 =	simm.s32 $0x4;
	s30 =	simm.s32 $0x5;
	s31 =	simm.s32 $0x6  }
0x7: {  	s9 =	simm.s32 $0xE000;
	s1 =	sand.u32 $0x1, s1;
	s3 =	sshll.u32 s2, $0x1  }
0x8: {  	s11 =	simm.s32 $0x0;
	s2 =	simm.s32 $0x0;
	s5 =	sor.u32 s1, s3  }
0x9: {  	[smem:$0x7FF] =	sst s2;
	s1 =	ssub.s32 $0x2, s1;
	s3 =	smul.u32 $0xE00, s5  }
.Ltmp0:
0xa: {  	_ =	strace $0x80000047;
	s26 =	sshll.u32 s5, $0xA;
	(pc) =	sbr.rel .LBB2_1-.Ltmp0, $4  }
0xb: {  	s25 =	sshrl.u32 s1, $0x1;
	s6 =	sadd.s32 s6, s26;
	s26 =	simm.s32 $0x2  }
0xc: {  	s7 =	sadd.s32 s3, s0;
	s3 =	sadd.s32 $0xF42C00, s0;
	s0 =	ssub.s32 s1, s25  }
0xd: {  	s25 =	simm.s32 $0x1;
	s1 =	simm.s32 $0x7;
	s4 =	sadd.s32 $0x1C800, s7  }
0xe: {  	s5 =	sadd.s32 $0x800, s7;
	s7 =	smax.u32 s0, $0x1;
	s0 =	simm.s32 $0x8  }
.LBB2_22:
0xf: {  	[tilespmem:s13+$0xE0C0] =	vst v3  }
0x10: {  	[tilespmem:s13+$0xE0D0] =	vst v2;
	s11 =	sadd.s32 $0x1, s11  }
0x11: {  	[tilespmem:s13+$0xE0E0] =	vst v1;
	p0 =	sne.s32 s11, s7  }
.Ltmp1:
0x12: {  	[tilespmem:s13+$0xE0F0] =	vst v0;
	(pc) =	sbr.rel @!p0 .LBB2_23-.Ltmp1, $4  }
0x13: {  	[hbm4b:s6+s2] =	stream.linear.scatter [tilespmem:s9], [sflag:$0x9], $0x2000, $0x38;
	[tilespmem:$0x1E000] =	vst v63  }
0x14: {  	_ =	swait.ge [sflag:s8], $0x2000  }
0x15: {  	[sflag:s8] =	ssyncset.done $0x0  }
0x16: {  	[sflag:s8] =	ssyncadd.s32 $0xFFFFE000  }
.LBB2_1:
0x17: {  	[tilespmem:s2], [sflag:$0x9] =	stream.linear.gather [hbm4b:s4+s2], $0x7000, $0x38;
	[tilespmem:$0x1E000] =	vst v63  }
0x18: {  	_ =	swait.ge [sflag:s8], $0x7000  }
0x19: {  	[sflag:s8] =	ssyncset.done $0x0  }
0x1a: {  	s12 =	simm.s32 $0x7000;
	[sflag:s8] =	ssyncadd.s32 $0xFFFF9000  }
0x1b: {  	[tilespmem:s12], [sflag:$0x9] =	stream.linear.gather [hbm4b:s5+s2], $0x7000, $0x38;
	[tilespmem:$0x1E000] =	vst v63  }
0x1c: {  	_ =	swait.ge [sflag:s8], $0x7000  }
0x1d: {  	[sflag:s8] =	ssyncset.done $0x0  }
0x1e: {  	s12 =	simm.s32 $0x0;
	[sflag:s8] =	ssyncadd.s32 $0xFFFF9000  }
0x1f: {  	v6 =	vld [tilespmem:s12+$0x7000]  }
0x20: {  	v5 =	vld [tilespmem:s12+$0x7010]  }
0x21: {  	v4 =	vld [tilespmem:s12+$0x7020]  }
0x22: {  	v3 =	vld [tilespmem:s12+$0x7030]  }
0x23: {  	v2 =	vld [tilespmem:s12+$0x7040]  }
0x24: {  	v1 =	vld [tilespmem:s12+$0x7050]  }
0x25: {  	v0 =	vld [tilespmem:s12+$0x7060]  }
0x26: {  	v10 =	vld [tilespmem:s12+$0x0]  }
0x27: {  	v9 =	vld [tilespmem:s12+$0x10]  }
0x28: {  	v8 =	vld [tilespmem:s12+$0x20]  }
0x29: {  	v7 =	vld [tilespmem:s12+$0x30]  }
0x2a: {  	s13 =	simm.s32 $0x1C0;
	vm0 =	veq.s32 v6, $0x0;
	v6 =	vld [tilespmem:s12+$0x40]  }
.LBB2_2:
0x2b: {  	p0 =	sne.s32 s13, $0x1BE40;
	v10 =	vsel vm0, $0x0, v10;
	vm0 =	veq.s32 v5, $0x0;
	v11 =	vld [tilespmem:s12+$0x50]  }
0x2c: {  	s14 =	sshra.s32 s13, $0x2;
	[tilespmem:s12+$0x0] =	vst v10;
	v5 =	vsel vm0, $0x0, v9;
	vm0 =	veq.s32 v4, $0x0;
	v9 =	vld [tilespmem:s12+$0x60]  }
0x2d: {  	v12 =	vld [tilespmem:s14+$0x7000];
	[tilespmem:s12+$0x10] =	vst v5;
	v4 =	vsel vm0, $0x0, v8;
	vm0 =	veq.s32 v3, $0x0  }
0x2e: {  	v5 =	vld [tilespmem:s14+$0x7010];
	[tilespmem:s12+$0x20] =	vst v4;
	v3 =	vsel vm0, $0x0, v7;
	vm0 =	veq.s32 v2, $0x0  }
0x2f: {  	v4 =	vld [tilespmem:s14+$0x7020];
	[tilespmem:s12+$0x30] =	vst v3;
	v2 =	vsel vm0, $0x0, v6;
	vm0 =	veq.s32 v1, $0x0  }
0x30: {  	v3 =	vld [tilespmem:s14+$0x7030];
	[tilespmem:s12+$0x40] =	vst v2;
	v1 =	vsel vm0, $0x0, v11;
	vm0 =	veq.s32 v0, $0x0  }
0x31: {  	v2 =	vld [tilespmem:s14+$0x7040];
	[tilespmem:s12+$0x50] =	vst v1;
	v0 =	vsel vm0, $0x0, v9  }
0x32: {  	v1 =	vld [tilespmem:s14+$0x7050];
	[tilespmem:s12+$0x60] =	vst v0;
	s12 =	smov.u32 s14  }
0x33: {  	v0 =	vld [tilespmem:s12+$0x7060]  }
.Ltmp2:
0x34: {  	v10 =	vld [tilespmem:s12+$0x0];
	(pc) =	sbr.rel @p0 .LBB2_2-.Ltmp2, $4  }
0x35: {  	v9 =	vld [tilespmem:s12+$0x10]  }
0x36: {  	v8 =	vld [tilespmem:s12+$0x20]  }
0x37: {  	v7 =	vld [tilespmem:s12+$0x30]  }
0x38: {  	s13 =	sadd.s32 $0x1C0, s13;
	vm0 =	veq.s32 v12, $0x0;
	v6 =	vld [tilespmem:s12+$0x40]  }
0x39: {  	v10 =	vsel vm0, $0x0, v10;
	v11 =	vld [tilespmem:s12+$0x50];
	vm10 =	veq.s32 v5, $0x0  }
0x3a: {  	vm11 =	veq.s32 v4, $0x0;
	v62 =	vld [tilespmem:s12+$0x60];
	[tilespmem:s12+$0x0] =	vst v10;
	v5 =	vsel vm10, $0x0, v9  }
0x3b: {  	vm12 =	veq.s32 v3, $0x0;
	[tilespmem:s12+$0x10] =	vst v5;
	v63 =	vsel vm11, $0x0, v8  }
0x3c: {  	vm13 =	veq.s32 v2, $0x0;
	[tilespmem:s12+$0x20] =	vst v63;
	v3 =	vsel vm12, $0x0, v7  }
0x3d: {  	vm14 =	veq.s32 v1, $0x0;
	[tilespmem:s12+$0x30] =	vst v3;
	v2 =	vsel vm13, $0x0, v6  }
0x3e: {  	vm15 =	veq.s32 v0, $0x0;
	[tilespmem:s12+$0x40] =	vst v2;
	v1 =	vsel vm14, $0x0, v11  }
0x3f: {  	v0 =	vsel vm15, $0x0, v62;
	[tilespmem:s12+$0x50] =	vst v1  }
0x40: {  	s13 =	simm.s32 $0x10000;
	[tilespmem:s12+$0x60] =	vst v0;
	s12 =	simm.s32 $0x0  }
0x41: {  	[tilespmem:s13], [sflag:$0x1] =	stream.indirect.gather [hbm4b:s3+s10], $0x40, s12, s10, $0xb8;
	[tilespmem:$0x1E000] =	vst v63  }
0x42: {  	s17 =	simm.s32 $0x11C00  }
0x43: {  	[tilespmem:s17], [sflag:$0x2] =	stream.indirect.gather [hbm4b:s3+s10], $0x40, s10, s10, $0xb8;
	[tilespmem:$0x1E000] =	vst v63  }
0x44: {  	s18 =	simm.s32 $0xE0;
	s14 =	simm.s32 $0x13800  }
0x45: {  	[tilespmem:s14], [sflag:$0x3] =	stream.indirect.gather [hbm4b:s3+s10], $0x40, s18, s10, $0xb8;
	[tilespmem:$0x1E000] =	vst v63  }
0x46: {  	s15 =	simm.s32 $0x150;
	s16 =	simm.s32 $0x15400  }
0x47: {  	[tilespmem:s16], [sflag:$0x4] =	stream.indirect.gather [hbm4b:s3+s10], $0x40, s15, s10, $0xb8;
	[tilespmem:$0x1E000] =	vst v63  }
0x48: {  	s17 =	simm.s32 $0x1C0;
	s18 =	simm.s32 $0x17000  }
0x49: {  	[tilespmem:s18], [sflag:$0x5] =	stream.indirect.gather [hbm4b:s3+s10], $0x40, s17, s10, $0xb8;
	[tilespmem:$0x1E000] =	vst v63  }
0x4a: {  	_ = 	snop  }
0x4b: {  	[tilespmem:s20], [sflag:$0x6] =	stream.indirect.gather [hbm4b:s3+s10], $0x40, s19, s10, $0xb8;
	[tilespmem:$0x1E000] =	vst v63  }
0x4c: {  	_ = 	snop  }
0x4d: {  	[tilespmem:s22], [sflag:$0x7] =	stream.indirect.gather [hbm4b:s3+s10], $0x40, s21, s10, $0xb8;
	[tilespmem:$0x1E000] =	vst v63  }
0x4e: {  	_ = 	snop  }
0x4f: {  	[tilespmem:s24], [sflag:$0x8] =	stream.indirect.gather [hbm4b:s3+s10], $0x40, s23, s10, $0xb8;
	[tilespmem:$0x1E000] =	vst v63  }
.LBB2_4:
0x50: {  	_ =	swait.ge [sflag:s25], $0x1C00  }
0x51: {  	[sflag:s25] =	ssyncset.done $0x0  }
0x52: {  	s13 =	simm.s32 $0x0;
	[sflag:s25] =	ssyncadd.s32 $0xFFFFE400  }
0x53: {  	v4 =	vld [tilespmem:s13+$0x103C0]  }
0x54: {  	v5 =	vld [tilespmem:s13+$0x103D0]  }
0x55: {  	v6 =	vld [tilespmem:s13+$0x10380]  }
0x56: {  	v7 =	vld [tilespmem:s13+$0x10390]  }
0x57: {  	v10 =	vld [tilespmem:s13+$0x10340]  }
0x58: {  	v11 =	vld [tilespmem:s13+$0x10350]  }
0x59: {  	v14 =	vld [tilespmem:s13+$0x10300]  }
0x5a: {  	v15 =	vld [tilespmem:s13+$0x10310]  }
0x5b: {  	v18 =	vld [tilespmem:s13+$0x102C0]  }
0x5c: {  	v19 =	vld [tilespmem:s13+$0x102D0]  }
0x5d: {  	v20 =	vld [tilespmem:s13+$0x10280]  }
0x5e: {  	v21 =	vld [tilespmem:s13+$0x10290]  }
0x5f: {  	v24 =	vld [tilespmem:s13+$0x10240]  }
0x60: {  	v25 =	vld [tilespmem:s13+$0x10250]  }
0x61: {  	v28 =	vld [tilespmem:s13+$0x10200]  }
0x62: {  	v29 =	vld [tilespmem:s13+$0x10210]  }
0x63: {  	v31 =	vld [tilespmem:s13+$0x101C0]  }
0x64: {  	v32 =	vld [tilespmem:s13+$0x101D0]  }
0x65: {  	v27 =	vld [tilespmem:s13+$0x10180]  }
0x66: {  	v30 =	vld [tilespmem:s13+$0x10190]  }
0x67: {  	v23 =	vld [tilespmem:s13+$0x10140]  }
0x68: {  	v26 =	vld [tilespmem:s13+$0x10150]  }
0x69: {  	v17 =	vld [tilespmem:s13+$0x10100]  }
0x6a: {  	v22 =	vld [tilespmem:s13+$0x10110]  }
0x6b: {  	v13 =	vld [tilespmem:s13+$0x100C0]  }
0x6c: {  	v16 =	vld [tilespmem:s13+$0x100D0]  }
0x6d: {  	v9 =	vld [tilespmem:s13+$0x10080]  }
0x6e: {  	v12 =	vld [tilespmem:s13+$0x10090]  }
0x6f: {  	v33 =	vld [tilespmem:s13+$0x10040]  }
0x70: {  	v34 =	vld [tilespmem:s13+$0x10050]  }
0x71: {  	v35 =	vld [tilespmem:s13+$0x10000]  }
0x72: {  	v1 =	vimm.f32 $0.0e+00;
	v37 =	vld [tilespmem:s13+$0x10010]  }
0x73: {  	s14 =	simm.s32 $0x1000;
	v8 =	vimm.f32 $0.0e+00;
	v2 =	vimm.f32 $0.0e+00;
	v3 =	vimm.f32 $0.0e+00;
	v36 =	vld [tilespmem:s13+$0x10020]  }
.LBB2_5:
0x74: {  	p0 =	sne.s32 s14, $0x6000;
	v0 =	vld [tilespmem:s13+$0x10030]  }
0x75: {  	v38 =	vld [tilespmem:s13+$0x10060]  }
0x76: {  	v39 =	vld [tilespmem:s13+$0x10070]  }
0x77: {  	v40 =	vld [tilespmem:s13+$0x100A0]  }
0x78: {  	v1 =	vadd.f32 v35, v1;
	v8 =	vadd.f32 v37, v8;
	v35 =	vld [tilespmem:s13+$0x100B0]  }
0x79: {  	v2 =	vadd.f32 v36, v2;
	v0 =	vadd.f32 v0, v3;
	v3 =	vld [tilespmem:s13+$0x100E0]  }
0x7a: {  	v1 =	vadd.f32 v33, v1;
	v8 =	vadd.f32 v34, v8;
	v33 =	vld [tilespmem:s13+$0x100F0]  }
0x7b: {  	v2 =	vadd.f32 v38, v2;
	v0 =	vadd.f32 v39, v0;
	v34 =	vld [tilespmem:s13+$0x10120]  }
0x7c: {  	v1 =	vadd.f32 v9, v1;
	v8 =	vadd.f32 v12, v8;
	v9 =	vld [tilespmem:s13+$0x10130]  }
0x7d: {  	v2 =	vadd.f32 v40, v2;
	v0 =	vadd.f32 v35, v0;
	v12 =	vld [tilespmem:s13+$0x10160]  }
0x7e: {  	v1 =	vadd.f32 v13, v1;
	v8 =	vadd.f32 v16, v8;
	v13 =	vld [tilespmem:s13+$0x10170]  }
0x7f: {  	v2 =	vadd.f32 v3, v2;
	v0 =	vadd.f32 v33, v0;
	v3 =	vld [tilespmem:s13+$0x101A0]  }
0x80: {  	v1 =	vadd.f32 v17, v1;
	v8 =	vadd.f32 v22, v8;
	v16 =	vld [tilespmem:s13+$0x101B0]  }
0x81: {  	v2 =	vadd.f32 v34, v2;
	v0 =	vadd.f32 v9, v0;
	v9 =	vld [tilespmem:s13+$0x101E0]  }
0x82: {  	v1 =	vadd.f32 v23, v1;
	v8 =	vadd.f32 v26, v8;
	v17 =	vld [tilespmem:s13+$0x101F0]  }
0x83: {  	v2 =	vadd.f32 v12, v2;
	v0 =	vadd.f32 v13, v0;
	v12 =	vld [tilespmem:s13+$0x10220]  }
0x84: {  	v1 =	vadd.f32 v27, v1;
	v8 =	vadd.f32 v30, v8;
	v13 =	vld [tilespmem:s13+$0x10230]  }
0x85: {  	v2 =	vadd.f32 v3, v2;
	v0 =	vadd.f32 v16, v0;
	v3 =	vld [tilespmem:s13+$0x10260]  }
0x86: {  	v1 =	vadd.f32 v31, v1;
	v8 =	vadd.f32 v32, v8;
	v16 =	vld [tilespmem:s13+$0x10270]  }
0x87: {  	v2 =	vadd.f32 v9, v2;
	v0 =	vadd.f32 v17, v0;
	v9 =	vld [tilespmem:s13+$0x102A0]  }
0x88: {  	v1 =	vadd.f32 v28, v1;
	v8 =	vadd.f32 v29, v8;
	v17 =	vld [tilespmem:s13+$0x102B0]  }
0x89: {  	v2 =	vadd.f32 v12, v2;
	v0 =	vadd.f32 v13, v0;
	v12 =	vld [tilespmem:s13+$0x102E0]  }
0x8a: {  	v1 =	vadd.f32 v24, v1;
	v8 =	vadd.f32 v25, v8;
	v13 =	vld [tilespmem:s13+$0x102F0]  }
0x8b: {  	v2 =	vadd.f32 v3, v2;
	v0 =	vadd.f32 v16, v0;
	v3 =	vld [tilespmem:s13+$0x10320]  }
0x8c: {  	v1 =	vadd.f32 v20, v1;
	v8 =	vadd.f32 v21, v8;
	v16 =	vld [tilespmem:s13+$0x10330]  }
0x8d: {  	v2 =	vadd.f32 v9, v2;
	v0 =	vadd.f32 v17, v0;
	v9 =	vld [tilespmem:s13+$0x10360]  }
0x8e: {  	v1 =	vadd.f32 v18, v1;
	v8 =	vadd.f32 v19, v8;
	v17 =	vld [tilespmem:s13+$0x10370]  }
0x8f: {  	v2 =	vadd.f32 v12, v2;
	v0 =	vadd.f32 v13, v0;
	v12 =	vld [tilespmem:s13+$0x103A0]  }
0x90: {  	v1 =	vadd.f32 v14, v1;
	v8 =	vadd.f32 v15, v8;
	v13 =	vld [tilespmem:s13+$0x103B0]  }
0x91: {  	v2 =	vadd.f32 v3, v2;
	v0 =	vadd.f32 v16, v0;
	v3 =	vld [tilespmem:s13+$0x103E0]  }
0x92: {  	v1 =	vadd.f32 v10, v1;
	v8 =	vadd.f32 v11, v8;
	v11 =	vld [tilespmem:s13+$0x103F0];
	s13 =	sshra.s32 s14, $0x2  }
0x93: {  	v2 =	vadd.f32 v9, v2;
	v14 =	vld [tilespmem:s13+$0x103C0];
	v0 =	vadd.f32 v17, v0  }
0x94: {  	v1 =	vadd.f32 v6, v1;
	v8 =	vadd.f32 v7, v8;
	v9 =	vld [tilespmem:s13+$0x103D0]  }
0x95: {  	v2 =	vadd.f32 v12, v2;
	v6 =	vld [tilespmem:s13+$0x10380];
	v0 =	vadd.f32 v13, v0  }
0x96: {  	v1 =	vadd.f32 v4, v1;
	v8 =	vadd.f32 v5, v8;
	v7 =	vld [tilespmem:s13+$0x10390]  }
0x97: {  	v2 =	vadd.f32 v3, v2;
	v10 =	vld [tilespmem:s13+$0x10340];
	v3 =	vadd.f32 v11, v0  }
0x98: {  	v11 =	vld [tilespmem:s13+$0x10350];
	v4 =	vmov v14  }
0x99: {  	v14 =	vld [tilespmem:s13+$0x10300];
	v5 =	vmov v9  }
0x9a: {  	v15 =	vld [tilespmem:s13+$0x10310]  }
0x9b: {  	v18 =	vld [tilespmem:s13+$0x102C0]  }
0x9c: {  	v19 =	vld [tilespmem:s13+$0x102D0]  }
0x9d: {  	v20 =	vld [tilespmem:s13+$0x10280]  }
0x9e: {  	v21 =	vld [tilespmem:s13+$0x10290]  }
0x9f: {  	v24 =	vld [tilespmem:s13+$0x10240]  }
0xa0: {  	v25 =	vld [tilespmem:s13+$0x10250]  }
0xa1: {  	v28 =	vld [tilespmem:s13+$0x10200]  }
0xa2: {  	v29 =	vld [tilespmem:s13+$0x10210]  }
0xa3: {  	v31 =	vld [tilespmem:s13+$0x101C0]  }
0xa4: {  	v32 =	vld [tilespmem:s13+$0x101D0]  }
0xa5: {  	v27 =	vld [tilespmem:s13+$0x10180]  }
0xa6: {  	v30 =	vld [tilespmem:s13+$0x10190]  }
0xa7: {  	v23 =	vld [tilespmem:s13+$0x10140]  }
0xa8: {  	v26 =	vld [tilespmem:s13+$0x10150]  }
0xa9: {  	v17 =	vld [tilespmem:s13+$0x10100]  }
0xaa: {  	v22 =	vld [tilespmem:s13+$0x10110]  }
0xab: {  	v13 =	vld [tilespmem:s13+$0x100C0]  }
0xac: {  	v16 =	vld [tilespmem:s13+$0x100D0]  }
0xad: {  	v9 =	vld [tilespmem:s13+$0x10080]  }
0xae: {  	v12 =	vld [tilespmem:s13+$0x10090]  }
.Ltmp3:
0xaf: {  	v33 =	vld [tilespmem:s13+$0x10040];
	(pc) =	sbr.rel @p0 .LBB2_5-.Ltmp3, $4  }
0xb0: {  	v34 =	vld [tilespmem:s13+$0x10050]  }
0xb1: {  	v35 =	vld [tilespmem:s13+$0x10000]  }
0xb2: {  	v37 =	vld [tilespmem:s13+$0x10010]  }
0xb3: {  	s14 =	sadd.s32 $0x1000, s14;
	v36 =	vld [tilespmem:s13+$0x10020]  }
0xb4: {  	v38 =	vld [tilespmem:s13+$0x10030]  }
0xb5: {  	v39 =	vld [tilespmem:s13+$0x10060]  }
0xb6: {  	v40 =	vld [tilespmem:s13+$0x10070]  }
0xb7: {  	v41 =	vld [tilespmem:s13+$0x100A0]  }
0xb8: {  	v42 =	vld [tilespmem:s13+$0x100B0]  }
0xb9: {  	v43 =	vld [tilespmem:s13+$0x100E0]  }
0xba: {  	v0 =	vld [tilespmem:s13+$0x10370]  }
0xbb: {  	v44 =	vld [tilespmem:s13+$0x100F0]  }
0xbc: {  	v45 =	vld [tilespmem:s13+$0x10120]  }
0xbd: {  	v46 =	vld [tilespmem:s13+$0x10130]  }
0xbe: {  	v47 =	vld [tilespmem:s13+$0x10160]  }
0xbf: {  	[tilespmem:$0x1FFB0] =	vst v0;
	v0 =	vld [tilespmem:s13+$0x103A0]  }
0xc0: {  	v48 =	vld [tilespmem:s13+$0x10170]  }
0xc1: {  	v49 =	vld [tilespmem:s13+$0x101A0]  }
0xc2: {  	v50 =	vld [tilespmem:s13+$0x101B0]  }
0xc3: {  	v51 =	vld [tilespmem:s13+$0x101E0]  }
0xc4: {  	[tilespmem:$0x1FFC0] =	vst v0;
	v0 =	vld [tilespmem:s13+$0x103B0]  }
0xc5: {  	v52 =	vld [tilespmem:s13+$0x101F0]  }
0xc6: {  	v53 =	vld [tilespmem:s13+$0x10220]  }
0xc7: {  	v54 =	vld [tilespmem:s13+$0x10230]  }
0xc8: {  	v55 =	vld [tilespmem:s13+$0x10260]  }
0xc9: {  	[tilespmem:$0x1FFD0] =	vst v0;
	v0 =	vld [tilespmem:s13+$0x103E0]  }
0xca: {  	v56 =	vld [tilespmem:s13+$0x10270]  }
0xcb: {  	v57 =	vld [tilespmem:s13+$0x102A0]  }
0xcc: {  	v58 =	vld [tilespmem:s13+$0x102B0];
	v8 =	vadd.f32 v37, v8  }
0xcd: {  	v59 =	vld [tilespmem:s13+$0x102E0];
	p0 =	seq.s32 s12, $0x1F  }
0xce: {  	s14 =	smul.u32 @!p0 $0xE00, s12;
	v34 =	vadd.f32 v34, v8;
	[tilespmem:$0x1FFE0] =	vst v0;
	v0 =	vld [tilespmem:s13+$0x103F0]  }
0xcf: {  	v60 =	vld [tilespmem:s13+$0x102F0]  }
0xd0: {  	v61 =	vld [tilespmem:s13+$0x10320];
	s14 =	sshra.s32 @!p0 s14, $0x2;
	v37 =	vadd.f32 v38, v3;
	v34 =	vadd.f32 v12, v34  }
0xd1: {  	v62 =	vld [tilespmem:s13+$0x10330];
	s16 =	simm.s32 @!p0 $0x70;
	s17 =	simm.s32 @!p0 $0x10000;
	v35 =	vadd.f32 v35, v1;
	s15 =	sadd.s32 @!p0 $0x380, s14;
	v36 =	vadd.f32 v36, v2  }
0xd2: {  	v63 =	vld [tilespmem:s13+$0x10360];
	v40 =	vadd.f32 v40, v37;
	v34 =	vadd.f32 v16, v34;
	[tilespmem:s17], [sflag:$0x1] =	stream.indirect.gather @!p0 [hbm4b:s3+s16], $0x40, s15, s16, $0xb8  }
0xd3: {  	v33 =	vadd.f32 v33, v35;
	v35 =	vadd.f32 v39, v36;
	[tilespmem:$0x1FFF0] =	vst v0  }
0xd4: {  	v36 =	vadd.f32 v42, v40;
	v34 =	vadd.f32 v22, v34;
	_ =	swait.ge [sflag:s26], $0x1C00  }
0xd5: {  	v35 =	vadd.f32 v41, v35;
	[sflag:s26] =	ssyncset.done $0x0  }
0xd6: {  	v36 =	vadd.f32 v44, v36;
	v34 =	vadd.f32 v26, v34;
	s13 =	simm.s32 $0x0;
	[sflag:s26] =	ssyncadd.s32 $0xFFFFE400  }
0xd7: {  	v33 =	vadd.f32 v9, v33;
	v35 =	vadd.f32 v43, v35;
	v0 =	vld [tilespmem:s13+$0x11FC0]  }
0xd8: {  	v36 =	vadd.f32 v46, v36;
	v34 =	vadd.f32 v30, v34;
	v1 =	vld [tilespmem:s13+$0x11FD0]  }
0xd9: {  	v33 =	vadd.f32 v13, v33;
	v35 =	vadd.f32 v45, v35;
	v2 =	vld [tilespmem:s13+$0x11F80]  }
0xda: {  	v36 =	vadd.f32 v48, v36;
	v34 =	vadd.f32 v32, v34;
	v3 =	vld [tilespmem:s13+$0x11F90]  }
0xdb: {  	v33 =	vadd.f32 v17, v33;
	v35 =	vadd.f32 v47, v35;
	v8 =	vld [tilespmem:s13+$0x11F40]  }
0xdc: {  	v36 =	vadd.f32 v50, v36;
	v34 =	vadd.f32 v29, v34;
	v9 =	vld [tilespmem:s13+$0x11F50]  }
0xdd: {  	v33 =	vadd.f32 v23, v33;
	v35 =	vadd.f32 v49, v35;
	v12 =	vld [tilespmem:s13+$0x11F00]  }
0xde: {  	v36 =	vadd.f32 v52, v36;
	v34 =	vadd.f32 v25, v34;
	v13 =	vld [tilespmem:s13+$0x11F10]  }
0xdf: {  	v33 =	vadd.f32 v27, v33;
	v35 =	vadd.f32 v51, v35;
	v16 =	vld [tilespmem:s13+$0x11EC0]  }
0xe0: {  	v36 =	vadd.f32 v54, v36;
	v34 =	vadd.f32 v21, v34;
	v17 =	vld [tilespmem:s13+$0x11ED0]  }
0xe1: {  	v33 =	vadd.f32 v31, v33;
	v35 =	vadd.f32 v53, v35;
	v22 =	vld [tilespmem:s13+$0x11E80]  }
0xe2: {  	v36 =	vadd.f32 v56, v36;
	v34 =	vadd.f32 v19, v34;
	v23 =	vld [tilespmem:s13+$0x11E90]  }
0xe3: {  	v33 =	vadd.f32 v28, v33;
	v35 =	vadd.f32 v55, v35;
	v26 =	vld [tilespmem:s13+$0x11E40]  }
0xe4: {  	v36 =	vadd.f32 v58, v36;
	v34 =	vadd.f32 v15, v34;
	v27 =	vld [tilespmem:s13+$0x11E50]  }
0xe5: {  	v33 =	vadd.f32 v24, v33;
	v35 =	vadd.f32 v57, v35;
	v30 =	vld [tilespmem:s13+$0x11E00]  }
0xe6: {  	v36 =	vadd.f32 v60, v36;
	v31 =	vld [tilespmem:s13+$0x11E10];
	v34 =	vadd.f32 v11, v34  }
0xe7: {  	v33 =	vadd.f32 v20, v33;
	v35 =	vadd.f32 v59, v35;
	v32 =	vld [tilespmem:s13+$0x11DC0]  }
0xe8: {  	v36 =	vadd.f32 v62, v36;
	v62 =	vadd.f32 v7, v34;
	v7 =	vld [tilespmem:$0x1FFC0]  }
0xe9: {  	v35 =	vadd.f32 v61, v35;
	v28 =	vld [tilespmem:s13+$0x11DD0]  }
0xea: {  	v33 =	vadd.f32 v18, v33;
	v29 =	vld [tilespmem:s13+$0x11D80]  }
0xeb: {  	v11 =	vld [tilespmem:$0x1FFB0];
	v35 =	vadd.f32 v63, v35  }
0xec: {  	v33 =	vadd.f32 v14, v33;
	v24 =	vld [tilespmem:s13+$0x11D90]  }
0xed: {  	v63 =	vadd.f32 v7, v35;
	v7 =	vld [tilespmem:$0x1FFD0]  }
0xee: {  	v33 =	vadd.f32 v10, v33;
	v25 =	vld [tilespmem:s13+$0x11D40]  }
0xef: {  	v20 =	vld [tilespmem:s13+$0x11D50]  }
0xf0: {  	v21 =	vld [tilespmem:s13+$0x11D00];
	v6 =	vadd.f32 v6, v33;
	v36 =	vadd.f32 v11, v36  }
0xf1: {  	v18 =	vld [tilespmem:s13+$0x11D10]  }
0xf2: {  	v36 =	vadd.f32 v7, v36;
	v7 =	vadd.f32 v4, v6;
	v4 =	vld [tilespmem:$0x1FFE0]  }
0xf3: {  	v19 =	vld [tilespmem:s13+$0x11CC0]  }
0xf4: {  	v14 =	vld [tilespmem:s13+$0x11CD0]  }
0xf5: {  	v15 =	vld [tilespmem:s13+$0x11C80]  }
0xf6: {  	v10 =	vld [tilespmem:s13+$0x11C90]  }
0xf7: {  	v6 =	vadd.f32 v4, v63;
	v4 =	vld [tilespmem:$0x1FFF0]  }
0xf8: {  	v33 =	vld [tilespmem:s13+$0x11C50]  }
0xf9: {  	v34 =	vld [tilespmem:s13+$0x11C00]  }
0xfa: {  	v11 =	vld [tilespmem:s13+$0x11C40]  }
0xfb: {  	v35 =	vld [tilespmem:s13+$0x11C10]  }
0xfc: {  	s15 =	simm.s32 $0x1000;
	v5 =	vadd.f32 v5, v62;
	v4 =	vadd.f32 v4, v36;
	v36 =	vld [tilespmem:s13+$0x11C20]  }
.LBB2_7:
0xfd: {  	p1 =	sne.s32 s15, $0x6000;
	v37 =	vld [tilespmem:s13+$0x11C30]  }
0xfe: {  	v38 =	vld [tilespmem:s13+$0x11C60]  }
0xff: {  	v39 =	vld [tilespmem:s13+$0x11C70]  }
0x100: {  	v40 =	vld [tilespmem:s13+$0x11CA0]  }
0x101: {  	v7 =	vadd.f32 v34, v7;
	v5 =	vadd.f32 v35, v5;
	v34 =	vld [tilespmem:s13+$0x11CB0]  }
0x102: {  	v6 =	vadd.f32 v36, v6;
	v4 =	vadd.f32 v37, v4;
	v35 =	vld [tilespmem:s13+$0x11CE0]  }
0x103: {  	v7 =	vadd.f32 v11, v7;
	v5 =	vadd.f32 v33, v5;
	v11 =	vld [tilespmem:s13+$0x11CF0]  }
0x104: {  	v6 =	vadd.f32 v38, v6;
	v4 =	vadd.f32 v39, v4;
	v33 =	vld [tilespmem:s13+$0x11D20]  }
0x105: {  	v7 =	vadd.f32 v15, v7;
	v5 =	vadd.f32 v10, v5;
	v10 =	vld [tilespmem:s13+$0x11D30]  }
0x106: {  	v6 =	vadd.f32 v40, v6;
	v4 =	vadd.f32 v34, v4;
	v15 =	vld [tilespmem:s13+$0x11D60]  }
0x107: {  	v7 =	vadd.f32 v19, v7;
	v5 =	vadd.f32 v14, v5;
	v14 =	vld [tilespmem:s13+$0x11D70]  }
0x108: {  	v6 =	vadd.f32 v35, v6;
	v4 =	vadd.f32 v11, v4;
	v11 =	vld [tilespmem:s13+$0x11DA0]  }
0x109: {  	v7 =	vadd.f32 v21, v7;
	v5 =	vadd.f32 v18, v5;
	v18 =	vld [tilespmem:s13+$0x11DB0]  }
0x10a: {  	v6 =	vadd.f32 v33, v6;
	v4 =	vadd.f32 v10, v4;
	v10 =	vld [tilespmem:s13+$0x11DE0]  }
0x10b: {  	v7 =	vadd.f32 v25, v7;
	v5 =	vadd.f32 v20, v5;
	v19 =	vld [tilespmem:s13+$0x11DF0]  }
0x10c: {  	v6 =	vadd.f32 v15, v6;
	v4 =	vadd.f32 v14, v4;
	v14 =	vld [tilespmem:s13+$0x11E20]  }
0x10d: {  	v7 =	vadd.f32 v29, v7;
	v5 =	vadd.f32 v24, v5;
	v15 =	vld [tilespmem:s13+$0x11E30]  }
0x10e: {  	v6 =	vadd.f32 v11, v6;
	v4 =	vadd.f32 v18, v4;
	v11 =	vld [tilespmem:s13+$0x11E60]  }
0x10f: {  	v7 =	vadd.f32 v32, v7;
	v5 =	vadd.f32 v28, v5;
	v18 =	vld [tilespmem:s13+$0x11E70]  }
0x110: {  	v6 =	vadd.f32 v10, v6;
	v4 =	vadd.f32 v19, v4;
	v10 =	vld [tilespmem:s13+$0x11EA0]  }
0x111: {  	v7 =	vadd.f32 v30, v7;
	v5 =	vadd.f32 v31, v5;
	v19 =	vld [tilespmem:s13+$0x11EB0]  }
0x112: {  	v6 =	vadd.f32 v14, v6;
	v4 =	vadd.f32 v15, v4;
	v14 =	vld [tilespmem:s13+$0x11EE0]  }
0x113: {  	v7 =	vadd.f32 v26, v7;
	v5 =	vadd.f32 v27, v5;
	v15 =	vld [tilespmem:s13+$0x11EF0]  }
0x114: {  	v6 =	vadd.f32 v11, v6;
	v4 =	vadd.f32 v18, v4;
	v11 =	vld [tilespmem:s13+$0x11F20]  }
0x115: {  	v7 =	vadd.f32 v22, v7;
	v5 =	vadd.f32 v23, v5;
	v18 =	vld [tilespmem:s13+$0x11F30]  }
0x116: {  	v6 =	vadd.f32 v10, v6;
	v4 =	vadd.f32 v19, v4;
	v10 =	vld [tilespmem:s13+$0x11F60]  }
0x117: {  	v7 =	vadd.f32 v16, v7;
	v5 =	vadd.f32 v17, v5;
	v16 =	vld [tilespmem:s13+$0x11F70]  }
0x118: {  	v6 =	vadd.f32 v14, v6;
	v4 =	vadd.f32 v15, v4;
	v14 =	vld [tilespmem:s13+$0x11FA0]  }
0x119: {  	v7 =	vadd.f32 v12, v7;
	v5 =	vadd.f32 v13, v5;
	v12 =	vld [tilespmem:s13+$0x11FB0]  }
0x11a: {  	v6 =	vadd.f32 v11, v6;
	v4 =	vadd.f32 v18, v4;
	v11 =	vld [tilespmem:s13+$0x11FE0]  }
0x11b: {  	v7 =	vadd.f32 v8, v7;
	v5 =	vadd.f32 v9, v5;
	v9 =	vld [tilespmem:s13+$0x11FF0];
	s13 =	sshra.s32 s15, $0x2  }
0x11c: {  	v6 =	vadd.f32 v10, v6;
	v13 =	vld [tilespmem:s13+$0x11FC0];
	v4 =	vadd.f32 v16, v4  }
0x11d: {  	v7 =	vadd.f32 v2, v7;
	v5 =	vadd.f32 v3, v5;
	v10 =	vld [tilespmem:s13+$0x11FD0]  }
0x11e: {  	v6 =	vadd.f32 v14, v6;
	v2 =	vld [tilespmem:s13+$0x11F80];
	v4 =	vadd.f32 v12, v4  }
0x11f: {  	v7 =	vadd.f32 v0, v7;
	v5 =	vadd.f32 v1, v5;
	v3 =	vld [tilespmem:s13+$0x11F90]  }
0x120: {  	v6 =	vadd.f32 v11, v6;
	v8 =	vld [tilespmem:s13+$0x11F40];
	v4 =	vadd.f32 v9, v4  }
0x121: {  	v9 =	vld [tilespmem:s13+$0x11F50];
	v0 =	vmov v13  }
0x122: {  	v12 =	vld [tilespmem:s13+$0x11F00];
	v1 =	vmov v10  }
0x123: {  	v13 =	vld [tilespmem:s13+$0x11F10]  }
0x124: {  	v16 =	vld [tilespmem:s13+$0x11EC0]  }
0x125: {  	v17 =	vld [tilespmem:s13+$0x11ED0]  }
0x126: {  	v22 =	vld [tilespmem:s13+$0x11E80]  }
0x127: {  	v23 =	vld [tilespmem:s13+$0x11E90]  }
0x128: {  	v26 =	vld [tilespmem:s13+$0x11E40]  }
0x129: {  	v27 =	vld [tilespmem:s13+$0x11E50]  }
0x12a: {  	v30 =	vld [tilespmem:s13+$0x11E00]  }
0x12b: {  	v31 =	vld [tilespmem:s13+$0x11E10]  }
0x12c: {  	v32 =	vld [tilespmem:s13+$0x11DC0]  }
0x12d: {  	v28 =	vld [tilespmem:s13+$0x11DD0]  }
0x12e: {  	v29 =	vld [tilespmem:s13+$0x11D80]  }
0x12f: {  	v24 =	vld [tilespmem:s13+$0x11D90]  }
0x130: {  	v25 =	vld [tilespmem:s13+$0x11D40]  }
0x131: {  	v20 =	vld [tilespmem:s13+$0x11D50]  }
0x132: {  	v21 =	vld [tilespmem:s13+$0x11D00]  }
0x133: {  	v18 =	vld [tilespmem:s13+$0x11D10]  }
0x134: {  	v19 =	vld [tilespmem:s13+$0x11CC0]  }
0x135: {  	v14 =	vld [tilespmem:s13+$0x11CD0]  }
0x136: {  	v15 =	vld [tilespmem:s13+$0x11C80]  }
0x137: {  	v10 =	vld [tilespmem:s13+$0x11C90]  }
.Ltmp4:
0x138: {  	v11 =	vld [tilespmem:s13+$0x11C40];
	(pc) =	sbr.rel @p1 .LBB2_7-.Ltmp4, $4  }
0x139: {  	v33 =	vld [tilespmem:s13+$0x11C50]  }
0x13a: {  	v34 =	vld [tilespmem:s13+$0x11C00]  }
0x13b: {  	v35 =	vld [tilespmem:s13+$0x11C10]  }
0x13c: {  	s15 =	sadd.s32 $0x1000, s15;
	v36 =	vld [tilespmem:s13+$0x11C20]  }
0x13d: {  	v37 =	vld [tilespmem:s13+$0x11C30]  }
0x13e: {  	v38 =	vld [tilespmem:s13+$0x11C60]  }
0x13f: {  	v39 =	vld [tilespmem:s13+$0x11C70];
	v7 =	vadd.f32 v34, v7  }
0x140: {  	v61 =	vld [tilespmem:s13+$0x11CA0];
	v5 =	vadd.f32 v35, v5  }
0x141: {  	v62 =	vld [tilespmem:s13+$0x11CB0];
	v6 =	vadd.f32 v36, v6;
	v7 =	vadd.f32 v11, v7  }
0x142: {  	v11 =	vld [tilespmem:s13+$0x11CE0];
	v4 =	vadd.f32 v37, v4;
	v5 =	vadd.f32 v33, v5  }
0x143: {  	v63 =	vld [tilespmem:s13+$0x11CF0];
	v6 =	vadd.f32 v38, v6;
	v7 =	vadd.f32 v15, v7  }
0x144: {  	v15 =	vld [tilespmem:s13+$0x11D20];
	v4 =	vadd.f32 v39, v4;
	v5 =	vadd.f32 v10, v5  }
0x145: {  	v10 =	vld [tilespmem:s13+$0x11D30];
	v6 =	vadd.f32 v61, v6;
	v7 =	vadd.f32 v19, v7  }
0x146: {  	v19 =	vld [tilespmem:s13+$0x11D60];
	v4 =	vadd.f32 v62, v4;
	v5 =	vadd.f32 v14, v5  }
0x147: {  	v14 =	vld [tilespmem:s13+$0x11D70];
	v6 =	vadd.f32 v11, v6;
	v7 =	vadd.f32 v21, v7  }
0x148: {  	v11 =	vld [tilespmem:s13+$0x11DA0];
	v4 =	vadd.f32 v63, v4;
	v5 =	vadd.f32 v18, v5  }
0x149: {  	v18 =	vld [tilespmem:s13+$0x11DB0];
	v6 =	vadd.f32 v15, v6;
	v7 =	vadd.f32 v25, v7  }
0x14a: {  	v4 =	vadd.f32 v10, v4;
	v10 =	vld [tilespmem:s13+$0x11DE0];
	v5 =	vadd.f32 v20, v5  }
0x14b: {  	v15 =	vld [tilespmem:s13+$0x11DF0];
	v6 =	vadd.f32 v19, v6;
	v7 =	vadd.f32 v29, v7  }
0x14c: {  	v4 =	vadd.f32 v14, v4;
	v14 =	vld [tilespmem:s13+$0x11E20];
	v5 =	vadd.f32 v24, v5  }
0x14d: {  	v19 =	vld [tilespmem:s13+$0x11E30];
	v6 =	vadd.f32 v11, v6;
	v7 =	vadd.f32 v32, v7  }
0x14e: {  	v11 =	vld [tilespmem:s13+$0x11E60];
	v4 =	vadd.f32 v18, v4;
	v5 =	vadd.f32 v28, v5  }
0x14f: {  	v18 =	vld [tilespmem:s13+$0x11E70];
	v6 =	vadd.f32 v10, v6;
	v7 =	vadd.f32 v30, v7  }
0x150: {  	v10 =	vld [tilespmem:s13+$0x11EA0];
	v4 =	vadd.f32 v15, v4;
	v5 =	vadd.f32 v31, v5  }
0x151: {  	v15 =	vld [tilespmem:s13+$0x11EB0];
	v6 =	vadd.f32 v14, v6;
	v7 =	vadd.f32 v26, v7  }
0x152: {  	v14 =	vld [tilespmem:s13+$0x11EE0];
	v4 =	vadd.f32 v19, v4;
	v5 =	vadd.f32 v27, v5  }
0x153: {  	v19 =	vld [tilespmem:s13+$0x11EF0];
	v6 =	vadd.f32 v11, v6;
	v7 =	vadd.f32 v22, v7  }
0x154: {  	v11 =	vld [tilespmem:s13+$0x11F20];
	v4 =	vadd.f32 v18, v4;
	v5 =	vadd.f32 v23, v5  }
0x155: {  	v18 =	vld [tilespmem:s13+$0x11F30];
	v6 =	vadd.f32 v10, v6;
	v7 =	vadd.f32 v16, v7  }
0x156: {  	v10 =	vld [tilespmem:s13+$0x11F60];
	v4 =	vadd.f32 v15, v4;
	v5 =	vadd.f32 v17, v5  }
0x157: {  	v15 =	vld [tilespmem:s13+$0x11F70];
	v6 =	vadd.f32 v14, v6;
	v7 =	vadd.f32 v12, v7  }
0x158: {  	v12 =	vld [tilespmem:s13+$0x11FA0];
	v4 =	vadd.f32 v19, v4;
	v5 =	vadd.f32 v13, v5  }
0x159: {  	v13 =	vld [tilespmem:s13+$0x11FB0];
	v6 =	vadd.f32 v11, v6;
	v7 =	vadd.f32 v8, v7  }
0x15a: {  	v8 =	vld [tilespmem:s13+$0x11FE0];
	v4 =	vadd.f32 v18, v4;
	v5 =	vadd.f32 v9, v5  }
0x15b: {  	s15 =	simm.s32 @!p0 $0x70;
	v9 =	vld [tilespmem:s13+$0x11FF0];
	v6 =	vadd.f32 v10, v6;
	v2 =	vadd.f32 v2, v7  }
0x15c: {  	s16 =	simm.s32 @!p0 $0x11C00;
	s18 =	sshll.u32 s12, $0x8;
	s13 =	sadd.s32 @!p0 $0x3F0, s14;
	v4 =	vadd.f32 v15, v4;
	v3 =	vadd.f32 v3, v5  }
0x15d: {  	[tilespmem:s16], [sflag:$0x2] =	stream.indirect.gather @!p0 [hbm4b:s3+s15], $0x40, s13, s15, $0xb8;
	v5 =	vadd.f32 v12, v6;
	v0 =	vadd.f32 v0, v2;
	[tilespmem:$0x1E000] =	vst v63  }
0x15e: {  	s13 =	sand.u32 $0x3FFFFF00, s18;
	v2 =	vadd.f32 v13, v4;
	v1 =	vadd.f32 v1, v3  }
0x15f: {  	v3 =	vadd.f32 v8, v5;
	[tilespmem:s13+$0xE000] =	vst v0  }
0x160: {  	v0 =	vadd.f32 v9, v2;
	[tilespmem:s13+$0xE010] =	vst v1  }
0x161: {  	[tilespmem:s13+$0xE020] =	vst v3  }
0x162: {  	[tilespmem:s13+$0xE030] =	vst v0  }
0x163: {  	_ =	swait.ge [sflag:s28], $0x1C00  }
0x164: {  	[sflag:s28] =	ssyncset.done $0x0  }
0x165: {  	s15 =	simm.s32 $0x0;
	[sflag:s28] =	ssyncadd.s32 $0xFFFFE400  }
0x166: {  	v4 =	vld [tilespmem:s15+$0x13BC0]  }
0x167: {  	v5 =	vld [tilespmem:s15+$0x13BD0]  }
0x168: {  	v6 =	vld [tilespmem:s15+$0x13B80]  }
0x169: {  	v7 =	vld [tilespmem:s15+$0x13B90]  }
0x16a: {  	v10 =	vld [tilespmem:s15+$0x13B40]  }
0x16b: {  	v11 =	vld [tilespmem:s15+$0x13B50]  }
0x16c: {  	v14 =	vld [tilespmem:s15+$0x13B00]  }
0x16d: {  	v15 =	vld [tilespmem:s15+$0x13B10]  }
0x16e: {  	v18 =	vld [tilespmem:s15+$0x13AC0]  }
0x16f: {  	v19 =	vld [tilespmem:s15+$0x13AD0]  }
0x170: {  	v22 =	vld [tilespmem:s15+$0x13A80]  }
0x171: {  	v23 =	vld [tilespmem:s15+$0x13A90]  }
0x172: {  	v24 =	vld [tilespmem:s15+$0x13A40]  }
0x173: {  	v25 =	vld [tilespmem:s15+$0x13A50]  }
0x174: {  	v28 =	vld [tilespmem:s15+$0x13A00]  }
0x175: {  	v29 =	vld [tilespmem:s15+$0x13A10]  }
0x176: {  	v31 =	vld [tilespmem:s15+$0x139C0]  }
0x177: {  	v32 =	vld [tilespmem:s15+$0x139D0]  }
0x178: {  	v27 =	vld [tilespmem:s15+$0x13980]  }
0x179: {  	v30 =	vld [tilespmem:s15+$0x13990]  }
0x17a: {  	v21 =	vld [tilespmem:s15+$0x13940]  }
0x17b: {  	v26 =	vld [tilespmem:s15+$0x13950]  }
0x17c: {  	v17 =	vld [tilespmem:s15+$0x13900]  }
0x17d: {  	v20 =	vld [tilespmem:s15+$0x13910]  }
0x17e: {  	v13 =	vld [tilespmem:s15+$0x138C0]  }
0x17f: {  	v16 =	vld [tilespmem:s15+$0x138D0]  }
0x180: {  	v9 =	vld [tilespmem:s15+$0x13880]  }
0x181: {  	v12 =	vld [tilespmem:s15+$0x13890]  }
0x182: {  	v33 =	vld [tilespmem:s15+$0x13840]  }
0x183: {  	v34 =	vld [tilespmem:s15+$0x13850]  }
0x184: {  	v35 =	vld [tilespmem:s15+$0x13800]  }
0x185: {  	v8 =	vimm.f32 $0.0e+00;
	v37 =	vld [tilespmem:s15+$0x13810]  }
0x186: {  	s16 =	simm.s32 $0x1000;
	v1 =	vimm.f32 $0.0e+00;
	v2 =	vimm.f32 $0.0e+00;
	v3 =	vimm.f32 $0.0e+00;
	v36 =	vld [tilespmem:s15+$0x13820]  }
.LBB2_9:
0x187: {  	p1 =	sne.s32 s16, $0x6000;
	v0 =	vld [tilespmem:s15+$0x13830]  }
0x188: {  	v38 =	vld [tilespmem:s15+$0x13860]  }
0x189: {  	v39 =	vld [tilespmem:s15+$0x13870]  }
0x18a: {  	v40 =	vld [tilespmem:s15+$0x138A0]  }
0x18b: {  	v1 =	vadd.f32 v35, v1;
	v8 =	vadd.f32 v37, v8;
	v35 =	vld [tilespmem:s15+$0x138B0]  }
0x18c: {  	v2 =	vadd.f32 v36, v2;
	v0 =	vadd.f32 v0, v3;
	v3 =	vld [tilespmem:s15+$0x138E0]  }
0x18d: {  	v1 =	vadd.f32 v33, v1;
	v8 =	vadd.f32 v34, v8;
	v33 =	vld [tilespmem:s15+$0x138F0]  }
0x18e: {  	v2 =	vadd.f32 v38, v2;
	v0 =	vadd.f32 v39, v0;
	v34 =	vld [tilespmem:s15+$0x13920]  }
0x18f: {  	v1 =	vadd.f32 v9, v1;
	v8 =	vadd.f32 v12, v8;
	v9 =	vld [tilespmem:s15+$0x13930]  }
0x190: {  	v2 =	vadd.f32 v40, v2;
	v0 =	vadd.f32 v35, v0;
	v12 =	vld [tilespmem:s15+$0x13960]  }
0x191: {  	v1 =	vadd.f32 v13, v1;
	v8 =	vadd.f32 v16, v8;
	v13 =	vld [tilespmem:s15+$0x13970]  }
0x192: {  	v2 =	vadd.f32 v3, v2;
	v0 =	vadd.f32 v33, v0;
	v3 =	vld [tilespmem:s15+$0x139A0]  }
0x193: {  	v1 =	vadd.f32 v17, v1;
	v8 =	vadd.f32 v20, v8;
	v16 =	vld [tilespmem:s15+$0x139B0]  }
0x194: {  	v2 =	vadd.f32 v34, v2;
	v0 =	vadd.f32 v9, v0;
	v9 =	vld [tilespmem:s15+$0x139E0]  }
0x195: {  	v1 =	vadd.f32 v21, v1;
	v8 =	vadd.f32 v26, v8;
	v17 =	vld [tilespmem:s15+$0x139F0]  }
0x196: {  	v2 =	vadd.f32 v12, v2;
	v0 =	vadd.f32 v13, v0;
	v12 =	vld [tilespmem:s15+$0x13A20]  }
0x197: {  	v1 =	vadd.f32 v27, v1;
	v8 =	vadd.f32 v30, v8;
	v13 =	vld [tilespmem:s15+$0x13A30]  }
0x198: {  	v2 =	vadd.f32 v3, v2;
	v0 =	vadd.f32 v16, v0;
	v3 =	vld [tilespmem:s15+$0x13A60]  }
0x199: {  	v1 =	vadd.f32 v31, v1;
	v8 =	vadd.f32 v32, v8;
	v16 =	vld [tilespmem:s15+$0x13A70]  }
0x19a: {  	v2 =	vadd.f32 v9, v2;
	v0 =	vadd.f32 v17, v0;
	v9 =	vld [tilespmem:s15+$0x13AA0]  }
0x19b: {  	v1 =	vadd.f32 v28, v1;
	v8 =	vadd.f32 v29, v8;
	v17 =	vld [tilespmem:s15+$0x13AB0]  }
0x19c: {  	v2 =	vadd.f32 v12, v2;
	v0 =	vadd.f32 v13, v0;
	v12 =	vld [tilespmem:s15+$0x13AE0]  }
0x19d: {  	v1 =	vadd.f32 v24, v1;
	v8 =	vadd.f32 v25, v8;
	v13 =	vld [tilespmem:s15+$0x13AF0]  }
0x19e: {  	v2 =	vadd.f32 v3, v2;
	v0 =	vadd.f32 v16, v0;
	v3 =	vld [tilespmem:s15+$0x13B20]  }
0x19f: {  	v1 =	vadd.f32 v22, v1;
	v8 =	vadd.f32 v23, v8;
	v16 =	vld [tilespmem:s15+$0x13B30]  }
0x1a0: {  	v2 =	vadd.f32 v9, v2;
	v0 =	vadd.f32 v17, v0;
	v9 =	vld [tilespmem:s15+$0x13B60]  }
0x1a1: {  	v1 =	vadd.f32 v18, v1;
	v8 =	vadd.f32 v19, v8;
	v17 =	vld [tilespmem:s15+$0x13B70]  }
0x1a2: {  	v2 =	vadd.f32 v12, v2;
	v0 =	vadd.f32 v13, v0;
	v12 =	vld [tilespmem:s15+$0x13BA0]  }
0x1a3: {  	v1 =	vadd.f32 v14, v1;
	v8 =	vadd.f32 v15, v8;
	v13 =	vld [tilespmem:s15+$0x13BB0]  }
0x1a4: {  	v2 =	vadd.f32 v3, v2;
	v0 =	vadd.f32 v16, v0;
	v3 =	vld [tilespmem:s15+$0x13BE0]  }
0x1a5: {  	v1 =	vadd.f32 v10, v1;
	v8 =	vadd.f32 v11, v8;
	v11 =	vld [tilespmem:s15+$0x13BF0];
	s15 =	sshra.s32 s16, $0x2  }
0x1a6: {  	v2 =	vadd.f32 v9, v2;
	v14 =	vld [tilespmem:s15+$0x13BC0];
	v0 =	vadd.f32 v17, v0  }
0x1a7: {  	v1 =	vadd.f32 v6, v1;
	v8 =	vadd.f32 v7, v8;
	v9 =	vld [tilespmem:s15+$0x13BD0]  }
0x1a8: {  	v2 =	vadd.f32 v12, v2;
	v6 =	vld [tilespmem:s15+$0x13B80];
	v0 =	vadd.f32 v13, v0  }
0x1a9: {  	v1 =	vadd.f32 v4, v1;
	v8 =	vadd.f32 v5, v8;
	v7 =	vld [tilespmem:s15+$0x13B90]  }
0x1aa: {  	v2 =	vadd.f32 v3, v2;
	v10 =	vld [tilespmem:s15+$0x13B40];
	v3 =	vadd.f32 v11, v0  }
0x1ab: {  	v11 =	vld [tilespmem:s15+$0x13B50];
	v4 =	vmov v14  }
0x1ac: {  	v14 =	vld [tilespmem:s15+$0x13B00];
	v5 =	vmov v9  }
0x1ad: {  	v15 =	vld [tilespmem:s15+$0x13B10]  }
0x1ae: {  	v18 =	vld [tilespmem:s15+$0x13AC0]  }
0x1af: {  	v19 =	vld [tilespmem:s15+$0x13AD0]  }
0x1b0: {  	v22 =	vld [tilespmem:s15+$0x13A80]  }
0x1b1: {  	v23 =	vld [tilespmem:s15+$0x13A90]  }
0x1b2: {  	v24 =	vld [tilespmem:s15+$0x13A40]  }
0x1b3: {  	v25 =	vld [tilespmem:s15+$0x13A50]  }
0x1b4: {  	v28 =	vld [tilespmem:s15+$0x13A00]  }
0x1b5: {  	v29 =	vld [tilespmem:s15+$0x13A10]  }
0x1b6: {  	v31 =	vld [tilespmem:s15+$0x139C0]  }
0x1b7: {  	v32 =	vld [tilespmem:s15+$0x139D0]  }
0x1b8: {  	v27 =	vld [tilespmem:s15+$0x13980]  }
0x1b9: {  	v30 =	vld [tilespmem:s15+$0x13990]  }
0x1ba: {  	v21 =	vld [tilespmem:s15+$0x13940]  }
0x1bb: {  	v26 =	vld [tilespmem:s15+$0x13950]  }
0x1bc: {  	v17 =	vld [tilespmem:s15+$0x13900]  }
0x1bd: {  	v20 =	vld [tilespmem:s15+$0x13910]  }
0x1be: {  	v13 =	vld [tilespmem:s15+$0x138C0]  }
0x1bf: {  	v16 =	vld [tilespmem:s15+$0x138D0]  }
0x1c0: {  	v9 =	vld [tilespmem:s15+$0x13880]  }
0x1c1: {  	v12 =	vld [tilespmem:s15+$0x13890]  }
.Ltmp5:
0x1c2: {  	v33 =	vld [tilespmem:s15+$0x13840];
	(pc) =	sbr.rel @p1 .LBB2_9-.Ltmp5, $4  }
0x1c3: {  	v34 =	vld [tilespmem:s15+$0x13850]  }
0x1c4: {  	v35 =	vld [tilespmem:s15+$0x13800]  }
0x1c5: {  	v37 =	vld [tilespmem:s15+$0x13810]  }
0x1c6: {  	s16 =	sadd.s32 $0x1000, s16;
	v36 =	vld [tilespmem:s15+$0x13820]  }
0x1c7: {  	v38 =	vld [tilespmem:s15+$0x13830]  }
0x1c8: {  	v39 =	vld [tilespmem:s15+$0x13860]  }
0x1c9: {  	v40 =	vld [tilespmem:s15+$0x13870]  }
0x1ca: {  	v41 =	vld [tilespmem:s15+$0x138A0]  }
0x1cb: {  	v42 =	vld [tilespmem:s15+$0x138B0]  }
0x1cc: {  	v43 =	vld [tilespmem:s15+$0x138E0]  }
0x1cd: {  	v0 =	vld [tilespmem:s15+$0x13B70]  }
0x1ce: {  	v44 =	vld [tilespmem:s15+$0x138F0]  }
0x1cf: {  	v45 =	vld [tilespmem:s15+$0x13920]  }
0x1d0: {  	v46 =	vld [tilespmem:s15+$0x13930]  }
0x1d1: {  	v47 =	vld [tilespmem:s15+$0x13960]  }
0x1d2: {  	[tilespmem:$0x1FF60] =	vst v0;
	v0 =	vld [tilespmem:s15+$0x13BA0]  }
0x1d3: {  	v48 =	vld [tilespmem:s15+$0x13970]  }
0x1d4: {  	v49 =	vld [tilespmem:s15+$0x139A0]  }
0x1d5: {  	v50 =	vld [tilespmem:s15+$0x139B0]  }
0x1d6: {  	v51 =	vld [tilespmem:s15+$0x139E0]  }
0x1d7: {  	[tilespmem:$0x1FF70] =	vst v0;
	v0 =	vld [tilespmem:s15+$0x13BB0]  }
0x1d8: {  	v52 =	vld [tilespmem:s15+$0x139F0]  }
0x1d9: {  	v53 =	vld [tilespmem:s15+$0x13A20]  }
0x1da: {  	v54 =	vld [tilespmem:s15+$0x13A30]  }
0x1db: {  	v55 =	vld [tilespmem:s15+$0x13A60]  }
0x1dc: {  	[tilespmem:$0x1FF80] =	vst v0;
	v0 =	vld [tilespmem:s15+$0x13BE0]  }
0x1dd: {  	v56 =	vld [tilespmem:s15+$0x13A70]  }
0x1de: {  	v57 =	vld [tilespmem:s15+$0x13AA0]  }
0x1df: {  	v58 =	vld [tilespmem:s15+$0x13AB0];
	v8 =	vadd.f32 v37, v8  }
0x1e0: {  	v59 =	vld [tilespmem:s15+$0x13AE0]  }
0x1e1: {  	v34 =	vadd.f32 v34, v8;
	[tilespmem:$0x1FF90] =	vst v0;
	v0 =	vld [tilespmem:s15+$0x13BF0]  }
0x1e2: {  	v60 =	vld [tilespmem:s15+$0x13AF0]  }
0x1e3: {  	v61 =	vld [tilespmem:s15+$0x13B20];
	v37 =	vadd.f32 v38, v3;
	v34 =	vadd.f32 v12, v34  }
0x1e4: {  	v62 =	vld [tilespmem:s15+$0x13B30];
	s16 =	sadd.s32 @!p0 $0x460, s14;
	s17 =	simm.s32 @!p0 $0x70;
	s18 =	simm.s32 @!p0 $0x13800;
	v35 =	vadd.f32 v35, v1;
	v36 =	vadd.f32 v36, v2  }
0x1e5: {  	v63 =	vld [tilespmem:s15+$0x13B60];
	v40 =	vadd.f32 v40, v37;
	v34 =	vadd.f32 v16, v34;
	[tilespmem:s18], [sflag:$0x3] =	stream.indirect.gather @!p0 [hbm4b:s3+s17], $0x40, s16, s17, $0xb8  }
0x1e6: {  	v33 =	vadd.f32 v33, v35;
	v35 =	vadd.f32 v39, v36;
	[tilespmem:$0x1FFA0] =	vst v0  }
0x1e7: {  	v36 =	vadd.f32 v42, v40;
	v34 =	vadd.f32 v20, v34;
	_ =	swait.ge [sflag:s29], $0x1C00  }
0x1e8: {  	v35 =	vadd.f32 v41, v35;
	[sflag:s29] =	ssyncset.done $0x0  }
0x1e9: {  	v36 =	vadd.f32 v44, v36;
	v34 =	vadd.f32 v26, v34;
	s15 =	simm.s32 $0x0;
	[sflag:s29] =	ssyncadd.s32 $0xFFFFE400  }
0x1ea: {  	v33 =	vadd.f32 v9, v33;
	v35 =	vadd.f32 v43, v35;
	v0 =	vld [tilespmem:s15+$0x157C0]  }
0x1eb: {  	v36 =	vadd.f32 v46, v36;
	v34 =	vadd.f32 v30, v34;
	v1 =	vld [tilespmem:s15+$0x157D0]  }
0x1ec: {  	v33 =	vadd.f32 v13, v33;
	v35 =	vadd.f32 v45, v35;
	v2 =	vld [tilespmem:s15+$0x15780]  }
0x1ed: {  	v36 =	vadd.f32 v48, v36;
	v34 =	vadd.f32 v32, v34;
	v3 =	vld [tilespmem:s15+$0x15790]  }
0x1ee: {  	v33 =	vadd.f32 v17, v33;
	v35 =	vadd.f32 v47, v35;
	v8 =	vld [tilespmem:s15+$0x15740]  }
0x1ef: {  	v36 =	vadd.f32 v50, v36;
	v34 =	vadd.f32 v29, v34;
	v9 =	vld [tilespmem:s15+$0x15750]  }
0x1f0: {  	v33 =	vadd.f32 v21, v33;
	v35 =	vadd.f32 v49, v35;
	v12 =	vld [tilespmem:s15+$0x15700]  }
0x1f1: {  	v36 =	vadd.f32 v52, v36;
	v34 =	vadd.f32 v25, v34;
	v13 =	vld [tilespmem:s15+$0x15710]  }
0x1f2: {  	v33 =	vadd.f32 v27, v33;
	v35 =	vadd.f32 v51, v35;
	v16 =	vld [tilespmem:s15+$0x156C0]  }
0x1f3: {  	v36 =	vadd.f32 v54, v36;
	v34 =	vadd.f32 v23, v34;
	v17 =	vld [tilespmem:s15+$0x156D0]  }
0x1f4: {  	v33 =	vadd.f32 v31, v33;
	v35 =	vadd.f32 v53, v35;
	v20 =	vld [tilespmem:s15+$0x15680]  }
0x1f5: {  	v36 =	vadd.f32 v56, v36;
	v34 =	vadd.f32 v19, v34;
	v21 =	vld [tilespmem:s15+$0x15690]  }
0x1f6: {  	v33 =	vadd.f32 v28, v33;
	v35 =	vadd.f32 v55, v35;
	v26 =	vld [tilespmem:s15+$0x15640]  }
0x1f7: {  	v36 =	vadd.f32 v58, v36;
	v34 =	vadd.f32 v15, v34;
	v27 =	vld [tilespmem:s15+$0x15650]  }
0x1f8: {  	v33 =	vadd.f32 v24, v33;
	v35 =	vadd.f32 v57, v35;
	v30 =	vld [tilespmem:s15+$0x15600]  }
0x1f9: {  	v36 =	vadd.f32 v60, v36;
	v31 =	vld [tilespmem:s15+$0x15610];
	v34 =	vadd.f32 v11, v34  }
0x1fa: {  	v33 =	vadd.f32 v22, v33;
	v35 =	vadd.f32 v59, v35;
	v32 =	vld [tilespmem:s15+$0x155C0]  }
0x1fb: {  	v36 =	vadd.f32 v62, v36;
	v62 =	vadd.f32 v7, v34;
	v7 =	vld [tilespmem:$0x1FF70]  }
0x1fc: {  	v35 =	vadd.f32 v61, v35;
	v28 =	vld [tilespmem:s15+$0x155D0]  }
0x1fd: {  	v33 =	vadd.f32 v18, v33;
	v29 =	vld [tilespmem:s15+$0x15580]  }
0x1fe: {  	v11 =	vld [tilespmem:$0x1FF60];
	v35 =	vadd.f32 v63, v35  }
0x1ff: {  	v33 =	vadd.f32 v14, v33;
	v24 =	vld [tilespmem:s15+$0x15590]  }
0x200: {  	v63 =	vadd.f32 v7, v35;
	v7 =	vld [tilespmem:$0x1FF80]  }
0x201: {  	v33 =	vadd.f32 v10, v33;
	v25 =	vld [tilespmem:s15+$0x15540]  }
0x202: {  	v22 =	vld [tilespmem:s15+$0x15550]  }
0x203: {  	v23 =	vld [tilespmem:s15+$0x15500];
	v6 =	vadd.f32 v6, v33;
	v36 =	vadd.f32 v11, v36  }
0x204: {  	v18 =	vld [tilespmem:s15+$0x15510]  }
0x205: {  	v36 =	vadd.f32 v7, v36;
	v7 =	vadd.f32 v4, v6;
	v4 =	vld [tilespmem:$0x1FF90]  }
0x206: {  	v19 =	vld [tilespmem:s15+$0x154C0]  }
0x207: {  	v14 =	vld [tilespmem:s15+$0x154D0]  }
0x208: {  	v15 =	vld [tilespmem:s15+$0x15480]  }
0x209: {  	v10 =	vld [tilespmem:s15+$0x15490]  }
0x20a: {  	v6 =	vadd.f32 v4, v63;
	v4 =	vld [tilespmem:$0x1FFA0]  }
0x20b: {  	v33 =	vld [tilespmem:s15+$0x15450]  }
0x20c: {  	v34 =	vld [tilespmem:s15+$0x15400]  }
0x20d: {  	v11 =	vld [tilespmem:s15+$0x15440]  }
0x20e: {  	v35 =	vld [tilespmem:s15+$0x15410]  }
0x20f: {  	s16 =	simm.s32 $0x1000;
	v5 =	vadd.f32 v5, v62;
	v4 =	vadd.f32 v4, v36;
	v36 =	vld [tilespmem:s15+$0x15420]  }
.LBB2_11:
0x210: {  	p1 =	sne.s32 s16, $0x6000;
	v37 =	vld [tilespmem:s15+$0x15430]  }
0x211: {  	v38 =	vld [tilespmem:s15+$0x15460]  }
0x212: {  	v39 =	vld [tilespmem:s15+$0x15470]  }
0x213: {  	v40 =	vld [tilespmem:s15+$0x154A0]  }
0x214: {  	v7 =	vadd.f32 v34, v7;
	v5 =	vadd.f32 v35, v5;
	v34 =	vld [tilespmem:s15+$0x154B0]  }
0x215: {  	v6 =	vadd.f32 v36, v6;
	v4 =	vadd.f32 v37, v4;
	v35 =	vld [tilespmem:s15+$0x154E0]  }
0x216: {  	v7 =	vadd.f32 v11, v7;
	v5 =	vadd.f32 v33, v5;
	v11 =	vld [tilespmem:s15+$0x154F0]  }
0x217: {  	v6 =	vadd.f32 v38, v6;
	v4 =	vadd.f32 v39, v4;
	v33 =	vld [tilespmem:s15+$0x15520]  }
0x218: {  	v7 =	vadd.f32 v15, v7;
	v5 =	vadd.f32 v10, v5;
	v10 =	vld [tilespmem:s15+$0x15530]  }
0x219: {  	v6 =	vadd.f32 v40, v6;
	v4 =	vadd.f32 v34, v4;
	v15 =	vld [tilespmem:s15+$0x15560]  }
0x21a: {  	v7 =	vadd.f32 v19, v7;
	v5 =	vadd.f32 v14, v5;
	v14 =	vld [tilespmem:s15+$0x15570]  }
0x21b: {  	v6 =	vadd.f32 v35, v6;
	v4 =	vadd.f32 v11, v4;
	v11 =	vld [tilespmem:s15+$0x155A0]  }
0x21c: {  	v7 =	vadd.f32 v23, v7;
	v5 =	vadd.f32 v18, v5;
	v18 =	vld [tilespmem:s15+$0x155B0]  }
0x21d: {  	v6 =	vadd.f32 v33, v6;
	v4 =	vadd.f32 v10, v4;
	v10 =	vld [tilespmem:s15+$0x155E0]  }
0x21e: {  	v7 =	vadd.f32 v25, v7;
	v5 =	vadd.f32 v22, v5;
	v19 =	vld [tilespmem:s15+$0x155F0]  }
0x21f: {  	v6 =	vadd.f32 v15, v6;
	v4 =	vadd.f32 v14, v4;
	v14 =	vld [tilespmem:s15+$0x15620]  }
0x220: {  	v7 =	vadd.f32 v29, v7;
	v5 =	vadd.f32 v24, v5;
	v15 =	vld [tilespmem:s15+$0x15630]  }
0x221: {  	v6 =	vadd.f32 v11, v6;
	v4 =	vadd.f32 v18, v4;
	v11 =	vld [tilespmem:s15+$0x15660]  }
0x222: {  	v7 =	vadd.f32 v32, v7;
	v5 =	vadd.f32 v28, v5;
	v18 =	vld [tilespmem:s15+$0x15670]  }
0x223: {  	v6 =	vadd.f32 v10, v6;
	v4 =	vadd.f32 v19, v4;
	v10 =	vld [tilespmem:s15+$0x156A0]  }
0x224: {  	v7 =	vadd.f32 v30, v7;
	v5 =	vadd.f32 v31, v5;
	v19 =	vld [tilespmem:s15+$0x156B0]  }
0x225: {  	v6 =	vadd.f32 v14, v6;
	v4 =	vadd.f32 v15, v4;
	v14 =	vld [tilespmem:s15+$0x156E0]  }
0x226: {  	v7 =	vadd.f32 v26, v7;
	v5 =	vadd.f32 v27, v5;
	v15 =	vld [tilespmem:s15+$0x156F0]  }
0x227: {  	v6 =	vadd.f32 v11, v6;
	v4 =	vadd.f32 v18, v4;
	v11 =	vld [tilespmem:s15+$0x15720]  }
0x228: {  	v7 =	vadd.f32 v20, v7;
	v5 =	vadd.f32 v21, v5;
	v18 =	vld [tilespmem:s15+$0x15730]  }
0x229: {  	v6 =	vadd.f32 v10, v6;
	v4 =	vadd.f32 v19, v4;
	v10 =	vld [tilespmem:s15+$0x15760]  }
0x22a: {  	v7 =	vadd.f32 v16, v7;
	v5 =	vadd.f32 v17, v5;
	v16 =	vld [tilespmem:s15+$0x15770]  }
0x22b: {  	v6 =	vadd.f32 v14, v6;
	v4 =	vadd.f32 v15, v4;
	v14 =	vld [tilespmem:s15+$0x157A0]  }
0x22c: {  	v7 =	vadd.f32 v12, v7;
	v5 =	vadd.f32 v13, v5;
	v12 =	vld [tilespmem:s15+$0x157B0]  }
0x22d: {  	v6 =	vadd.f32 v11, v6;
	v4 =	vadd.f32 v18, v4;
	v11 =	vld [tilespmem:s15+$0x157E0]  }
0x22e: {  	v7 =	vadd.f32 v8, v7;
	v5 =	vadd.f32 v9, v5;
	v9 =	vld [tilespmem:s15+$0x157F0];
	s15 =	sshra.s32 s16, $0x2  }
0x22f: {  	v6 =	vadd.f32 v10, v6;
	v13 =	vld [tilespmem:s15+$0x157C0];
	v4 =	vadd.f32 v16, v4  }
0x230: {  	v7 =	vadd.f32 v2, v7;
	v5 =	vadd.f32 v3, v5;
	v10 =	vld [tilespmem:s15+$0x157D0]  }
0x231: {  	v6 =	vadd.f32 v14, v6;
	v2 =	vld [tilespmem:s15+$0x15780];
	v4 =	vadd.f32 v12, v4  }
0x232: {  	v7 =	vadd.f32 v0, v7;
	v5 =	vadd.f32 v1, v5;
	v3 =	vld [tilespmem:s15+$0x15790]  }
0x233: {  	v6 =	vadd.f32 v11, v6;
	v8 =	vld [tilespmem:s15+$0x15740];
	v4 =	vadd.f32 v9, v4  }
0x234: {  	v9 =	vld [tilespmem:s15+$0x15750];
	v0 =	vmov v13  }
0x235: {  	v12 =	vld [tilespmem:s15+$0x15700];
	v1 =	vmov v10  }
0x236: {  	v13 =	vld [tilespmem:s15+$0x15710]  }
0x237: {  	v16 =	vld [tilespmem:s15+$0x156C0]  }
0x238: {  	v17 =	vld [tilespmem:s15+$0x156D0]  }
0x239: {  	v20 =	vld [tilespmem:s15+$0x15680]  }
0x23a: {  	v21 =	vld [tilespmem:s15+$0x15690]  }
0x23b: {  	v26 =	vld [tilespmem:s15+$0x15640]  }
0x23c: {  	v27 =	vld [tilespmem:s15+$0x15650]  }
0x23d: {  	v30 =	vld [tilespmem:s15+$0x15600]  }
0x23e: {  	v31 =	vld [tilespmem:s15+$0x15610]  }
0x23f: {  	v32 =	vld [tilespmem:s15+$0x155C0]  }
0x240: {  	v28 =	vld [tilespmem:s15+$0x155D0]  }
0x241: {  	v29 =	vld [tilespmem:s15+$0x15580]  }
0x242: {  	v24 =	vld [tilespmem:s15+$0x15590]  }
0x243: {  	v25 =	vld [tilespmem:s15+$0x15540]  }
0x244: {  	v22 =	vld [tilespmem:s15+$0x15550]  }
0x245: {  	v23 =	vld [tilespmem:s15+$0x15500]  }
0x246: {  	v18 =	vld [tilespmem:s15+$0x15510]  }
0x247: {  	v19 =	vld [tilespmem:s15+$0x154C0]  }
0x248: {  	v14 =	vld [tilespmem:s15+$0x154D0]  }
0x249: {  	v15 =	vld [tilespmem:s15+$0x15480]  }
0x24a: {  	v10 =	vld [tilespmem:s15+$0x15490]  }
.Ltmp6:
0x24b: {  	v11 =	vld [tilespmem:s15+$0x15440];
	(pc) =	sbr.rel @p1 .LBB2_11-.Ltmp6, $4  }
0x24c: {  	v33 =	vld [tilespmem:s15+$0x15450]  }
0x24d: {  	v34 =	vld [tilespmem:s15+$0x15400]  }
0x24e: {  	v35 =	vld [tilespmem:s15+$0x15410]  }
0x24f: {  	s16 =	sadd.s32 $0x1000, s16;
	v36 =	vld [tilespmem:s15+$0x15420]  }
0x250: {  	v37 =	vld [tilespmem:s15+$0x15430]  }
0x251: {  	v38 =	vld [tilespmem:s15+$0x15460]  }
0x252: {  	v39 =	vld [tilespmem:s15+$0x15470];
	v7 =	vadd.f32 v34, v7  }
0x253: {  	v61 =	vld [tilespmem:s15+$0x154A0];
	v5 =	vadd.f32 v35, v5  }
0x254: {  	v62 =	vld [tilespmem:s15+$0x154B0];
	v6 =	vadd.f32 v36, v6;
	v7 =	vadd.f32 v11, v7  }
0x255: {  	v11 =	vld [tilespmem:s15+$0x154E0];
	v4 =	vadd.f32 v37, v4;
	v5 =	vadd.f32 v33, v5  }
0x256: {  	v63 =	vld [tilespmem:s15+$0x154F0];
	v6 =	vadd.f32 v38, v6;
	v7 =	vadd.f32 v15, v7  }
0x257: {  	v15 =	vld [tilespmem:s15+$0x15520];
	v4 =	vadd.f32 v39, v4;
	v5 =	vadd.f32 v10, v5  }
0x258: {  	v10 =	vld [tilespmem:s15+$0x15530];
	v6 =	vadd.f32 v61, v6;
	v7 =	vadd.f32 v19, v7  }
0x259: {  	v19 =	vld [tilespmem:s15+$0x15560];
	v4 =	vadd.f32 v62, v4;
	v5 =	vadd.f32 v14, v5  }
0x25a: {  	v14 =	vld [tilespmem:s15+$0x15570];
	v6 =	vadd.f32 v11, v6;
	v7 =	vadd.f32 v23, v7  }
0x25b: {  	v11 =	vld [tilespmem:s15+$0x155A0];
	v4 =	vadd.f32 v63, v4;
	v5 =	vadd.f32 v18, v5  }
0x25c: {  	v18 =	vld [tilespmem:s15+$0x155B0];
	v6 =	vadd.f32 v15, v6;
	v7 =	vadd.f32 v25, v7  }
0x25d: {  	v4 =	vadd.f32 v10, v4;
	v10 =	vld [tilespmem:s15+$0x155E0];
	v5 =	vadd.f32 v22, v5  }
0x25e: {  	v15 =	vld [tilespmem:s15+$0x155F0];
	v6 =	vadd.f32 v19, v6;
	v7 =	vadd.f32 v29, v7  }
0x25f: {  	v4 =	vadd.f32 v14, v4;
	v14 =	vld [tilespmem:s15+$0x15620];
	v5 =	vadd.f32 v24, v5  }
0x260: {  	v19 =	vld [tilespmem:s15+$0x15630];
	v6 =	vadd.f32 v11, v6;
	v7 =	vadd.f32 v32, v7  }
0x261: {  	v11 =	vld [tilespmem:s15+$0x15660];
	v4 =	vadd.f32 v18, v4;
	v5 =	vadd.f32 v28, v5  }
0x262: {  	v18 =	vld [tilespmem:s15+$0x15670];
	v6 =	vadd.f32 v10, v6;
	v7 =	vadd.f32 v30, v7  }
0x263: {  	v10 =	vld [tilespmem:s15+$0x156A0];
	v4 =	vadd.f32 v15, v4;
	v5 =	vadd.f32 v31, v5  }
0x264: {  	v15 =	vld [tilespmem:s15+$0x156B0];
	v6 =	vadd.f32 v14, v6;
	v7 =	vadd.f32 v26, v7  }
0x265: {  	v14 =	vld [tilespmem:s15+$0x156E0];
	v4 =	vadd.f32 v19, v4;
	v5 =	vadd.f32 v27, v5  }
0x266: {  	v19 =	vld [tilespmem:s15+$0x156F0];
	v6 =	vadd.f32 v11, v6;
	v7 =	vadd.f32 v20, v7  }
0x267: {  	v11 =	vld [tilespmem:s15+$0x15720];
	v4 =	vadd.f32 v18, v4;
	v5 =	vadd.f32 v21, v5  }
0x268: {  	v18 =	vld [tilespmem:s15+$0x15730];
	v6 =	vadd.f32 v10, v6;
	v7 =	vadd.f32 v16, v7  }
0x269: {  	v10 =	vld [tilespmem:s15+$0x15760];
	v4 =	vadd.f32 v15, v4;
	v5 =	vadd.f32 v17, v5  }
0x26a: {  	v15 =	vld [tilespmem:s15+$0x15770];
	v6 =	vadd.f32 v14, v6;
	v7 =	vadd.f32 v12, v7  }
0x26b: {  	v12 =	vld [tilespmem:s15+$0x157A0];
	v4 =	vadd.f32 v19, v4;
	v5 =	vadd.f32 v13, v5  }
0x26c: {  	v13 =	vld [tilespmem:s15+$0x157B0];
	v6 =	vadd.f32 v11, v6;
	v7 =	vadd.f32 v8, v7  }
0x26d: {  	v8 =	vld [tilespmem:s15+$0x157E0];
	v4 =	vadd.f32 v18, v4;
	v5 =	vadd.f32 v9, v5  }
0x26e: {  	v9 =	vld [tilespmem:s15+$0x157F0];
	v6 =	vadd.f32 v10, v6;
	v2 =	vadd.f32 v2, v7  }
0x26f: {  	v4 =	vadd.f32 v15, v4;
	v3 =	vadd.f32 v3, v5  }
0x270: {  	s16 =	simm.s32 @!p0 $0x70;
	s17 =	simm.s32 @!p0 $0x15400;
	s15 =	sadd.s32 @!p0 $0x4D0, s14;
	v5 =	vadd.f32 v12, v6;
	v0 =	vadd.f32 v0, v2  }
0x271: {  	[tilespmem:s17], [sflag:$0x4] =	stream.indirect.gather @!p0 [hbm4b:s3+s16], $0x40, s15, s16, $0xb8;
	v2 =	vadd.f32 v13, v4;
	v1 =	vadd.f32 v1, v3;
	[tilespmem:$0x1E000] =	vst v63  }
0x272: {  	v3 =	vadd.f32 v8, v5;
	[tilespmem:s13+$0xE040] =	vst v0  }
0x273: {  	v0 =	vadd.f32 v9, v2;
	[tilespmem:s13+$0xE050] =	vst v1  }
0x274: {  	[tilespmem:s13+$0xE060] =	vst v3  }
0x275: {  	[tilespmem:s13+$0xE070] =	vst v0  }
0x276: {  	_ =	swait.ge [sflag:s30], $0x1C00  }
0x277: {  	[sflag:s30] =	ssyncset.done $0x0  }
0x278: {  	s15 =	simm.s32 $0x0;
	[sflag:s30] =	ssyncadd.s32 $0xFFFFE400  }
0x279: {  	v4 =	vld [tilespmem:s15+$0x173C0]  }
0x27a: {  	v5 =	vld [tilespmem:s15+$0x173D0]  }
0x27b: {  	v6 =	vld [tilespmem:s15+$0x17380]  }
0x27c: {  	v7 =	vld [tilespmem:s15+$0x17390]  }
0x27d: {  	v10 =	vld [tilespmem:s15+$0x17340]  }
0x27e: {  	v11 =	vld [tilespmem:s15+$0x17350]  }
0x27f: {  	v14 =	vld [tilespmem:s15+$0x17300]  }
0x280: {  	v15 =	vld [tilespmem:s15+$0x17310]  }
0x281: {  	v18 =	vld [tilespmem:s15+$0x172C0]  }
0x282: {  	v19 =	vld [tilespmem:s15+$0x172D0]  }
0x283: {  	v22 =	vld [tilespmem:s15+$0x17280]  }
0x284: {  	v23 =	vld [tilespmem:s15+$0x17290]  }
0x285: {  	v24 =	vld [tilespmem:s15+$0x17240]  }
0x286: {  	v25 =	vld [tilespmem:s15+$0x17250]  }
0x287: {  	v28 =	vld [tilespmem:s15+$0x17200]  }
0x288: {  	v29 =	vld [tilespmem:s15+$0x17210]  }
0x289: {  	v31 =	vld [tilespmem:s15+$0x171C0]  }
0x28a: {  	v32 =	vld [tilespmem:s15+$0x171D0]  }
0x28b: {  	v27 =	vld [tilespmem:s15+$0x17180]  }
0x28c: {  	v30 =	vld [tilespmem:s15+$0x17190]  }
0x28d: {  	v21 =	vld [tilespmem:s15+$0x17140]  }
0x28e: {  	v26 =	vld [tilespmem:s15+$0x17150]  }
0x28f: {  	v17 =	vld [tilespmem:s15+$0x17100]  }
0x290: {  	v20 =	vld [tilespmem:s15+$0x17110]  }
0x291: {  	v13 =	vld [tilespmem:s15+$0x170C0]  }
0x292: {  	v16 =	vld [tilespmem:s15+$0x170D0]  }
0x293: {  	v9 =	vld [tilespmem:s15+$0x17080]  }
0x294: {  	v12 =	vld [tilespmem:s15+$0x17090]  }
0x295: {  	v33 =	vld [tilespmem:s15+$0x17040]  }
0x296: {  	v34 =	vld [tilespmem:s15+$0x17050]  }
0x297: {  	v35 =	vld [tilespmem:s15+$0x17000]  }
0x298: {  	v8 =	vimm.f32 $0.0e+00;
	v37 =	vld [tilespmem:s15+$0x17010]  }
0x299: {  	s16 =	simm.s32 $0x1000;
	v1 =	vimm.f32 $0.0e+00;
	v2 =	vimm.f32 $0.0e+00;
	v3 =	vimm.f32 $0.0e+00;
	v36 =	vld [tilespmem:s15+$0x17020]  }
.LBB2_13:
0x29a: {  	p1 =	sne.s32 s16, $0x6000;
	v0 =	vld [tilespmem:s15+$0x17030]  }
0x29b: {  	v38 =	vld [tilespmem:s15+$0x17060]  }
0x29c: {  	v39 =	vld [tilespmem:s15+$0x17070]  }
0x29d: {  	v40 =	vld [tilespmem:s15+$0x170A0]  }
0x29e: {  	v1 =	vadd.f32 v35, v1;
	v8 =	vadd.f32 v37, v8;
	v35 =	vld [tilespmem:s15+$0x170B0]  }
0x29f: {  	v2 =	vadd.f32 v36, v2;
	v0 =	vadd.f32 v0, v3;
	v3 =	vld [tilespmem:s15+$0x170E0]  }
0x2a0: {  	v1 =	vadd.f32 v33, v1;
	v8 =	vadd.f32 v34, v8;
	v33 =	vld [tilespmem:s15+$0x170F0]  }
0x2a1: {  	v2 =	vadd.f32 v38, v2;
	v0 =	vadd.f32 v39, v0;
	v34 =	vld [tilespmem:s15+$0x17120]  }
0x2a2: {  	v1 =	vadd.f32 v9, v1;
	v8 =	vadd.f32 v12, v8;
	v9 =	vld [tilespmem:s15+$0x17130]  }
0x2a3: {  	v2 =	vadd.f32 v40, v2;
	v0 =	vadd.f32 v35, v0;
	v12 =	vld [tilespmem:s15+$0x17160]  }
0x2a4: {  	v1 =	vadd.f32 v13, v1;
	v8 =	vadd.f32 v16, v8;
	v13 =	vld [tilespmem:s15+$0x17170]  }
0x2a5: {  	v2 =	vadd.f32 v3, v2;
	v0 =	vadd.f32 v33, v0;
	v3 =	vld [tilespmem:s15+$0x171A0]  }
0x2a6: {  	v1 =	vadd.f32 v17, v1;
	v8 =	vadd.f32 v20, v8;
	v16 =	vld [tilespmem:s15+$0x171B0]  }
0x2a7: {  	v2 =	vadd.f32 v34, v2;
	v0 =	vadd.f32 v9, v0;
	v9 =	vld [tilespmem:s15+$0x171E0]  }
0x2a8: {  	v1 =	vadd.f32 v21, v1;
	v8 =	vadd.f32 v26, v8;
	v17 =	vld [tilespmem:s15+$0x171F0]  }
0x2a9: {  	v2 =	vadd.f32 v12, v2;
	v0 =	vadd.f32 v13, v0;
	v12 =	vld [tilespmem:s15+$0x17220]  }
0x2aa: {  	v1 =	vadd.f32 v27, v1;
	v8 =	vadd.f32 v30, v8;
	v13 =	vld [tilespmem:s15+$0x17230]  }
0x2ab: {  	v2 =	vadd.f32 v3, v2;
	v0 =	vadd.f32 v16, v0;
	v3 =	vld [tilespmem:s15+$0x17260]  }
0x2ac: {  	v1 =	vadd.f32 v31, v1;
	v8 =	vadd.f32 v32, v8;
	v16 =	vld [tilespmem:s15+$0x17270]  }
0x2ad: {  	v2 =	vadd.f32 v9, v2;
	v0 =	vadd.f32 v17, v0;
	v9 =	vld [tilespmem:s15+$0x172A0]  }
0x2ae: {  	v1 =	vadd.f32 v28, v1;
	v8 =	vadd.f32 v29, v8;
	v17 =	vld [tilespmem:s15+$0x172B0]  }
0x2af: {  	v2 =	vadd.f32 v12, v2;
	v0 =	vadd.f32 v13, v0;
	v12 =	vld [tilespmem:s15+$0x172E0]  }
0x2b0: {  	v1 =	vadd.f32 v24, v1;
	v8 =	vadd.f32 v25, v8;
	v13 =	vld [tilespmem:s15+$0x172F0]  }
0x2b1: {  	v2 =	vadd.f32 v3, v2;
	v0 =	vadd.f32 v16, v0;
	v3 =	vld [tilespmem:s15+$0x17320]  }
0x2b2: {  	v1 =	vadd.f32 v22, v1;
	v8 =	vadd.f32 v23, v8;
	v16 =	vld [tilespmem:s15+$0x17330]  }
0x2b3: {  	v2 =	vadd.f32 v9, v2;
	v0 =	vadd.f32 v17, v0;
	v9 =	vld [tilespmem:s15+$0x17360]  }
0x2b4: {  	v1 =	vadd.f32 v18, v1;
	v8 =	vadd.f32 v19, v8;
	v17 =	vld [tilespmem:s15+$0x17370]  }
0x2b5: {  	v2 =	vadd.f32 v12, v2;
	v0 =	vadd.f32 v13, v0;
	v12 =	vld [tilespmem:s15+$0x173A0]  }
0x2b6: {  	v1 =	vadd.f32 v14, v1;
	v8 =	vadd.f32 v15, v8;
	v13 =	vld [tilespmem:s15+$0x173B0]  }
0x2b7: {  	v2 =	vadd.f32 v3, v2;
	v0 =	vadd.f32 v16, v0;
	v3 =	vld [tilespmem:s15+$0x173E0]  }
0x2b8: {  	v1 =	vadd.f32 v10, v1;
	v8 =	vadd.f32 v11, v8;
	v11 =	vld [tilespmem:s15+$0x173F0];
	s15 =	sshra.s32 s16, $0x2  }
0x2b9: {  	v2 =	vadd.f32 v9, v2;
	v14 =	vld [tilespmem:s15+$0x173C0];
	v0 =	vadd.f32 v17, v0  }
0x2ba: {  	v1 =	vadd.f32 v6, v1;
	v8 =	vadd.f32 v7, v8;
	v9 =	vld [tilespmem:s15+$0x173D0]  }
0x2bb: {  	v2 =	vadd.f32 v12, v2;
	v6 =	vld [tilespmem:s15+$0x17380];
	v0 =	vadd.f32 v13, v0  }
0x2bc: {  	v1 =	vadd.f32 v4, v1;
	v8 =	vadd.f32 v5, v8;
	v7 =	vld [tilespmem:s15+$0x17390]  }
0x2bd: {  	v2 =	vadd.f32 v3, v2;
	v10 =	vld [tilespmem:s15+$0x17340];
	v3 =	vadd.f32 v11, v0  }
0x2be: {  	v11 =	vld [tilespmem:s15+$0x17350];
	v4 =	vmov v14  }
0x2bf: {  	v14 =	vld [tilespmem:s15+$0x17300];
	v5 =	vmov v9  }
0x2c0: {  	v15 =	vld [tilespmem:s15+$0x17310]  }
0x2c1: {  	v18 =	vld [tilespmem:s15+$0x172C0]  }
0x2c2: {  	v19 =	vld [tilespmem:s15+$0x172D0]  }
0x2c3: {  	v22 =	vld [tilespmem:s15+$0x17280]  }
0x2c4: {  	v23 =	vld [tilespmem:s15+$0x17290]  }
0x2c5: {  	v24 =	vld [tilespmem:s15+$0x17240]  }
0x2c6: {  	v25 =	vld [tilespmem:s15+$0x17250]  }
0x2c7: {  	v28 =	vld [tilespmem:s15+$0x17200]  }
0x2c8: {  	v29 =	vld [tilespmem:s15+$0x17210]  }
0x2c9: {  	v31 =	vld [tilespmem:s15+$0x171C0]  }
0x2ca: {  	v32 =	vld [tilespmem:s15+$0x171D0]  }
0x2cb: {  	v27 =	vld [tilespmem:s15+$0x17180]  }
0x2cc: {  	v30 =	vld [tilespmem:s15+$0x17190]  }
0x2cd: {  	v21 =	vld [tilespmem:s15+$0x17140]  }
0x2ce: {  	v26 =	vld [tilespmem:s15+$0x17150]  }
0x2cf: {  	v17 =	vld [tilespmem:s15+$0x17100]  }
0x2d0: {  	v20 =	vld [tilespmem:s15+$0x17110]  }
0x2d1: {  	v13 =	vld [tilespmem:s15+$0x170C0]  }
0x2d2: {  	v16 =	vld [tilespmem:s15+$0x170D0]  }
0x2d3: {  	v9 =	vld [tilespmem:s15+$0x17080]  }
0x2d4: {  	v12 =	vld [tilespmem:s15+$0x17090]  }
.Ltmp7:
0x2d5: {  	v33 =	vld [tilespmem:s15+$0x17040];
	(pc) =	sbr.rel @p1 .LBB2_13-.Ltmp7, $4  }
0x2d6: {  	v34 =	vld [tilespmem:s15+$0x17050]  }
0x2d7: {  	v35 =	vld [tilespmem:s15+$0x17000]  }
0x2d8: {  	v37 =	vld [tilespmem:s15+$0x17010]  }
0x2d9: {  	s16 =	sadd.s32 $0x1000, s16;
	v36 =	vld [tilespmem:s15+$0x17020]  }
0x2da: {  	v38 =	vld [tilespmem:s15+$0x17030]  }
0x2db: {  	v39 =	vld [tilespmem:s15+$0x17060]  }
0x2dc: {  	v40 =	vld [tilespmem:s15+$0x17070]  }
0x2dd: {  	v41 =	vld [tilespmem:s15+$0x170A0]  }
0x2de: {  	v42 =	vld [tilespmem:s15+$0x170B0]  }
0x2df: {  	v43 =	vld [tilespmem:s15+$0x170E0]  }
0x2e0: {  	v0 =	vld [tilespmem:s15+$0x17370]  }
0x2e1: {  	v44 =	vld [tilespmem:s15+$0x170F0]  }
0x2e2: {  	v45 =	vld [tilespmem:s15+$0x17120]  }
0x2e3: {  	v46 =	vld [tilespmem:s15+$0x17130]  }
0x2e4: {  	v47 =	vld [tilespmem:s15+$0x17160]  }
0x2e5: {  	[tilespmem:$0x1FF10] =	vst v0;
	v0 =	vld [tilespmem:s15+$0x173A0]  }
0x2e6: {  	v48 =	vld [tilespmem:s15+$0x17170]  }
0x2e7: {  	v49 =	vld [tilespmem:s15+$0x171A0]  }
0x2e8: {  	v50 =	vld [tilespmem:s15+$0x171B0]  }
0x2e9: {  	v51 =	vld [tilespmem:s15+$0x171E0]  }
0x2ea: {  	[tilespmem:$0x1FF20] =	vst v0;
	v0 =	vld [tilespmem:s15+$0x173B0]  }
0x2eb: {  	v52 =	vld [tilespmem:s15+$0x171F0]  }
0x2ec: {  	v53 =	vld [tilespmem:s15+$0x17220]  }
0x2ed: {  	v54 =	vld [tilespmem:s15+$0x17230]  }
0x2ee: {  	v55 =	vld [tilespmem:s15+$0x17260]  }
0x2ef: {  	[tilespmem:$0x1FF30] =	vst v0;
	v0 =	vld [tilespmem:s15+$0x173E0]  }
0x2f0: {  	v56 =	vld [tilespmem:s15+$0x17270]  }
0x2f1: {  	v57 =	vld [tilespmem:s15+$0x172A0]  }
0x2f2: {  	v58 =	vld [tilespmem:s15+$0x172B0];
	v8 =	vadd.f32 v37, v8  }
0x2f3: {  	v59 =	vld [tilespmem:s15+$0x172E0]  }
0x2f4: {  	v34 =	vadd.f32 v34, v8;
	[tilespmem:$0x1FF40] =	vst v0;
	v0 =	vld [tilespmem:s15+$0x173F0]  }
0x2f5: {  	v60 =	vld [tilespmem:s15+$0x172F0]  }
0x2f6: {  	v61 =	vld [tilespmem:s15+$0x17320];
	v37 =	vadd.f32 v38, v3;
	v34 =	vadd.f32 v12, v34  }
0x2f7: {  	v62 =	vld [tilespmem:s15+$0x17330];
	s16 =	sadd.s32 @!p0 $0x540, s14;
	s17 =	simm.s32 @!p0 $0x70;
	s18 =	simm.s32 @!p0 $0x17000;
	v35 =	vadd.f32 v35, v1;
	v36 =	vadd.f32 v36, v2  }
0x2f8: {  	v63 =	vld [tilespmem:s15+$0x17360];
	v40 =	vadd.f32 v40, v37;
	v34 =	vadd.f32 v16, v34;
	[tilespmem:s18], [sflag:$0x5] =	stream.indirect.gather @!p0 [hbm4b:s3+s17], $0x40, s16, s17, $0xb8  }
0x2f9: {  	v33 =	vadd.f32 v33, v35;
	v35 =	vadd.f32 v39, v36;
	[tilespmem:$0x1FF50] =	vst v0  }
0x2fa: {  	v36 =	vadd.f32 v42, v40;
	v34 =	vadd.f32 v20, v34;
	_ =	swait.ge [sflag:s31], $0x1C00  }
0x2fb: {  	v35 =	vadd.f32 v41, v35;
	[sflag:s31] =	ssyncset.done $0x0  }
0x2fc: {  	v36 =	vadd.f32 v44, v36;
	v34 =	vadd.f32 v26, v34;
	s15 =	simm.s32 $0x0;
	[sflag:s31] =	ssyncadd.s32 $0xFFFFE400  }
0x2fd: {  	v33 =	vadd.f32 v9, v33;
	v35 =	vadd.f32 v43, v35;
	v0 =	vld [tilespmem:s15+$0x18FC0]  }
0x2fe: {  	v36 =	vadd.f32 v46, v36;
	v34 =	vadd.f32 v30, v34;
	v1 =	vld [tilespmem:s15+$0x18FD0]  }
0x2ff: {  	v33 =	vadd.f32 v13, v33;
	v35 =	vadd.f32 v45, v35;
	v2 =	vld [tilespmem:s15+$0x18F80]  }
0x300: {  	v36 =	vadd.f32 v48, v36;
	v34 =	vadd.f32 v32, v34;
	v3 =	vld [tilespmem:s15+$0x18F90]  }
0x301: {  	v33 =	vadd.f32 v17, v33;
	v35 =	vadd.f32 v47, v35;
	v8 =	vld [tilespmem:s15+$0x18F40]  }
0x302: {  	v36 =	vadd.f32 v50, v36;
	v34 =	vadd.f32 v29, v34;
	v9 =	vld [tilespmem:s15+$0x18F50]  }
0x303: {  	v33 =	vadd.f32 v21, v33;
	v35 =	vadd.f32 v49, v35;
	v12 =	vld [tilespmem:s15+$0x18F00]  }
0x304: {  	v36 =	vadd.f32 v52, v36;
	v34 =	vadd.f32 v25, v34;
	v13 =	vld [tilespmem:s15+$0x18F10]  }
0x305: {  	v33 =	vadd.f32 v27, v33;
	v35 =	vadd.f32 v51, v35;
	v16 =	vld [tilespmem:s15+$0x18EC0]  }
0x306: {  	v36 =	vadd.f32 v54, v36;
	v34 =	vadd.f32 v23, v34;
	v17 =	vld [tilespmem:s15+$0x18ED0]  }
0x307: {  	v33 =	vadd.f32 v31, v33;
	v35 =	vadd.f32 v53, v35;
	v20 =	vld [tilespmem:s15+$0x18E80]  }
0x308: {  	v36 =	vadd.f32 v56, v36;
	v34 =	vadd.f32 v19, v34;
	v21 =	vld [tilespmem:s15+$0x18E90]  }
0x309: {  	v33 =	vadd.f32 v28, v33;
	v35 =	vadd.f32 v55, v35;
	v26 =	vld [tilespmem:s15+$0x18E40]  }
0x30a: {  	v36 =	vadd.f32 v58, v36;
	v34 =	vadd.f32 v15, v34;
	v27 =	vld [tilespmem:s15+$0x18E50]  }
0x30b: {  	v33 =	vadd.f32 v24, v33;
	v35 =	vadd.f32 v57, v35;
	v30 =	vld [tilespmem:s15+$0x18E00]  }
0x30c: {  	v36 =	vadd.f32 v60, v36;
	v31 =	vld [tilespmem:s15+$0x18E10];
	v34 =	vadd.f32 v11, v34  }
0x30d: {  	v33 =	vadd.f32 v22, v33;
	v35 =	vadd.f32 v59, v35;
	v32 =	vld [tilespmem:s15+$0x18DC0]  }
0x30e: {  	v36 =	vadd.f32 v62, v36;
	v62 =	vadd.f32 v7, v34;
	v7 =	vld [tilespmem:$0x1FF20]  }
0x30f: {  	v35 =	vadd.f32 v61, v35;
	v28 =	vld [tilespmem:s15+$0x18DD0]  }
0x310: {  	v33 =	vadd.f32 v18, v33;
	v29 =	vld [tilespmem:s15+$0x18D80]  }
0x311: {  	v11 =	vld [tilespmem:$0x1FF10];
	v35 =	vadd.f32 v63, v35  }
0x312: {  	v33 =	vadd.f32 v14, v33;
	v24 =	vld [tilespmem:s15+$0x18D90]  }
0x313: {  	v63 =	vadd.f32 v7, v35;
	v7 =	vld [tilespmem:$0x1FF30]  }
0x314: {  	v33 =	vadd.f32 v10, v33;
	v25 =	vld [tilespmem:s15+$0x18D40]  }
0x315: {  	v22 =	vld [tilespmem:s15+$0x18D50]  }
0x316: {  	v23 =	vld [tilespmem:s15+$0x18D00];
	v6 =	vadd.f32 v6, v33;
	v36 =	vadd.f32 v11, v36  }
0x317: {  	v18 =	vld [tilespmem:s15+$0x18D10]  }
0x318: {  	v36 =	vadd.f32 v7, v36;
	v7 =	vadd.f32 v4, v6;
	v4 =	vld [tilespmem:$0x1FF40]  }
0x319: {  	v19 =	vld [tilespmem:s15+$0x18CC0]  }
0x31a: {  	v14 =	vld [tilespmem:s15+$0x18CD0]  }
0x31b: {  	v15 =	vld [tilespmem:s15+$0x18C80]  }
0x31c: {  	v10 =	vld [tilespmem:s15+$0x18C90]  }
0x31d: {  	v6 =	vadd.f32 v4, v63;
	v4 =	vld [tilespmem:$0x1FF50]  }
0x31e: {  	v33 =	vld [tilespmem:s15+$0x18C50]  }
0x31f: {  	v34 =	vld [tilespmem:s15+$0x18C00]  }
0x320: {  	v11 =	vld [tilespmem:s15+$0x18C40]  }
0x321: {  	v35 =	vld [tilespmem:s15+$0x18C10]  }
0x322: {  	s16 =	simm.s32 $0x1000;
	v5 =	vadd.f32 v5, v62;
	v4 =	vadd.f32 v4, v36;
	v36 =	vld [tilespmem:s15+$0x18C20]  }
.LBB2_15:
0x323: {  	p1 =	sne.s32 s16, $0x6000;
	v37 =	vld [tilespmem:s15+$0x18C30]  }
0x324: {  	v38 =	vld [tilespmem:s15+$0x18C60]  }
0x325: {  	v39 =	vld [tilespmem:s15+$0x18C70]  }
0x326: {  	v40 =	vld [tilespmem:s15+$0x18CA0]  }
0x327: {  	v7 =	vadd.f32 v34, v7;
	v5 =	vadd.f32 v35, v5;
	v34 =	vld [tilespmem:s15+$0x18CB0]  }
0x328: {  	v6 =	vadd.f32 v36, v6;
	v4 =	vadd.f32 v37, v4;
	v35 =	vld [tilespmem:s15+$0x18CE0]  }
0x329: {  	v7 =	vadd.f32 v11, v7;
	v5 =	vadd.f32 v33, v5;
	v11 =	vld [tilespmem:s15+$0x18CF0]  }
0x32a: {  	v6 =	vadd.f32 v38, v6;
	v4 =	vadd.f32 v39, v4;
	v33 =	vld [tilespmem:s15+$0x18D20]  }
0x32b: {  	v7 =	vadd.f32 v15, v7;
	v5 =	vadd.f32 v10, v5;
	v10 =	vld [tilespmem:s15+$0x18D30]  }
0x32c: {  	v6 =	vadd.f32 v40, v6;
	v4 =	vadd.f32 v34, v4;
	v15 =	vld [tilespmem:s15+$0x18D60]  }
0x32d: {  	v7 =	vadd.f32 v19, v7;
	v5 =	vadd.f32 v14, v5;
	v14 =	vld [tilespmem:s15+$0x18D70]  }
0x32e: {  	v6 =	vadd.f32 v35, v6;
	v4 =	vadd.f32 v11, v4;
	v11 =	vld [tilespmem:s15+$0x18DA0]  }
0x32f: {  	v7 =	vadd.f32 v23, v7;
	v5 =	vadd.f32 v18, v5;
	v18 =	vld [tilespmem:s15+$0x18DB0]  }
0x330: {  	v6 =	vadd.f32 v33, v6;
	v4 =	vadd.f32 v10, v4;
	v10 =	vld [tilespmem:s15+$0x18DE0]  }
0x331: {  	v7 =	vadd.f32 v25, v7;
	v5 =	vadd.f32 v22, v5;
	v19 =	vld [tilespmem:s15+$0x18DF0]  }
0x332: {  	v6 =	vadd.f32 v15, v6;
	v4 =	vadd.f32 v14, v4;
	v14 =	vld [tilespmem:s15+$0x18E20]  }
0x333: {  	v7 =	vadd.f32 v29, v7;
	v5 =	vadd.f32 v24, v5;
	v15 =	vld [tilespmem:s15+$0x18E30]  }
0x334: {  	v6 =	vadd.f32 v11, v6;
	v4 =	vadd.f32 v18, v4;
	v11 =	vld [tilespmem:s15+$0x18E60]  }
0x335: {  	v7 =	vadd.f32 v32, v7;
	v5 =	vadd.f32 v28, v5;
	v18 =	vld [tilespmem:s15+$0x18E70]  }
0x336: {  	v6 =	vadd.f32 v10, v6;
	v4 =	vadd.f32 v19, v4;
	v10 =	vld [tilespmem:s15+$0x18EA0]  }
0x337: {  	v7 =	vadd.f32 v30, v7;
	v5 =	vadd.f32 v31, v5;
	v19 =	vld [tilespmem:s15+$0x18EB0]  }
0x338: {  	v6 =	vadd.f32 v14, v6;
	v4 =	vadd.f32 v15, v4;
	v14 =	vld [tilespmem:s15+$0x18EE0]  }
0x339: {  	v7 =	vadd.f32 v26, v7;
	v5 =	vadd.f32 v27, v5;
	v15 =	vld [tilespmem:s15+$0x18EF0]  }
0x33a: {  	v6 =	vadd.f32 v11, v6;
	v4 =	vadd.f32 v18, v4;
	v11 =	vld [tilespmem:s15+$0x18F20]  }
0x33b: {  	v7 =	vadd.f32 v20, v7;
	v5 =	vadd.f32 v21, v5;
	v18 =	vld [tilespmem:s15+$0x18F30]  }
0x33c: {  	v6 =	vadd.f32 v10, v6;
	v4 =	vadd.f32 v19, v4;
	v10 =	vld [tilespmem:s15+$0x18F60]  }
0x33d: {  	v7 =	vadd.f32 v16, v7;
	v5 =	vadd.f32 v17, v5;
	v16 =	vld [tilespmem:s15+$0x18F70]  }
0x33e: {  	v6 =	vadd.f32 v14, v6;
	v4 =	vadd.f32 v15, v4;
	v14 =	vld [tilespmem:s15+$0x18FA0]  }
0x33f: {  	v7 =	vadd.f32 v12, v7;
	v5 =	vadd.f32 v13, v5;
	v12 =	vld [tilespmem:s15+$0x18FB0]  }
0x340: {  	v6 =	vadd.f32 v11, v6;
	v4 =	vadd.f32 v18, v4;
	v11 =	vld [tilespmem:s15+$0x18FE0]  }
0x341: {  	v7 =	vadd.f32 v8, v7;
	v5 =	vadd.f32 v9, v5;
	v9 =	vld [tilespmem:s15+$0x18FF0];
	s15 =	sshra.s32 s16, $0x2  }
0x342: {  	v6 =	vadd.f32 v10, v6;
	v13 =	vld [tilespmem:s15+$0x18FC0];
	v4 =	vadd.f32 v16, v4  }
0x343: {  	v7 =	vadd.f32 v2, v7;
	v5 =	vadd.f32 v3, v5;
	v10 =	vld [tilespmem:s15+$0x18FD0]  }
0x344: {  	v6 =	vadd.f32 v14, v6;
	v2 =	vld [tilespmem:s15+$0x18F80];
	v4 =	vadd.f32 v12, v4  }
0x345: {  	v7 =	vadd.f32 v0, v7;
	v5 =	vadd.f32 v1, v5;
	v3 =	vld [tilespmem:s15+$0x18F90]  }
0x346: {  	v6 =	vadd.f32 v11, v6;
	v8 =	vld [tilespmem:s15+$0x18F40];
	v4 =	vadd.f32 v9, v4  }
0x347: {  	v9 =	vld [tilespmem:s15+$0x18F50];
	v0 =	vmov v13  }
0x348: {  	v12 =	vld [tilespmem:s15+$0x18F00];
	v1 =	vmov v10  }
0x349: {  	v13 =	vld [tilespmem:s15+$0x18F10]  }
0x34a: {  	v16 =	vld [tilespmem:s15+$0x18EC0]  }
0x34b: {  	v17 =	vld [tilespmem:s15+$0x18ED0]  }
0x34c: {  	v20 =	vld [tilespmem:s15+$0x18E80]  }
0x34d: {  	v21 =	vld [tilespmem:s15+$0x18E90]  }
0x34e: {  	v26 =	vld [tilespmem:s15+$0x18E40]  }
0x34f: {  	v27 =	vld [tilespmem:s15+$0x18E50]  }
0x350: {  	v30 =	vld [tilespmem:s15+$0x18E00]  }
0x351: {  	v31 =	vld [tilespmem:s15+$0x18E10]  }
0x352: {  	v32 =	vld [tilespmem:s15+$0x18DC0]  }
0x353: {  	v28 =	vld [tilespmem:s15+$0x18DD0]  }
0x354: {  	v29 =	vld [tilespmem:s15+$0x18D80]  }
0x355: {  	v24 =	vld [tilespmem:s15+$0x18D90]  }
0x356: {  	v25 =	vld [tilespmem:s15+$0x18D40]  }
0x357: {  	v22 =	vld [tilespmem:s15+$0x18D50]  }
0x358: {  	v23 =	vld [tilespmem:s15+$0x18D00]  }
0x359: {  	v18 =	vld [tilespmem:s15+$0x18D10]  }
0x35a: {  	v19 =	vld [tilespmem:s15+$0x18CC0]  }
0x35b: {  	v14 =	vld [tilespmem:s15+$0x18CD0]  }
0x35c: {  	v15 =	vld [tilespmem:s15+$0x18C80]  }
0x35d: {  	v10 =	vld [tilespmem:s15+$0x18C90]  }
.Ltmp8:
0x35e: {  	v11 =	vld [tilespmem:s15+$0x18C40];
	(pc) =	sbr.rel @p1 .LBB2_15-.Ltmp8, $4  }
0x35f: {  	v33 =	vld [tilespmem:s15+$0x18C50]  }
0x360: {  	v34 =	vld [tilespmem:s15+$0x18C00]  }
0x361: {  	v35 =	vld [tilespmem:s15+$0x18C10]  }
0x362: {  	s16 =	sadd.s32 $0x1000, s16;
	v36 =	vld [tilespmem:s15+$0x18C20]  }
0x363: {  	v37 =	vld [tilespmem:s15+$0x18C30]  }
0x364: {  	v38 =	vld [tilespmem:s15+$0x18C60]  }
0x365: {  	v39 =	vld [tilespmem:s15+$0x18C70];
	v7 =	vadd.f32 v34, v7  }
0x366: {  	v61 =	vld [tilespmem:s15+$0x18CA0];
	v5 =	vadd.f32 v35, v5  }
0x367: {  	v62 =	vld [tilespmem:s15+$0x18CB0];
	v6 =	vadd.f32 v36, v6;
	v7 =	vadd.f32 v11, v7  }
0x368: {  	v11 =	vld [tilespmem:s15+$0x18CE0];
	v4 =	vadd.f32 v37, v4;
	v5 =	vadd.f32 v33, v5  }
0x369: {  	v63 =	vld [tilespmem:s15+$0x18CF0];
	v6 =	vadd.f32 v38, v6;
	v7 =	vadd.f32 v15, v7  }
0x36a: {  	v15 =	vld [tilespmem:s15+$0x18D20];
	v4 =	vadd.f32 v39, v4;
	v5 =	vadd.f32 v10, v5  }
0x36b: {  	v10 =	vld [tilespmem:s15+$0x18D30];
	v6 =	vadd.f32 v61, v6;
	v7 =	vadd.f32 v19, v7  }
0x36c: {  	v19 =	vld [tilespmem:s15+$0x18D60];
	v4 =	vadd.f32 v62, v4;
	v5 =	vadd.f32 v14, v5  }
0x36d: {  	v14 =	vld [tilespmem:s15+$0x18D70];
	v6 =	vadd.f32 v11, v6;
	v7 =	vadd.f32 v23, v7  }
0x36e: {  	v11 =	vld [tilespmem:s15+$0x18DA0];
	v4 =	vadd.f32 v63, v4;
	v5 =	vadd.f32 v18, v5  }
0x36f: {  	v18 =	vld [tilespmem:s15+$0x18DB0];
	v6 =	vadd.f32 v15, v6;
	v7 =	vadd.f32 v25, v7  }
0x370: {  	v4 =	vadd.f32 v10, v4;
	v10 =	vld [tilespmem:s15+$0x18DE0];
	v5 =	vadd.f32 v22, v5  }
0x371: {  	v15 =	vld [tilespmem:s15+$0x18DF0];
	v6 =	vadd.f32 v19, v6;
	v7 =	vadd.f32 v29, v7  }
0x372: {  	v4 =	vadd.f32 v14, v4;
	v14 =	vld [tilespmem:s15+$0x18E20];
	v5 =	vadd.f32 v24, v5  }
0x373: {  	v19 =	vld [tilespmem:s15+$0x18E30];
	v6 =	vadd.f32 v11, v6;
	v7 =	vadd.f32 v32, v7  }
0x374: {  	v11 =	vld [tilespmem:s15+$0x18E60];
	v4 =	vadd.f32 v18, v4;
	v5 =	vadd.f32 v28, v5  }
0x375: {  	v18 =	vld [tilespmem:s15+$0x18E70];
	v6 =	vadd.f32 v10, v6;
	v7 =	vadd.f32 v30, v7  }
0x376: {  	v10 =	vld [tilespmem:s15+$0x18EA0];
	v4 =	vadd.f32 v15, v4;
	v5 =	vadd.f32 v31, v5  }
0x377: {  	v15 =	vld [tilespmem:s15+$0x18EB0];
	v6 =	vadd.f32 v14, v6;
	v7 =	vadd.f32 v26, v7  }
0x378: {  	v14 =	vld [tilespmem:s15+$0x18EE0];
	v4 =	vadd.f32 v19, v4;
	v5 =	vadd.f32 v27, v5  }
0x379: {  	v19 =	vld [tilespmem:s15+$0x18EF0];
	v6 =	vadd.f32 v11, v6;
	v7 =	vadd.f32 v20, v7  }
0x37a: {  	v11 =	vld [tilespmem:s15+$0x18F20];
	v4 =	vadd.f32 v18, v4;
	v5 =	vadd.f32 v21, v5  }
0x37b: {  	v18 =	vld [tilespmem:s15+$0x18F30];
	v6 =	vadd.f32 v10, v6;
	v7 =	vadd.f32 v16, v7  }
0x37c: {  	v10 =	vld [tilespmem:s15+$0x18F60];
	v4 =	vadd.f32 v15, v4;
	v5 =	vadd.f32 v17, v5  }
0x37d: {  	v15 =	vld [tilespmem:s15+$0x18F70];
	v6 =	vadd.f32 v14, v6;
	v7 =	vadd.f32 v12, v7  }
0x37e: {  	v12 =	vld [tilespmem:s15+$0x18FA0];
	v4 =	vadd.f32 v19, v4;
	v5 =	vadd.f32 v13, v5  }
0x37f: {  	v13 =	vld [tilespmem:s15+$0x18FB0];
	v6 =	vadd.f32 v11, v6;
	v7 =	vadd.f32 v8, v7  }
0x380: {  	v8 =	vld [tilespmem:s15+$0x18FE0];
	v4 =	vadd.f32 v18, v4;
	v5 =	vadd.f32 v9, v5  }
0x381: {  	v9 =	vld [tilespmem:s15+$0x18FF0];
	v6 =	vadd.f32 v10, v6;
	v2 =	vadd.f32 v2, v7  }
0x382: {  	v4 =	vadd.f32 v15, v4;
	v3 =	vadd.f32 v3, v5  }
0x383: {  	s16 =	simm.s32 @!p0 $0x70;
	s17 =	simm.s32 @!p0 $0x18C00;
	s15 =	sadd.s32 @!p0 $0x5B0, s14;
	v5 =	vadd.f32 v12, v6;
	v0 =	vadd.f32 v0, v2  }
0x384: {  	[tilespmem:s17], [sflag:$0x6] =	stream.indirect.gather @!p0 [hbm4b:s3+s16], $0x40, s15, s16, $0xb8;
	v2 =	vadd.f32 v13, v4;
	v1 =	vadd.f32 v1, v3;
	[tilespmem:$0x1E000] =	vst v63  }
0x385: {  	v3 =	vadd.f32 v8, v5;
	[tilespmem:s13+$0xE080] =	vst v0  }
0x386: {  	v0 =	vadd.f32 v9, v2;
	[tilespmem:s13+$0xE090] =	vst v1  }
0x387: {  	[tilespmem:s13+$0xE0A0] =	vst v3  }
0x388: {  	[tilespmem:s13+$0xE0B0] =	vst v0  }
0x389: {  	_ =	swait.ge [sflag:s1], $0x1C00  }
0x38a: {  	[sflag:s1] =	ssyncset.done $0x0  }
0x38b: {  	s15 =	simm.s32 $0x0;
	[sflag:s1] =	ssyncadd.s32 $0xFFFFE400  }
0x38c: {  	v4 =	vld [tilespmem:s15+$0x1ABC0]  }
0x38d: {  	v5 =	vld [tilespmem:s15+$0x1ABD0]  }
0x38e: {  	v6 =	vld [tilespmem:s15+$0x1AB80]  }
0x38f: {  	v7 =	vld [tilespmem:s15+$0x1AB90]  }
0x390: {  	v10 =	vld [tilespmem:s15+$0x1AB40]  }
0x391: {  	v11 =	vld [tilespmem:s15+$0x1AB50]  }
0x392: {  	v14 =	vld [tilespmem:s15+$0x1AB00]  }
0x393: {  	v15 =	vld [tilespmem:s15+$0x1AB10]  }
0x394: {  	v18 =	vld [tilespmem:s15+$0x1AAC0]  }
0x395: {  	v19 =	vld [tilespmem:s15+$0x1AAD0]  }
0x396: {  	v22 =	vld [tilespmem:s15+$0x1AA80]  }
0x397: {  	v23 =	vld [tilespmem:s15+$0x1AA90]  }
0x398: {  	v24 =	vld [tilespmem:s15+$0x1AA40]  }
0x399: {  	v26 =	vld [tilespmem:s15+$0x1AA50]  }
0x39a: {  	v28 =	vld [tilespmem:s15+$0x1AA00]  }
0x39b: {  	v29 =	vld [tilespmem:s15+$0x1AA10]  }
0x39c: {  	v31 =	vld [tilespmem:s15+$0x1A9C0]  }
0x39d: {  	v32 =	vld [tilespmem:s15+$0x1A9D0]  }
0x39e: {  	v27 =	vld [tilespmem:s15+$0x1A980]  }
0x39f: {  	v30 =	vld [tilespmem:s15+$0x1A990]  }
0x3a0: {  	v21 =	vld [tilespmem:s15+$0x1A940]  }
0x3a1: {  	v25 =	vld [tilespmem:s15+$0x1A950]  }
0x3a2: {  	v17 =	vld [tilespmem:s15+$0x1A900]  }
0x3a3: {  	v20 =	vld [tilespmem:s15+$0x1A910]  }
0x3a4: {  	v13 =	vld [tilespmem:s15+$0x1A8C0]  }
0x3a5: {  	v16 =	vld [tilespmem:s15+$0x1A8D0]  }
0x3a6: {  	v9 =	vld [tilespmem:s15+$0x1A880]  }
0x3a7: {  	v12 =	vld [tilespmem:s15+$0x1A890]  }
0x3a8: {  	v33 =	vld [tilespmem:s15+$0x1A840]  }
0x3a9: {  	v34 =	vld [tilespmem:s15+$0x1A850]  }
0x3aa: {  	v35 =	vld [tilespmem:s15+$0x1A800]  }
0x3ab: {  	v8 =	vimm.f32 $0.0e+00;
	v37 =	vld [tilespmem:s15+$0x1A810]  }
0x3ac: {  	s16 =	simm.s32 $0x1000;
	v1 =	vimm.f32 $0.0e+00;
	v2 =	vimm.f32 $0.0e+00;
	v3 =	vimm.f32 $0.0e+00;
	v36 =	vld [tilespmem:s15+$0x1A820]  }
.LBB2_17:
0x3ad: {  	p1 =	sne.s32 s16, $0x6000;
	v0 =	vld [tilespmem:s15+$0x1A830]  }
0x3ae: {  	v38 =	vld [tilespmem:s15+$0x1A860]  }
0x3af: {  	v39 =	vld [tilespmem:s15+$0x1A870]  }
0x3b0: {  	v40 =	vld [tilespmem:s15+$0x1A8A0]  }
0x3b1: {  	v1 =	vadd.f32 v35, v1;
	v8 =	vadd.f32 v37, v8;
	v35 =	vld [tilespmem:s15+$0x1A8B0]  }
0x3b2: {  	v2 =	vadd.f32 v36, v2;
	v0 =	vadd.f32 v0, v3;
	v3 =	vld [tilespmem:s15+$0x1A8E0]  }
0x3b3: {  	v1 =	vadd.f32 v33, v1;
	v8 =	vadd.f32 v34, v8;
	v33 =	vld [tilespmem:s15+$0x1A8F0]  }
0x3b4: {  	v2 =	vadd.f32 v38, v2;
	v0 =	vadd.f32 v39, v0;
	v34 =	vld [tilespmem:s15+$0x1A920]  }
0x3b5: {  	v1 =	vadd.f32 v9, v1;
	v8 =	vadd.f32 v12, v8;
	v9 =	vld [tilespmem:s15+$0x1A930]  }
0x3b6: {  	v2 =	vadd.f32 v40, v2;
	v0 =	vadd.f32 v35, v0;
	v12 =	vld [tilespmem:s15+$0x1A960]  }
0x3b7: {  	v1 =	vadd.f32 v13, v1;
	v8 =	vadd.f32 v16, v8;
	v13 =	vld [tilespmem:s15+$0x1A970]  }
0x3b8: {  	v2 =	vadd.f32 v3, v2;
	v0 =	vadd.f32 v33, v0;
	v3 =	vld [tilespmem:s15+$0x1A9A0]  }
0x3b9: {  	v1 =	vadd.f32 v17, v1;
	v8 =	vadd.f32 v20, v8;
	v16 =	vld [tilespmem:s15+$0x1A9B0]  }
0x3ba: {  	v2 =	vadd.f32 v34, v2;
	v0 =	vadd.f32 v9, v0;
	v9 =	vld [tilespmem:s15+$0x1A9E0]  }
0x3bb: {  	v1 =	vadd.f32 v21, v1;
	v8 =	vadd.f32 v25, v8;
	v17 =	vld [tilespmem:s15+$0x1A9F0]  }
0x3bc: {  	v2 =	vadd.f32 v12, v2;
	v0 =	vadd.f32 v13, v0;
	v12 =	vld [tilespmem:s15+$0x1AA20]  }
0x3bd: {  	v1 =	vadd.f32 v27, v1;
	v8 =	vadd.f32 v30, v8;
	v13 =	vld [tilespmem:s15+$0x1AA30]  }
0x3be: {  	v2 =	vadd.f32 v3, v2;
	v0 =	vadd.f32 v16, v0;
	v3 =	vld [tilespmem:s15+$0x1AA60]  }
0x3bf: {  	v1 =	vadd.f32 v31, v1;
	v8 =	vadd.f32 v32, v8;
	v16 =	vld [tilespmem:s15+$0x1AA70]  }
0x3c0: {  	v2 =	vadd.f32 v9, v2;
	v0 =	vadd.f32 v17, v0;
	v9 =	vld [tilespmem:s15+$0x1AAA0]  }
0x3c1: {  	v1 =	vadd.f32 v28, v1;
	v8 =	vadd.f32 v29, v8;
	v17 =	vld [tilespmem:s15+$0x1AAB0]  }
0x3c2: {  	v2 =	vadd.f32 v12, v2;
	v0 =	vadd.f32 v13, v0;
	v12 =	vld [tilespmem:s15+$0x1AAE0]  }
0x3c3: {  	v1 =	vadd.f32 v24, v1;
	v8 =	vadd.f32 v26, v8;
	v13 =	vld [tilespmem:s15+$0x1AAF0]  }
0x3c4: {  	v2 =	vadd.f32 v3, v2;
	v0 =	vadd.f32 v16, v0;
	v3 =	vld [tilespmem:s15+$0x1AB20]  }
0x3c5: {  	v1 =	vadd.f32 v22, v1;
	v8 =	vadd.f32 v23, v8;
	v16 =	vld [tilespmem:s15+$0x1AB30]  }
0x3c6: {  	v2 =	vadd.f32 v9, v2;
	v0 =	vadd.f32 v17, v0;
	v9 =	vld [tilespmem:s15+$0x1AB60]  }
0x3c7: {  	v1 =	vadd.f32 v18, v1;
	v8 =	vadd.f32 v19, v8;
	v17 =	vld [tilespmem:s15+$0x1AB70]  }
0x3c8: {  	v2 =	vadd.f32 v12, v2;
	v0 =	vadd.f32 v13, v0;
	v12 =	vld [tilespmem:s15+$0x1ABA0]  }
0x3c9: {  	v1 =	vadd.f32 v14, v1;
	v8 =	vadd.f32 v15, v8;
	v13 =	vld [tilespmem:s15+$0x1ABB0]  }
0x3ca: {  	v2 =	vadd.f32 v3, v2;
	v0 =	vadd.f32 v16, v0;
	v3 =	vld [tilespmem:s15+$0x1ABE0]  }
0x3cb: {  	v1 =	vadd.f32 v10, v1;
	v8 =	vadd.f32 v11, v8;
	v11 =	vld [tilespmem:s15+$0x1ABF0];
	s15 =	sshra.s32 s16, $0x2  }
0x3cc: {  	v2 =	vadd.f32 v9, v2;
	v14 =	vld [tilespmem:s15+$0x1ABC0];
	v0 =	vadd.f32 v17, v0  }
0x3cd: {  	v1 =	vadd.f32 v6, v1;
	v8 =	vadd.f32 v7, v8;
	v9 =	vld [tilespmem:s15+$0x1ABD0]  }
0x3ce: {  	v2 =	vadd.f32 v12, v2;
	v6 =	vld [tilespmem:s15+$0x1AB80];
	v0 =	vadd.f32 v13, v0  }
0x3cf: {  	v1 =	vadd.f32 v4, v1;
	v8 =	vadd.f32 v5, v8;
	v7 =	vld [tilespmem:s15+$0x1AB90]  }
0x3d0: {  	v2 =	vadd.f32 v3, v2;
	v10 =	vld [tilespmem:s15+$0x1AB40];
	v3 =	vadd.f32 v11, v0  }
0x3d1: {  	v11 =	vld [tilespmem:s15+$0x1AB50];
	v4 =	vmov v14  }
0x3d2: {  	v14 =	vld [tilespmem:s15+$0x1AB00];
	v5 =	vmov v9  }
0x3d3: {  	v15 =	vld [tilespmem:s15+$0x1AB10]  }
0x3d4: {  	v18 =	vld [tilespmem:s15+$0x1AAC0]  }
0x3d5: {  	v19 =	vld [tilespmem:s15+$0x1AAD0]  }
0x3d6: {  	v22 =	vld [tilespmem:s15+$0x1AA80]  }
0x3d7: {  	v23 =	vld [tilespmem:s15+$0x1AA90]  }
0x3d8: {  	v24 =	vld [tilespmem:s15+$0x1AA40]  }
0x3d9: {  	v26 =	vld [tilespmem:s15+$0x1AA50]  }
0x3da: {  	v28 =	vld [tilespmem:s15+$0x1AA00]  }
0x3db: {  	v29 =	vld [tilespmem:s15+$0x1AA10]  }
0x3dc: {  	v31 =	vld [tilespmem:s15+$0x1A9C0]  }
0x3dd: {  	v32 =	vld [tilespmem:s15+$0x1A9D0]  }
0x3de: {  	v27 =	vld [tilespmem:s15+$0x1A980]  }
0x3df: {  	v30 =	vld [tilespmem:s15+$0x1A990]  }
0x3e0: {  	v21 =	vld [tilespmem:s15+$0x1A940]  }
0x3e1: {  	v25 =	vld [tilespmem:s15+$0x1A950]  }
0x3e2: {  	v17 =	vld [tilespmem:s15+$0x1A900]  }
0x3e3: {  	v20 =	vld [tilespmem:s15+$0x1A910]  }
0x3e4: {  	v13 =	vld [tilespmem:s15+$0x1A8C0]  }
0x3e5: {  	v16 =	vld [tilespmem:s15+$0x1A8D0]  }
0x3e6: {  	v9 =	vld [tilespmem:s15+$0x1A880]  }
0x3e7: {  	v12 =	vld [tilespmem:s15+$0x1A890]  }
.Ltmp9:
0x3e8: {  	v33 =	vld [tilespmem:s15+$0x1A840];
	(pc) =	sbr.rel @p1 .LBB2_17-.Ltmp9, $4  }
0x3e9: {  	v34 =	vld [tilespmem:s15+$0x1A850]  }
0x3ea: {  	v35 =	vld [tilespmem:s15+$0x1A800]  }
0x3eb: {  	v37 =	vld [tilespmem:s15+$0x1A810]  }
0x3ec: {  	s16 =	sadd.s32 $0x1000, s16;
	v36 =	vld [tilespmem:s15+$0x1A820]  }
0x3ed: {  	v38 =	vld [tilespmem:s15+$0x1A830]  }
0x3ee: {  	v39 =	vld [tilespmem:s15+$0x1A860]  }
0x3ef: {  	v40 =	vld [tilespmem:s15+$0x1A870]  }
0x3f0: {  	v41 =	vld [tilespmem:s15+$0x1A8A0]  }
0x3f1: {  	v42 =	vld [tilespmem:s15+$0x1A8B0]  }
0x3f2: {  	v43 =	vld [tilespmem:s15+$0x1A8E0]  }
0x3f3: {  	v0 =	vld [tilespmem:s15+$0x1AB70]  }
0x3f4: {  	v44 =	vld [tilespmem:s15+$0x1A8F0]  }
0x3f5: {  	v45 =	vld [tilespmem:s15+$0x1A920]  }
0x3f6: {  	v46 =	vld [tilespmem:s15+$0x1A930]  }
0x3f7: {  	v47 =	vld [tilespmem:s15+$0x1A960];
	v35 =	vadd.f32 v35, v1;
	v36 =	vadd.f32 v36, v2  }
0x3f8: {  	[tilespmem:$0x1FEC0] =	vst v0;
	v0 =	vld [tilespmem:s15+$0x1ABA0]  }
0x3f9: {  	v48 =	vld [tilespmem:s15+$0x1A970];
	v33 =	vadd.f32 v33, v35;
	v35 =	vadd.f32 v39, v36  }
0x3fa: {  	v49 =	vld [tilespmem:s15+$0x1A9A0]  }
0x3fb: {  	v50 =	vld [tilespmem:s15+$0x1A9B0];
	v35 =	vadd.f32 v41, v35  }
0x3fc: {  	v51 =	vld [tilespmem:s15+$0x1A9E0]  }
0x3fd: {  	[tilespmem:$0x1FED0] =	vst v0;
	v0 =	vld [tilespmem:s15+$0x1ABB0];
	v35 =	vadd.f32 v43, v35  }
0x3fe: {  	v52 =	vld [tilespmem:s15+$0x1A9F0]  }
0x3ff: {  	v53 =	vld [tilespmem:s15+$0x1AA20];
	v35 =	vadd.f32 v45, v35  }
0x400: {  	v54 =	vld [tilespmem:s15+$0x1AA30]  }
0x401: {  	v55 =	vld [tilespmem:s15+$0x1AA60];
	v35 =	vadd.f32 v47, v35  }
0x402: {  	[tilespmem:$0x1FEE0] =	vst v0;
	v0 =	vld [tilespmem:s15+$0x1ABE0]  }
0x403: {  	v56 =	vld [tilespmem:s15+$0x1AA70];
	v35 =	vadd.f32 v49, v35  }
0x404: {  	v57 =	vld [tilespmem:s15+$0x1AAA0]  }
0x405: {  	v58 =	vld [tilespmem:s15+$0x1AAB0];
	v35 =	vadd.f32 v51, v35  }
0x406: {  	v59 =	vld [tilespmem:s15+$0x1AAE0]  }
0x407: {  	[tilespmem:$0x1FEF0] =	vst v0;
	v0 =	vld [tilespmem:s15+$0x1ABF0];
	v35 =	vadd.f32 v53, v35  }
0x408: {  	v60 =	vld [tilespmem:s15+$0x1AAF0]  }
0x409: {  	v61 =	vld [tilespmem:s15+$0x1AB20];
	v35 =	vadd.f32 v55, v35  }
0x40a: {  	v62 =	vld [tilespmem:s15+$0x1AB30];
	s14 =	sadd.s32 @!p0 $0x620, s14;
	s16 =	simm.s32 @!p0 $0x70;
	s17 =	simm.s32 @!p0 $0x1A800  }
0x40b: {  	v63 =	vld [tilespmem:s15+$0x1AB60];
	[tilespmem:s17], [sflag:$0x7] =	stream.indirect.gather @!p0 [hbm4b:s3+s16], $0x40, s14, s16, $0xb8;
	v35 =	vadd.f32 v57, v35  }
0x40c: {  	[tilespmem:$0x1FF00] =	vst v0  }
0x40d: {  	_ =	swait.ge [sflag:s0], $0x1C00;
	v35 =	vadd.f32 v59, v35  }
0x40e: {  	[sflag:s0] =	ssyncset.done $0x0  }
0x40f: {  	s14 =	simm.s32 $0x0;
	[sflag:s0] =	ssyncadd.s32 $0xFFFFE400;
	v35 =	vadd.f32 v61, v35;
	v61 =	vld [tilespmem:$0x1FED0]  }
0x410: {  	v0 =	vld [tilespmem:s14+$0x1C7C0]  }
0x411: {  	v8 =	vadd.f32 v37, v8;
	v1 =	vld [tilespmem:s14+$0x1C7D0]  }
0x412: {  	v2 =	vld [tilespmem:s14+$0x1C780]  }
0x413: {  	v37 =	vadd.f32 v38, v3;
	v34 =	vadd.f32 v34, v8;
	v3 =	vld [tilespmem:s14+$0x1C790]  }
0x414: {  	v33 =	vadd.f32 v9, v33;
	v8 =	vld [tilespmem:s14+$0x1C740]  }
0x415: {  	v34 =	vadd.f32 v12, v34;
	v9 =	vld [tilespmem:s14+$0x1C750]  }
0x416: {  	v33 =	vadd.f32 v13, v33;
	v12 =	vld [tilespmem:s14+$0x1C700]  }
0x417: {  	v34 =	vadd.f32 v16, v34;
	v13 =	vld [tilespmem:s14+$0x1C710]  }
0x418: {  	v40 =	vadd.f32 v40, v37;
	v33 =	vadd.f32 v17, v33;
	v16 =	vld [tilespmem:s14+$0x1C6C0]  }
0x419: {  	v34 =	vadd.f32 v20, v34;
	v17 =	vld [tilespmem:s14+$0x1C6D0]  }
0x41a: {  	v36 =	vadd.f32 v42, v40;
	v33 =	vadd.f32 v21, v33;
	v20 =	vld [tilespmem:s14+$0x1C680]  }
0x41b: {  	v34 =	vadd.f32 v25, v34;
	v21 =	vld [tilespmem:s14+$0x1C690]  }
0x41c: {  	v36 =	vadd.f32 v44, v36;
	v33 =	vadd.f32 v27, v33;
	v25 =	vld [tilespmem:s14+$0x1C640]  }
0x41d: {  	v34 =	vadd.f32 v30, v34;
	v27 =	vld [tilespmem:s14+$0x1C650]  }
0x41e: {  	v36 =	vadd.f32 v46, v36;
	v33 =	vadd.f32 v31, v33;
	v30 =	vld [tilespmem:s14+$0x1C600]  }
0x41f: {  	v34 =	vadd.f32 v32, v34;
	v31 =	vld [tilespmem:s14+$0x1C610]  }
0x420: {  	v36 =	vadd.f32 v48, v36;
	v33 =	vadd.f32 v28, v33;
	v32 =	vld [tilespmem:s14+$0x1C5C0]  }
0x421: {  	v34 =	vadd.f32 v29, v34;
	v28 =	vld [tilespmem:s14+$0x1C5D0]  }
0x422: {  	v36 =	vadd.f32 v50, v36;
	v33 =	vadd.f32 v24, v33;
	v29 =	vld [tilespmem:s14+$0x1C580]  }
0x423: {  	v34 =	vadd.f32 v26, v34;
	v24 =	vld [tilespmem:s14+$0x1C590]  }
0x424: {  	v36 =	vadd.f32 v52, v36;
	v33 =	vadd.f32 v22, v33;
	v26 =	vld [tilespmem:s14+$0x1C540]  }
0x425: {  	v34 =	vadd.f32 v23, v34;
	v22 =	vld [tilespmem:s14+$0x1C550]  }
0x426: {  	v36 =	vadd.f32 v54, v36;
	v33 =	vadd.f32 v18, v33;
	v23 =	vld [tilespmem:s14+$0x1C500]  }
0x427: {  	v34 =	vadd.f32 v19, v34;
	v18 =	vld [tilespmem:s14+$0x1C510]  }
0x428: {  	v36 =	vadd.f32 v56, v36;
	v33 =	vadd.f32 v14, v33;
	v19 =	vld [tilespmem:s14+$0x1C4C0]  }
0x429: {  	v34 =	vadd.f32 v15, v34;
	v14 =	vld [tilespmem:s14+$0x1C4D0]  }
0x42a: {  	v36 =	vadd.f32 v58, v36;
	v33 =	vadd.f32 v10, v33;
	v15 =	vld [tilespmem:s14+$0x1C480]  }
0x42b: {  	v34 =	vadd.f32 v11, v34;
	v11 =	vld [tilespmem:$0x1FEC0]  }
0x42c: {  	v36 =	vadd.f32 v60, v36;
	v10 =	vld [tilespmem:s14+$0x1C490];
	v6 =	vadd.f32 v6, v33  }
0x42d: {  	v35 =	vadd.f32 v63, v35;
	v63 =	vld [tilespmem:$0x1FEE0];
	v7 =	vadd.f32 v7, v34  }
0x42e: {  	v36 =	vadd.f32 v62, v36;
	v4 =	vadd.f32 v4, v6;
	v6 =	vld [tilespmem:$0x1FEF0]  }
0x42f: {  	v5 =	vadd.f32 v5, v7;
	v7 =	vld [tilespmem:$0x1FF00]  }
0x430: {  	v33 =	vld [tilespmem:s14+$0x1C450];
	v36 =	vadd.f32 v11, v36  }
0x431: {  	v34 =	vld [tilespmem:s14+$0x1C400]  }
0x432: {  	v62 =	vadd.f32 v61, v35;
	v35 =	vld [tilespmem:s14+$0x1C410];
	v36 =	vadd.f32 v63, v36  }
0x433: {  	v11 =	vld [tilespmem:s14+$0x1C440]  }
0x434: {  	s15 =	simm.s32 $0x1000;
	v6 =	vadd.f32 v6, v62;
	v7 =	vadd.f32 v7, v36;
	v36 =	vld [tilespmem:s14+$0x1C420]  }
.LBB2_19:
0x435: {  	p1 =	sne.s32 s15, $0x6000;
	v37 =	vld [tilespmem:s14+$0x1C430]  }
0x436: {  	v38 =	vld [tilespmem:s14+$0x1C460]  }
0x437: {  	v39 =	vld [tilespmem:s14+$0x1C470]  }
0x438: {  	v40 =	vld [tilespmem:s14+$0x1C4A0]  }
0x439: {  	v4 =	vadd.f32 v34, v4;
	v5 =	vadd.f32 v35, v5;
	v34 =	vld [tilespmem:s14+$0x1C4B0]  }
0x43a: {  	v6 =	vadd.f32 v36, v6;
	v7 =	vadd.f32 v37, v7;
	v35 =	vld [tilespmem:s14+$0x1C4E0]  }
0x43b: {  	v4 =	vadd.f32 v11, v4;
	v5 =	vadd.f32 v33, v5;
	v11 =	vld [tilespmem:s14+$0x1C4F0]  }
0x43c: {  	v6 =	vadd.f32 v38, v6;
	v7 =	vadd.f32 v39, v7;
	v33 =	vld [tilespmem:s14+$0x1C520]  }
0x43d: {  	v4 =	vadd.f32 v15, v4;
	v5 =	vadd.f32 v10, v5;
	v10 =	vld [tilespmem:s14+$0x1C530]  }
0x43e: {  	v6 =	vadd.f32 v40, v6;
	v7 =	vadd.f32 v34, v7;
	v15 =	vld [tilespmem:s14+$0x1C560]  }
0x43f: {  	v4 =	vadd.f32 v19, v4;
	v5 =	vadd.f32 v14, v5;
	v14 =	vld [tilespmem:s14+$0x1C570]  }
0x440: {  	v6 =	vadd.f32 v35, v6;
	v7 =	vadd.f32 v11, v7;
	v11 =	vld [tilespmem:s14+$0x1C5A0]  }
0x441: {  	v4 =	vadd.f32 v23, v4;
	v5 =	vadd.f32 v18, v5;
	v18 =	vld [tilespmem:s14+$0x1C5B0]  }
0x442: {  	v6 =	vadd.f32 v33, v6;
	v7 =	vadd.f32 v10, v7;
	v10 =	vld [tilespmem:s14+$0x1C5E0]  }
0x443: {  	v4 =	vadd.f32 v26, v4;
	v5 =	vadd.f32 v22, v5;
	v19 =	vld [tilespmem:s14+$0x1C5F0]  }
0x444: {  	v6 =	vadd.f32 v15, v6;
	v7 =	vadd.f32 v14, v7;
	v14 =	vld [tilespmem:s14+$0x1C620]  }
0x445: {  	v4 =	vadd.f32 v29, v4;
	v5 =	vadd.f32 v24, v5;
	v15 =	vld [tilespmem:s14+$0x1C630]  }
0x446: {  	v6 =	vadd.f32 v11, v6;
	v7 =	vadd.f32 v18, v7;
	v11 =	vld [tilespmem:s14+$0x1C660]  }
0x447: {  	v4 =	vadd.f32 v32, v4;
	v5 =	vadd.f32 v28, v5;
	v18 =	vld [tilespmem:s14+$0x1C670]  }
0x448: {  	v6 =	vadd.f32 v10, v6;
	v7 =	vadd.f32 v19, v7;
	v10 =	vld [tilespmem:s14+$0x1C6A0]  }
0x449: {  	v4 =	vadd.f32 v30, v4;
	v5 =	vadd.f32 v31, v5;
	v19 =	vld [tilespmem:s14+$0x1C6B0]  }
0x44a: {  	v6 =	vadd.f32 v14, v6;
	v7 =	vadd.f32 v15, v7;
	v14 =	vld [tilespmem:s14+$0x1C6E0]  }
0x44b: {  	v4 =	vadd.f32 v25, v4;
	v5 =	vadd.f32 v27, v5;
	v15 =	vld [tilespmem:s14+$0x1C6F0]  }
0x44c: {  	v6 =	vadd.f32 v11, v6;
	v7 =	vadd.f32 v18, v7;
	v11 =	vld [tilespmem:s14+$0x1C720]  }
0x44d: {  	v4 =	vadd.f32 v20, v4;
	v5 =	vadd.f32 v21, v5;
	v18 =	vld [tilespmem:s14+$0x1C730]  }
0x44e: {  	v6 =	vadd.f32 v10, v6;
	v7 =	vadd.f32 v19, v7;
	v10 =	vld [tilespmem:s14+$0x1C760]  }
0x44f: {  	v4 =	vadd.f32 v16, v4;
	v5 =	vadd.f32 v17, v5;
	v16 =	vld [tilespmem:s14+$0x1C770]  }
0x450: {  	v6 =	vadd.f32 v14, v6;
	v7 =	vadd.f32 v15, v7;
	v14 =	vld [tilespmem:s14+$0x1C7A0]  }
0x451: {  	v4 =	vadd.f32 v12, v4;
	v5 =	vadd.f32 v13, v5;
	v12 =	vld [tilespmem:s14+$0x1C7B0]  }
0x452: {  	v6 =	vadd.f32 v11, v6;
	v7 =	vadd.f32 v18, v7;
	v11 =	vld [tilespmem:s14+$0x1C7E0]  }
0x453: {  	v4 =	vadd.f32 v8, v4;
	v5 =	vadd.f32 v9, v5;
	v9 =	vld [tilespmem:s14+$0x1C7F0];
	s14 =	sshra.s32 s15, $0x2  }
0x454: {  	v6 =	vadd.f32 v10, v6;
	v13 =	vld [tilespmem:s14+$0x1C7C0];
	v7 =	vadd.f32 v16, v7  }
0x455: {  	v4 =	vadd.f32 v2, v4;
	v5 =	vadd.f32 v3, v5;
	v10 =	vld [tilespmem:s14+$0x1C7D0]  }
0x456: {  	v6 =	vadd.f32 v14, v6;
	v2 =	vld [tilespmem:s14+$0x1C780];
	v7 =	vadd.f32 v12, v7  }
0x457: {  	v4 =	vadd.f32 v0, v4;
	v5 =	vadd.f32 v1, v5;
	v3 =	vld [tilespmem:s14+$0x1C790]  }
0x458: {  	v6 =	vadd.f32 v11, v6;
	v8 =	vld [tilespmem:s14+$0x1C740];
	v7 =	vadd.f32 v9, v7  }
0x459: {  	v9 =	vld [tilespmem:s14+$0x1C750];
	v0 =	vmov v13  }
0x45a: {  	v12 =	vld [tilespmem:s14+$0x1C700];
	v1 =	vmov v10  }
0x45b: {  	v13 =	vld [tilespmem:s14+$0x1C710]  }
0x45c: {  	v16 =	vld [tilespmem:s14+$0x1C6C0]  }
0x45d: {  	v17 =	vld [tilespmem:s14+$0x1C6D0]  }
0x45e: {  	v20 =	vld [tilespmem:s14+$0x1C680]  }
0x45f: {  	v21 =	vld [tilespmem:s14+$0x1C690]  }
0x460: {  	v25 =	vld [tilespmem:s14+$0x1C640]  }
0x461: {  	v27 =	vld [tilespmem:s14+$0x1C650]  }
0x462: {  	v30 =	vld [tilespmem:s14+$0x1C600]  }
0x463: {  	v31 =	vld [tilespmem:s14+$0x1C610]  }
0x464: {  	v32 =	vld [tilespmem:s14+$0x1C5C0]  }
0x465: {  	v28 =	vld [tilespmem:s14+$0x1C5D0]  }
0x466: {  	v29 =	vld [tilespmem:s14+$0x1C580]  }
0x467: {  	v24 =	vld [tilespmem:s14+$0x1C590]  }
0x468: {  	v26 =	vld [tilespmem:s14+$0x1C540]  }
0x469: {  	v22 =	vld [tilespmem:s14+$0x1C550]  }
0x46a: {  	v23 =	vld [tilespmem:s14+$0x1C500]  }
0x46b: {  	v18 =	vld [tilespmem:s14+$0x1C510]  }
0x46c: {  	v19 =	vld [tilespmem:s14+$0x1C4C0]  }
0x46d: {  	v14 =	vld [tilespmem:s14+$0x1C4D0]  }
0x46e: {  	v15 =	vld [tilespmem:s14+$0x1C480]  }
0x46f: {  	v10 =	vld [tilespmem:s14+$0x1C490]  }
.Ltmp10:
0x470: {  	v11 =	vld [tilespmem:s14+$0x1C440];
	(pc) =	sbr.rel @p1 .LBB2_19-.Ltmp10, $4  }
0x471: {  	v33 =	vld [tilespmem:s14+$0x1C450]  }
0x472: {  	v34 =	vld [tilespmem:s14+$0x1C400]  }
0x473: {  	v35 =	vld [tilespmem:s14+$0x1C410]  }
0x474: {  	s15 =	sadd.s32 $0x1000, s15;
	v36 =	vld [tilespmem:s14+$0x1C420]  }
0x475: {  	v37 =	vld [tilespmem:s14+$0x1C430]  }
0x476: {  	v38 =	vld [tilespmem:s14+$0x1C460]  }
0x477: {  	v39 =	vld [tilespmem:s14+$0x1C470]  }
0x478: {  	v40 =	vld [tilespmem:s14+$0x1C4A0]  }
0x479: {  	v63 =	vld [tilespmem:s14+$0x1C4B0];
	v4 =	vadd.f32 v34, v4;
	v5 =	vadd.f32 v35, v5  }
0x47a: {  	v6 =	vadd.f32 v36, v6;
	v36 =	vld [tilespmem:s14+$0x1C4E0];
	v7 =	vadd.f32 v37, v7  }
0x47b: {  	v4 =	vadd.f32 v11, v4;
	v5 =	vadd.f32 v33, v5;
	v37 =	vld [tilespmem:s14+$0x1C4F0]  }
0x47c: {  	v6 =	vadd.f32 v38, v6;
	v38 =	vld [tilespmem:s14+$0x1C520];
	v7 =	vadd.f32 v39, v7  }
0x47d: {  	v4 =	vadd.f32 v15, v4;
	v5 =	vadd.f32 v10, v5;
	v39 =	vld [tilespmem:s14+$0x1C530]  }
0x47e: {  	v41 =	vld [tilespmem:s14+$0x1C560];
	v6 =	vadd.f32 v40, v6;
	v7 =	vadd.f32 v63, v7  }
0x47f: {  	v42 =	vld [tilespmem:s14+$0x1C570];
	v4 =	vadd.f32 v19, v4;
	v5 =	vadd.f32 v14, v5  }
0x480: {  	v43 =	vld [tilespmem:s14+$0x1C5A0];
	v6 =	vadd.f32 v36, v6;
	v7 =	vadd.f32 v37, v7  }
0x481: {  	v44 =	vld [tilespmem:s14+$0x1C5B0];
	v4 =	vadd.f32 v23, v4;
	v5 =	vadd.f32 v18, v5  }
0x482: {  	v45 =	vld [tilespmem:s14+$0x1C5E0];
	v6 =	vadd.f32 v38, v6;
	v7 =	vadd.f32 v39, v7  }
0x483: {  	v46 =	vld [tilespmem:s14+$0x1C5F0];
	v4 =	vadd.f32 v26, v4;
	v5 =	vadd.f32 v22, v5  }
0x484: {  	v47 =	vld [tilespmem:s14+$0x1C620];
	v6 =	vadd.f32 v41, v6;
	v7 =	vadd.f32 v42, v7  }
0x485: {  	v48 =	vld [tilespmem:s14+$0x1C630];
	v4 =	vadd.f32 v29, v4;
	v5 =	vadd.f32 v24, v5  }
0x486: {  	v49 =	vld [tilespmem:s14+$0x1C660];
	v6 =	vadd.f32 v43, v6;
	v7 =	vadd.f32 v44, v7  }
0x487: {  	v50 =	vld [tilespmem:s14+$0x1C670];
	v4 =	vadd.f32 v32, v4;
	v5 =	vadd.f32 v28, v5  }
0x488: {  	v51 =	vld [tilespmem:s14+$0x1C6A0];
	v6 =	vadd.f32 v45, v6;
	v7 =	vadd.f32 v46, v7  }
0x489: {  	v52 =	vld [tilespmem:s14+$0x1C6B0];
	v4 =	vadd.f32 v30, v4;
	v5 =	vadd.f32 v31, v5  }
0x48a: {  	v53 =	vld [tilespmem:s14+$0x1C6E0];
	v6 =	vadd.f32 v47, v6;
	v7 =	vadd.f32 v48, v7  }
0x48b: {  	v54 =	vld [tilespmem:s14+$0x1C6F0];
	v4 =	vadd.f32 v25, v4;
	v5 =	vadd.f32 v27, v5  }
0x48c: {  	v55 =	vld [tilespmem:s14+$0x1C720];
	v6 =	vadd.f32 v49, v6;
	v7 =	vadd.f32 v50, v7  }
0x48d: {  	v56 =	vld [tilespmem:s14+$0x1C730];
	v4 =	vadd.f32 v20, v4;
	v5 =	vadd.f32 v21, v5  }
0x48e: {  	v57 =	vld [tilespmem:s14+$0x1C760];
	v6 =	vadd.f32 v51, v6;
	v7 =	vadd.f32 v52, v7  }
0x48f: {  	v58 =	vld [tilespmem:s14+$0x1C770];
	v4 =	vadd.f32 v16, v4;
	v5 =	vadd.f32 v17, v5  }
0x490: {  	v59 =	vld [tilespmem:s14+$0x1C7A0];
	v6 =	vadd.f32 v53, v6;
	v7 =	vadd.f32 v54, v7  }
0x491: {  	v60 =	vld [tilespmem:s14+$0x1C7B0];
	v4 =	vadd.f32 v12, v4;
	v5 =	vadd.f32 v13, v5  }
0x492: {  	v61 =	vld [tilespmem:s14+$0x1C7E0];
	v6 =	vadd.f32 v55, v6;
	v7 =	vadd.f32 v56, v7  }
0x493: {  	v62 =	vld [tilespmem:s14+$0x1C7F0];
	v4 =	vadd.f32 v8, v4;
	v5 =	vadd.f32 v9, v5  }
.Ltmp11:
0x494: {  	v6 =	vadd.f32 v57, v6;
	v7 =	vadd.f32 v58, v7;
	(pc) =	sbr.rel @p0 .LBB2_22-.Ltmp11, $4  }
0x495: {  	v2 =	vadd.f32 v2, v4;
	v4 =	vadd.f32 v3, v5  }
0x496: {  	v5 =	vadd.f32 v59, v6;
	v63 =	vadd.f32 v60, v7  }
0x497: {  	v3 =	vadd.f32 v0, v2;
	v2 =	vadd.f32 v1, v4  }
0x498: {  	v1 =	vadd.f32 v61, v5;
	v0 =	vadd.f32 v62, v63  }
0x499: {  	s14 =	smul.u32 $0xE00, s12;
	_ =	sdelay $0x1  }
0x49a: {  	s14 =	sshra.s32 s14, $0x2  }
0x49b: {  	s14 =	sadd.s32 $0x690, s14  }
0x49c: {  	[tilespmem:s24], [sflag:$0x8] =	stream.indirect.gather [hbm4b:s3+s10], $0x40, s14, s10, $0xb8;
	[tilespmem:$0x1E000] =	vst v63  }
.Ltmp12:
0x49d: {  	_ = 	snop;
	(pc) =	sbr.rel .LBB2_4-.Ltmp12, $4  }
0x49e: {  	[tilespmem:s13+$0xE0C0] =	vst v3  }
0x49f: {  	[tilespmem:s13+$0xE0D0] =	vst v2  }
0x4a0: {  	[tilespmem:s13+$0xE0E0] =	vst v1  }
0x4a1: {  	s12 =	sadd.s32 $0x1, s12;
	[tilespmem:s13+$0xE0F0] =	vst v0  }
.LBB2_23:
0x4a2: {  	_ =	sfence.sel $0x180000  }
0x4a3: {  	[bflag:$0x0] =	sbarrier.arrive $0xFFFF  }
0x4a4: {  	_ =	strace $0x90000047  }
0x4a5: {  	s0 =	stileid.u32;
	[bflag:$0x2] =	sbarrier.arrive $0xFFFF  }
0x4a6: {  	p0 =	sne.s32 s0, $0x0;
	s0 =	rddreg [dreg:$0x2]  }
0x4a7: {  	s0 =	sadd.s32 @!p0 $0x100000, s0  }
0x4a8: {  	[sflag:s0] =	ssyncadd.tile.s32 @!p0 $0x1;
	_ =	shalt  }
.Lfunc_end2:
_tile_overlayer_lowered:
.L_overlay_start_2:
0x4a9: {  	(tag) =	ssettag $0x2  }
0x4aa: {  	s0 =	rddreg [dreg:$0x0];
	s2 =	stileid.u32  }
0x4ab: {  	s1 =	rddreg [dreg:$0x1];
	p0 =	sne.s32 s2, $0x0  }
0x4ac: {  	s3 =	rddreg [dreg:$0x2];
	[bflag:$0x3] =	sbarrier.arrive $0xFFFF;
	s2 =	simm.s32 @!p0 $0x1C09  }
0x4ad: {  	[timem:s3], [sflag:s2] =	dma.local @!p0 [hbm:s0], s1  }
0x4ae: {  	s0 =	simm.s32 @!p0 $0x9  }
0x4af: {  	_ =	swait.ge @!p0 [sflag:s0], s1  }
0x4b0: {  	s1 =	ssub.s32 @!p0 $0x0, s1;
	[sflag:s0] =	ssyncset.done @!p0 $0x0  }
0x4b1: {  	[sflag:s0] =	ssyncadd.s32 @!p0 s1  }
0x4b2: {  	[bflag:$0x3] =	sbarrier.arrive $0xFFFF  }
0x4b3: {  	_ =	shalt  }

</sc_bundles>
